<compile_context>
chip_gen: v7x
topology: tpu7x:2x2x1
jax: 0.10.2.dev20260603
libtpu: 0.0.44.dev20260713+nightly
codegen_flags: <defaults>
</compile_context>

<pallas_src>
import jax
import jax.numpy as jnp
from jax import lax
from jax.experimental import pallas as pl
from jax.experimental.pallas import tpu as pltpu
from jax.experimental.pallas import tpu_sc as plsc

B = 200
NB = 50
DM = 128
NS = 11
NSP = 16

NC = 2
NSC = 16
NW = NC * NSC
CH = 128

RB = 400
GPB = RB // NB



def _tc_enc_body(sem_ref, geo_ref, wg_ref, tsem_ref, tpos_ref, b0_ref, w_ref,
                 a_ref, bm_ref, g_ref):
    sem = sem_ref[...]
    onehot = (sem == lax.broadcasted_iota(jnp.int32, (1, NSP), 1)
              ).astype(jnp.float32)
    pos = jnp.tile(tpos_ref[...], (GPB, 1))
    h = (geo_ref[...] @ wg_ref[...] + onehot @ tsem_ref[...]
         + pos + b0_ref[...])
    h = jnp.maximum(h, 0.0)
    w = w_ref[...]
    a_ref[...] = h @ w[:DM]
    bm_ref[...] = h @ w[DM:]
    for k in range(GPB):
        g_ref[pl.ds(k, 1), :] = jnp.max(h[k * NB:(k + 1) * NB, :], axis=0,
                                        keepdims=True)


def _tc_mid_body(a_ref, s0_ref, s1_ref, cnt_ref, bl_ref, w_ref,
                 a2_ref, b2_ref, g_ref):
    cnt = jnp.sum(cnt_ref[...], axis=1, keepdims=True)
    scale = 1.0 / jnp.maximum(cnt, 1.0)
    ind = (cnt > 0.0).astype(jnp.float32)
    s = s0_ref[...] + s1_ref[...]
    h = jnp.maximum((a_ref[...] + bl_ref[...]) * ind + s * scale, 0.0)
    w = w_ref[...]
    a2_ref[...] = h @ w[:DM]
    b2_ref[...] = h @ w[DM:]
    for k in range(GPB):
        g_ref[pl.ds(k, 1), :] = jnp.max(h[k * NB:(k + 1) * NB, :], axis=0,
                                        keepdims=True)


def _tc_last_body(a_ref, s0_ref, s1_ref, cnt_ref, bl_ref, g_ref):
    cnt = jnp.sum(cnt_ref[...], axis=1, keepdims=True)
    scale = 1.0 / jnp.maximum(cnt, 1.0)
    ind = (cnt > 0.0).astype(jnp.float32)
    s = s0_ref[...] + s1_ref[...]
    h = jnp.maximum((a_ref[...] + bl_ref[...]) * ind + s * scale, 0.0)
    for k in range(GPB):
        g_ref[pl.ds(k, 1), :] = jnp.max(h[k * NB:(k + 1) * NB, :], axis=0,
                                        keepdims=True)


def _tc_head_body(g0_ref, g1_ref, g2_ref, g3_ref, wa_ref, ba_ref,
                  wmu_ref, bmu_ref, wv_ref, bv_ref, mu_ref, lv_ref):
    wa = wa_ref[...]
    lat = (g0_ref[...] @ wa[:DM] + g1_ref[...] @ wa[DM:2 * DM]
           + g2_ref[...] @ wa[2 * DM:3 * DM] + g3_ref[...] @ wa[3 * DM:]
           + ba_ref[...])
    mu_ref[...] = lat @ wmu_ref[...] + bmu_ref[...]
    lv_ref[...] = lat @ wv_ref[...] + bv_ref[...]


def _row_spec(i_map=None):
    return pl.BlockSpec((RB, DM), i_map or (lambda i: (i, 0)))


def _full(shape):
    return pl.BlockSpec(shape, lambda i: tuple(0 for _ in shape))



def _make_sc_cnt(ept, cnt_r):
    out_type = jax.ShapeDtypeStruct((NW * cnt_r,), jnp.float32)
    scratch = [
        pltpu.VMEM((ept,), jnp.int32),
        pltpu.VMEM((cnt_r,), jnp.float32),
    ]

    def body(dstp, cnt_out, dst_f, cnt_v):
        cid = lax.axis_index("c")
        sid = lax.axis_index("s")
        wid = sid * NC + cid
        pltpu.sync_copy(dstp.at[pl.ds(wid * ept, ept)], dst_f)
        zero16 = jnp.zeros((16,), jnp.float32)

        @pl.loop(0, cnt_r // 16)
        def _(i):
            cnt_v[pl.ds(pl.multiple_of(i * 16, 16), 16)] = zero16

        ones16 = jnp.ones((16,), jnp.float32)

        @pl.loop(0, ept // 16)
        def _(i):
            dk = dst_f[pl.ds(pl.multiple_of(i * 16, 16), 16)]
            plsc.addupdate_scatter(cnt_v, [dk], ones16)

        pltpu.sync_copy(cnt_v, cnt_out.at[pl.ds(wid * cnt_r, cnt_r)])

    mesh = plsc.VectorSubcoreMesh(core_axis_name="c", subcore_axis_name="s")
    return pl.kernel(body, out_type=out_type, mesh=mesh,
                     scratch_types=tuple(scratch),
                     compiler_params=pltpu.CompilerParams(
                         needs_layout_passes=False))


def _make_sc_scatter(ept, cpt, acc_r):
    tpt = acc_r // NSC
    zr = 40
    out_type = [jax.ShapeDtypeStruct((acc_r, DM), jnp.float32),
                jax.ShapeDtypeStruct((acc_r, DM), jnp.float32)]
    scratch = [
        pltpu.VMEM((2, CH), jnp.int32),
        pltpu.VMEM((cpt, CH), jnp.int32),
        pltpu.VMEM((CH, DM), jnp.float32),
        pltpu.VMEM((CH, DM), jnp.float32),
        pltpu.VMEM((zr, DM), jnp.float32),
        pltpu.VMEM_SHARED((acc_r, DM), jnp.float32),
        pltpu.SemaphoreType.DMA,
        pltpu.SemaphoreType.DMA,
        pltpu.SemaphoreType.DMA,
    ]

    def body(bm, srcp, dst2d, zrows, s0_out, s1_out,
             sv, dst_v, gb0, gb1, zbuf, acc, isem, gsem, ssem):
        cid = lax.axis_index("c")
        sid = lax.axis_index("s")
        wid = sid * NC + cid
        ebase = wid * ept

        pltpu.sync_copy(zrows, zbuf)
        nfull = tpt // zr
        for j in range(nfull):
            pltpu.sync_copy(zbuf, acc.at[pl.ds(sid * tpt + j * zr, zr)])
        rem = tpt - nfull * zr
        if rem:
            pltpu.sync_copy(zbuf.at[pl.ds(0, rem)],
                            acc.at[pl.ds(sid * tpt + nfull * zr, rem)])

        pltpu.sync_copy(dst2d.at[pl.ds(wid * cpt, cpt)], dst_v)
        plsc.subcore_barrier()

        svs = (sv.at[0], sv.at[1])
        gbs = (gb0, gb1)

        def idx_copy(c, b):
            off = pl.multiple_of(ebase + c * CH, CH)
            return pltpu.make_async_copy(srcp.at[pl.ds(off, CH)], svs[b],
                                         isem)

        def gather(b):
            return pltpu.make_async_copy(bm.at[svs[b]], gbs[b], gsem)

        def scat_wait(c, b):
            pltpu.make_async_copy(gbs[b], acc.at[dst_v.at[c]], ssem).wait()

        idx_copy(0, 0).start()
        idx_copy(0, 0).wait()
        gather(0).start()
        idx_copy(1, 1).start()

        @pl.loop(0, cpt // 2)
        def _(it):
            c0 = it * 2
            for b in range(2):
                c = c0 + b

                @pl.when(c + 1 < cpt)
                def _():
                    idx_copy(c + 1, 1 - b).wait()

                    @pl.when(c >= 1)
                    def _():
                        scat_wait(c - 1, 1 - b)
                    gather(1 - b).start()

                gather(b).wait()
                pltpu.async_copy(gbs[b], acc.at[dst_v.at[c]], ssem,
                                 add=True)

                @pl.when(c + 2 < cpt)
                def _():
                    idx_copy(c + 2, b).start()

        scat_wait(cpt - 2, 0)
        scat_wait(cpt - 1, 1)

        plsc.subcore_barrier()

        row0 = sid * tpt

        @pl.when(cid == 0)
        def _():
            pltpu.sync_copy(acc.at[pl.ds(row0, tpt)],
                            s0_out.at[pl.ds(row0, tpt)])

        @pl.when(cid == 1)
        def _():
            pltpu.sync_copy(acc.at[pl.ds(row0, tpt)],
                            s1_out.at[pl.ds(row0, tpt)])

    mesh = plsc.VectorSubcoreMesh(core_axis_name="c", subcore_axis_name="s")
    return pl.kernel(body, out_type=tuple(out_type), mesh=mesh,
                     scratch_types=tuple(scratch),
                     compiler_params=pltpu.CompilerParams(
                         needs_layout_passes=False,
                         use_tc_tiling_on_sc=False))



def kernel(geometry, semantic, edge_index, batch, ptr, Wg, bg, emb, Wlot,
           blot, W1, b1, W2, b2, W3, b3, Wagg, bagg, Wmu, bmu, Wvar, bvar):
    n = geometry.shape[0]
    e = edge_index.shape[1]
    g_blocks = n // RB
    dump = n + 8
    acc_r = -(-(dump + 1) // 128) * 128
    cpt = -(-e // (NW * CH))
    cpt += cpt % 2
    ept = cpt * CH
    epad = ept * NW
    cnt_r = acc_r

    f32 = jnp.float32
    geo8 = jnp.pad(geometry, ((0, 0), (0, 3)))
    wg2 = jnp.pad(Wg @ Wlot[:DM], ((0, 3), (0, 0)))
    tsem = jnp.pad(emb @ Wlot[DM:2 * DM], ((0, NSP - NS), (0, 0)))
    tpos = Wlot[2 * DM:]
    b0 = (bg @ Wlot[:DM] + blot)[None, :]
    sem2d = semantic[:, None]

    src = edge_index[0]
    dst = edge_index[1]
    padn = epad - e
    if padn and e % NW == 0:
        ppt = padn // NW
        spread = (n + jnp.arange(ppt, dtype=jnp.int32)
                  % jnp.int32(acc_r - n))
        srcp = jnp.concatenate(
            [src.reshape(NW, e // NW),
             jnp.zeros((NW, ppt), jnp.int32)], axis=1).reshape(-1)
        dstp = jnp.concatenate(
            [dst.reshape(NW, e // NW),
             jnp.tile(spread, (NW, 1))], axis=1).reshape(-1)
    else:
        srcp = jnp.concatenate([src, jnp.zeros((padn,), jnp.int32)])
        dstp = jnp.concatenate([dst, jnp.full((padn,), dump, jnp.int32)])
    dst2d = dstp.reshape(NW * cpt, CH)
    zrows = jnp.zeros((40, DM), f32)

    grid = (g_blocks,)
    enc = pl.pallas_call(
        _tc_enc_body,
        grid=grid,
        in_specs=[
            pl.BlockSpec((RB, 1), lambda i: (i, 0)),
            pl.BlockSpec((RB, 8), lambda i: (i, 0)),
            _full((8, DM)), _full((NSP, DM)), _full((NB, DM)),
            _full((1, DM)), _full((2 * DM, DM)),
        ],
        out_specs=[_row_spec(), _row_spec(),
                   pl.BlockSpec((GPB, DM), lambda i: (i, 0))],
        out_shape=[jax.ShapeDtypeStruct((n, DM), f32),
                   jax.ShapeDtypeStruct((n, DM), f32),
                   jax.ShapeDtypeStruct((B, DM), f32)],
    )
    a1, bm1, g0 = enc(sem2d, geo8, wg2, tsem, tpos, b0, W1)

    cntp = _make_sc_cnt(ept, cnt_r)(dstp)
    cnt_t = cntp.reshape(NW, cnt_r).T
    sc_scatter = _make_sc_scatter(ept, cpt, acc_r)

    def mid(a, s0, s1, bl, wn):
        call = pl.pallas_call(
            _tc_mid_body,
            grid=grid,
            in_specs=[
                _row_spec(), _row_spec(), _row_spec(),
                pl.BlockSpec((RB, NW), lambda i: (i, 0)),
                _full((1, DM)), _full((2 * DM, DM)),
            ],
            out_specs=[_row_spec(), _row_spec(),
                       pl.BlockSpec((GPB, DM), lambda i: (i, 0))],
            out_shape=[jax.ShapeDtypeStruct((n, DM), f32),
                       jax.ShapeDtypeStruct((n, DM), f32),
                       jax.ShapeDtypeStruct((B, DM), f32)],
        )
        return call(a, s0, s1, cnt_t, bl[None, :], wn)

    s1a, s1b = sc_scatter(bm1, srcp, dst2d, zrows)
    a2, bm2, g1 = mid(a1, s1a, s1b, b1, W2)
    s2a, s2b = sc_scatter(bm2, srcp, dst2d, zrows)
    a3, bm3, g2 = mid(a2, s2a, s2b, b2, W3)
    s3a, s3b = sc_scatter(bm3, srcp, dst2d, zrows)

    last = pl.pallas_call(
        _tc_last_body,
        grid=grid,
        in_specs=[
            _row_spec(), _row_spec(), _row_spec(),
            pl.BlockSpec((RB, NW), lambda i: (i, 0)),
            _full((1, DM)),
        ],
        out_specs=[pl.BlockSpec((GPB, DM), lambda i: (i, 0))],
        out_shape=[jax.ShapeDtypeStruct((B, DM), f32)],
    )
    (g3,) = last(a3, s3a, s3b, cnt_t, b3[None, :])

    head = pl.pallas_call(
        _tc_head_body,
        grid=(1,),
        in_specs=[_full((B, DM))] * 4 + [
            _full((4 * DM, DM)), _full((1, DM)),
            _full((DM, DM)), _full((1, DM)),
            _full((DM, DM)), _full((1, DM)),
        ],
        out_specs=[_full((B, DM)), _full((B, DM))],
        out_shape=[jax.ShapeDtypeStruct((B, DM), f32),
                   jax.ShapeDtypeStruct((B, DM), f32)],
    )
    mu, log_var = head(g0, g1, g2, g3, Wagg, bagg[None, :], Wmu,
                       bmu[None, :], Wvar, bvar[None, :])
    return (mu, log_var)

# --- scband reference (transcript-rebuilt; emitter-appended) ---
"""Pipeline reference for scband-encoder-16028817948752 (READ-ONLY COPY).

The authoritative reference and input builder live on the scoring server;
editing this copy changes nothing except your own understanding.
"""

import jax, jax.numpy as jnp
import numpy as np

N = 10000
E = 320000
B = 200
NB = 50
DM = 128
NS = 11


def _lin_params(k, fin, fout):
    kw, kb = jax.random.split(k)
    lim = 1.0 / np.sqrt(fin)
    W = jax.random.uniform(kw, (fin, fout), minval=-lim, maxval=lim, dtype=jnp.float32)
    b = jax.random.uniform(kb, (fout,), minval=-lim, maxval=lim, dtype=jnp.float32)
    return W, b


def setup_inputs(seed: int = 0) -> dict:
    key = jax.random.key(seed)
    ks = jax.random.split(key, 16)
    inp = {}
    inp['geometry'] = jax.random.normal(ks[0], (N, 5), dtype=jnp.float32)
    inp['semantic'] = jax.random.randint(ks[1], (N,), 0, NS, dtype=jnp.int32)
    inp['edge_index'] = jax.random.randint(ks[2], (2, E), 0, N, dtype=jnp.int32)
    # PyG batched graphs: node i belongs to graph i // NB (exactly NB nodes per graph,
    # required by the eye(n_building).repeat(batch_size, 1) positional encoding)
    inp['batch'] = jnp.arange(N, dtype=jnp.int32) // NB
    inp['ptr'] = jnp.arange(B + 1, dtype=jnp.int32) * NB
    # learned parameters
    inp['Wg'], inp['bg'] = _lin_params(ks[3], 5, DM)
    inp['emb'] = jax.random.normal(ks[4], (NS, DM), dtype=jnp.float32)
    inp['Wlot'], inp['blot'] = _lin_params(ks[5], DM + DM + NB, DM)
    inp['W1'], inp['b1'] = _lin_params(ks[6], 2 * DM, DM)
    inp['W2'], inp['b2'] = _lin_params(ks[7], 2 * DM, DM)
    inp['W3'], inp['b3'] = _lin_params(ks[8], 2 * DM, DM)
    inp['Wagg'], inp['bagg'] = _lin_params(ks[9], 4 * DM, DM)
    inp['Wmu'], inp['bmu'] = _lin_params(ks[10], DM, DM)
    inp['Wvar'], inp['bvar'] = _lin_params(ks[11], DM, DM)
    return inp


def _msgpass(x, src, dst, W, b, n_nodes):
    # PyG MessagePassing: x_i = x[dst] (central/target), x_j = x[src] (neighbor)
    msg = jnp.concatenate([x[dst], x[src]], axis=1) @ W + b
    summed = jax.ops.segment_sum(msg, dst, num_segments=n_nodes)
    cnt = jax.ops.segment_sum(jnp.ones((src.shape[0],), dtype=x.dtype), dst, num_segments=n_nodes)
    return summed / jnp.maximum(cnt, 1.0)[:, None]


def reference(geometry, semantic, edge_index, batch, ptr, Wg, bg, emb, Wlot, blot,
              W1, b1, W2, b2, W3, b3, Wagg, bagg, Wmu, bmu, Wvar, bvar):
    batch_size = ptr.shape[0] - 1
    n = geometry.shape[0]
    enc_geometry = geometry @ Wg + bg
    enc_semantic = jnp.take(emb, semantic, axis=0)
    x_position = jnp.tile(jnp.eye(NB, dtype=jnp.float32), (batch_size, 1))
    h = jnp.concatenate([enc_geometry, enc_semantic, x_position], axis=1)
    h = jax.nn.relu(h @ Wlot + blot)
    g0 = jax.ops.segment_max(h, batch, num_segments=batch_size)
    src, dst = edge_index[0], edge_index[1]
    h = jax.nn.relu(_msgpass(h, src, dst, W1, b1, n))
    g1 = jax.ops.segment_max(h, batch, num_segments=batch_size)
    h = jax.nn.relu(_msgpass(h, src, dst, W2, b2, n))
    g2 = jax.ops.segment_max(h, batch, num_segments=batch_size)
    h = jax.nn.relu(_msgpass(h, src, dst, W3, b3, n))
    g3 = jax.ops.segment_max(h, batch, num_segments=batch_size)
    g_embed = jnp.concatenate([g0, g1, g2, g3], axis=1)
    latent = g_embed @ Wagg + bagg
    mu = latent @ Wmu + bmu
    log_var = latent @ Wvar + bvar
    return (mu, log_var)

if __name__ == "__main__":
    import jax
    _d = setup_inputs()
    print(jax.jit(kernel)(*tuple(_d.values())))

</pallas_src>

<mosaic_0001>
#map = affine_map<(d0, d1) -> (0)>
module attributes {stable_mosaic.version = 14 : i64} {
  func.func @body(%arg0: i32, %arg1: i32, %arg2: memref<327680xi32, #tpu.memory_space<hbm>>, %arg3: memref<323584xf32, #tpu.memory_space<hbm>>, %arg4: memref<10240xi32, #tpu.memory_space<vmem>>, %arg5: memref<10112xf32, #tpu.memory_space<vmem>>) attributes {dimension_semantics = [#tpu.dimension_semantics<core_parallel>, #tpu.dimension_semantics<subcore_parallel>], iteration_bounds = array<i64: 2, 16>, scalar_prefetch = 0 : i64, scratch_operands = 2 : i64, tpu.core_type = #tpu.core_type<sc_vector_subcore>, window_params = [{transform_indices = #map}, {transform_indices = #map}]} {
    %mul3A = arith.constant 2 : i32
    %mul3A_0 = arith.muli %arg1, %mul3A : i32
    %add3A = arith.addi %mul3A_0, %arg0 : i32
    %mul3A_1 = arith.constant 10240 : i32
    %mul3A_2 = arith.muli %add3A, %mul3A_1 : i32
    "tpu.region"() ({
      %run_scoped3A = tpu.sem_alloc : memref<!tpu.dma_semaphore, #tpu.memory_space<semaphore_mem>>
      %dma_start3A = tpu.memref_slice %arg2[%mul3A_2] : memref<327680xi32, #tpu.memory_space<hbm>> -> memref<10240xi32, #tpu.memory_space<hbm>>
      %dma_start3A_17 = tpu.memref_slice %arg2[%mul3A_2] : memref<327680xi32, #tpu.memory_space<hbm>> -> memref<10240xi32, #tpu.memory_space<hbm>>
      tpu.enqueue_dma source(%dma_start3A_17 : memref<10240xi32, #tpu.memory_space<hbm>>) target(%arg4 : memref<10240xi32, #tpu.memory_space<vmem>>) target_semaphore(%run_scoped3A : memref<!tpu.dma_semaphore, #tpu.memory_space<semaphore_mem>>)
      %dma_wait3A = tpu.memref_slice %arg2[%mul3A_2] : memref<327680xi32, #tpu.memory_space<hbm>> -> memref<10240xi32, #tpu.memory_space<hbm>>
      %dma_wait3A_18 = tpu.memref_slice %arg2[%mul3A_2] : memref<327680xi32, #tpu.memory_space<hbm>> -> memref<10240xi32, #tpu.memory_space<hbm>>
      tpu.wait_dma2 semaphore(%run_scoped3A : memref<!tpu.dma_semaphore, #tpu.memory_space<semaphore_mem>>) src(%dma_wait3A_18 : memref<10240xi32, #tpu.memory_space<hbm>>) dst(%arg4 : memref<10240xi32, #tpu.memory_space<vmem>>)
      tpu.yield
    }) : () -> ()
    %broadcast_in_dim3A = arith.constant 0.000000e+00 : f32
    %broadcast_in_dim3A_3 = vector.broadcast %broadcast_in_dim3A : f32 to vector<16xf32>
    %scan3A = arith.constant 0 : i32
    %scan3A_4 = arith.constant 632 : i32
    %scan3A_5 = arith.addi %scan3A, %scan3A_4 : i32
    %scan3A_6 = arith.constant 1 : i32
    scf.for %scan3A_17 = %scan3A to %scan3A_5 step %scan3A_6  : i32 {
      %mul3A_18 = arith.constant 1 : i32
      %mul3A_19 = arith.muli %scan3A_17, %mul3A_18 : i32
      %add3A_20 = arith.constant 0 : i32
      %add3A_21 = arith.addi %add3A_20, %mul3A_19 : i32
      %mul3A_22 = arith.constant 16 : i32
      %mul3A_23 = arith.muli %add3A_21, %mul3A_22 : i32
      %multiple_of3A = tpu.assume_multiple %mul3A_23, 16 : i32
      %swap3A = arith.index_cast %multiple_of3A : i32 to index
      %swap3A_24 = tpu.vector_load %arg5[%swap3A] {strides = array<i32>} : memref<10112xf32, #tpu.memory_space<vmem>>, vector<16xf32>,
      tpu.vector_store %arg5[%swap3A], %broadcast_in_dim3A_3 {strides = array<i32>} : memref<10112xf32, #tpu.memory_space<vmem>>, vector<16xf32>,
    }
    %scan3A_7 = arith.constant 632 : i32
    %broadcast_in_dim3A_8 = arith.constant 1.000000e+00 : f32
    %broadcast_in_dim3A_9 = vector.broadcast %broadcast_in_dim3A_8 : f32 to vector<16xf32>
    %scan3A_10 = arith.constant 0 : i32
    %scan3A_11 = arith.constant 640 : i32
    %scan3A_12 = arith.addi %scan3A_10, %scan3A_11 : i32
    %scan3A_13 = arith.constant 1 : i32
    scf.for %scan3A_17 = %scan3A_10 to %scan3A_12 step %scan3A_13  : i32 {
      %mul3A_18 = arith.constant 1 : i32
      %mul3A_19 = arith.muli %scan3A_17, %mul3A_18 : i32
      %add3A_20 = arith.constant 0 : i32
      %add3A_21 = arith.addi %add3A_20, %mul3A_19 : i32
      %mul3A_22 = arith.constant 16 : i32
      %mul3A_23 = arith.muli %add3A_21, %mul3A_22 : i32
      %multiple_of3A = tpu.assume_multiple %mul3A_23, 16 : i32
      %get3A = arith.index_cast %multiple_of3A : i32 to index
      %get3A_24 = tpu.vector_load %arg4[%get3A] {strides = array<i32>} : memref<10240xi32, #tpu.memory_space<vmem>>, vector<16xi32>,
      tpu.vector_store_idx %arg5[%get3A_24], %broadcast_in_dim3A_9 {add = true} : memref<10112xf32, #tpu.memory_space<vmem>>[vector<16xi32>], vector<16xf32>,
    }
    %scan3A_14 = arith.constant 640 : i32
    %mul3A_15 = arith.constant 10112 : i32
    %mul3A_16 = arith.muli %add3A, %mul3A_15 : i32
    "tpu.region"() ({
      %run_scoped3A = tpu.sem_alloc : memref<!tpu.dma_semaphore, #tpu.memory_space<semaphore_mem>>
      %dma_start3A = tpu.memref_slice %arg3[%mul3A_16] : memref<323584xf32, #tpu.memory_space<hbm>> -> memref<10112xf32, #tpu.memory_space<hbm>>
      %dma_start3A_17 = tpu.memref_slice %arg3[%mul3A_16] : memref<323584xf32, #tpu.memory_space<hbm>> -> memref<10112xf32, #tpu.memory_space<hbm>>
      tpu.enqueue_dma source(%arg5 : memref<10112xf32, #tpu.memory_space<vmem>>) target(%dma_start3A_17 : memref<10112xf32, #tpu.memory_space<hbm>>) target_semaphore(%run_scoped3A : memref<!tpu.dma_semaphore, #tpu.memory_space<semaphore_mem>>)
      %dma_wait3A = tpu.memref_slice %arg3[%mul3A_16] : memref<323584xf32, #tpu.memory_space<hbm>> -> memref<10112xf32, #tpu.memory_space<hbm>>
      %dma_wait3A_18 = tpu.memref_slice %arg3[%mul3A_16] : memref<323584xf32, #tpu.memory_space<hbm>> -> memref<10112xf32, #tpu.memory_space<hbm>>
      tpu.wait_dma2 semaphore(%run_scoped3A : memref<!tpu.dma_semaphore, #tpu.memory_space<semaphore_mem>>) src(%arg5 : memref<10112xf32, #tpu.memory_space<vmem>>) dst(%dma_wait3A_18 : memref<10112xf32, #tpu.memory_space<hbm>>)
      tpu.yield
    }) : () -> ()
    return
  }
}

#map = affine_map<(d0, d1) -> (0, 0)>
#map1 = affine_map<(d0, d1) -> (0)>
module attributes {stable_mosaic.version = 14 : i64} {
  func.func @body(%arg0: i32, %arg1: i32, %arg2: memref<10000x128xf32, #tpu.memory_space<hbm>>, %arg3: memref<327680xi32, #tpu.memory_space<hbm>>, %arg4: memref<2560x128xi32, #tpu.memory_space<hbm>>, %arg5: memref<40x128xf32, #tpu.memory_space<hbm>>, %arg6: memref<10112x128xf32, #tpu.memory_space<hbm>>, %arg7: memref<10112x128xf32, #tpu.memory_space<hbm>>, %arg8: memref<2x128xi32, #tpu.memory_space<vmem>>, %arg9: memref<80x128xi32, #tpu.memory_space<vmem>>, %arg10: memref<128x128xf32, #tpu.memory_space<vmem>>, %arg11: memref<128x128xf32, #tpu.memory_space<vmem>>, %arg12: memref<40x128xf32, #tpu.memory_space<vmem>>, %arg13: memref<10112x128xf32, #tpu.memory_space<vmem_shared>>, %arg14: memref<!tpu.dma_semaphore, #tpu.memory_space<semaphore_mem>>, %arg15: memref<!tpu.dma_semaphore, #tpu.memory_space<semaphore_mem>>, %arg16: memref<!tpu.dma_semaphore, #tpu.memory_space<semaphore_mem>>) attributes {dimension_semantics = [#tpu.dimension_semantics<core_parallel>, #tpu.dimension_semantics<subcore_parallel>], iteration_bounds = array<i64: 2, 16>, scalar_prefetch = 0 : i64, scratch_operands = 9 : i64, tpu.core_type = #tpu.core_type<sc_vector_subcore>, window_params = [{transform_indices = #map}, {transform_indices = #map1}, {transform_indices = #map}, {transform_indices = #map}, {transform_indices = #map}, {transform_indices = #map}]} {
    %mul3A = arith.constant 2 : i32
    %mul3A_0 = arith.muli %arg1, %mul3A : i32
    %add3A = arith.addi %mul3A_0, %arg0 : i32
    %mul3A_1 = arith.constant 10240 : i32
    %mul3A_2 = arith.muli %add3A, %mul3A_1 : i32
    "tpu.region"() ({
      %run_scoped3A = tpu.sem_alloc : memref<!tpu.dma_semaphore, #tpu.memory_space<semaphore_mem>>
      tpu.enqueue_dma source(%arg5 : memref<40x128xf32, #tpu.memory_space<hbm>>) target(%arg12 : memref<40x128xf32, #tpu.memory_space<vmem>>) target_semaphore(%run_scoped3A : memref<!tpu.dma_semaphore, #tpu.memory_space<semaphore_mem>>)
      tpu.wait_dma2 semaphore(%run_scoped3A : memref<!tpu.dma_semaphore, #tpu.memory_space<semaphore_mem>>) src(%arg5 : memref<40x128xf32, #tpu.memory_space<hbm>>) dst(%arg12 : memref<40x128xf32, #tpu.memory_space<vmem>>)
      tpu.yield
    }) : () -> ()
    %mul3A_3 = arith.constant 632 : i32
    %mul3A_4 = arith.muli %arg1, %mul3A_3 : i32
    %add3A_5 = arith.constant 0 : i32
    %add3A_6 = arith.addi %mul3A_4, %add3A_5 : i32
    "tpu.region"() ({
      %run_scoped3A = tpu.sem_alloc : memref<!tpu.dma_semaphore, #tpu.memory_space<semaphore_mem>>
      %dma_start3A_139 = arith.constant 0 : i32
      %dma_start3A_140 = tpu.memref_slice %arg13[%add3A_6, %dma_start3A_139] : memref<10112x128xf32, #tpu.memory_space<vmem_shared>> -> memref<40x128xf32, #tpu.memory_space<vmem_shared>>
      %dma_start3A_141 = arith.constant 0 : i32
      %dma_start3A_142 = tpu.memref_slice %arg13[%add3A_6, %dma_start3A_141] : memref<10112x128xf32, #tpu.memory_space<vmem_shared>> -> memref<40x128xf32, #tpu.memory_space<vmem_shared>>
      tpu.enqueue_dma source(%arg12 : memref<40x128xf32, #tpu.memory_space<vmem>>) target(%dma_start3A_142 : memref<40x128xf32, #tpu.memory_space<vmem_shared>>) target_semaphore(%run_scoped3A : memref<!tpu.dma_semaphore, #tpu.memory_space<semaphore_mem>>)
      %dma_wait3A_143 = arith.constant 0 : i32
      %dma_wait3A_144 = tpu.memref_slice %arg13[%add3A_6, %dma_wait3A_143] : memref<10112x128xf32, #tpu.memory_space<vmem_shared>> -> memref<40x128xf32, #tpu.memory_space<vmem_shared>>
      %dma_wait3A_145 = arith.constant 0 : i32
      %dma_wait3A_146 = tpu.memref_slice %arg13[%add3A_6, %dma_wait3A_145] : memref<10112x128xf32, #tpu.memory_space<vmem_shared>> -> memref<40x128xf32, #tpu.memory_space<vmem_shared>>
      tpu.wait_dma2 semaphore(%run_scoped3A : memref<!tpu.dma_semaphore, #tpu.memory_space<semaphore_mem>>) src(%arg12 : memref<40x128xf32, #tpu.memory_space<vmem>>) dst(%dma_wait3A_146 : memref<40x128xf32, #tpu.memory_space<vmem_shared>>)
      tpu.yield
    }) : () -> ()
    %mul3A_7 = arith.constant 632 : i32
    %mul3A_8 = arith.muli %arg1, %mul3A_7 : i32
    %add3A_9 = arith.constant 40 : i32
    %add3A_10 = arith.addi %mul3A_8, %add3A_9 : i32
    "tpu.region"() ({
      %run_scoped3A = tpu.sem_alloc : memref<!tpu.dma_semaphore, #tpu.memory_space<semaphore_mem>>
      %dma_start3A_139 = arith.constant 0 : i32
      %dma_start3A_140 = tpu.memref_slice %arg13[%add3A_10, %dma_start3A_139] : memref<10112x128xf32, #tpu.memory_space<vmem_shared>> -> memref<40x128xf32, #tpu.memory_space<vmem_shared>>
      %dma_start3A_141 = arith.constant 0 : i32
      %dma_start3A_142 = tpu.memref_slice %arg13[%add3A_10, %dma_start3A_141] : memref<10112x128xf32, #tpu.memory_space<vmem_shared>> -> memref<40x128xf32, #tpu.memory_space<vmem_shared>>
      tpu.enqueue_dma source(%arg12 : memref<40x128xf32, #tpu.memory_space<vmem>>) target(%dma_start3A_142 : memref<40x128xf32, #tpu.memory_space<vmem_shared>>) target_semaphore(%run_scoped3A : memref<!tpu.dma_semaphore, #tpu.memory_space<semaphore_mem>>)
      %dma_wait3A_143 = arith.constant 0 : i32
      %dma_wait3A_144 = tpu.memref_slice %arg13[%add3A_10, %dma_wait3A_143] : memref<10112x128xf32, #tpu.memory_space<vmem_shared>> -> memref<40x128xf32, #tpu.memory_space<vmem_shared>>
      %dma_wait3A_145 = arith.constant 0 : i32
      %dma_wait3A_146 = tpu.memref_slice %arg13[%add3A_10, %dma_wait3A_145] : memref<10112x128xf32, #tpu.memory_space<vmem_shared>> -> memref<40x128xf32, #tpu.memory_space<vmem_shared>>
      tpu.wait_dma2 semaphore(%run_scoped3A : memref<!tpu.dma_semaphore, #tpu.memory_space<semaphore_mem>>) src(%arg12 : memref<40x128xf32, #tpu.memory_space<vmem>>) dst(%dma_wait3A_146 : memref<40x128xf32, #tpu.memory_space<vmem_shared>>)
      tpu.yield
    }) : () -> ()
    %mul3A_11 = arith.constant 632 : i32
    %mul3A_12 = arith.muli %arg1, %mul3A_11 : i32
    %add3A_13 = arith.constant 80 : i32
    %add3A_14 = arith.addi %mul3A_12, %add3A_13 : i32
    "tpu.region"() ({
      %run_scoped3A = tpu.sem_alloc : memref<!tpu.dma_semaphore, #tpu.memory_space<semaphore_mem>>
      %dma_start3A_139 = arith.constant 0 : i32
      %dma_start3A_140 = tpu.memref_slice %arg13[%add3A_14, %dma_start3A_139] : memref<10112x128xf32, #tpu.memory_space<vmem_shared>> -> memref<40x128xf32, #tpu.memory_space<vmem_shared>>
      %dma_start3A_141 = arith.constant 0 : i32
      %dma_start3A_142 = tpu.memref_slice %arg13[%add3A_14, %dma_start3A_141] : memref<10112x128xf32, #tpu.memory_space<vmem_shared>> -> memref<40x128xf32, #tpu.memory_space<vmem_shared>>
      tpu.enqueue_dma source(%arg12 : memref<40x128xf32, #tpu.memory_space<vmem>>) target(%dma_start3A_142 : memref<40x128xf32, #tpu.memory_space<vmem_shared>>) target_semaphore(%run_scoped3A : memref<!tpu.dma_semaphore, #tpu.memory_space<semaphore_mem>>)
      %dma_wait3A_143 = arith.constant 0 : i32
      %dma_wait3A_144 = tpu.memref_slice %arg13[%add3A_14, %dma_wait3A_143] : memref<10112x128xf32, #tpu.memory_space<vmem_shared>> -> memref<40x128xf32, #tpu.memory_space<vmem_shared>>
      %dma_wait3A_145 = arith.constant 0 : i32
      %dma_wait3A_146 = tpu.memref_slice %arg13[%add3A_14, %dma_wait3A_145] : memref<10112x128xf32, #tpu.memory_space<vmem_shared>> -> memref<40x128xf32, #tpu.memory_space<vmem_shared>>
      tpu.wait_dma2 semaphore(%run_scoped3A : memref<!tpu.dma_semaphore, #tpu.memory_space<semaphore_mem>>) src(%arg12 : memref<40x128xf32, #tpu.memory_space<vmem>>) dst(%dma_wait3A_146 : memref<40x128xf32, #tpu.memory_space<vmem_shared>>)
      tpu.yield
    }) : () -> ()
    %mul3A_15 = arith.constant 632 : i32
    %mul3A_16 = arith.muli %arg1, %mul3A_15 : i32
    %add3A_17 = arith.constant 120 : i32
    %add3A_18 = arith.addi %mul3A_16, %add3A_17 : i32
    "tpu.region"() ({
      %run_scoped3A = tpu.sem_alloc : memref<!tpu.dma_semaphore, #tpu.memory_space<semaphore_mem>>
      %dma_start3A_139 = arith.constant 0 : i32
      %dma_start3A_140 = tpu.memref_slice %arg13[%add3A_18, %dma_start3A_139] : memref<10112x128xf32, #tpu.memory_space<vmem_shared>> -> memref<40x128xf32, #tpu.memory_space<vmem_shared>>
      %dma_start3A_141 = arith.constant 0 : i32
      %dma_start3A_142 = tpu.memref_slice %arg13[%add3A_18, %dma_start3A_141] : memref<10112x128xf32, #tpu.memory_space<vmem_shared>> -> memref<40x128xf32, #tpu.memory_space<vmem_shared>>
      tpu.enqueue_dma source(%arg12 : memref<40x128xf32, #tpu.memory_space<vmem>>) target(%dma_start3A_142 : memref<40x128xf32, #tpu.memory_space<vmem_shared>>) target_semaphore(%run_scoped3A : memref<!tpu.dma_semaphore, #tpu.memory_space<semaphore_mem>>)
      %dma_wait3A_143 = arith.constant 0 : i32
      %dma_wait3A_144 = tpu.memref_slice %arg13[%add3A_18, %dma_wait3A_143] : memref<10112x128xf32, #tpu.memory_space<vmem_shared>> -> memref<40x128xf32, #tpu.memory_space<vmem_shared>>
      %dma_wait3A_145 = arith.constant 0 : i32
      %dma_wait3A_146 = tpu.memref_slice %arg13[%add3A_18, %dma_wait3A_145] : memref<10112x128xf32, #tpu.memory_space<vmem_shared>> -> memref<40x128xf32, #tpu.memory_space<vmem_shared>>
      tpu.wait_dma2 semaphore(%run_scoped3A : memref<!tpu.dma_semaphore, #tpu.memory_space<semaphore_mem>>) src(%arg12 : memref<40x128xf32, #tpu.memory_space<vmem>>) dst(%dma_wait3A_146 : memref<40x128xf32, #tpu.memory_space<vmem_shared>>)
      tpu.yield
    }) : () -> ()
    %mul3A_19 = arith.constant 632 : i32
    %mul3A_20 = arith.muli %arg1, %mul3A_19 : i32
    %add3A_21 = arith.constant 160 : i32
    %add3A_22 = arith.addi %mul3A_20, %add3A_21 : i32
    "tpu.region"() ({
      %run_scoped3A = tpu.sem_alloc : memref<!tpu.dma_semaphore, #tpu.memory_space<semaphore_mem>>
      %dma_start3A_139 = arith.constant 0 : i32
      %dma_start3A_140 = tpu.memref_slice %arg13[%add3A_22, %dma_start3A_139] : memref<10112x128xf32, #tpu.memory_space<vmem_shared>> -> memref<40x128xf32, #tpu.memory_space<vmem_shared>>
      %dma_start3A_141 = arith.constant 0 : i32
      %dma_start3A_142 = tpu.memref_slice %arg13[%add3A_22, %dma_start3A_141] : memref<10112x128xf32, #tpu.memory_space<vmem_shared>> -> memref<40x128xf32, #tpu.memory_space<vmem_shared>>
      tpu.enqueue_dma source(%arg12 : memref<40x128xf32, #tpu.memory_space<vmem>>) target(%dma_start3A_142 : memref<40x128xf32, #tpu.memory_space<vmem_shared>>) target_semaphore(%run_scoped3A : memref<!tpu.dma_semaphore, #tpu.memory_space<semaphore_mem>>)
      %dma_wait3A_143 = arith.constant 0 : i32
      %dma_wait3A_144 = tpu.memref_slice %arg13[%add3A_22, %dma_wait3A_143] : memref<10112x128xf32, #tpu.memory_space<vmem_shared>> -> memref<40x128xf32, #tpu.memory_space<vmem_shared>>
      %dma_wait3A_145 = arith.constant 0 : i32
      %dma_wait3A_146 = tpu.memref_slice %arg13[%add3A_22, %dma_wait3A_145] : memref<10112x128xf32, #tpu.memory_space<vmem_shared>> -> memref<40x128xf32, #tpu.memory_space<vmem_shared>>
      tpu.wait_dma2 semaphore(%run_scoped3A : memref<!tpu.dma_semaphore, #tpu.memory_space<semaphore_mem>>) src(%arg12 : memref<40x128xf32, #tpu.memory_space<vmem>>) dst(%dma_wait3A_146 : memref<40x128xf32, #tpu.memory_space<vmem_shared>>)
      tpu.yield
    }) : () -> ()
    %mul3A_23 = arith.constant 632 : i32
    %mul3A_24 = arith.muli %arg1, %mul3A_23 : i32
    %add3A_25 = arith.constant 200 : i32
    %add3A_26 = arith.addi %mul3A_24, %add3A_25 : i32
    "tpu.region"() ({
      %run_scoped3A = tpu.sem_alloc : memref<!tpu.dma_semaphore, #tpu.memory_space<semaphore_mem>>
      %dma_start3A_139 = arith.constant 0 : i32
      %dma_start3A_140 = tpu.memref_slice %arg13[%add3A_26, %dma_start3A_139] : memref<10112x128xf32, #tpu.memory_space<vmem_shared>> -> memref<40x128xf32, #tpu.memory_space<vmem_shared>>
      %dma_start3A_141 = arith.constant 0 : i32
      %dma_start3A_142 = tpu.memref_slice %arg13[%add3A_26, %dma_start3A_141] : memref<10112x128xf32, #tpu.memory_space<vmem_shared>> -> memref<40x128xf32, #tpu.memory_space<vmem_shared>>
      tpu.enqueue_dma source(%arg12 : memref<40x128xf32, #tpu.memory_space<vmem>>) target(%dma_start3A_142 : memref<40x128xf32, #tpu.memory_space<vmem_shared>>) target_semaphore(%run_scoped3A : memref<!tpu.dma_semaphore, #tpu.memory_space<semaphore_mem>>)
      %dma_wait3A_143 = arith.constant 0 : i32
      %dma_wait3A_144 = tpu.memref_slice %arg13[%add3A_26, %dma_wait3A_143] : memref<10112x128xf32, #tpu.memory_space<vmem_shared>> -> memref<40x128xf32, #tpu.memory_space<vmem_shared>>
      %dma_wait3A_145 = arith.constant 0 : i32
      %dma_wait3A_146 = tpu.memref_slice %arg13[%add3A_26, %dma_wait3A_145] : memref<10112x128xf32, #tpu.memory_space<vmem_shared>> -> memref<40x128xf32, #tpu.memory_space<vmem_shared>>
      tpu.wait_dma2 semaphore(%run_scoped3A : memref<!tpu.dma_semaphore, #tpu.memory_space<semaphore_mem>>) src(%arg12 : memref<40x128xf32, #tpu.memory_space<vmem>>) dst(%dma_wait3A_146 : memref<40x128xf32, #tpu.memory_space<vmem_shared>>)
      tpu.yield
    }) : () -> ()
    %mul3A_27 = arith.constant 632 : i32
    %mul3A_28 = arith.muli %arg1, %mul3A_27 : i32
    %add3A_29 = arith.constant 240 : i32
    %add3A_30 = arith.addi %mul3A_28, %add3A_29 : i32
    "tpu.region"() ({
      %run_scoped3A = tpu.sem_alloc : memref<!tpu.dma_semaphore, #tpu.memory_space<semaphore_mem>>
      %dma_start3A_139 = arith.constant 0 : i32
      %dma_start3A_140 = tpu.memref_slice %arg13[%add3A_30, %dma_start3A_139] : memref<10112x128xf32, #tpu.memory_space<vmem_shared>> -> memref<40x128xf32, #tpu.memory_space<vmem_shared>>
      %dma_start3A_141 = arith.constant 0 : i32
      %dma_start3A_142 = tpu.memref_slice %arg13[%add3A_30, %dma_start3A_141] : memref<10112x128xf32, #tpu.memory_space<vmem_shared>> -> memref<40x128xf32, #tpu.memory_space<vmem_shared>>
      tpu.enqueue_dma source(%arg12 : memref<40x128xf32, #tpu.memory_space<vmem>>) target(%dma_start3A_142 : memref<40x128xf32, #tpu.memory_space<vmem_shared>>) target_semaphore(%run_scoped3A : memref<!tpu.dma_semaphore, #tpu.memory_space<semaphore_mem>>)
      %dma_wait3A_143 = arith.constant 0 : i32
      %dma_wait3A_144 = tpu.memref_slice %arg13[%add3A_30, %dma_wait3A_143] : memref<10112x128xf32, #tpu.memory_space<vmem_shared>> -> memref<40x128xf32, #tpu.memory_space<vmem_shared>>
      %dma_wait3A_145 = arith.constant 0 : i32
      %dma_wait3A_146 = tpu.memref_slice %arg13[%add3A_30, %dma_wait3A_145] : memref<10112x128xf32, #tpu.memory_space<vmem_shared>> -> memref<40x128xf32, #tpu.memory_space<vmem_shared>>
      tpu.wait_dma2 semaphore(%run_scoped3A : memref<!tpu.dma_semaphore, #tpu.memory_space<semaphore_mem>>) src(%arg12 : memref<40x128xf32, #tpu.memory_space<vmem>>) dst(%dma_wait3A_146 : memref<40x128xf32, #tpu.memory_space<vmem_shared>>)
      tpu.yield
    }) : () -> ()
    %mul3A_31 = arith.constant 632 : i32
    %mul3A_32 = arith.muli %arg1, %mul3A_31 : i32
    %add3A_33 = arith.constant 280 : i32
    %add3A_34 = arith.addi %mul3A_32, %add3A_33 : i32
    "tpu.region"() ({
      %run_scoped3A = tpu.sem_alloc : memref<!tpu.dma_semaphore, #tpu.memory_space<semaphore_mem>>
      %dma_start3A_139 = arith.constant 0 : i32
      %dma_start3A_140 = tpu.memref_slice %arg13[%add3A_34, %dma_start3A_139] : memref<10112x128xf32, #tpu.memory_space<vmem_shared>> -> memref<40x128xf32, #tpu.memory_space<vmem_shared>>
      %dma_start3A_141 = arith.constant 0 : i32
      %dma_start3A_142 = tpu.memref_slice %arg13[%add3A_34, %dma_start3A_141] : memref<10112x128xf32, #tpu.memory_space<vmem_shared>> -> memref<40x128xf32, #tpu.memory_space<vmem_shared>>
      tpu.enqueue_dma source(%arg12 : memref<40x128xf32, #tpu.memory_space<vmem>>) target(%dma_start3A_142 : memref<40x128xf32, #tpu.memory_space<vmem_shared>>) target_semaphore(%run_scoped3A : memref<!tpu.dma_semaphore, #tpu.memory_space<semaphore_mem>>)
      %dma_wait3A_143 = arith.constant 0 : i32
      %dma_wait3A_144 = tpu.memref_slice %arg13[%add3A_34, %dma_wait3A_143] : memref<10112x128xf32, #tpu.memory_space<vmem_shared>> -> memref<40x128xf32, #tpu.memory_space<vmem_shared>>
      %dma_wait3A_145 = arith.constant 0 : i32
      %dma_wait3A_146 = tpu.memref_slice %arg13[%add3A_34, %dma_wait3A_145] : memref<10112x128xf32, #tpu.memory_space<vmem_shared>> -> memref<40x128xf32, #tpu.memory_space<vmem_shared>>
      tpu.wait_dma2 semaphore(%run_scoped3A : memref<!tpu.dma_semaphore, #tpu.memory_space<semaphore_mem>>) src(%arg12 : memref<40x128xf32, #tpu.memory_space<vmem>>) dst(%dma_wait3A_146 : memref<40x128xf32, #tpu.memory_space<vmem_shared>>)
      tpu.yield
    }) : () -> ()
    %mul3A_35 = arith.constant 632 : i32
    %mul3A_36 = arith.muli %arg1, %mul3A_35 : i32
    %add3A_37 = arith.constant 320 : i32
    %add3A_38 = arith.addi %mul3A_36, %add3A_37 : i32
    "tpu.region"() ({
      %run_scoped3A = tpu.sem_alloc : memref<!tpu.dma_semaphore, #tpu.memory_space<semaphore_mem>>
      %dma_start3A_139 = arith.constant 0 : i32
      %dma_start3A_140 = tpu.memref_slice %arg13[%add3A_38, %dma_start3A_139] : memref<10112x128xf32, #tpu.memory_space<vmem_shared>> -> memref<40x128xf32, #tpu.memory_space<vmem_shared>>
      %dma_start3A_141 = arith.constant 0 : i32
      %dma_start3A_142 = tpu.memref_slice %arg13[%add3A_38, %dma_start3A_141] : memref<10112x128xf32, #tpu.memory_space<vmem_shared>> -> memref<40x128xf32, #tpu.memory_space<vmem_shared>>
      tpu.enqueue_dma source(%arg12 : memref<40x128xf32, #tpu.memory_space<vmem>>) target(%dma_start3A_142 : memref<40x128xf32, #tpu.memory_space<vmem_shared>>) target_semaphore(%run_scoped3A : memref<!tpu.dma_semaphore, #tpu.memory_space<semaphore_mem>>)
      %dma_wait3A_143 = arith.constant 0 : i32
      %dma_wait3A_144 = tpu.memref_slice %arg13[%add3A_38, %dma_wait3A_143] : memref<10112x128xf32, #tpu.memory_space<vmem_shared>> -> memref<40x128xf32, #tpu.memory_space<vmem_shared>>
      %dma_wait3A_145 = arith.constant 0 : i32
      %dma_wait3A_146 = tpu.memref_slice %arg13[%add3A_38, %dma_wait3A_145] : memref<10112x128xf32, #tpu.memory_space<vmem_shared>> -> memref<40x128xf32, #tpu.memory_space<vmem_shared>>
      tpu.wait_dma2 semaphore(%run_scoped3A : memref<!tpu.dma_semaphore, #tpu.memory_space<semaphore_mem>>) src(%arg12 : memref<40x128xf32, #tpu.memory_space<vmem>>) dst(%dma_wait3A_146 : memref<40x128xf32, #tpu.memory_space<vmem_shared>>)
      tpu.yield
    }) : () -> ()
    %mul3A_39 = arith.constant 632 : i32
    %mul3A_40 = arith.muli %arg1, %mul3A_39 : i32
    %add3A_41 = arith.constant 360 : i32
    %add3A_42 = arith.addi %mul3A_40, %add3A_41 : i32
    "tpu.region"() ({
      %run_scoped3A = tpu.sem_alloc : memref<!tpu.dma_semaphore, #tpu.memory_space<semaphore_mem>>
      %dma_start3A_139 = arith.constant 0 : i32
      %dma_start3A_140 = tpu.memref_slice %arg13[%add3A_42, %dma_start3A_139] : memref<10112x128xf32, #tpu.memory_space<vmem_shared>> -> memref<40x128xf32, #tpu.memory_space<vmem_shared>>
      %dma_start3A_141 = arith.constant 0 : i32
      %dma_start3A_142 = tpu.memref_slice %arg13[%add3A_42, %dma_start3A_141] : memref<10112x128xf32, #tpu.memory_space<vmem_shared>> -> memref<40x128xf32, #tpu.memory_space<vmem_shared>>
      tpu.enqueue_dma source(%arg12 : memref<40x128xf32, #tpu.memory_space<vmem>>) target(%dma_start3A_142 : memref<40x128xf32, #tpu.memory_space<vmem_shared>>) target_semaphore(%run_scoped3A : memref<!tpu.dma_semaphore, #tpu.memory_space<semaphore_mem>>)
      %dma_wait3A_143 = arith.constant 0 : i32
      %dma_wait3A_144 = tpu.memref_slice %arg13[%add3A_42, %dma_wait3A_143] : memref<10112x128xf32, #tpu.memory_space<vmem_shared>> -> memref<40x128xf32, #tpu.memory_space<vmem_shared>>
      %dma_wait3A_145 = arith.constant 0 : i32
      %dma_wait3A_146 = tpu.memref_slice %arg13[%add3A_42, %dma_wait3A_145] : memref<10112x128xf32, #tpu.memory_space<vmem_shared>> -> memref<40x128xf32, #tpu.memory_space<vmem_shared>>
      tpu.wait_dma2 semaphore(%run_scoped3A : memref<!tpu.dma_semaphore, #tpu.memory_space<semaphore_mem>>) src(%arg12 : memref<40x128xf32, #tpu.memory_space<vmem>>) dst(%dma_wait3A_146 : memref<40x128xf32, #tpu.memory_space<vmem_shared>>)
      tpu.yield
    }) : () -> ()
    %mul3A_43 = arith.constant 632 : i32
    %mul3A_44 = arith.muli %arg1, %mul3A_43 : i32
    %add3A_45 = arith.constant 400 : i32
    %add3A_46 = arith.addi %mul3A_44, %add3A_45 : i32
    "tpu.region"() ({
      %run_scoped3A = tpu.sem_alloc : memref<!tpu.dma_semaphore, #tpu.memory_space<semaphore_mem>>
      %dma_start3A_139 = arith.constant 0 : i32
      %dma_start3A_140 = tpu.memref_slice %arg13[%add3A_46, %dma_start3A_139] : memref<10112x128xf32, #tpu.memory_space<vmem_shared>> -> memref<40x128xf32, #tpu.memory_space<vmem_shared>>
      %dma_start3A_141 = arith.constant 0 : i32
      %dma_start3A_142 = tpu.memref_slice %arg13[%add3A_46, %dma_start3A_141] : memref<10112x128xf32, #tpu.memory_space<vmem_shared>> -> memref<40x128xf32, #tpu.memory_space<vmem_shared>>
      tpu.enqueue_dma source(%arg12 : memref<40x128xf32, #tpu.memory_space<vmem>>) target(%dma_start3A_142 : memref<40x128xf32, #tpu.memory_space<vmem_shared>>) target_semaphore(%run_scoped3A : memref<!tpu.dma_semaphore, #tpu.memory_space<semaphore_mem>>)
      %dma_wait3A_143 = arith.constant 0 : i32
      %dma_wait3A_144 = tpu.memref_slice %arg13[%add3A_46, %dma_wait3A_143] : memref<10112x128xf32, #tpu.memory_space<vmem_shared>> -> memref<40x128xf32, #tpu.memory_space<vmem_shared>>
      %dma_wait3A_145 = arith.constant 0 : i32
      %dma_wait3A_146 = tpu.memref_slice %arg13[%add3A_46, %dma_wait3A_145] : memref<10112x128xf32, #tpu.memory_space<vmem_shared>> -> memref<40x128xf32, #tpu.memory_space<vmem_shared>>
      tpu.wait_dma2 semaphore(%run_scoped3A : memref<!tpu.dma_semaphore, #tpu.memory_space<semaphore_mem>>) src(%arg12 : memref<40x128xf32, #tpu.memory_space<vmem>>) dst(%dma_wait3A_146 : memref<40x128xf32, #tpu.memory_space<vmem_shared>>)
      tpu.yield
    }) : () -> ()
    %mul3A_47 = arith.constant 632 : i32
    %mul3A_48 = arith.muli %arg1, %mul3A_47 : i32
    %add3A_49 = arith.constant 440 : i32
    %add3A_50 = arith.addi %mul3A_48, %add3A_49 : i32
    "tpu.region"() ({
      %run_scoped3A = tpu.sem_alloc : memref<!tpu.dma_semaphore, #tpu.memory_space<semaphore_mem>>
      %dma_start3A_139 = arith.constant 0 : i32
      %dma_start3A_140 = tpu.memref_slice %arg13[%add3A_50, %dma_start3A_139] : memref<10112x128xf32, #tpu.memory_space<vmem_shared>> -> memref<40x128xf32, #tpu.memory_space<vmem_shared>>
      %dma_start3A_141 = arith.constant 0 : i32
      %dma_start3A_142 = tpu.memref_slice %arg13[%add3A_50, %dma_start3A_141] : memref<10112x128xf32, #tpu.memory_space<vmem_shared>> -> memref<40x128xf32, #tpu.memory_space<vmem_shared>>
      tpu.enqueue_dma source(%arg12 : memref<40x128xf32, #tpu.memory_space<vmem>>) target(%dma_start3A_142 : memref<40x128xf32, #tpu.memory_space<vmem_shared>>) target_semaphore(%run_scoped3A : memref<!tpu.dma_semaphore, #tpu.memory_space<semaphore_mem>>)
      %dma_wait3A_143 = arith.constant 0 : i32
      %dma_wait3A_144 = tpu.memref_slice %arg13[%add3A_50, %dma_wait3A_143] : memref<10112x128xf32, #tpu.memory_space<vmem_shared>> -> memref<40x128xf32, #tpu.memory_space<vmem_shared>>
      %dma_wait3A_145 = arith.constant 0 : i32
      %dma_wait3A_146 = tpu.memref_slice %arg13[%add3A_50, %dma_wait3A_145] : memref<10112x128xf32, #tpu.memory_space<vmem_shared>> -> memref<40x128xf32, #tpu.memory_space<vmem_shared>>
      tpu.wait_dma2 semaphore(%run_scoped3A : memref<!tpu.dma_semaphore, #tpu.memory_space<semaphore_mem>>) src(%arg12 : memref<40x128xf32, #tpu.memory_space<vmem>>) dst(%dma_wait3A_146 : memref<40x128xf32, #tpu.memory_space<vmem_shared>>)
      tpu.yield
    }) : () -> ()
    %mul3A_51 = arith.constant 632 : i32
    %mul3A_52 = arith.muli %arg1, %mul3A_51 : i32
    %add3A_53 = arith.constant 480 : i32
    %add3A_54 = arith.addi %mul3A_52, %add3A_53 : i32
    "tpu.region"() ({
      %run_scoped3A = tpu.sem_alloc : memref<!tpu.dma_semaphore, #tpu.memory_space<semaphore_mem>>
      %dma_start3A_139 = arith.constant 0 : i32
      %dma_start3A_140 = tpu.memref_slice %arg13[%add3A_54, %dma_start3A_139] : memref<10112x128xf32, #tpu.memory_space<vmem_shared>> -> memref<40x128xf32, #tpu.memory_space<vmem_shared>>
      %dma_start3A_141 = arith.constant 0 : i32
      %dma_start3A_142 = tpu.memref_slice %arg13[%add3A_54, %dma_start3A_141] : memref<10112x128xf32, #tpu.memory_space<vmem_shared>> -> memref<40x128xf32, #tpu.memory_space<vmem_shared>>
      tpu.enqueue_dma source(%arg12 : memref<40x128xf32, #tpu.memory_space<vmem>>) target(%dma_start3A_142 : memref<40x128xf32, #tpu.memory_space<vmem_shared>>) target_semaphore(%run_scoped3A : memref<!tpu.dma_semaphore, #tpu.memory_space<semaphore_mem>>)
      %dma_wait3A_143 = arith.constant 0 : i32
      %dma_wait3A_144 = tpu.memref_slice %arg13[%add3A_54, %dma_wait3A_143] : memref<10112x128xf32, #tpu.memory_space<vmem_shared>> -> memref<40x128xf32, #tpu.memory_space<vmem_shared>>
      %dma_wait3A_145 = arith.constant 0 : i32
      %dma_wait3A_146 = tpu.memref_slice %arg13[%add3A_54, %dma_wait3A_145] : memref<10112x128xf32, #tpu.memory_space<vmem_shared>> -> memref<40x128xf32, #tpu.memory_space<vmem_shared>>
      tpu.wait_dma2 semaphore(%run_scoped3A : memref<!tpu.dma_semaphore, #tpu.memory_space<semaphore_mem>>) src(%arg12 : memref<40x128xf32, #tpu.memory_space<vmem>>) dst(%dma_wait3A_146 : memref<40x128xf32, #tpu.memory_space<vmem_shared>>)
      tpu.yield
    }) : () -> ()
    %mul3A_55 = arith.constant 632 : i32
    %mul3A_56 = arith.muli %arg1, %mul3A_55 : i32
    %add3A_57 = arith.constant 520 : i32
    %add3A_58 = arith.addi %mul3A_56, %add3A_57 : i32
    "tpu.region"() ({
      %run_scoped3A = tpu.sem_alloc : memref<!tpu.dma_semaphore, #tpu.memory_space<semaphore_mem>>
      %dma_start3A_139 = arith.constant 0 : i32
      %dma_start3A_140 = tpu.memref_slice %arg13[%add3A_58, %dma_start3A_139] : memref<10112x128xf32, #tpu.memory_space<vmem_shared>> -> memref<40x128xf32, #tpu.memory_space<vmem_shared>>
      %dma_start3A_141 = arith.constant 0 : i32
      %dma_start3A_142 = tpu.memref_slice %arg13[%add3A_58, %dma_start3A_141] : memref<10112x128xf32, #tpu.memory_space<vmem_shared>> -> memref<40x128xf32, #tpu.memory_space<vmem_shared>>
      tpu.enqueue_dma source(%arg12 : memref<40x128xf32, #tpu.memory_space<vmem>>) target(%dma_start3A_142 : memref<40x128xf32, #tpu.memory_space<vmem_shared>>) target_semaphore(%run_scoped3A : memref<!tpu.dma_semaphore, #tpu.memory_space<semaphore_mem>>)
      %dma_wait3A_143 = arith.constant 0 : i32
      %dma_wait3A_144 = tpu.memref_slice %arg13[%add3A_58, %dma_wait3A_143] : memref<10112x128xf32, #tpu.memory_space<vmem_shared>> -> memref<40x128xf32, #tpu.memory_space<vmem_shared>>
      %dma_wait3A_145 = arith.constant 0 : i32
      %dma_wait3A_146 = tpu.memref_slice %arg13[%add3A_58, %dma_wait3A_145] : memref<10112x128xf32, #tpu.memory_space<vmem_shared>> -> memref<40x128xf32, #tpu.memory_space<vmem_shared>>
      tpu.wait_dma2 semaphore(%run_scoped3A : memref<!tpu.dma_semaphore, #tpu.memory_space<semaphore_mem>>) src(%arg12 : memref<40x128xf32, #tpu.memory_space<vmem>>) dst(%dma_wait3A_146 : memref<40x128xf32, #tpu.memory_space<vmem_shared>>)
      tpu.yield
    }) : () -> ()
    %mul3A_59 = arith.constant 632 : i32
    %mul3A_60 = arith.muli %arg1, %mul3A_59 : i32
    %add3A_61 = arith.constant 560 : i32
    %add3A_62 = arith.addi %mul3A_60, %add3A_61 : i32
    "tpu.region"() ({
      %run_scoped3A = tpu.sem_alloc : memref<!tpu.dma_semaphore, #tpu.memory_space<semaphore_mem>>
      %dma_start3A_139 = arith.constant 0 : i32
      %dma_start3A_140 = tpu.memref_slice %arg13[%add3A_62, %dma_start3A_139] : memref<10112x128xf32, #tpu.memory_space<vmem_shared>> -> memref<40x128xf32, #tpu.memory_space<vmem_shared>>
      %dma_start3A_141 = arith.constant 0 : i32
      %dma_start3A_142 = tpu.memref_slice %arg13[%add3A_62, %dma_start3A_141] : memref<10112x128xf32, #tpu.memory_space<vmem_shared>> -> memref<40x128xf32, #tpu.memory_space<vmem_shared>>
      tpu.enqueue_dma source(%arg12 : memref<40x128xf32, #tpu.memory_space<vmem>>) target(%dma_start3A_142 : memref<40x128xf32, #tpu.memory_space<vmem_shared>>) target_semaphore(%run_scoped3A : memref<!tpu.dma_semaphore, #tpu.memory_space<semaphore_mem>>)
      %dma_wait3A_143 = arith.constant 0 : i32
      %dma_wait3A_144 = tpu.memref_slice %arg13[%add3A_62, %dma_wait3A_143] : memref<10112x128xf32, #tpu.memory_space<vmem_shared>> -> memref<40x128xf32, #tpu.memory_space<vmem_shared>>
      %dma_wait3A_145 = arith.constant 0 : i32
      %dma_wait3A_146 = tpu.memref_slice %arg13[%add3A_62, %dma_wait3A_145] : memref<10112x128xf32, #tpu.memory_space<vmem_shared>> -> memref<40x128xf32, #tpu.memory_space<vmem_shared>>
      tpu.wait_dma2 semaphore(%run_scoped3A : memref<!tpu.dma_semaphore, #tpu.memory_space<semaphore_mem>>) src(%arg12 : memref<40x128xf32, #tpu.memory_space<vmem>>) dst(%dma_wait3A_146 : memref<40x128xf32, #tpu.memory_space<vmem_shared>>)
      tpu.yield
    }) : () -> ()
    %mul3A_63 = arith.constant 632 : i32
    %mul3A_64 = arith.muli %arg1, %mul3A_63 : i32
    %add3A_65 = arith.constant 600 : i32
    %add3A_66 = arith.addi %mul3A_64, %add3A_65 : i32
    "tpu.region"() ({
      %run_scoped3A = tpu.sem_alloc : memref<!tpu.dma_semaphore, #tpu.memory_space<semaphore_mem>>
      %dma_start3A_139 = arith.constant 0 : i32
      %dma_start3A_140 = arith.constant 0 : i32
      %dma_start3A_141 = tpu.memref_slice %arg12[%dma_start3A_139, %dma_start3A_140] : memref<40x128xf32, #tpu.memory_space<vmem>> -> memref<32x128xf32, #tpu.memory_space<vmem>>
      %dma_start3A_142 = arith.constant 0 : i32
      %dma_start3A_143 = tpu.memref_slice %arg13[%add3A_66, %dma_start3A_142] : memref<10112x128xf32, #tpu.memory_space<vmem_shared>> -> memref<32x128xf32, #tpu.memory_space<vmem_shared>>
      %dma_start3A_144 = arith.constant 0 : i32
      %dma_start3A_145 = tpu.memref_slice %arg13[%add3A_66, %dma_start3A_144] : memref<10112x128xf32, #tpu.memory_space<vmem_shared>> -> memref<32x128xf32, #tpu.memory_space<vmem_shared>>
      %dma_start3A_146 = arith.constant 0 : i32
      %dma_start3A_147 = arith.constant 0 : i32
      %dma_start3A_148 = tpu.memref_slice %arg12[%dma_start3A_146, %dma_start3A_147] : memref<40x128xf32, #tpu.memory_space<vmem>> -> memref<32x128xf32, #tpu.memory_space<vmem>>
      tpu.enqueue_dma source(%dma_start3A_148 : memref<32x128xf32, #tpu.memory_space<vmem>>) target(%dma_start3A_145 : memref<32x128xf32, #tpu.memory_space<vmem_shared>>) target_semaphore(%run_scoped3A : memref<!tpu.dma_semaphore, #tpu.memory_space<semaphore_mem>>)
      %dma_wait3A_149 = arith.constant 0 : i32
      %dma_wait3A_150 = arith.constant 0 : i32
      %dma_wait3A_151 = tpu.memref_slice %arg12[%dma_wait3A_149, %dma_wait3A_150] : memref<40x128xf32, #tpu.memory_space<vmem>> -> memref<32x128xf32, #tpu.memory_space<vmem>>
      %dma_wait3A_152 = arith.constant 0 : i32
      %dma_wait3A_153 = tpu.memref_slice %arg13[%add3A_66, %dma_wait3A_152] : memref<10112x128xf32, #tpu.memory_space<vmem_shared>> -> memref<32x128xf32, #tpu.memory_space<vmem_shared>>
      %dma_wait3A_154 = arith.constant 0 : i32
      %dma_wait3A_155 = tpu.memref_slice %arg13[%add3A_66, %dma_wait3A_154] : memref<10112x128xf32, #tpu.memory_space<vmem_shared>> -> memref<32x128xf32, #tpu.memory_space<vmem_shared>>
      %dma_wait3A_156 = arith.constant 0 : i32
      %dma_wait3A_157 = arith.constant 0 : i32
      %dma_wait3A_158 = tpu.memref_slice %arg12[%dma_wait3A_156, %dma_wait3A_157] : memref<40x128xf32, #tpu.memory_space<vmem>> -> memref<32x128xf32, #tpu.memory_space<vmem>>
      tpu.wait_dma2 semaphore(%run_scoped3A : memref<!tpu.dma_semaphore, #tpu.memory_space<semaphore_mem>>) src(%dma_wait3A_158 : memref<32x128xf32, #tpu.memory_space<vmem>>) dst(%dma_wait3A_155 : memref<32x128xf32, #tpu.memory_space<vmem_shared>>)
      tpu.yield
    }) : () -> ()
    %mul3A_67 = arith.constant 80 : i32
    %mul3A_68 = arith.muli %add3A, %mul3A_67 : i32
    "tpu.region"() ({
      %run_scoped3A = tpu.sem_alloc : memref<!tpu.dma_semaphore, #tpu.memory_space<semaphore_mem>>
      %dma_start3A_139 = arith.constant 0 : i32
      %dma_start3A_140 = tpu.memref_slice %arg4[%mul3A_68, %dma_start3A_139] : memref<2560x128xi32, #tpu.memory_space<hbm>> -> memref<80x128xi32, #tpu.memory_space<hbm>>
      %dma_start3A_141 = arith.constant 0 : i32
      %dma_start3A_142 = tpu.memref_slice %arg4[%mul3A_68, %dma_start3A_141] : memref<2560x128xi32, #tpu.memory_space<hbm>> -> memref<80x128xi32, #tpu.memory_space<hbm>>
      tpu.enqueue_dma source(%dma_start3A_142 : memref<80x128xi32, #tpu.memory_space<hbm>>) target(%arg9 : memref<80x128xi32, #tpu.memory_space<vmem>>) target_semaphore(%run_scoped3A : memref<!tpu.dma_semaphore, #tpu.memory_space<semaphore_mem>>)
      %dma_wait3A_143 = arith.constant 0 : i32
      %dma_wait3A_144 = tpu.memref_slice %arg4[%mul3A_68, %dma_wait3A_143] : memref<2560x128xi32, #tpu.memory_space<hbm>> -> memref<80x128xi32, #tpu.memory_space<hbm>>
      %dma_wait3A_145 = arith.constant 0 : i32
      %dma_wait3A_146 = tpu.memref_slice %arg4[%mul3A_68, %dma_wait3A_145] : memref<2560x128xi32, #tpu.memory_space<hbm>> -> memref<80x128xi32, #tpu.memory_space<hbm>>
      tpu.wait_dma2 semaphore(%run_scoped3A : memref<!tpu.dma_semaphore, #tpu.memory_space<semaphore_mem>>) src(%dma_wait3A_146 : memref<80x128xi32, #tpu.memory_space<hbm>>) dst(%arg9 : memref<80x128xi32, #tpu.memory_space<vmem>>)
      tpu.yield
    }) : () -> ()
    %barrier3A = arith.constant 0 : index
    tpu.barrier barrier_id(%barrier3A)
    %add3A_69 = arith.constant 0 : i32
    %add3A_70 = arith.addi %mul3A_2, %add3A_69 : i32
    %multiple_of3A = tpu.assume_multiple %add3A_70, 128 : i32
    %dma_start3A = arith.constant 0 : i32
    %dma_start3A_71 = arith.constant 0 : i32
    %dma_start3A_72 = tpu.memref_slice %arg8[%dma_start3A, %dma_start3A_71] : memref<2x128xi32, #tpu.memory_space<vmem>> -> memref<1x128xi32, #tpu.memory_space<vmem>>
    %dma_start3A_73 = tpu.memref_squeeze %dma_start3A_72 : memref<1x128xi32, #tpu.memory_space<vmem>> -> memref<128xi32, #tpu.memory_space<vmem>>
    %dma_start3A_74 = tpu.memref_slice %arg3[%multiple_of3A] : memref<327680xi32, #tpu.memory_space<hbm>> -> memref<128xi32, #tpu.memory_space<hbm>>
    %dma_start3A_75 = arith.constant 0 : i32
    %dma_start3A_76 = tpu.memref_slice %arg8[%dma_start3A, %dma_start3A_75] : memref<2x128xi32, #tpu.memory_space<vmem>> -> memref<1x128xi32, #tpu.memory_space<vmem>>
    %dma_start3A_77 = tpu.memref_squeeze %dma_start3A_76 : memref<1x128xi32, #tpu.memory_space<vmem>> -> memref<128xi32, #tpu.memory_space<vmem>>
    %dma_start3A_78 = tpu.memref_slice %arg3[%multiple_of3A] : memref<327680xi32, #tpu.memory_space<hbm>> -> memref<128xi32, #tpu.memory_space<hbm>>
    tpu.enqueue_dma source(%dma_start3A_78 : memref<128xi32, #tpu.memory_space<hbm>>) target(%dma_start3A_77 : memref<128xi32, #tpu.memory_space<vmem>>) target_semaphore(%arg14 : memref<!tpu.dma_semaphore, #tpu.memory_space<semaphore_mem>>)
    %add3A_79 = arith.constant 0 : i32
    %add3A_80 = arith.addi %mul3A_2, %add3A_79 : i32
    %multiple_of3A_81 = tpu.assume_multiple %add3A_80, 128 : i32
    %dma_wait3A = arith.constant 0 : i32
    %dma_wait3A_82 = arith.constant 0 : i32
    %dma_wait3A_83 = tpu.memref_slice %arg8[%dma_wait3A, %dma_wait3A_82] : memref<2x128xi32, #tpu.memory_space<vmem>> -> memref<1x128xi32, #tpu.memory_space<vmem>>
    %dma_wait3A_84 = tpu.memref_squeeze %dma_wait3A_83 : memref<1x128xi32, #tpu.memory_space<vmem>> -> memref<128xi32, #tpu.memory_space<vmem>>
    %dma_wait3A_85 = tpu.memref_slice %arg3[%multiple_of3A_81] : memref<327680xi32, #tpu.memory_space<hbm>> -> memref<128xi32, #tpu.memory_space<hbm>>
    %dma_wait3A_86 = arith.constant 0 : i32
    %dma_wait3A_87 = tpu.memref_slice %arg8[%dma_wait3A, %dma_wait3A_86] : memref<2x128xi32, #tpu.memory_space<vmem>> -> memref<1x128xi32, #tpu.memory_space<vmem>>
    %dma_wait3A_88 = tpu.memref_squeeze %dma_wait3A_87 : memref<1x128xi32, #tpu.memory_space<vmem>> -> memref<128xi32, #tpu.memory_space<vmem>>
    %dma_wait3A_89 = tpu.memref_slice %arg3[%multiple_of3A_81] : memref<327680xi32, #tpu.memory_space<hbm>> -> memref<128xi32, #tpu.memory_space<hbm>>
    tpu.wait_dma2 semaphore(%arg14 : memref<!tpu.dma_semaphore, #tpu.memory_space<semaphore_mem>>) src(%dma_wait3A_89 : memref<128xi32, #tpu.memory_space<hbm>>) dst(%dma_wait3A_88 : memref<128xi32, #tpu.memory_space<vmem>>)
    %dma_start3A_90 = arith.constant 0 : i32
    %dma_start3A_91 = arith.constant 0 : i32
    %dma_start3A_92 = tpu.memref_slice %arg8[%dma_start3A_90, %dma_start3A_91] : memref<2x128xi32, #tpu.memory_space<vmem>> -> memref<1x128xi32, #tpu.memory_space<vmem>>
    %dma_start3A_93 = tpu.memref_squeeze %dma_start3A_92 : memref<1x128xi32, #tpu.memory_space<vmem>> -> memref<128xi32, #tpu.memory_space<vmem>>
    %dma_start3A_94 = arith.constant 0 : i32
    %dma_start3A_95 = arith.constant 0 : i32
    %dma_start3A_96 = tpu.memref_slice %arg2[%dma_start3A_94, %dma_start3A_95] : memref<10000x128xf32, #tpu.memory_space<hbm>> -> memref<10000x128xf32, #tpu.memory_space<hbm>>
    tpu.enqueue_indirect_dma source(%dma_start3A_96 : memref<10000x128xf32, #tpu.memory_space<hbm>>) target(%arg10 : memref<128x128xf32, #tpu.memory_space<vmem>>) offsets(%dma_start3A_93 : memref<128xi32, #tpu.memory_space<vmem>>) semaphore(%arg15 : memref<!tpu.dma_semaphore, #tpu.memory_space<semaphore_mem>>)
    %add3A_97 = arith.constant 128 : i32
    %add3A_98 = arith.addi %mul3A_2, %add3A_97 : i32
    %multiple_of3A_99 = tpu.assume_multiple %add3A_98, 128 : i32
    %dma_start3A_100 = arith.constant 1 : i32
    %dma_start3A_101 = arith.constant 0 : i32
    %dma_start3A_102 = tpu.memref_slice %arg8[%dma_start3A_100, %dma_start3A_101] : memref<2x128xi32, #tpu.memory_space<vmem>> -> memref<1x128xi32, #tpu.memory_space<vmem>>
    %dma_start3A_103 = tpu.memref_squeeze %dma_start3A_102 : memref<1x128xi32, #tpu.memory_space<vmem>> -> memref<128xi32, #tpu.memory_space<vmem>>
    %dma_start3A_104 = tpu.memref_slice %arg3[%multiple_of3A_99] : memref<327680xi32, #tpu.memory_space<hbm>> -> memref<128xi32, #tpu.memory_space<hbm>>
    %dma_start3A_105 = arith.constant 0 : i32
    %dma_start3A_106 = tpu.memref_slice %arg8[%dma_start3A_100, %dma_start3A_105] : memref<2x128xi32, #tpu.memory_space<vmem>> -> memref<1x128xi32, #tpu.memory_space<vmem>>
    %dma_start3A_107 = tpu.memref_squeeze %dma_start3A_106 : memref<1x128xi32, #tpu.memory_space<vmem>> -> memref<128xi32, #tpu.memory_space<vmem>>
    %dma_start3A_108 = tpu.memref_slice %arg3[%multiple_of3A_99] : memref<327680xi32, #tpu.memory_space<hbm>> -> memref<128xi32, #tpu.memory_space<hbm>>
    tpu.enqueue_dma source(%dma_start3A_108 : memref<128xi32, #tpu.memory_space<hbm>>) target(%dma_start3A_107 : memref<128xi32, #tpu.memory_space<vmem>>) target_semaphore(%arg14 : memref<!tpu.dma_semaphore, #tpu.memory_space<semaphore_mem>>)
    %scan3A = arith.constant 1 : i32
    %scan3A_109 = arith.constant 0 : i32
    %scan3A_110 = arith.constant 0 : i32
    %scan3A_111 = arith.constant 40 : i32
    %scan3A_112 = arith.addi %scan3A_110, %scan3A_111 : i32
    %scan3A_113 = arith.constant 1 : i32
    scf.for %scan3A_139 = %scan3A_110 to %scan3A_112 step %scan3A_113  : i32 {
      %mul3A_140 = arith.constant 1 : i32
      %mul3A_141 = arith.muli %scan3A_139, %mul3A_140 : i32
      %add3A_142 = arith.constant 0 : i32
      %add3A_143 = arith.addi %add3A_142, %mul3A_141 : i32
      %mul3A_144 = arith.constant 2 : i32
      %mul3A_145 = arith.muli %add3A_143, %mul3A_144 : i32
      %add3A_146 = arith.constant 0 : i32
      %add3A_147 = arith.addi %mul3A_145, %add3A_146 : i32
      %add3A_148 = arith.constant 1 : i32
      %add3A_149 = arith.addi %add3A_147, %add3A_148 : i32
      %lt3A = arith.constant 80 : i32
      %lt3A_150 = arith.cmpi slt, %add3A_149, %lt3A : i32
      %convert_element_type3A_151 = arith.extui %lt3A_150 : i1 to i32
      %cond3A_152 = arith.constant 0 : i32
      %cond3A_153 = arith.cmpi ne, %convert_element_type3A_151, %cond3A_152 : i32
      scf.if %cond3A_153 {
        %add3A_201 = arith.constant 1 : i32
        %add3A_202 = arith.addi %add3A_147, %add3A_201 : i32
        %mul3A_203 = arith.constant 128 : i32
        %mul3A_204 = arith.muli %add3A_202, %mul3A_203 : i32
        %add3A_205 = arith.addi %mul3A_2, %mul3A_204 : i32
        %multiple_of3A_206 = tpu.assume_multiple %add3A_205, 128 : i32
        %dma_wait3A_207 = arith.constant 0 : i32
        %dma_wait3A_208 = tpu.memref_slice %arg8[%scan3A, %dma_wait3A_207] : memref<2x128xi32, #tpu.memory_space<vmem>> -> memref<1x128xi32, #tpu.memory_space<vmem>>
        %dma_wait3A_209 = tpu.memref_squeeze %dma_wait3A_208 : memref<1x128xi32, #tpu.memory_space<vmem>> -> memref<128xi32, #tpu.memory_space<vmem>>
        %dma_wait3A_210 = tpu.memref_slice %arg3[%multiple_of3A_206] : memref<327680xi32, #tpu.memory_space<hbm>> -> memref<128xi32, #tpu.memory_space<hbm>>
        %dma_wait3A_211 = arith.constant 0 : i32
        %dma_wait3A_212 = tpu.memref_slice %arg8[%scan3A, %dma_wait3A_211] : memref<2x128xi32, #tpu.memory_space<vmem>> -> memref<1x128xi32, #tpu.memory_space<vmem>>
        %dma_wait3A_213 = tpu.memref_squeeze %dma_wait3A_212 : memref<1x128xi32, #tpu.memory_space<vmem>> -> memref<128xi32, #tpu.memory_space<vmem>>
        %dma_wait3A_214 = tpu.memref_slice %arg3[%multiple_of3A_206] : memref<327680xi32, #tpu.memory_space<hbm>> -> memref<128xi32, #tpu.memory_space<hbm>>
        tpu.wait_dma2 semaphore(%arg14 : memref<!tpu.dma_semaphore, #tpu.memory_space<semaphore_mem>>) src(%dma_wait3A_214 : memref<128xi32, #tpu.memory_space<hbm>>) dst(%dma_wait3A_213 : memref<128xi32, #tpu.memory_space<vmem>>)
        %ge3A = arith.constant 1 : i32
        %ge3A_215 = arith.cmpi sge, %add3A_147, %ge3A : i32
        %convert_element_type3A_216 = arith.extui %ge3A_215 : i1 to i32
        %cond3A_217 = arith.constant 0 : i32
        %cond3A_218 = arith.cmpi ne, %convert_element_type3A_216, %cond3A_217 : i32
        scf.if %cond3A_218 {
          %sub3A = arith.constant 1 : i32
          %sub3A_225 = arith.subi %add3A_147, %sub3A : i32
          %dma_wait3A_226 = arith.constant 0 : i32
          %dma_wait3A_227 = tpu.memref_slice %arg9[%sub3A_225, %dma_wait3A_226] : memref<80x128xi32, #tpu.memory_space<vmem>> -> memref<1x128xi32, #tpu.memory_space<vmem>>
          %dma_wait3A_228 = tpu.memref_squeeze %dma_wait3A_227 : memref<1x128xi32, #tpu.memory_space<vmem>> -> memref<128xi32, #tpu.memory_space<vmem>>
          %dma_wait3A_229 = arith.constant 0 : i32
          %dma_wait3A_230 = arith.constant 0 : i32
          %dma_wait3A_231 = tpu.memref_slice %arg13[%dma_wait3A_229, %dma_wait3A_230] : memref<10112x128xf32, #tpu.memory_space<vmem_shared>> -> memref<10112x128xf32, #tpu.memory_space<vmem_shared>>
          tpu.wait_indirect_dma semaphore(%arg16 : memref<!tpu.dma_semaphore, #tpu.memory_space<semaphore_mem>>) src(%arg11 : memref<128x128xf32, #tpu.memory_space<vmem>>) dst(%dma_wait3A_231 : memref<10112x128xf32, #tpu.memory_space<vmem_shared>>)
        } else {
        }
        %dma_start3A_219 = arith.constant 0 : i32
        %dma_start3A_220 = tpu.memref_slice %arg8[%scan3A, %dma_start3A_219] : memref<2x128xi32, #tpu.memory_space<vmem>> -> memref<1x128xi32, #tpu.memory_space<vmem>>
        %dma_start3A_221 = tpu.memref_squeeze %dma_start3A_220 : memref<1x128xi32, #tpu.memory_space<vmem>> -> memref<128xi32, #tpu.memory_space<vmem>>
        %dma_start3A_222 = arith.constant 0 : i32
        %dma_start3A_223 = arith.constant 0 : i32
        %dma_start3A_224 = tpu.memref_slice %arg2[%dma_start3A_222, %dma_start3A_223] : memref<10000x128xf32, #tpu.memory_space<hbm>> -> memref<10000x128xf32, #tpu.memory_space<hbm>>
        tpu.enqueue_indirect_dma source(%dma_start3A_224 : memref<10000x128xf32, #tpu.memory_space<hbm>>) target(%arg11 : memref<128x128xf32, #tpu.memory_space<vmem>>) offsets(%dma_start3A_221 : memref<128xi32, #tpu.memory_space<vmem>>) semaphore(%arg15 : memref<!tpu.dma_semaphore, #tpu.memory_space<semaphore_mem>>)
      } else {
      }
      %dma_wait3A_154 = arith.constant 0 : i32
      %dma_wait3A_155 = tpu.memref_slice %arg8[%scan3A_109, %dma_wait3A_154] : memref<2x128xi32, #tpu.memory_space<vmem>> -> memref<1x128xi32, #tpu.memory_space<vmem>>
      %dma_wait3A_156 = tpu.memref_squeeze %dma_wait3A_155 : memref<1x128xi32, #tpu.memory_space<vmem>> -> memref<128xi32, #tpu.memory_space<vmem>>
      %dma_wait3A_157 = arith.constant 0 : i32
      %dma_wait3A_158 = arith.constant 0 : i32
      %dma_wait3A_159 = tpu.memref_slice %arg2[%dma_wait3A_157, %dma_wait3A_158] : memref<10000x128xf32, #tpu.memory_space<hbm>> -> memref<10000x128xf32, #tpu.memory_space<hbm>>
      tpu.wait_indirect_dma semaphore(%arg15 : memref<!tpu.dma_semaphore, #tpu.memory_space<semaphore_mem>>) src(%dma_wait3A_159 : memref<10000x128xf32, #tpu.memory_space<hbm>>) dst(%arg10 : memref<128x128xf32, #tpu.memory_space<vmem>>)
      %dma_start3A_160 = arith.constant 0 : i32
      %dma_start3A_161 = tpu.memref_slice %arg9[%add3A_147, %dma_start3A_160] : memref<80x128xi32, #tpu.memory_space<vmem>> -> memref<1x128xi32, #tpu.memory_space<vmem>>
      %dma_start3A_162 = tpu.memref_squeeze %dma_start3A_161 : memref<1x128xi32, #tpu.memory_space<vmem>> -> memref<128xi32, #tpu.memory_space<vmem>>
      %dma_start3A_163 = arith.constant 0 : i32
      %dma_start3A_164 = arith.constant 0 : i32
      %dma_start3A_165 = tpu.memref_slice %arg13[%dma_start3A_163, %dma_start3A_164] : memref<10112x128xf32, #tpu.memory_space<vmem_shared>> -> memref<10112x128xf32, #tpu.memory_space<vmem_shared>>
      tpu.enqueue_indirect_dma source(%arg10 : memref<128x128xf32, #tpu.memory_space<vmem>>) target(%dma_start3A_165 : memref<10112x128xf32, #tpu.memory_space<vmem_shared>>) offsets(%dma_start3A_162 : memref<128xi32, #tpu.memory_space<vmem>>) semaphore(%arg16 : memref<!tpu.dma_semaphore, #tpu.memory_space<semaphore_mem>>) {add = true}
      %add3A_166 = arith.constant 2 : i32
      %add3A_167 = arith.addi %add3A_147, %add3A_166 : i32
      %lt3A_168 = arith.constant 80 : i32
      %lt3A_169 = arith.cmpi slt, %add3A_167, %lt3A_168 : i32
      %convert_element_type3A_170 = arith.extui %lt3A_169 : i1 to i32
      %cond3A_171 = arith.constant 0 : i32
      %cond3A_172 = arith.cmpi ne, %convert_element_type3A_170, %cond3A_171 : i32
      scf.if %cond3A_172 {
        %add3A_201 = arith.constant 2 : i32
        %add3A_202 = arith.addi %add3A_147, %add3A_201 : i32
        %mul3A_203 = arith.constant 128 : i32
        %mul3A_204 = arith.muli %add3A_202, %mul3A_203 : i32
        %add3A_205 = arith.addi %mul3A_2, %mul3A_204 : i32
        %multiple_of3A_206 = tpu.assume_multiple %add3A_205, 128 : i32
        %dma_start3A_207 = arith.constant 0 : i32
        %dma_start3A_208 = tpu.memref_slice %arg8[%scan3A_109, %dma_start3A_207] : memref<2x128xi32, #tpu.memory_space<vmem>> -> memref<1x128xi32, #tpu.memory_space<vmem>>
        %dma_start3A_209 = tpu.memref_squeeze %dma_start3A_208 : memref<1x128xi32, #tpu.memory_space<vmem>> -> memref<128xi32, #tpu.memory_space<vmem>>
        %dma_start3A_210 = tpu.memref_slice %arg3[%multiple_of3A_206] : memref<327680xi32, #tpu.memory_space<hbm>> -> memref<128xi32, #tpu.memory_space<hbm>>
        %dma_start3A_211 = arith.constant 0 : i32
        %dma_start3A_212 = tpu.memref_slice %arg8[%scan3A_109, %dma_start3A_211] : memref<2x128xi32, #tpu.memory_space<vmem>> -> memref<1x128xi32, #tpu.memory_space<vmem>>
        %dma_start3A_213 = tpu.memref_squeeze %dma_start3A_212 : memref<1x128xi32, #tpu.memory_space<vmem>> -> memref<128xi32, #tpu.memory_space<vmem>>
        %dma_start3A_214 = tpu.memref_slice %arg3[%multiple_of3A_206] : memref<327680xi32, #tpu.memory_space<hbm>> -> memref<128xi32, #tpu.memory_space<hbm>>
        tpu.enqueue_dma source(%dma_start3A_214 : memref<128xi32, #tpu.memory_space<hbm>>) target(%dma_start3A_213 : memref<128xi32, #tpu.memory_space<vmem>>) target_semaphore(%arg14 : memref<!tpu.dma_semaphore, #tpu.memory_space<semaphore_mem>>)
      } else {
      }
      %add3A_173 = arith.constant 1 : i32
      %add3A_174 = arith.addi %mul3A_145, %add3A_173 : i32
      %add3A_175 = arith.constant 1 : i32
      %add3A_176 = arith.addi %add3A_174, %add3A_175 : i32
      %lt3A_177 = arith.constant 80 : i32
      %lt3A_178 = arith.cmpi slt, %add3A_176, %lt3A_177 : i32
      %convert_element_type3A_179 = arith.extui %lt3A_178 : i1 to i32
      %cond3A_180 = arith.constant 0 : i32
      %cond3A_181 = arith.cmpi ne, %convert_element_type3A_179, %cond3A_180 : i32
      scf.if %cond3A_181 {
        %add3A_201 = arith.constant 1 : i32
        %add3A_202 = arith.addi %add3A_174, %add3A_201 : i32
        %mul3A_203 = arith.constant 128 : i32
        %mul3A_204 = arith.muli %add3A_202, %mul3A_203 : i32
        %add3A_205 = arith.addi %mul3A_2, %mul3A_204 : i32
        %multiple_of3A_206 = tpu.assume_multiple %add3A_205, 128 : i32
        %dma_wait3A_207 = arith.constant 0 : i32
        %dma_wait3A_208 = tpu.memref_slice %arg8[%scan3A_109, %dma_wait3A_207] : memref<2x128xi32, #tpu.memory_space<vmem>> -> memref<1x128xi32, #tpu.memory_space<vmem>>
        %dma_wait3A_209 = tpu.memref_squeeze %dma_wait3A_208 : memref<1x128xi32, #tpu.memory_space<vmem>> -> memref<128xi32, #tpu.memory_space<vmem>>
        %dma_wait3A_210 = tpu.memref_slice %arg3[%multiple_of3A_206] : memref<327680xi32, #tpu.memory_space<hbm>> -> memref<128xi32, #tpu.memory_space<hbm>>
        %dma_wait3A_211 = arith.constant 0 : i32
        %dma_wait3A_212 = tpu.memref_slice %arg8[%scan3A_109, %dma_wait3A_211] : memref<2x128xi32, #tpu.memory_space<vmem>> -> memref<1x128xi32, #tpu.memory_space<vmem>>
        %dma_wait3A_213 = tpu.memref_squeeze %dma_wait3A_212 : memref<1x128xi32, #tpu.memory_space<vmem>> -> memref<128xi32, #tpu.memory_space<vmem>>
        %dma_wait3A_214 = tpu.memref_slice %arg3[%multiple_of3A_206] : memref<327680xi32, #tpu.memory_space<hbm>> -> memref<128xi32, #tpu.memory_space<hbm>>
        tpu.wait_dma2 semaphore(%arg14 : memref<!tpu.dma_semaphore, #tpu.memory_space<semaphore_mem>>) src(%dma_wait3A_214 : memref<128xi32, #tpu.memory_space<hbm>>) dst(%dma_wait3A_213 : memref<128xi32, #tpu.memory_space<vmem>>)
        %ge3A = arith.constant 1 : i32
        %ge3A_215 = arith.cmpi sge, %add3A_174, %ge3A : i32
        %convert_element_type3A_216 = arith.extui %ge3A_215 : i1 to i32
        %cond3A_217 = arith.constant 0 : i32
        %cond3A_218 = arith.cmpi ne, %convert_element_type3A_216, %cond3A_217 : i32
        scf.if %cond3A_218 {
          %sub3A = arith.constant 1 : i32
          %sub3A_225 = arith.subi %add3A_174, %sub3A : i32
          %dma_wait3A_226 = arith.constant 0 : i32
          %dma_wait3A_227 = tpu.memref_slice %arg9[%sub3A_225, %dma_wait3A_226] : memref<80x128xi32, #tpu.memory_space<vmem>> -> memref<1x128xi32, #tpu.memory_space<vmem>>
          %dma_wait3A_228 = tpu.memref_squeeze %dma_wait3A_227 : memref<1x128xi32, #tpu.memory_space<vmem>> -> memref<128xi32, #tpu.memory_space<vmem>>
          %dma_wait3A_229 = arith.constant 0 : i32
          %dma_wait3A_230 = arith.constant 0 : i32
          %dma_wait3A_231 = tpu.memref_slice %arg13[%dma_wait3A_229, %dma_wait3A_230] : memref<10112x128xf32, #tpu.memory_space<vmem_shared>> -> memref<10112x128xf32, #tpu.memory_space<vmem_shared>>
          tpu.wait_indirect_dma semaphore(%arg16 : memref<!tpu.dma_semaphore, #tpu.memory_space<semaphore_mem>>) src(%arg10 : memref<128x128xf32, #tpu.memory_space<vmem>>) dst(%dma_wait3A_231 : memref<10112x128xf32, #tpu.memory_space<vmem_shared>>)
        } else {
        }
        %dma_start3A_219 = arith.constant 0 : i32
        %dma_start3A_220 = tpu.memref_slice %arg8[%scan3A_109, %dma_start3A_219] : memref<2x128xi32, #tpu.memory_space<vmem>> -> memref<1x128xi32, #tpu.memory_space<vmem>>
        %dma_start3A_221 = tpu.memref_squeeze %dma_start3A_220 : memref<1x128xi32, #tpu.memory_space<vmem>> -> memref<128xi32, #tpu.memory_space<vmem>>
        %dma_start3A_222 = arith.constant 0 : i32
        %dma_start3A_223 = arith.constant 0 : i32
        %dma_start3A_224 = tpu.memref_slice %arg2[%dma_start3A_222, %dma_start3A_223] : memref<10000x128xf32, #tpu.memory_space<hbm>> -> memref<10000x128xf32, #tpu.memory_space<hbm>>
        tpu.enqueue_indirect_dma source(%dma_start3A_224 : memref<10000x128xf32, #tpu.memory_space<hbm>>) target(%arg10 : memref<128x128xf32, #tpu.memory_space<vmem>>) offsets(%dma_start3A_221 : memref<128xi32, #tpu.memory_space<vmem>>) semaphore(%arg15 : memref<!tpu.dma_semaphore, #tpu.memory_space<semaphore_mem>>)
      } else {
      }
      %dma_wait3A_182 = arith.constant 0 : i32
      %dma_wait3A_183 = tpu.memref_slice %arg8[%scan3A, %dma_wait3A_182] : memref<2x128xi32, #tpu.memory_space<vmem>> -> memref<1x128xi32, #tpu.memory_space<vmem>>
      %dma_wait3A_184 = tpu.memref_squeeze %dma_wait3A_183 : memref<1x128xi32, #tpu.memory_space<vmem>> -> memref<128xi32, #tpu.memory_space<vmem>>
      %dma_wait3A_185 = arith.constant 0 : i32
      %dma_wait3A_186 = arith.constant 0 : i32
      %dma_wait3A_187 = tpu.memref_slice %arg2[%dma_wait3A_185, %dma_wait3A_186] : memref<10000x128xf32, #tpu.memory_space<hbm>> -> memref<10000x128xf32, #tpu.memory_space<hbm>>
      tpu.wait_indirect_dma semaphore(%arg15 : memref<!tpu.dma_semaphore, #tpu.memory_space<semaphore_mem>>) src(%dma_wait3A_187 : memref<10000x128xf32, #tpu.memory_space<hbm>>) dst(%arg11 : memref<128x128xf32, #tpu.memory_space<vmem>>)
      %dma_start3A_188 = arith.constant 0 : i32
      %dma_start3A_189 = tpu.memref_slice %arg9[%add3A_174, %dma_start3A_188] : memref<80x128xi32, #tpu.memory_space<vmem>> -> memref<1x128xi32, #tpu.memory_space<vmem>>
      %dma_start3A_190 = tpu.memref_squeeze %dma_start3A_189 : memref<1x128xi32, #tpu.memory_space<vmem>> -> memref<128xi32, #tpu.memory_space<vmem>>
      %dma_start3A_191 = arith.constant 0 : i32
      %dma_start3A_192 = arith.constant 0 : i32
      %dma_start3A_193 = tpu.memref_slice %arg13[%dma_start3A_191, %dma_start3A_192] : memref<10112x128xf32, #tpu.memory_space<vmem_shared>> -> memref<10112x128xf32, #tpu.memory_space<vmem_shared>>
      tpu.enqueue_indirect_dma source(%arg11 : memref<128x128xf32, #tpu.memory_space<vmem>>) target(%dma_start3A_193 : memref<10112x128xf32, #tpu.memory_space<vmem_shared>>) offsets(%dma_start3A_190 : memref<128xi32, #tpu.memory_space<vmem>>) semaphore(%arg16 : memref<!tpu.dma_semaphore, #tpu.memory_space<semaphore_mem>>) {add = true}
      %add3A_194 = arith.constant 2 : i32
      %add3A_195 = arith.addi %add3A_174, %add3A_194 : i32
      %lt3A_196 = arith.constant 80 : i32
      %lt3A_197 = arith.cmpi slt, %add3A_195, %lt3A_196 : i32
      %convert_element_type3A_198 = arith.extui %lt3A_197 : i1 to i32
      %cond3A_199 = arith.constant 0 : i32
      %cond3A_200 = arith.cmpi ne, %convert_element_type3A_198, %cond3A_199 : i32
      scf.if %cond3A_200 {
        %add3A_201 = arith.constant 2 : i32
        %add3A_202 = arith.addi %add3A_174, %add3A_201 : i32
        %mul3A_203 = arith.constant 128 : i32
        %mul3A_204 = arith.muli %add3A_202, %mul3A_203 : i32
        %add3A_205 = arith.addi %mul3A_2, %mul3A_204 : i32
        %multiple_of3A_206 = tpu.assume_multiple %add3A_205, 128 : i32
        %dma_start3A_207 = arith.constant 0 : i32
        %dma_start3A_208 = tpu.memref_slice %arg8[%scan3A, %dma_start3A_207] : memref<2x128xi32, #tpu.memory_space<vmem>> -> memref<1x128xi32, #tpu.memory_space<vmem>>
        %dma_start3A_209 = tpu.memref_squeeze %dma_start3A_208 : memref<1x128xi32, #tpu.memory_space<vmem>> -> memref<128xi32, #tpu.memory_space<vmem>>
        %dma_start3A_210 = tpu.memref_slice %arg3[%multiple_of3A_206] : memref<327680xi32, #tpu.memory_space<hbm>> -> memref<128xi32, #tpu.memory_space<hbm>>
        %dma_start3A_211 = arith.constant 0 : i32
        %dma_start3A_212 = tpu.memref_slice %arg8[%scan3A, %dma_start3A_211] : memref<2x128xi32, #tpu.memory_space<vmem>> -> memref<1x128xi32, #tpu.memory_space<vmem>>
        %dma_start3A_213 = tpu.memref_squeeze %dma_start3A_212 : memref<1x128xi32, #tpu.memory_space<vmem>> -> memref<128xi32, #tpu.memory_space<vmem>>
        %dma_start3A_214 = tpu.memref_slice %arg3[%multiple_of3A_206] : memref<327680xi32, #tpu.memory_space<hbm>> -> memref<128xi32, #tpu.memory_space<hbm>>
        tpu.enqueue_dma source(%dma_start3A_214 : memref<128xi32, #tpu.memory_space<hbm>>) target(%dma_start3A_213 : memref<128xi32, #tpu.memory_space<vmem>>) target_semaphore(%arg14 : memref<!tpu.dma_semaphore, #tpu.memory_space<semaphore_mem>>)
      } else {
      }
    }
    %scan3A_114 = arith.constant 40 : i32
    %dma_wait3A_115 = arith.constant 78 : i32
    %dma_wait3A_116 = arith.constant 0 : i32
    %dma_wait3A_117 = tpu.memref_slice %arg9[%dma_wait3A_115, %dma_wait3A_116] : memref<80x128xi32, #tpu.memory_space<vmem>> -> memref<1x128xi32, #tpu.memory_space<vmem>>
    %dma_wait3A_118 = tpu.memref_squeeze %dma_wait3A_117 : memref<1x128xi32, #tpu.memory_space<vmem>> -> memref<128xi32, #tpu.memory_space<vmem>>
    %dma_wait3A_119 = arith.constant 0 : i32
    %dma_wait3A_120 = arith.constant 0 : i32
    %dma_wait3A_121 = tpu.memref_slice %arg13[%dma_wait3A_119, %dma_wait3A_120] : memref<10112x128xf32, #tpu.memory_space<vmem_shared>> -> memref<10112x128xf32, #tpu.memory_space<vmem_shared>>
    tpu.wait_indirect_dma semaphore(%arg16 : memref<!tpu.dma_semaphore, #tpu.memory_space<semaphore_mem>>) src(%arg10 : memref<128x128xf32, #tpu.memory_space<vmem>>) dst(%dma_wait3A_121 : memref<10112x128xf32, #tpu.memory_space<vmem_shared>>)
    %dma_wait3A_122 = arith.constant 79 : i32
    %dma_wait3A_123 = arith.constant 0 : i32
    %dma_wait3A_124 = tpu.memref_slice %arg9[%dma_wait3A_122, %dma_wait3A_123] : memref<80x128xi32, #tpu.memory_space<vmem>> -> memref<1x128xi32, #tpu.memory_space<vmem>>
    %dma_wait3A_125 = tpu.memref_squeeze %dma_wait3A_124 : memref<1x128xi32, #tpu.memory_space<vmem>> -> memref<128xi32, #tpu.memory_space<vmem>>
    %dma_wait3A_126 = arith.constant 0 : i32
    %dma_wait3A_127 = arith.constant 0 : i32
    %dma_wait3A_128 = tpu.memref_slice %arg13[%dma_wait3A_126, %dma_wait3A_127] : memref<10112x128xf32, #tpu.memory_space<vmem_shared>> -> memref<10112x128xf32, #tpu.memory_space<vmem_shared>>
    tpu.wait_indirect_dma semaphore(%arg16 : memref<!tpu.dma_semaphore, #tpu.memory_space<semaphore_mem>>) src(%arg11 : memref<128x128xf32, #tpu.memory_space<vmem>>) dst(%dma_wait3A_128 : memref<10112x128xf32, #tpu.memory_space<vmem_shared>>)
    %barrier3A_129 = arith.constant 0 : index
    tpu.barrier barrier_id(%barrier3A_129)
    %mul3A_130 = arith.constant 632 : i32
    %mul3A_131 = arith.muli %arg1, %mul3A_130 : i32
    %eq3A = arith.constant 0 : i32
    %eq3A_132 = arith.cmpi eq, %arg0, %eq3A : i32
    %convert_element_type3A = arith.extui %eq3A_132 : i1 to i32
    %cond3A = arith.constant 0 : i32
    %cond3A_133 = arith.cmpi ne, %convert_element_type3A, %cond3A : i32
    scf.if %cond3A_133 {
      "tpu.region"() ({
        %run_scoped3A = tpu.sem_alloc : memref<!tpu.dma_semaphore, #tpu.memory_space<semaphore_mem>>
        %dma_start3A_139 = arith.constant 0 : i32
        %dma_start3A_140 = tpu.memref_slice %arg6[%mul3A_131, %dma_start3A_139] : memref<10112x128xf32, #tpu.memory_space<hbm>> -> memref<632x128xf32, #tpu.memory_space<hbm>>
        %dma_start3A_141 = arith.constant 0 : i32
        %dma_start3A_142 = tpu.memref_slice %arg13[%mul3A_131, %dma_start3A_141] : memref<10112x128xf32, #tpu.memory_space<vmem_shared>> -> memref<632x128xf32, #tpu.memory_space<vmem_shared>>
        tpu.enqueue_dma source(%dma_start3A_142 : memref<632x128xf32, #tpu.memory_space<vmem_shared>>) target(%dma_start3A_140 : memref<632x128xf32, #tpu.memory_space<hbm>>) target_semaphore(%run_scoped3A : memref<!tpu.dma_semaphore, #tpu.memory_space<semaphore_mem>>)
        %dma_wait3A_143 = arith.constant 0 : i32
        %dma_wait3A_144 = tpu.memref_slice %arg6[%mul3A_131, %dma_wait3A_143] : memref<10112x128xf32, #tpu.memory_space<hbm>> -> memref<632x128xf32, #tpu.memory_space<hbm>>
        %dma_wait3A_145 = arith.constant 0 : i32
        %dma_wait3A_146 = tpu.memref_slice %arg13[%mul3A_131, %dma_wait3A_145] : memref<10112x128xf32, #tpu.memory_space<vmem_shared>> -> memref<632x128xf32, #tpu.memory_space<vmem_shared>>
        tpu.wait_dma2 semaphore(%run_scoped3A : memref<!tpu.dma_semaphore, #tpu.memory_space<semaphore_mem>>) src(%dma_wait3A_146 : memref<632x128xf32, #tpu.memory_space<vmem_shared>>) dst(%dma_wait3A_144 : memref<632x128xf32, #tpu.memory_space<hbm>>)
        tpu.yield
      }) : () -> ()
    } else {
    }
    %eq3A_134 = arith.constant 1 : i32
    %eq3A_135 = arith.cmpi eq, %arg0, %eq3A_134 : i32
    %convert_element_type3A_136 = arith.extui %eq3A_135 : i1 to i32
    %cond3A_137 = arith.constant 0 : i32
    %cond3A_138 = arith.cmpi ne, %convert_element_type3A_136, %cond3A_137 : i32
    scf.if %cond3A_138 {
      "tpu.region"() ({
        %run_scoped3A = tpu.sem_alloc : memref<!tpu.dma_semaphore, #tpu.memory_space<semaphore_mem>>
        %dma_start3A_139 = arith.constant 0 : i32
        %dma_start3A_140 = tpu.memref_slice %arg7[%mul3A_131, %dma_start3A_139] : memref<10112x128xf32, #tpu.memory_space<hbm>> -> memref<632x128xf32, #tpu.memory_space<hbm>>
        %dma_start3A_141 = arith.constant 0 : i32
        %dma_start3A_142 = tpu.memref_slice %arg13[%mul3A_131, %dma_start3A_141] : memref<10112x128xf32, #tpu.memory_space<vmem_shared>> -> memref<632x128xf32, #tpu.memory_space<vmem_shared>>
        tpu.enqueue_dma source(%dma_start3A_142 : memref<632x128xf32, #tpu.memory_space<vmem_shared>>) target(%dma_start3A_140 : memref<632x128xf32, #tpu.memory_space<hbm>>) target_semaphore(%run_scoped3A : memref<!tpu.dma_semaphore, #tpu.memory_space<semaphore_mem>>)
        %dma_wait3A_143 = arith.constant 0 : i32
        %dma_wait3A_144 = tpu.memref_slice %arg7[%mul3A_131, %dma_wait3A_143] : memref<10112x128xf32, #tpu.memory_space<hbm>> -> memref<632x128xf32, #tpu.memory_space<hbm>>
        %dma_wait3A_145 = arith.constant 0 : i32
        %dma_wait3A_146 = tpu.memref_slice %arg13[%mul3A_131, %dma_wait3A_145] : memref<10112x128xf32, #tpu.memory_space<vmem_shared>> -> memref<632x128xf32, #tpu.memory_space<vmem_shared>>
        tpu.wait_dma2 semaphore(%run_scoped3A : memref<!tpu.dma_semaphore, #tpu.memory_space<semaphore_mem>>) src(%dma_wait3A_146 : memref<632x128xf32, #tpu.memory_space<vmem_shared>>) dst(%dma_wait3A_144 : memref<632x128xf32, #tpu.memory_space<hbm>>)
        tpu.yield
      }) : () -> ()
    } else {
    }
    return
  }
}

#map = affine_map<(d0, d1) -> (0, 0)>
#map1 = affine_map<(d0, d1) -> (0)>
module attributes {stable_mosaic.version = 14 : i64} {
  func.func @body(%arg0: i32, %arg1: i32, %arg2: memref<10000x128xf32, #tpu.memory_space<hbm>>, %arg3: memref<327680xi32, #tpu.memory_space<hbm>>, %arg4: memref<2560x128xi32, #tpu.memory_space<hbm>>, %arg5: memref<40x128xf32, #tpu.memory_space<hbm>>, %arg6: memref<10112x128xf32, #tpu.memory_space<hbm>>, %arg7: memref<10112x128xf32, #tpu.memory_space<hbm>>, %arg8: memref<2x128xi32, #tpu.memory_space<vmem>>, %arg9: memref<80x128xi32, #tpu.memory_space<vmem>>, %arg10: memref<128x128xf32, #tpu.memory_space<vmem>>, %arg11: memref<128x128xf32, #tpu.memory_space<vmem>>, %arg12: memref<40x128xf32, #tpu.memory_space<vmem>>, %arg13: memref<10112x128xf32, #tpu.memory_space<vmem_shared>>, %arg14: memref<!tpu.dma_semaphore, #tpu.memory_space<semaphore_mem>>, %arg15: memref<!tpu.dma_semaphore, #tpu.memory_space<semaphore_mem>>, %arg16: memref<!tpu.dma_semaphore, #tpu.memory_space<semaphore_mem>>) attributes {dimension_semantics = [#tpu.dimension_semantics<core_parallel>, #tpu.dimension_semantics<subcore_parallel>], iteration_bounds = array<i64: 2, 16>, scalar_prefetch = 0 : i64, scratch_operands = 9 : i64, tpu.core_type = #tpu.core_type<sc_vector_subcore>, window_params = [{transform_indices = #map}, {transform_indices = #map1}, {transform_indices = #map}, {transform_indices = #map}, {transform_indices = #map}, {transform_indices = #map}]} {
    %mul3A = arith.constant 2 : i32
    %mul3A_0 = arith.muli %arg1, %mul3A : i32
    %add3A = arith.addi %mul3A_0, %arg0 : i32
    %mul3A_1 = arith.constant 10240 : i32
    %mul3A_2 = arith.muli %add3A, %mul3A_1 : i32
    "tpu.region"() ({
      %run_scoped3A = tpu.sem_alloc : memref<!tpu.dma_semaphore, #tpu.memory_space<semaphore_mem>>
      tpu.enqueue_dma source(%arg5 : memref<40x128xf32, #tpu.memory_space<hbm>>) target(%arg12 : memref<40x128xf32, #tpu.memory_space<vmem>>) target_semaphore(%run_scoped3A : memref<!tpu.dma_semaphore, #tpu.memory_space<semaphore_mem>>)
      tpu.wait_dma2 semaphore(%run_scoped3A : memref<!tpu.dma_semaphore, #tpu.memory_space<semaphore_mem>>) src(%arg5 : memref<40x128xf32, #tpu.memory_space<hbm>>) dst(%arg12 : memref<40x128xf32, #tpu.memory_space<vmem>>)
      tpu.yield
    }) : () -> ()
    %mul3A_3 = arith.constant 632 : i32
    %mul3A_4 = arith.muli %arg1, %mul3A_3 : i32
    %add3A_5 = arith.constant 0 : i32
    %add3A_6 = arith.addi %mul3A_4, %add3A_5 : i32
    "tpu.region"() ({
      %run_scoped3A = tpu.sem_alloc : memref<!tpu.dma_semaphore, #tpu.memory_space<semaphore_mem>>
      %dma_start3A_139 = arith.constant 0 : i32
      %dma_start3A_140 = tpu.memref_slice %arg13[%add3A_6, %dma_start3A_139] : memref<10112x128xf32, #tpu.memory_space<vmem_shared>> -> memref<40x128xf32, #tpu.memory_space<vmem_shared>>
      %dma_start3A_141 = arith.constant 0 : i32
      %dma_start3A_142 = tpu.memref_slice %arg13[%add3A_6, %dma_start3A_141] : memref<10112x128xf32, #tpu.memory_space<vmem_shared>> -> memref<40x128xf32, #tpu.memory_space<vmem_shared>>
      tpu.enqueue_dma source(%arg12 : memref<40x128xf32, #tpu.memory_space<vmem>>) target(%dma_start3A_142 : memref<40x128xf32, #tpu.memory_space<vmem_shared>>) target_semaphore(%run_scoped3A : memref<!tpu.dma_semaphore, #tpu.memory_space<semaphore_mem>>)
      %dma_wait3A_143 = arith.constant 0 : i32
      %dma_wait3A_144 = tpu.memref_slice %arg13[%add3A_6, %dma_wait3A_143] : memref<10112x128xf32, #tpu.memory_space<vmem_shared>> -> memref<40x128xf32, #tpu.memory_space<vmem_shared>>
      %dma_wait3A_145 = arith.constant 0 : i32
      %dma_wait3A_146 = tpu.memref_slice %arg13[%add3A_6, %dma_wait3A_145] : memref<10112x128xf32, #tpu.memory_space<vmem_shared>> -> memref<40x128xf32, #tpu.memory_space<vmem_shared>>
      tpu.wait_dma2 semaphore(%run_scoped3A : memref<!tpu.dma_semaphore, #tpu.memory_space<semaphore_mem>>) src(%arg12 : memref<40x128xf32, #tpu.memory_space<vmem>>) dst(%dma_wait3A_146 : memref<40x128xf32, #tpu.memory_space<vmem_shared>>)
      tpu.yield
    }) : () -> ()
    %mul3A_7 = arith.constant 632 : i32
    %mul3A_8 = arith.muli %arg1, %mul3A_7 : i32
    %add3A_9 = arith.constant 40 : i32
    %add3A_10 = arith.addi %mul3A_8, %add3A_9 : i32
    "tpu.region"() ({
      %run_scoped3A = tpu.sem_alloc : memref<!tpu.dma_semaphore, #tpu.memory_space<semaphore_mem>>
      %dma_start3A_139 = arith.constant 0 : i32
      %dma_start3A_140 = tpu.memref_slice %arg13[%add3A_10, %dma_start3A_139] : memref<10112x128xf32, #tpu.memory_space<vmem_shared>> -> memref<40x128xf32, #tpu.memory_space<vmem_shared>>
      %dma_start3A_141 = arith.constant 0 : i32
      %dma_start3A_142 = tpu.memref_slice %arg13[%add3A_10, %dma_start3A_141] : memref<10112x128xf32, #tpu.memory_space<vmem_shared>> -> memref<40x128xf32, #tpu.memory_space<vmem_shared>>
      tpu.enqueue_dma source(%arg12 : memref<40x128xf32, #tpu.memory_space<vmem>>) target(%dma_start3A_142 : memref<40x128xf32, #tpu.memory_space<vmem_shared>>) target_semaphore(%run_scoped3A : memref<!tpu.dma_semaphore, #tpu.memory_space<semaphore_mem>>)
      %dma_wait3A_143 = arith.constant 0 : i32
      %dma_wait3A_144 = tpu.memref_slice %arg13[%add3A_10, %dma_wait3A_143] : memref<10112x128xf32, #tpu.memory_space<vmem_shared>> -> memref<40x128xf32, #tpu.memory_space<vmem_shared>>
      %dma_wait3A_145 = arith.constant 0 : i32
      %dma_wait3A_146 = tpu.memref_slice %arg13[%add3A_10, %dma_wait3A_145] : memref<10112x128xf32, #tpu.memory_space<vmem_shared>> -> memref<40x128xf32, #tpu.memory_space<vmem_shared>>
      tpu.wait_dma2 semaphore(%run_scoped3A : memref<!tpu.dma_semaphore, #tpu.memory_space<semaphore_mem>>) src(%arg12 : memref<40x128xf32, #tpu.memory_space<vmem>>) dst(%dma_wait3A_146 : memref<40x128xf32, #tpu.memory_space<vmem_shared>>)
      tpu.yield
    }) : () -> ()
    %mul3A_11 = arith.constant 632 : i32
    %mul3A_12 = arith.muli %arg1, %mul3A_11 : i32
    %add3A_13 = arith.constant 80 : i32
    %add3A_14 = arith.addi %mul3A_12, %add3A_13 : i32
    "tpu.region"() ({
      %run_scoped3A = tpu.sem_alloc : memref<!tpu.dma_semaphore, #tpu.memory_space<semaphore_mem>>
      %dma_start3A_139 = arith.constant 0 : i32
      %dma_start3A_140 = tpu.memref_slice %arg13[%add3A_14, %dma_start3A_139] : memref<10112x128xf32, #tpu.memory_space<vmem_shared>> -> memref<40x128xf32, #tpu.memory_space<vmem_shared>>
      %dma_start3A_141 = arith.constant 0 : i32
      %dma_start3A_142 = tpu.memref_slice %arg13[%add3A_14, %dma_start3A_141] : memref<10112x128xf32, #tpu.memory_space<vmem_shared>> -> memref<40x128xf32, #tpu.memory_space<vmem_shared>>
      tpu.enqueue_dma source(%arg12 : memref<40x128xf32, #tpu.memory_space<vmem>>) target(%dma_start3A_142 : memref<40x128xf32, #tpu.memory_space<vmem_shared>>) target_semaphore(%run_scoped3A : memref<!tpu.dma_semaphore, #tpu.memory_space<semaphore_mem>>)
      %dma_wait3A_143 = arith.constant 0 : i32
      %dma_wait3A_144 = tpu.memref_slice %arg13[%add3A_14, %dma_wait3A_143] : memref<10112x128xf32, #tpu.memory_space<vmem_shared>> -> memref<40x128xf32, #tpu.memory_space<vmem_shared>>
      %dma_wait3A_145 = arith.constant 0 : i32
      %dma_wait3A_146 = tpu.memref_slice %arg13[%add3A_14, %dma_wait3A_145] : memref<10112x128xf32, #tpu.memory_space<vmem_shared>> -> memref<40x128xf32, #tpu.memory_space<vmem_shared>>
      tpu.wait_dma2 semaphore(%run_scoped3A : memref<!tpu.dma_semaphore, #tpu.memory_space<semaphore_mem>>) src(%arg12 : memref<40x128xf32, #tpu.memory_space<vmem>>) dst(%dma_wait3A_146 : memref<40x128xf32, #tpu.memory_space<vmem_shared>>)
      tpu.yield
    }) : () -> ()
    %mul3A_15 = arith.constant 632 : i32
    %mul3A_16 = arith.muli %arg1, %mul3A_15 : i32
    %add3A_17 = arith.constant 120 : i32
    %add3A_18 = arith.addi %mul3A_16, %add3A_17 : i32
    "tpu.region"() ({
      %run_scoped3A = tpu.sem_alloc : memref<!tpu.dma_semaphore, #tpu.memory_space<semaphore_mem>>
      %dma_start3A_139 = arith.constant 0 : i32
      %dma_start3A_140 = tpu.memref_slice %arg13[%add3A_18, %dma_start3A_139] : memref<10112x128xf32, #tpu.memory_space<vmem_shared>> -> memref<40x128xf32, #tpu.memory_space<vmem_shared>>
      %dma_start3A_141 = arith.constant 0 : i32
      %dma_start3A_142 = tpu.memref_slice %arg13[%add3A_18, %dma_start3A_141] : memref<10112x128xf32, #tpu.memory_space<vmem_shared>> -> memref<40x128xf32, #tpu.memory_space<vmem_shared>>
      tpu.enqueue_dma source(%arg12 : memref<40x128xf32, #tpu.memory_space<vmem>>) target(%dma_start3A_142 : memref<40x128xf32, #tpu.memory_space<vmem_shared>>) target_semaphore(%run_scoped3A : memref<!tpu.dma_semaphore, #tpu.memory_space<semaphore_mem>>)
      %dma_wait3A_143 = arith.constant 0 : i32
      %dma_wait3A_144 = tpu.memref_slice %arg13[%add3A_18, %dma_wait3A_143] : memref<10112x128xf32, #tpu.memory_space<vmem_shared>> -> memref<40x128xf32, #tpu.memory_space<vmem_shared>>
      %dma_wait3A_145 = arith.constant 0 : i32
      %dma_wait3A_146 = tpu.memref_slice %arg13[%add3A_18, %dma_wait3A_145] : memref<10112x128xf32, #tpu.memory_space<vmem_shared>> -> memref<40x128xf32, #tpu.memory_space<vmem_shared>>
      tpu.wait_dma2 semaphore(%run_scoped3A : memref<!tpu.dma_semaphore, #tpu.memory_space<semaphore_mem>>) src(%arg12 : memref<40x128xf32, #tpu.memory_space<vmem>>) dst(%dma_wait3A_146 : memref<40x128xf32, #tpu.memory_space<vmem_shared>>)
      tpu.yield
    }) : () -> ()
    %mul3A_19 = arith.constant 632 : i32
    %mul3A_20 = arith.muli %arg1, %mul3A_19 : i32
    %add3A_21 = arith.constant 160 : i32
    %add3A_22 = arith.addi %mul3A_20, %add3A_21 : i32
    "tpu.region"() ({
      %run_scoped3A = tpu.sem_alloc : memref<!tpu.dma_semaphore, #tpu.memory_space<semaphore_mem>>
      %dma_start3A_139 = arith.constant 0 : i32
      %dma_start3A_140 = tpu.memref_slice %arg13[%add3A_22, %dma_start3A_139] : memref<10112x128xf32, #tpu.memory_space<vmem_shared>> -> memref<40x128xf32, #tpu.memory_space<vmem_shared>>
      %dma_start3A_141 = arith.constant 0 : i32
      %dma_start3A_142 = tpu.memref_slice %arg13[%add3A_22, %dma_start3A_141] : memref<10112x128xf32, #tpu.memory_space<vmem_shared>> -> memref<40x128xf32, #tpu.memory_space<vmem_shared>>
      tpu.enqueue_dma source(%arg12 : memref<40x128xf32, #tpu.memory_space<vmem>>) target(%dma_start3A_142 : memref<40x128xf32, #tpu.memory_space<vmem_shared>>) target_semaphore(%run_scoped3A : memref<!tpu.dma_semaphore, #tpu.memory_space<semaphore_mem>>)
      %dma_wait3A_143 = arith.constant 0 : i32
      %dma_wait3A_144 = tpu.memref_slice %arg13[%add3A_22, %dma_wait3A_143] : memref<10112x128xf32, #tpu.memory_space<vmem_shared>> -> memref<40x128xf32, #tpu.memory_space<vmem_shared>>
      %dma_wait3A_145 = arith.constant 0 : i32
      %dma_wait3A_146 = tpu.memref_slice %arg13[%add3A_22, %dma_wait3A_145] : memref<10112x128xf32, #tpu.memory_space<vmem_shared>> -> memref<40x128xf32, #tpu.memory_space<vmem_shared>>
      tpu.wait_dma2 semaphore(%run_scoped3A : memref<!tpu.dma_semaphore, #tpu.memory_space<semaphore_mem>>) src(%arg12 : memref<40x128xf32, #tpu.memory_space<vmem>>) dst(%dma_wait3A_146 : memref<40x128xf32, #tpu.memory_space<vmem_shared>>)
      tpu.yield
    }) : () -> ()
    %mul3A_23 = arith.constant 632 : i32
    %mul3A_24 = arith.muli %arg1, %mul3A_23 : i32
    %add3A_25 = arith.constant 200 : i32
    %add3A_26 = arith.addi %mul3A_24, %add3A_25 : i32
    "tpu.region"() ({
      %run_scoped3A = tpu.sem_alloc : memref<!tpu.dma_semaphore, #tpu.memory_space<semaphore_mem>>
      %dma_start3A_139 = arith.constant 0 : i32
      %dma_start3A_140 = tpu.memref_slice %arg13[%add3A_26, %dma_start3A_139] : memref<10112x128xf32, #tpu.memory_space<vmem_shared>> -> memref<40x128xf32, #tpu.memory_space<vmem_shared>>
      %dma_start3A_141 = arith.constant 0 : i32
      %dma_start3A_142 = tpu.memref_slice %arg13[%add3A_26, %dma_start3A_141] : memref<10112x128xf32, #tpu.memory_space<vmem_shared>> -> memref<40x128xf32, #tpu.memory_space<vmem_shared>>
      tpu.enqueue_dma source(%arg12 : memref<40x128xf32, #tpu.memory_space<vmem>>) target(%dma_start3A_142 : memref<40x128xf32, #tpu.memory_space<vmem_shared>>) target_semaphore(%run_scoped3A : memref<!tpu.dma_semaphore, #tpu.memory_space<semaphore_mem>>)
      %dma_wait3A_143 = arith.constant 0 : i32
      %dma_wait3A_144 = tpu.memref_slice %arg13[%add3A_26, %dma_wait3A_143] : memref<10112x128xf32, #tpu.memory_space<vmem_shared>> -> memref<40x128xf32, #tpu.memory_space<vmem_shared>>
      %dma_wait3A_145 = arith.constant 0 : i32
      %dma_wait3A_146 = tpu.memref_slice %arg13[%add3A_26, %dma_wait3A_145] : memref<10112x128xf32, #tpu.memory_space<vmem_shared>> -> memref<40x128xf32, #tpu.memory_space<vmem_shared>>
      tpu.wait_dma2 semaphore(%run_scoped3A : memref<!tpu.dma_semaphore, #tpu.memory_space<semaphore_mem>>) src(%arg12 : memref<40x128xf32, #tpu.memory_space<vmem>>) dst(%dma_wait3A_146 : memref<40x128xf32, #tpu.memory_space<vmem_shared>>)
      tpu.yield
    }) : () -> ()
    %mul3A_27 = arith.constant 632 : i32
    %mul3A_28 = arith.muli %arg1, %mul3A_27 : i32
    %add3A_29 = arith.constant 240 : i32
    %add3A_30 = arith.addi %mul3A_28, %add3A_29 : i32
    "tpu.region"() ({
      %run_scoped3A = tpu.sem_alloc : memref<!tpu.dma_semaphore, #tpu.memory_space<semaphore_mem>>
      %dma_start3A_139 = arith.constant 0 : i32
      %dma_start3A_140 = tpu.memref_slice %arg13[%add3A_30, %dma_start3A_139] : memref<10112x128xf32, #tpu.memory_space<vmem_shared>> -> memref<40x128xf32, #tpu.memory_space<vmem_shared>>
      %dma_start3A_141 = arith.constant 0 : i32
      %dma_start3A_142 = tpu.memref_slice %arg13[%add3A_30, %dma_start3A_141] : memref<10112x128xf32, #tpu.memory_space<vmem_shared>> -> memref<40x128xf32, #tpu.memory_space<vmem_shared>>
      tpu.enqueue_dma source(%arg12 : memref<40x128xf32, #tpu.memory_space<vmem>>) target(%dma_start3A_142 : memref<40x128xf32, #tpu.memory_space<vmem_shared>>) target_semaphore(%run_scoped3A : memref<!tpu.dma_semaphore, #tpu.memory_space<semaphore_mem>>)
      %dma_wait3A_143 = arith.constant 0 : i32
      %dma_wait3A_144 = tpu.memref_slice %arg13[%add3A_30, %dma_wait3A_143] : memref<10112x128xf32, #tpu.memory_space<vmem_shared>> -> memref<40x128xf32, #tpu.memory_space<vmem_shared>>
      %dma_wait3A_145 = arith.constant 0 : i32
      %dma_wait3A_146 = tpu.memref_slice %arg13[%add3A_30, %dma_wait3A_145] : memref<10112x128xf32, #tpu.memory_space<vmem_shared>> -> memref<40x128xf32, #tpu.memory_space<vmem_shared>>
      tpu.wait_dma2 semaphore(%run_scoped3A : memref<!tpu.dma_semaphore, #tpu.memory_space<semaphore_mem>>) src(%arg12 : memref<40x128xf32, #tpu.memory_space<vmem>>) dst(%dma_wait3A_146 : memref<40x128xf32, #tpu.memory_space<vmem_shared>>)
      tpu.yield
    }) : () -> ()
    %mul3A_31 = arith.constant 632 : i32
    %mul3A_32 = arith.muli %arg1, %mul3A_31 : i32
    %add3A_33 = arith.constant 280 : i32
    %add3A_34 = arith.addi %mul3A_32, %add3A_33 : i32
    "tpu.region"() ({
      %run_scoped3A = tpu.sem_alloc : memref<!tpu.dma_semaphore, #tpu.memory_space<semaphore_mem>>
      %dma_start3A_139 = arith.constant 0 : i32
      %dma_start3A_140 = tpu.memref_slice %arg13[%add3A_34, %dma_start3A_139] : memref<10112x128xf32, #tpu.memory_space<vmem_shared>> -> memref<40x128xf32, #tpu.memory_space<vmem_shared>>
      %dma_start3A_141 = arith.constant 0 : i32
      %dma_start3A_142 = tpu.memref_slice %arg13[%add3A_34, %dma_start3A_141] : memref<10112x128xf32, #tpu.memory_space<vmem_shared>> -> memref<40x128xf32, #tpu.memory_space<vmem_shared>>
      tpu.enqueue_dma source(%arg12 : memref<40x128xf32, #tpu.memory_space<vmem>>) target(%dma_start3A_142 : memref<40x128xf32, #tpu.memory_space<vmem_shared>>) target_semaphore(%run_scoped3A : memref<!tpu.dma_semaphore, #tpu.memory_space<semaphore_mem>>)
      %dma_wait3A_143 = arith.constant 0 : i32
      %dma_wait3A_144 = tpu.memref_slice %arg13[%add3A_34, %dma_wait3A_143] : memref<10112x128xf32, #tpu.memory_space<vmem_shared>> -> memref<40x128xf32, #tpu.memory_space<vmem_shared>>
      %dma_wait3A_145 = arith.constant 0 : i32
      %dma_wait3A_146 = tpu.memref_slice %arg13[%add3A_34, %dma_wait3A_145] : memref<10112x128xf32, #tpu.memory_space<vmem_shared>> -> memref<40x128xf32, #tpu.memory_space<vmem_shared>>
      tpu.wait_dma2 semaphore(%run_scoped3A : memref<!tpu.dma_semaphore, #tpu.memory_space<semaphore_mem>>) src(%arg12 : memref<40x128xf32, #tpu.memory_space<vmem>>) dst(%dma_wait3A_146 : memref<40x128xf32, #tpu.memory_space<vmem_shared>>)
      tpu.yield
    }) : () -> ()
    %mul3A_35 = arith.constant 632 : i32
    %mul3A_36 = arith.muli %arg1, %mul3A_35 : i32
    %add3A_37 = arith.constant 320 : i32
    %add3A_38 = arith.addi %mul3A_36, %add3A_37 : i32
    "tpu.region"() ({
      %run_scoped3A = tpu.sem_alloc : memref<!tpu.dma_semaphore, #tpu.memory_space<semaphore_mem>>
      %dma_start3A_139 = arith.constant 0 : i32
      %dma_start3A_140 = tpu.memref_slice %arg13[%add3A_38, %dma_start3A_139] : memref<10112x128xf32, #tpu.memory_space<vmem_shared>> -> memref<40x128xf32, #tpu.memory_space<vmem_shared>>
      %dma_start3A_141 = arith.constant 0 : i32
      %dma_start3A_142 = tpu.memref_slice %arg13[%add3A_38, %dma_start3A_141] : memref<10112x128xf32, #tpu.memory_space<vmem_shared>> -> memref<40x128xf32, #tpu.memory_space<vmem_shared>>
      tpu.enqueue_dma source(%arg12 : memref<40x128xf32, #tpu.memory_space<vmem>>) target(%dma_start3A_142 : memref<40x128xf32, #tpu.memory_space<vmem_shared>>) target_semaphore(%run_scoped3A : memref<!tpu.dma_semaphore, #tpu.memory_space<semaphore_mem>>)
      %dma_wait3A_143 = arith.constant 0 : i32
      %dma_wait3A_144 = tpu.memref_slice %arg13[%add3A_38, %dma_wait3A_143] : memref<10112x128xf32, #tpu.memory_space<vmem_shared>> -> memref<40x128xf32, #tpu.memory_space<vmem_shared>>
      %dma_wait3A_145 = arith.constant 0 : i32
      %dma_wait3A_146 = tpu.memref_slice %arg13[%add3A_38, %dma_wait3A_145] : memref<10112x128xf32, #tpu.memory_space<vmem_shared>> -> memref<40x128xf32, #tpu.memory_space<vmem_shared>>
      tpu.wait_dma2 semaphore(%run_scoped3A : memref<!tpu.dma_semaphore, #tpu.memory_space<semaphore_mem>>) src(%arg12 : memref<40x128xf32, #tpu.memory_space<vmem>>) dst(%dma_wait3A_146 : memref<40x128xf32, #tpu.memory_space<vmem_shared>>)
      tpu.yield
    }) : () -> ()
    %mul3A_39 = arith.constant 632 : i32
    %mul3A_40 = arith.muli %arg1, %mul3A_39 : i32
    %add3A_41 = arith.constant 360 : i32
    %add3A_42 = arith.addi %mul3A_40, %add3A_41 : i32
    "tpu.region"() ({
      %run_scoped3A = tpu.sem_alloc : memref<!tpu.dma_semaphore, #tpu.memory_space<semaphore_mem>>
      %dma_start3A_139 = arith.constant 0 : i32
      %dma_start3A_140 = tpu.memref_slice %arg13[%add3A_42, %dma_start3A_139] : memref<10112x128xf32, #tpu.memory_space<vmem_shared>> -> memref<40x128xf32, #tpu.memory_space<vmem_shared>>
      %dma_start3A_141 = arith.constant 0 : i32
      %dma_start3A_142 = tpu.memref_slice %arg13[%add3A_42, %dma_start3A_141] : memref<10112x128xf32, #tpu.memory_space<vmem_shared>> -> memref<40x128xf32, #tpu.memory_space<vmem_shared>>
      tpu.enqueue_dma source(%arg12 : memref<40x128xf32, #tpu.memory_space<vmem>>) target(%dma_start3A_142 : memref<40x128xf32, #tpu.memory_space<vmem_shared>>) target_semaphore(%run_scoped3A : memref<!tpu.dma_semaphore, #tpu.memory_space<semaphore_mem>>)
      %dma_wait3A_143 = arith.constant 0 : i32
      %dma_wait3A_144 = tpu.memref_slice %arg13[%add3A_42, %dma_wait3A_143] : memref<10112x128xf32, #tpu.memory_space<vmem_shared>> -> memref<40x128xf32, #tpu.memory_space<vmem_shared>>
      %dma_wait3A_145 = arith.constant 0 : i32
      %dma_wait3A_146 = tpu.memref_slice %arg13[%add3A_42, %dma_wait3A_145] : memref<10112x128xf32, #tpu.memory_space<vmem_shared>> -> memref<40x128xf32, #tpu.memory_space<vmem_shared>>
      tpu.wait_dma2 semaphore(%run_scoped3A : memref<!tpu.dma_semaphore, #tpu.memory_space<semaphore_mem>>) src(%arg12 : memref<40x128xf32, #tpu.memory_space<vmem>>) dst(%dma_wait3A_146 : memref<40x128xf32, #tpu.memory_space<vmem_shared>>)
      tpu.yield
    }) : () -> ()
    %mul3A_43 = arith.constant 632 : i32
    %mul3A_44 = arith.muli %arg1, %mul3A_43 : i32
    %add3A_45 = arith.constant 400 : i32
    %add3A_46 = arith.addi %mul3A_44, %add3A_45 : i32
    "tpu.region"() ({
      %run_scoped3A = tpu.sem_alloc : memref<!tpu.dma_semaphore, #tpu.memory_space<semaphore_mem>>
      %dma_start3A_139 = arith.constant 0 : i32
      %dma_start3A_140 = tpu.memref_slice %arg13[%add3A_46, %dma_start3A_139] : memref<10112x128xf32, #tpu.memory_space<vmem_shared>> -> memref<40x128xf32, #tpu.memory_space<vmem_shared>>
      %dma_start3A_141 = arith.constant 0 : i32
      %dma_start3A_142 = tpu.memref_slice %arg13[%add3A_46, %dma_start3A_141] : memref<10112x128xf32, #tpu.memory_space<vmem_shared>> -> memref<40x128xf32, #tpu.memory_space<vmem_shared>>
      tpu.enqueue_dma source(%arg12 : memref<40x128xf32, #tpu.memory_space<vmem>>) target(%dma_start3A_142 : memref<40x128xf32, #tpu.memory_space<vmem_shared>>) target_semaphore(%run_scoped3A : memref<!tpu.dma_semaphore, #tpu.memory_space<semaphore_mem>>)
      %dma_wait3A_143 = arith.constant 0 : i32
      %dma_wait3A_144 = tpu.memref_slice %arg13[%add3A_46, %dma_wait3A_143] : memref<10112x128xf32, #tpu.memory_space<vmem_shared>> -> memref<40x128xf32, #tpu.memory_space<vmem_shared>>
      %dma_wait3A_145 = arith.constant 0 : i32
      %dma_wait3A_146 = tpu.memref_slice %arg13[%add3A_46, %dma_wait3A_145] : memref<10112x128xf32, #tpu.memory_space<vmem_shared>> -> memref<40x128xf32, #tpu.memory_space<vmem_shared>>
      tpu.wait_dma2 semaphore(%run_scoped3A : memref<!tpu.dma_semaphore, #tpu.memory_space<semaphore_mem>>) src(%arg12 : memref<40x128xf32, #tpu.memory_space<vmem>>) dst(%dma_wait3A_146 : memref<40x128xf32, #tpu.memory_space<vmem_shared>>)
      tpu.yield
    }) : () -> ()
    %mul3A_47 = arith.constant 632 : i32
    %mul3A_48 = arith.muli %arg1, %mul3A_47 : i32
    %add3A_49 = arith.constant 440 : i32
    %add3A_50 = arith.addi %mul3A_48, %add3A_49 : i32
    "tpu.region"() ({
      %run_scoped3A = tpu.sem_alloc : memref<!tpu.dma_semaphore, #tpu.memory_space<semaphore_mem>>
      %dma_start3A_139 = arith.constant 0 : i32
      %dma_start3A_140 = tpu.memref_slice %arg13[%add3A_50, %dma_start3A_139] : memref<10112x128xf32, #tpu.memory_space<vmem_shared>> -> memref<40x128xf32, #tpu.memory_space<vmem_shared>>
      %dma_start3A_141 = arith.constant 0 : i32
      %dma_start3A_142 = tpu.memref_slice %arg13[%add3A_50, %dma_start3A_141] : memref<10112x128xf32, #tpu.memory_space<vmem_shared>> -> memref<40x128xf32, #tpu.memory_space<vmem_shared>>
      tpu.enqueue_dma source(%arg12 : memref<40x128xf32, #tpu.memory_space<vmem>>) target(%dma_start3A_142 : memref<40x128xf32, #tpu.memory_space<vmem_shared>>) target_semaphore(%run_scoped3A : memref<!tpu.dma_semaphore, #tpu.memory_space<semaphore_mem>>)
      %dma_wait3A_143 = arith.constant 0 : i32
      %dma_wait3A_144 = tpu.memref_slice %arg13[%add3A_50, %dma_wait3A_143] : memref<10112x128xf32, #tpu.memory_space<vmem_shared>> -> memref<40x128xf32, #tpu.memory_space<vmem_shared>>
      %dma_wait3A_145 = arith.constant 0 : i32
      %dma_wait3A_146 = tpu.memref_slice %arg13[%add3A_50, %dma_wait3A_145] : memref<10112x128xf32, #tpu.memory_space<vmem_shared>> -> memref<40x128xf32, #tpu.memory_space<vmem_shared>>
      tpu.wait_dma2 semaphore(%run_scoped3A : memref<!tpu.dma_semaphore, #tpu.memory_space<semaphore_mem>>) src(%arg12 : memref<40x128xf32, #tpu.memory_space<vmem>>) dst(%dma_wait3A_146 : memref<40x128xf32, #tpu.memory_space<vmem_shared>>)
      tpu.yield
    }) : () -> ()
    %mul3A_51 = arith.constant 632 : i32
    %mul3A_52 = arith.muli %arg1, %mul3A_51 : i32
    %add3A_53 = arith.constant 480 : i32
    %add3A_54 = arith.addi %mul3A_52, %add3A_53 : i32
    "tpu.region"() ({
      %run_scoped3A = tpu.sem_alloc : memref<!tpu.dma_semaphore, #tpu.memory_space<semaphore_mem>>
      %dma_start3A_139 = arith.constant 0 : i32
      %dma_start3A_140 = tpu.memref_slice %arg13[%add3A_54, %dma_start3A_139] : memref<10112x128xf32, #tpu.memory_space<vmem_shared>> -> memref<40x128xf32, #tpu.memory_space<vmem_shared>>
      %dma_start3A_141 = arith.constant 0 : i32
      %dma_start3A_142 = tpu.memref_slice %arg13[%add3A_54, %dma_start3A_141] : memref<10112x128xf32, #tpu.memory_space<vmem_shared>> -> memref<40x128xf32, #tpu.memory_space<vmem_shared>>
      tpu.enqueue_dma source(%arg12 : memref<40x128xf32, #tpu.memory_space<vmem>>) target(%dma_start3A_142 : memref<40x128xf32, #tpu.memory_space<vmem_shared>>) target_semaphore(%run_scoped3A : memref<!tpu.dma_semaphore, #tpu.memory_space<semaphore_mem>>)
      %dma_wait3A_143 = arith.constant 0 : i32
      %dma_wait3A_144 = tpu.memref_slice %arg13[%add3A_54, %dma_wait3A_143] : memref<10112x128xf32, #tpu.memory_space<vmem_shared>> -> memref<40x128xf32, #tpu.memory_space<vmem_shared>>
      %dma_wait3A_145 = arith.constant 0 : i32
      %dma_wait3A_146 = tpu.memref_slice %arg13[%add3A_54, %dma_wait3A_145] : memref<10112x128xf32, #tpu.memory_space<vmem_shared>> -> memref<40x128xf32, #tpu.memory_space<vmem_shared>>
      tpu.wait_dma2 semaphore(%run_scoped3A : memref<!tpu.dma_semaphore, #tpu.memory_space<semaphore_mem>>) src(%arg12 : memref<40x128xf32, #tpu.memory_space<vmem>>) dst(%dma_wait3A_146 : memref<40x128xf32, #tpu.memory_space<vmem_shared>>)
      tpu.yield
    }) : () -> ()
    %mul3A_55 = arith.constant 632 : i32
    %mul3A_56 = arith.muli %arg1, %mul3A_55 : i32
    %add3A_57 = arith.constant 520 : i32
    %add3A_58 = arith.addi %mul3A_56, %add3A_57 : i32
    "tpu.region"() ({
      %run_scoped3A = tpu.sem_alloc : memref<!tpu.dma_semaphore, #tpu.memory_space<semaphore_mem>>
      %dma_start3A_139 = arith.constant 0 : i32
      %dma_start3A_140 = tpu.memref_slice %arg13[%add3A_58, %dma_start3A_139] : memref<10112x128xf32, #tpu.memory_space<vmem_shared>> -> memref<40x128xf32, #tpu.memory_space<vmem_shared>>
      %dma_start3A_141 = arith.constant 0 : i32
      %dma_start3A_142 = tpu.memref_slice %arg13[%add3A_58, %dma_start3A_141] : memref<10112x128xf32, #tpu.memory_space<vmem_shared>> -> memref<40x128xf32, #tpu.memory_space<vmem_shared>>
      tpu.enqueue_dma source(%arg12 : memref<40x128xf32, #tpu.memory_space<vmem>>) target(%dma_start3A_142 : memref<40x128xf32, #tpu.memory_space<vmem_shared>>) target_semaphore(%run_scoped3A : memref<!tpu.dma_semaphore, #tpu.memory_space<semaphore_mem>>)
      %dma_wait3A_143 = arith.constant 0 : i32
      %dma_wait3A_144 = tpu.memref_slice %arg13[%add3A_58, %dma_wait3A_143] : memref<10112x128xf32, #tpu.memory_space<vmem_shared>> -> memref<40x128xf32, #tpu.memory_space<vmem_shared>>
      %dma_wait3A_145 = arith.constant 0 : i32
      %dma_wait3A_146 = tpu.memref_slice %arg13[%add3A_58, %dma_wait3A_145] : memref<10112x128xf32, #tpu.memory_space<vmem_shared>> -> memref<40x128xf32, #tpu.memory_space<vmem_shared>>
      tpu.wait_dma2 semaphore(%run_scoped3A : memref<!tpu.dma_semaphore, #tpu.memory_space<semaphore_mem>>) src(%arg12 : memref<40x128xf32, #tpu.memory_space<vmem>>) dst(%dma_wait3A_146 : memref<40x128xf32, #tpu.memory_space<vmem_shared>>)
      tpu.yield
    }) : () -> ()
    %mul3A_59 = arith.constant 632 : i32
    %mul3A_60 = arith.muli %arg1, %mul3A_59 : i32
    %add3A_61 = arith.constant 560 : i32
    %add3A_62 = arith.addi %mul3A_60, %add3A_61 : i32
    "tpu.region"() ({
      %run_scoped3A = tpu.sem_alloc : memref<!tpu.dma_semaphore, #tpu.memory_space<semaphore_mem>>
      %dma_start3A_139 = arith.constant 0 : i32
      %dma_start3A_140 = tpu.memref_slice %arg13[%add3A_62, %dma_start3A_139] : memref<10112x128xf32, #tpu.memory_space<vmem_shared>> -> memref<40x128xf32, #tpu.memory_space<vmem_shared>>
      %dma_start3A_141 = arith.constant 0 : i32
      %dma_start3A_142 = tpu.memref_slice %arg13[%add3A_62, %dma_start3A_141] : memref<10112x128xf32, #tpu.memory_space<vmem_shared>> -> memref<40x128xf32, #tpu.memory_space<vmem_shared>>
      tpu.enqueue_dma source(%arg12 : memref<40x128xf32, #tpu.memory_space<vmem>>) target(%dma_start3A_142 : memref<40x128xf32, #tpu.memory_space<vmem_shared>>) target_semaphore(%run_scoped3A : memref<!tpu.dma_semaphore, #tpu.memory_space<semaphore_mem>>)
      %dma_wait3A_143 = arith.constant 0 : i32
      %dma_wait3A_144 = tpu.memref_slice %arg13[%add3A_62, %dma_wait3A_143] : memref<10112x128xf32, #tpu.memory_space<vmem_shared>> -> memref<40x128xf32, #tpu.memory_space<vmem_shared>>
      %dma_wait3A_145 = arith.constant 0 : i32
      %dma_wait3A_146 = tpu.memref_slice %arg13[%add3A_62, %dma_wait3A_145] : memref<10112x128xf32, #tpu.memory_space<vmem_shared>> -> memref<40x128xf32, #tpu.memory_space<vmem_shared>>
      tpu.wait_dma2 semaphore(%run_scoped3A : memref<!tpu.dma_semaphore, #tpu.memory_space<semaphore_mem>>) src(%arg12 : memref<40x128xf32, #tpu.memory_space<vmem>>) dst(%dma_wait3A_146 : memref<40x128xf32, #tpu.memory_space<vmem_shared>>)
      tpu.yield
    }) : () -> ()
    %mul3A_63 = arith.constant 632 : i32
    %mul3A_64 = arith.muli %arg1, %mul3A_63 : i32
    %add3A_65 = arith.constant 600 : i32
    %add3A_66 = arith.addi %mul3A_64, %add3A_65 : i32
    "tpu.region"() ({
      %run_scoped3A = tpu.sem_alloc : memref<!tpu.dma_semaphore, #tpu.memory_space<semaphore_mem>>
      %dma_start3A_139 = arith.constant 0 : i32
      %dma_start3A_140 = arith.constant 0 : i32
      %dma_start3A_141 = tpu.memref_slice %arg12[%dma_start3A_139, %dma_start3A_140] : memref<40x128xf32, #tpu.memory_space<vmem>> -> memref<32x128xf32, #tpu.memory_space<vmem>>
      %dma_start3A_142 = arith.constant 0 : i32
      %dma_start3A_143 = tpu.memref_slice %arg13[%add3A_66, %dma_start3A_142] : memref<10112x128xf32, #tpu.memory_space<vmem_shared>> -> memref<32x128xf32, #tpu.memory_space<vmem_shared>>
      %dma_start3A_144 = arith.constant 0 : i32
      %dma_start3A_145 = tpu.memref_slice %arg13[%add3A_66, %dma_start3A_144] : memref<10112x128xf32, #tpu.memory_space<vmem_shared>> -> memref<32x128xf32, #tpu.memory_space<vmem_shared>>
      %dma_start3A_146 = arith.constant 0 : i32
      %dma_start3A_147 = arith.constant 0 : i32
      %dma_start3A_148 = tpu.memref_slice %arg12[%dma_start3A_146, %dma_start3A_147] : memref<40x128xf32, #tpu.memory_space<vmem>> -> memref<32x128xf32, #tpu.memory_space<vmem>>
      tpu.enqueue_dma source(%dma_start3A_148 : memref<32x128xf32, #tpu.memory_space<vmem>>) target(%dma_start3A_145 : memref<32x128xf32, #tpu.memory_space<vmem_shared>>) target_semaphore(%run_scoped3A : memref<!tpu.dma_semaphore, #tpu.memory_space<semaphore_mem>>)
      %dma_wait3A_149 = arith.constant 0 : i32
      %dma_wait3A_150 = arith.constant 0 : i32
      %dma_wait3A_151 = tpu.memref_slice %arg12[%dma_wait3A_149, %dma_wait3A_150] : memref<40x128xf32, #tpu.memory_space<vmem>> -> memref<32x128xf32, #tpu.memory_space<vmem>>
      %dma_wait3A_152 = arith.constant 0 : i32
      %dma_wait3A_153 = tpu.memref_slice %arg13[%add3A_66, %dma_wait3A_152] : memref<10112x128xf32, #tpu.memory_space<vmem_shared>> -> memref<32x128xf32, #tpu.memory_space<vmem_shared>>
      %dma_wait3A_154 = arith.constant 0 : i32
      %dma_wait3A_155 = tpu.memref_slice %arg13[%add3A_66, %dma_wait3A_154] : memref<10112x128xf32, #tpu.memory_space<vmem_shared>> -> memref<32x128xf32, #tpu.memory_space<vmem_shared>>
      %dma_wait3A_156 = arith.constant 0 : i32
      %dma_wait3A_157 = arith.constant 0 : i32
      %dma_wait3A_158 = tpu.memref_slice %arg12[%dma_wait3A_156, %dma_wait3A_157] : memref<40x128xf32, #tpu.memory_space<vmem>> -> memref<32x128xf32, #tpu.memory_space<vmem>>
      tpu.wait_dma2 semaphore(%run_scoped3A : memref<!tpu.dma_semaphore, #tpu.memory_space<semaphore_mem>>) src(%dma_wait3A_158 : memref<32x128xf32, #tpu.memory_space<vmem>>) dst(%dma_wait3A_155 : memref<32x128xf32, #tpu.memory_space<vmem_shared>>)
      tpu.yield
    }) : () -> ()
    %mul3A_67 = arith.constant 80 : i32
    %mul3A_68 = arith.muli %add3A, %mul3A_67 : i32
    "tpu.region"() ({
      %run_scoped3A = tpu.sem_alloc : memref<!tpu.dma_semaphore, #tpu.memory_space<semaphore_mem>>
      %dma_start3A_139 = arith.constant 0 : i32
      %dma_start3A_140 = tpu.memref_slice %arg4[%mul3A_68, %dma_start3A_139] : memref<2560x128xi32, #tpu.memory_space<hbm>> -> memref<80x128xi32, #tpu.memory_space<hbm>>
      %dma_start3A_141 = arith.constant 0 : i32
      %dma_start3A_142 = tpu.memref_slice %arg4[%mul3A_68, %dma_start3A_141] : memref<2560x128xi32, #tpu.memory_space<hbm>> -> memref<80x128xi32, #tpu.memory_space<hbm>>
      tpu.enqueue_dma source(%dma_start3A_142 : memref<80x128xi32, #tpu.memory_space<hbm>>) target(%arg9 : memref<80x128xi32, #tpu.memory_space<vmem>>) target_semaphore(%run_scoped3A : memref<!tpu.dma_semaphore, #tpu.memory_space<semaphore_mem>>)
      %dma_wait3A_143 = arith.constant 0 : i32
      %dma_wait3A_144 = tpu.memref_slice %arg4[%mul3A_68, %dma_wait3A_143] : memref<2560x128xi32, #tpu.memory_space<hbm>> -> memref<80x128xi32, #tpu.memory_space<hbm>>
      %dma_wait3A_145 = arith.constant 0 : i32
      %dma_wait3A_146 = tpu.memref_slice %arg4[%mul3A_68, %dma_wait3A_145] : memref<2560x128xi32, #tpu.memory_space<hbm>> -> memref<80x128xi32, #tpu.memory_space<hbm>>
      tpu.wait_dma2 semaphore(%run_scoped3A : memref<!tpu.dma_semaphore, #tpu.memory_space<semaphore_mem>>) src(%dma_wait3A_146 : memref<80x128xi32, #tpu.memory_space<hbm>>) dst(%arg9 : memref<80x128xi32, #tpu.memory_space<vmem>>)
      tpu.yield
    }) : () -> ()
    %barrier3A = arith.constant 0 : index
    tpu.barrier barrier_id(%barrier3A)
    %add3A_69 = arith.constant 0 : i32
    %add3A_70 = arith.addi %mul3A_2, %add3A_69 : i32
    %multiple_of3A = tpu.assume_multiple %add3A_70, 128 : i32
    %dma_start3A = arith.constant 0 : i32
    %dma_start3A_71 = arith.constant 0 : i32
    %dma_start3A_72 = tpu.memref_slice %arg8[%dma_start3A, %dma_start3A_71] : memref<2x128xi32, #tpu.memory_space<vmem>> -> memref<1x128xi32, #tpu.memory_space<vmem>>
    %dma_start3A_73 = tpu.memref_squeeze %dma_start3A_72 : memref<1x128xi32, #tpu.memory_space<vmem>> -> memref<128xi32, #tpu.memory_space<vmem>>
    %dma_start3A_74 = tpu.memref_slice %arg3[%multiple_of3A] : memref<327680xi32, #tpu.memory_space<hbm>> -> memref<128xi32, #tpu.memory_space<hbm>>
    %dma_start3A_75 = arith.constant 0 : i32
    %dma_start3A_76 = tpu.memref_slice %arg8[%dma_start3A, %dma_start3A_75] : memref<2x128xi32, #tpu.memory_space<vmem>> -> memref<1x128xi32, #tpu.memory_space<vmem>>
    %dma_start3A_77 = tpu.memref_squeeze %dma_start3A_76 : memref<1x128xi32, #tpu.memory_space<vmem>> -> memref<128xi32, #tpu.memory_space<vmem>>
    %dma_start3A_78 = tpu.memref_slice %arg3[%multiple_of3A] : memref<327680xi32, #tpu.memory_space<hbm>> -> memref<128xi32, #tpu.memory_space<hbm>>
    tpu.enqueue_dma source(%dma_start3A_78 : memref<128xi32, #tpu.memory_space<hbm>>) target(%dma_start3A_77 : memref<128xi32, #tpu.memory_space<vmem>>) target_semaphore(%arg14 : memref<!tpu.dma_semaphore, #tpu.memory_space<semaphore_mem>>)
    %add3A_79 = arith.constant 0 : i32
    %add3A_80 = arith.addi %mul3A_2, %add3A_79 : i32
    %multiple_of3A_81 = tpu.assume_multiple %add3A_80, 128 : i32
    %dma_wait3A = arith.constant 0 : i32
    %dma_wait3A_82 = arith.constant 0 : i32
    %dma_wait3A_83 = tpu.memref_slice %arg8[%dma_wait3A, %dma_wait3A_82] : memref<2x128xi32, #tpu.memory_space<vmem>> -> memref<1x128xi32, #tpu.memory_space<vmem>>
    %dma_wait3A_84 = tpu.memref_squeeze %dma_wait3A_83 : memref<1x128xi32, #tpu.memory_space<vmem>> -> memref<128xi32, #tpu.memory_space<vmem>>
    %dma_wait3A_85 = tpu.memref_slice %arg3[%multiple_of3A_81] : memref<327680xi32, #tpu.memory_space<hbm>> -> memref<128xi32, #tpu.memory_space<hbm>>
    %dma_wait3A_86 = arith.constant 0 : i32
    %dma_wait3A_87 = tpu.memref_slice %arg8[%dma_wait3A, %dma_wait3A_86] : memref<2x128xi32, #tpu.memory_space<vmem>> -> memref<1x128xi32, #tpu.memory_space<vmem>>
    %dma_wait3A_88 = tpu.memref_squeeze %dma_wait3A_87 : memref<1x128xi32, #tpu.memory_space<vmem>> -> memref<128xi32, #tpu.memory_space<vmem>>
    %dma_wait3A_89 = tpu.memref_slice %arg3[%multiple_of3A_81] : memref<327680xi32, #tpu.memory_space<hbm>> -> memref<128xi32, #tpu.memory_space<hbm>>
    tpu.wait_dma2 semaphore(%arg14 : memref<!tpu.dma_semaphore, #tpu.memory_space<semaphore_mem>>) src(%dma_wait3A_89 : memref<128xi32, #tpu.memory_space<hbm>>) dst(%dma_wait3A_88 : memref<128xi32, #tpu.memory_space<vmem>>)
    %dma_start3A_90 = arith.constant 0 : i32
    %dma_start3A_91 = arith.constant 0 : i32
    %dma_start3A_92 = tpu.memref_slice %arg8[%dma_start3A_90, %dma_start3A_91] : memref<2x128xi32, #tpu.memory_space<vmem>> -> memref<1x128xi32, #tpu.memory_space<vmem>>
    %dma_start3A_93 = tpu.memref_squeeze %dma_start3A_92 : memref<1x128xi32, #tpu.memory_space<vmem>> -> memref<128xi32, #tpu.memory_space<vmem>>
    %dma_start3A_94 = arith.constant 0 : i32
    %dma_start3A_95 = arith.constant 0 : i32
    %dma_start3A_96 = tpu.memref_slice %arg2[%dma_start3A_94, %dma_start3A_95] : memref<10000x128xf32, #tpu.memory_space<hbm>> -> memref<10000x128xf32, #tpu.memory_space<hbm>>
    tpu.enqueue_indirect_dma source(%dma_start3A_96 : memref<10000x128xf32, #tpu.memory_space<hbm>>) target(%arg10 : memref<128x128xf32, #tpu.memory_space<vmem>>) offsets(%dma_start3A_93 : memref<128xi32, #tpu.memory_space<vmem>>) semaphore(%arg15 : memref<!tpu.dma_semaphore, #tpu.memory_space<semaphore_mem>>)
    %add3A_97 = arith.constant 128 : i32
    %add3A_98 = arith.addi %mul3A_2, %add3A_97 : i32
    %multiple_of3A_99 = tpu.assume_multiple %add3A_98, 128 : i32
    %dma_start3A_100 = arith.constant 1 : i32
    %dma_start3A_101 = arith.constant 0 : i32
    %dma_start3A_102 = tpu.memref_slice %arg8[%dma_start3A_100, %dma_start3A_101] : memref<2x128xi32, #tpu.memory_space<vmem>> -> memref<1x128xi32, #tpu.memory_space<vmem>>
    %dma_start3A_103 = tpu.memref_squeeze %dma_start3A_102 : memref<1x128xi32, #tpu.memory_space<vmem>> -> memref<128xi32, #tpu.memory_space<vmem>>
    %dma_start3A_104 = tpu.memref_slice %arg3[%multiple_of3A_99] : memref<327680xi32, #tpu.memory_space<hbm>> -> memref<128xi32, #tpu.memory_space<hbm>>
    %dma_start3A_105 = arith.constant 0 : i32
    %dma_start3A_106 = tpu.memref_slice %arg8[%dma_start3A_100, %dma_start3A_105] : memref<2x128xi32, #tpu.memory_space<vmem>> -> memref<1x128xi32, #tpu.memory_space<vmem>>
    %dma_start3A_107 = tpu.memref_squeeze %dma_start3A_106 : memref<1x128xi32, #tpu.memory_space<vmem>> -> memref<128xi32, #tpu.memory_space<vmem>>
    %dma_start3A_108 = tpu.memref_slice %arg3[%multiple_of3A_99] : memref<327680xi32, #tpu.memory_space<hbm>> -> memref<128xi32, #tpu.memory_space<hbm>>
    tpu.enqueue_dma source(%dma_start3A_108 : memref<128xi32, #tpu.memory_space<hbm>>) target(%dma_start3A_107 : memref<128xi32, #tpu.memory_space<vmem>>) target_semaphore(%arg14 : memref<!tpu.dma_semaphore, #tpu.memory_space<semaphore_mem>>)
    %scan3A = arith.constant 1 : i32
    %scan3A_109 = arith.constant 0 : i32
    %scan3A_110 = arith.constant 0 : i32
    %scan3A_111 = arith.constant 40 : i32
    %scan3A_112 = arith.addi %scan3A_110, %scan3A_111 : i32
    %scan3A_113 = arith.constant 1 : i32
    scf.for %scan3A_139 = %scan3A_110 to %scan3A_112 step %scan3A_113  : i32 {
      %mul3A_140 = arith.constant 1 : i32
      %mul3A_141 = arith.muli %scan3A_139, %mul3A_140 : i32
      %add3A_142 = arith.constant 0 : i32
      %add3A_143 = arith.addi %add3A_142, %mul3A_141 : i32
      %mul3A_144 = arith.constant 2 : i32
      %mul3A_145 = arith.muli %add3A_143, %mul3A_144 : i32
      %add3A_146 = arith.constant 0 : i32
      %add3A_147 = arith.addi %mul3A_145, %add3A_146 : i32
      %add3A_148 = arith.constant 1 : i32
      %add3A_149 = arith.addi %add3A_147, %add3A_148 : i32
      %lt3A = arith.constant 80 : i32
      %lt3A_150 = arith.cmpi slt, %add3A_149, %lt3A : i32
      %convert_element_type3A_151 = arith.extui %lt3A_150 : i1 to i32
      %cond3A_152 = arith.constant 0 : i32
      %cond3A_153 = arith.cmpi ne, %convert_element_type3A_151, %cond3A_152 : i32
      scf.if %cond3A_153 {
        %add3A_201 = arith.constant 1 : i32
        %add3A_202 = arith.addi %add3A_147, %add3A_201 : i32
        %mul3A_203 = arith.constant 128 : i32
        %mul3A_204 = arith.muli %add3A_202, %mul3A_203 : i32
        %add3A_205 = arith.addi %mul3A_2, %mul3A_204 : i32
        %multiple_of3A_206 = tpu.assume_multiple %add3A_205, 128 : i32
        %dma_wait3A_207 = arith.constant 0 : i32
        %dma_wait3A_208 = tpu.memref_slice %arg8[%scan3A, %dma_wait3A_207] : memref<2x128xi32, #tpu.memory_space<vmem>> -> memref<1x128xi32, #tpu.memory_space<vmem>>
        %dma_wait3A_209 = tpu.memref_squeeze %dma_wait3A_208 : memref<1x128xi32, #tpu.memory_space<vmem>> -> memref<128xi32, #tpu.memory_space<vmem>>
        %dma_wait3A_210 = tpu.memref_slice %arg3[%multiple_of3A_206] : memref<327680xi32, #tpu.memory_space<hbm>> -> memref<128xi32, #tpu.memory_space<hbm>>
        %dma_wait3A_211 = arith.constant 0 : i32
        %dma_wait3A_212 = tpu.memref_slice %arg8[%scan3A, %dma_wait3A_211] : memref<2x128xi32, #tpu.memory_space<vmem>> -> memref<1x128xi32, #tpu.memory_space<vmem>>
        %dma_wait3A_213 = tpu.memref_squeeze %dma_wait3A_212 : memref<1x128xi32, #tpu.memory_space<vmem>> -> memref<128xi32, #tpu.memory_space<vmem>>
        %dma_wait3A_214 = tpu.memref_slice %arg3[%multiple_of3A_206] : memref<327680xi32, #tpu.memory_space<hbm>> -> memref<128xi32, #tpu.memory_space<hbm>>
        tpu.wait_dma2 semaphore(%arg14 : memref<!tpu.dma_semaphore, #tpu.memory_space<semaphore_mem>>) src(%dma_wait3A_214 : memref<128xi32, #tpu.memory_space<hbm>>) dst(%dma_wait3A_213 : memref<128xi32, #tpu.memory_space<vmem>>)
        %ge3A = arith.constant 1 : i32
        %ge3A_215 = arith.cmpi sge, %add3A_147, %ge3A : i32
        %convert_element_type3A_216 = arith.extui %ge3A_215 : i1 to i32
        %cond3A_217 = arith.constant 0 : i32
        %cond3A_218 = arith.cmpi ne, %convert_element_type3A_216, %cond3A_217 : i32
        scf.if %cond3A_218 {
          %sub3A = arith.constant 1 : i32
          %sub3A_225 = arith.subi %add3A_147, %sub3A : i32
          %dma_wait3A_226 = arith.constant 0 : i32
          %dma_wait3A_227 = tpu.memref_slice %arg9[%sub3A_225, %dma_wait3A_226] : memref<80x128xi32, #tpu.memory_space<vmem>> -> memref<1x128xi32, #tpu.memory_space<vmem>>
          %dma_wait3A_228 = tpu.memref_squeeze %dma_wait3A_227 : memref<1x128xi32, #tpu.memory_space<vmem>> -> memref<128xi32, #tpu.memory_space<vmem>>
          %dma_wait3A_229 = arith.constant 0 : i32
          %dma_wait3A_230 = arith.constant 0 : i32
          %dma_wait3A_231 = tpu.memref_slice %arg13[%dma_wait3A_229, %dma_wait3A_230] : memref<10112x128xf32, #tpu.memory_space<vmem_shared>> -> memref<10112x128xf32, #tpu.memory_space<vmem_shared>>
          tpu.wait_indirect_dma semaphore(%arg16 : memref<!tpu.dma_semaphore, #tpu.memory_space<semaphore_mem>>) src(%arg11 : memref<128x128xf32, #tpu.memory_space<vmem>>) dst(%dma_wait3A_231 : memref<10112x128xf32, #tpu.memory_space<vmem_shared>>)
        } else {
        }
        %dma_start3A_219 = arith.constant 0 : i32
        %dma_start3A_220 = tpu.memref_slice %arg8[%scan3A, %dma_start3A_219] : memref<2x128xi32, #tpu.memory_space<vmem>> -> memref<1x128xi32, #tpu.memory_space<vmem>>
        %dma_start3A_221 = tpu.memref_squeeze %dma_start3A_220 : memref<1x128xi32, #tpu.memory_space<vmem>> -> memref<128xi32, #tpu.memory_space<vmem>>
        %dma_start3A_222 = arith.constant 0 : i32
        %dma_start3A_223 = arith.constant 0 : i32
        %dma_start3A_224 = tpu.memref_slice %arg2[%dma_start3A_222, %dma_start3A_223] : memref<10000x128xf32, #tpu.memory_space<hbm>> -> memref<10000x128xf32, #tpu.memory_space<hbm>>
        tpu.enqueue_indirect_dma source(%dma_start3A_224 : memref<10000x128xf32, #tpu.memory_space<hbm>>) target(%arg11 : memref<128x128xf32, #tpu.memory_space<vmem>>) offsets(%dma_start3A_221 : memref<128xi32, #tpu.memory_space<vmem>>) semaphore(%arg15 : memref<!tpu.dma_semaphore, #tpu.memory_space<semaphore_mem>>)
      } else {
      }
      %dma_wait3A_154 = arith.constant 0 : i32
      %dma_wait3A_155 = tpu.memref_slice %arg8[%scan3A_109, %dma_wait3A_154] : memref<2x128xi32, #tpu.memory_space<vmem>> -> memref<1x128xi32, #tpu.memory_space<vmem>>
      %dma_wait3A_156 = tpu.memref_squeeze %dma_wait3A_155 : memref<1x128xi32, #tpu.memory_space<vmem>> -> memref<128xi32, #tpu.memory_space<vmem>>
      %dma_wait3A_157 = arith.constant 0 : i32
      %dma_wait3A_158 = arith.constant 0 : i32
      %dma_wait3A_159 = tpu.memref_slice %arg2[%dma_wait3A_157, %dma_wait3A_158] : memref<10000x128xf32, #tpu.memory_space<hbm>> -> memref<10000x128xf32, #tpu.memory_space<hbm>>
      tpu.wait_indirect_dma semaphore(%arg15 : memref<!tpu.dma_semaphore, #tpu.memory_space<semaphore_mem>>) src(%dma_wait3A_159 : memref<10000x128xf32, #tpu.memory_space<hbm>>) dst(%arg10 : memref<128x128xf32, #tpu.memory_space<vmem>>)
      %dma_start3A_160 = arith.constant 0 : i32
      %dma_start3A_161 = tpu.memref_slice %arg9[%add3A_147, %dma_start3A_160] : memref<80x128xi32, #tpu.memory_space<vmem>> -> memref<1x128xi32, #tpu.memory_space<vmem>>
      %dma_start3A_162 = tpu.memref_squeeze %dma_start3A_161 : memref<1x128xi32, #tpu.memory_space<vmem>> -> memref<128xi32, #tpu.memory_space<vmem>>
      %dma_start3A_163 = arith.constant 0 : i32
      %dma_start3A_164 = arith.constant 0 : i32
      %dma_start3A_165 = tpu.memref_slice %arg13[%dma_start3A_163, %dma_start3A_164] : memref<10112x128xf32, #tpu.memory_space<vmem_shared>> -> memref<10112x128xf32, #tpu.memory_space<vmem_shared>>
      tpu.enqueue_indirect_dma source(%arg10 : memref<128x128xf32, #tpu.memory_space<vmem>>) target(%dma_start3A_165 : memref<10112x128xf32, #tpu.memory_space<vmem_shared>>) offsets(%dma_start3A_162 : memref<128xi32, #tpu.memory_space<vmem>>) semaphore(%arg16 : memref<!tpu.dma_semaphore, #tpu.memory_space<semaphore_mem>>) {add = true}
      %add3A_166 = arith.constant 2 : i32
      %add3A_167 = arith.addi %add3A_147, %add3A_166 : i32
      %lt3A_168 = arith.constant 80 : i32
      %lt3A_169 = arith.cmpi slt, %add3A_167, %lt3A_168 : i32
      %convert_element_type3A_170 = arith.extui %lt3A_169 : i1 to i32
      %cond3A_171 = arith.constant 0 : i32
      %cond3A_172 = arith.cmpi ne, %convert_element_type3A_170, %cond3A_171 : i32
      scf.if %cond3A_172 {
        %add3A_201 = arith.constant 2 : i32
        %add3A_202 = arith.addi %add3A_147, %add3A_201 : i32
        %mul3A_203 = arith.constant 128 : i32
        %mul3A_204 = arith.muli %add3A_202, %mul3A_203 : i32
        %add3A_205 = arith.addi %mul3A_2, %mul3A_204 : i32
        %multiple_of3A_206 = tpu.assume_multiple %add3A_205, 128 : i32
        %dma_start3A_207 = arith.constant 0 : i32
        %dma_start3A_208 = tpu.memref_slice %arg8[%scan3A_109, %dma_start3A_207] : memref<2x128xi32, #tpu.memory_space<vmem>> -> memref<1x128xi32, #tpu.memory_space<vmem>>
        %dma_start3A_209 = tpu.memref_squeeze %dma_start3A_208 : memref<1x128xi32, #tpu.memory_space<vmem>> -> memref<128xi32, #tpu.memory_space<vmem>>
        %dma_start3A_210 = tpu.memref_slice %arg3[%multiple_of3A_206] : memref<327680xi32, #tpu.memory_space<hbm>> -> memref<128xi32, #tpu.memory_space<hbm>>
        %dma_start3A_211 = arith.constant 0 : i32
        %dma_start3A_212 = tpu.memref_slice %arg8[%scan3A_109, %dma_start3A_211] : memref<2x128xi32, #tpu.memory_space<vmem>> -> memref<1x128xi32, #tpu.memory_space<vmem>>
        %dma_start3A_213 = tpu.memref_squeeze %dma_start3A_212 : memref<1x128xi32, #tpu.memory_space<vmem>> -> memref<128xi32, #tpu.memory_space<vmem>>
        %dma_start3A_214 = tpu.memref_slice %arg3[%multiple_of3A_206] : memref<327680xi32, #tpu.memory_space<hbm>> -> memref<128xi32, #tpu.memory_space<hbm>>
        tpu.enqueue_dma source(%dma_start3A_214 : memref<128xi32, #tpu.memory_space<hbm>>) target(%dma_start3A_213 : memref<128xi32, #tpu.memory_space<vmem>>) target_semaphore(%arg14 : memref<!tpu.dma_semaphore, #tpu.memory_space<semaphore_mem>>)
      } else {
      }
      %add3A_173 = arith.constant 1 : i32
      %add3A_174 = arith.addi %mul3A_145, %add3A_173 : i32
      %add3A_175 = arith.constant 1 : i32
      %add3A_176 = arith.addi %add3A_174, %add3A_175 : i32
      %lt3A_177 = arith.constant 80 : i32
      %lt3A_178 = arith.cmpi slt, %add3A_176, %lt3A_177 : i32
      %convert_element_type3A_179 = arith.extui %lt3A_178 : i1 to i32
      %cond3A_180 = arith.constant 0 : i32
      %cond3A_181 = arith.cmpi ne, %convert_element_type3A_179, %cond3A_180 : i32
      scf.if %cond3A_181 {
        %add3A_201 = arith.constant 1 : i32
        %add3A_202 = arith.addi %add3A_174, %add3A_201 : i32
        %mul3A_203 = arith.constant 128 : i32
        %mul3A_204 = arith.muli %add3A_202, %mul3A_203 : i32
        %add3A_205 = arith.addi %mul3A_2, %mul3A_204 : i32
        %multiple_of3A_206 = tpu.assume_multiple %add3A_205, 128 : i32
        %dma_wait3A_207 = arith.constant 0 : i32
        %dma_wait3A_208 = tpu.memref_slice %arg8[%scan3A_109, %dma_wait3A_207] : memref<2x128xi32, #tpu.memory_space<vmem>> -> memref<1x128xi32, #tpu.memory_space<vmem>>
        %dma_wait3A_209 = tpu.memref_squeeze %dma_wait3A_208 : memref<1x128xi32, #tpu.memory_space<vmem>> -> memref<128xi32, #tpu.memory_space<vmem>>
        %dma_wait3A_210 = tpu.memref_slice %arg3[%multiple_of3A_206] : memref<327680xi32, #tpu.memory_space<hbm>> -> memref<128xi32, #tpu.memory_space<hbm>>
        %dma_wait3A_211 = arith.constant 0 : i32
        %dma_wait3A_212 = tpu.memref_slice %arg8[%scan3A_109, %dma_wait3A_211] : memref<2x128xi32, #tpu.memory_space<vmem>> -> memref<1x128xi32, #tpu.memory_space<vmem>>
        %dma_wait3A_213 = tpu.memref_squeeze %dma_wait3A_212 : memref<1x128xi32, #tpu.memory_space<vmem>> -> memref<128xi32, #tpu.memory_space<vmem>>
        %dma_wait3A_214 = tpu.memref_slice %arg3[%multiple_of3A_206] : memref<327680xi32, #tpu.memory_space<hbm>> -> memref<128xi32, #tpu.memory_space<hbm>>
        tpu.wait_dma2 semaphore(%arg14 : memref<!tpu.dma_semaphore, #tpu.memory_space<semaphore_mem>>) src(%dma_wait3A_214 : memref<128xi32, #tpu.memory_space<hbm>>) dst(%dma_wait3A_213 : memref<128xi32, #tpu.memory_space<vmem>>)
        %ge3A = arith.constant 1 : i32
        %ge3A_215 = arith.cmpi sge, %add3A_174, %ge3A : i32
        %convert_element_type3A_216 = arith.extui %ge3A_215 : i1 to i32
        %cond3A_217 = arith.constant 0 : i32
        %cond3A_218 = arith.cmpi ne, %convert_element_type3A_216, %cond3A_217 : i32
        scf.if %cond3A_218 {
          %sub3A = arith.constant 1 : i32
          %sub3A_225 = arith.subi %add3A_174, %sub3A : i32
          %dma_wait3A_226 = arith.constant 0 : i32
          %dma_wait3A_227 = tpu.memref_slice %arg9[%sub3A_225, %dma_wait3A_226] : memref<80x128xi32, #tpu.memory_space<vmem>> -> memref<1x128xi32, #tpu.memory_space<vmem>>
          %dma_wait3A_228 = tpu.memref_squeeze %dma_wait3A_227 : memref<1x128xi32, #tpu.memory_space<vmem>> -> memref<128xi32, #tpu.memory_space<vmem>>
          %dma_wait3A_229 = arith.constant 0 : i32
          %dma_wait3A_230 = arith.constant 0 : i32
          %dma_wait3A_231 = tpu.memref_slice %arg13[%dma_wait3A_229, %dma_wait3A_230] : memref<10112x128xf32, #tpu.memory_space<vmem_shared>> -> memref<10112x128xf32, #tpu.memory_space<vmem_shared>>
          tpu.wait_indirect_dma semaphore(%arg16 : memref<!tpu.dma_semaphore, #tpu.memory_space<semaphore_mem>>) src(%arg10 : memref<128x128xf32, #tpu.memory_space<vmem>>) dst(%dma_wait3A_231 : memref<10112x128xf32, #tpu.memory_space<vmem_shared>>)
        } else {
        }
        %dma_start3A_219 = arith.constant 0 : i32
        %dma_start3A_220 = tpu.memref_slice %arg8[%scan3A_109, %dma_start3A_219] : memref<2x128xi32, #tpu.memory_space<vmem>> -> memref<1x128xi32, #tpu.memory_space<vmem>>
        %dma_start3A_221 = tpu.memref_squeeze %dma_start3A_220 : memref<1x128xi32, #tpu.memory_space<vmem>> -> memref<128xi32, #tpu.memory_space<vmem>>
        %dma_start3A_222 = arith.constant 0 : i32
        %dma_start3A_223 = arith.constant 0 : i32
        %dma_start3A_224 = tpu.memref_slice %arg2[%dma_start3A_222, %dma_start3A_223] : memref<10000x128xf32, #tpu.memory_space<hbm>> -> memref<10000x128xf32, #tpu.memory_space<hbm>>
        tpu.enqueue_indirect_dma source(%dma_start3A_224 : memref<10000x128xf32, #tpu.memory_space<hbm>>) target(%arg10 : memref<128x128xf32, #tpu.memory_space<vmem>>) offsets(%dma_start3A_221 : memref<128xi32, #tpu.memory_space<vmem>>) semaphore(%arg15 : memref<!tpu.dma_semaphore, #tpu.memory_space<semaphore_mem>>)
      } else {
      }
      %dma_wait3A_182 = arith.constant 0 : i32
      %dma_wait3A_183 = tpu.memref_slice %arg8[%scan3A, %dma_wait3A_182] : memref<2x128xi32, #tpu.memory_space<vmem>> -> memref<1x128xi32, #tpu.memory_space<vmem>>
      %dma_wait3A_184 = tpu.memref_squeeze %dma_wait3A_183 : memref<1x128xi32, #tpu.memory_space<vmem>> -> memref<128xi32, #tpu.memory_space<vmem>>
      %dma_wait3A_185 = arith.constant 0 : i32
      %dma_wait3A_186 = arith.constant 0 : i32
      %dma_wait3A_187 = tpu.memref_slice %arg2[%dma_wait3A_185, %dma_wait3A_186] : memref<10000x128xf32, #tpu.memory_space<hbm>> -> memref<10000x128xf32, #tpu.memory_space<hbm>>
      tpu.wait_indirect_dma semaphore(%arg15 : memref<!tpu.dma_semaphore, #tpu.memory_space<semaphore_mem>>) src(%dma_wait3A_187 : memref<10000x128xf32, #tpu.memory_space<hbm>>) dst(%arg11 : memref<128x128xf32, #tpu.memory_space<vmem>>)
      %dma_start3A_188 = arith.constant 0 : i32
      %dma_start3A_189 = tpu.memref_slice %arg9[%add3A_174, %dma_start3A_188] : memref<80x128xi32, #tpu.memory_space<vmem>> -> memref<1x128xi32, #tpu.memory_space<vmem>>
      %dma_start3A_190 = tpu.memref_squeeze %dma_start3A_189 : memref<1x128xi32, #tpu.memory_space<vmem>> -> memref<128xi32, #tpu.memory_space<vmem>>
      %dma_start3A_191 = arith.constant 0 : i32
      %dma_start3A_192 = arith.constant 0 : i32
      %dma_start3A_193 = tpu.memref_slice %arg13[%dma_start3A_191, %dma_start3A_192] : memref<10112x128xf32, #tpu.memory_space<vmem_shared>> -> memref<10112x128xf32, #tpu.memory_space<vmem_shared>>
      tpu.enqueue_indirect_dma source(%arg11 : memref<128x128xf32, #tpu.memory_space<vmem>>) target(%dma_start3A_193 : memref<10112x128xf32, #tpu.memory_space<vmem_shared>>) offsets(%dma_start3A_190 : memref<128xi32, #tpu.memory_space<vmem>>) semaphore(%arg16 : memref<!tpu.dma_semaphore, #tpu.memory_space<semaphore_mem>>) {add = true}
      %add3A_194 = arith.constant 2 : i32
      %add3A_195 = arith.addi %add3A_174, %add3A_194 : i32
      %lt3A_196 = arith.constant 80 : i32
      %lt3A_197 = arith.cmpi slt, %add3A_195, %lt3A_196 : i32
      %convert_element_type3A_198 = arith.extui %lt3A_197 : i1 to i32
      %cond3A_199 = arith.constant 0 : i32
      %cond3A_200 = arith.cmpi ne, %convert_element_type3A_198, %cond3A_199 : i32
      scf.if %cond3A_200 {
        %add3A_201 = arith.constant 2 : i32
        %add3A_202 = arith.addi %add3A_174, %add3A_201 : i32
        %mul3A_203 = arith.constant 128 : i32
        %mul3A_204 = arith.muli %add3A_202, %mul3A_203 : i32
        %add3A_205 = arith.addi %mul3A_2, %mul3A_204 : i32
        %multiple_of3A_206 = tpu.assume_multiple %add3A_205, 128 : i32
        %dma_start3A_207 = arith.constant 0 : i32
        %dma_start3A_208 = tpu.memref_slice %arg8[%scan3A, %dma_start3A_207] : memref<2x128xi32, #tpu.memory_space<vmem>> -> memref<1x128xi32, #tpu.memory_space<vmem>>
        %dma_start3A_209 = tpu.memref_squeeze %dma_start3A_208 : memref<1x128xi32, #tpu.memory_space<vmem>> -> memref<128xi32, #tpu.memory_space<vmem>>
        %dma_start3A_210 = tpu.memref_slice %arg3[%multiple_of3A_206] : memref<327680xi32, #tpu.memory_space<hbm>> -> memref<128xi32, #tpu.memory_space<hbm>>
        %dma_start3A_211 = arith.constant 0 : i32
        %dma_start3A_212 = tpu.memref_slice %arg8[%scan3A, %dma_start3A_211] : memref<2x128xi32, #tpu.memory_space<vmem>> -> memref<1x128xi32, #tpu.memory_space<vmem>>
        %dma_start3A_213 = tpu.memref_squeeze %dma_start3A_212 : memref<1x128xi32, #tpu.memory_space<vmem>> -> memref<128xi32, #tpu.memory_space<vmem>>
        %dma_start3A_214 = tpu.memref_slice %arg3[%multiple_of3A_206] : memref<327680xi32, #tpu.memory_space<hbm>> -> memref<128xi32, #tpu.memory_space<hbm>>
        tpu.enqueue_dma source(%dma_start3A_214 : memref<128xi32, #tpu.memory_space<hbm>>) target(%dma_start3A_213 : memref<128xi32, #tpu.memory_space<vmem>>) target_semaphore(%arg14 : memref<!tpu.dma_semaphore, #tpu.memory_space<semaphore_mem>>)
      } else {
      }
    }
    %scan3A_114 = arith.constant 40 : i32
    %dma_wait3A_115 = arith.constant 78 : i32
    %dma_wait3A_116 = arith.constant 0 : i32
    %dma_wait3A_117 = tpu.memref_slice %arg9[%dma_wait3A_115, %dma_wait3A_116] : memref<80x128xi32, #tpu.memory_space<vmem>> -> memref<1x128xi32, #tpu.memory_space<vmem>>
    %dma_wait3A_118 = tpu.memref_squeeze %dma_wait3A_117 : memref<1x128xi32, #tpu.memory_space<vmem>> -> memref<128xi32, #tpu.memory_space<vmem>>
    %dma_wait3A_119 = arith.constant 0 : i32
    %dma_wait3A_120 = arith.constant 0 : i32
    %dma_wait3A_121 = tpu.memref_slice %arg13[%dma_wait3A_119, %dma_wait3A_120] : memref<10112x128xf32, #tpu.memory_space<vmem_shared>> -> memref<10112x128xf32, #tpu.memory_space<vmem_shared>>
    tpu.wait_indirect_dma semaphore(%arg16 : memref<!tpu.dma_semaphore, #tpu.memory_space<semaphore_mem>>) src(%arg10 : memref<128x128xf32, #tpu.memory_space<vmem>>) dst(%dma_wait3A_121 : memref<10112x128xf32, #tpu.memory_space<vmem_shared>>)
    %dma_wait3A_122 = arith.constant 79 : i32
    %dma_wait3A_123 = arith.constant 0 : i32
    %dma_wait3A_124 = tpu.memref_slice %arg9[%dma_wait3A_122, %dma_wait3A_123] : memref<80x128xi32, #tpu.memory_space<vmem>> -> memref<1x128xi32, #tpu.memory_space<vmem>>
    %dma_wait3A_125 = tpu.memref_squeeze %dma_wait3A_124 : memref<1x128xi32, #tpu.memory_space<vmem>> -> memref<128xi32, #tpu.memory_space<vmem>>
    %dma_wait3A_126 = arith.constant 0 : i32
    %dma_wait3A_127 = arith.constant 0 : i32
    %dma_wait3A_128 = tpu.memref_slice %arg13[%dma_wait3A_126, %dma_wait3A_127] : memref<10112x128xf32, #tpu.memory_space<vmem_shared>> -> memref<10112x128xf32, #tpu.memory_space<vmem_shared>>
    tpu.wait_indirect_dma semaphore(%arg16 : memref<!tpu.dma_semaphore, #tpu.memory_space<semaphore_mem>>) src(%arg11 : memref<128x128xf32, #tpu.memory_space<vmem>>) dst(%dma_wait3A_128 : memref<10112x128xf32, #tpu.memory_space<vmem_shared>>)
    %barrier3A_129 = arith.constant 0 : index
    tpu.barrier barrier_id(%barrier3A_129)
    %mul3A_130 = arith.constant 632 : i32
    %mul3A_131 = arith.muli %arg1, %mul3A_130 : i32
    %eq3A = arith.constant 0 : i32
    %eq3A_132 = arith.cmpi eq, %arg0, %eq3A : i32
    %convert_element_type3A = arith.extui %eq3A_132 : i1 to i32
    %cond3A = arith.constant 0 : i32
    %cond3A_133 = arith.cmpi ne, %convert_element_type3A, %cond3A : i32
    scf.if %cond3A_133 {
      "tpu.region"() ({
        %run_scoped3A = tpu.sem_alloc : memref<!tpu.dma_semaphore, #tpu.memory_space<semaphore_mem>>
        %dma_start3A_139 = arith.constant 0 : i32
        %dma_start3A_140 = tpu.memref_slice %arg6[%mul3A_131, %dma_start3A_139] : memref<10112x128xf32, #tpu.memory_space<hbm>> -> memref<632x128xf32, #tpu.memory_space<hbm>>
        %dma_start3A_141 = arith.constant 0 : i32
        %dma_start3A_142 = tpu.memref_slice %arg13[%mul3A_131, %dma_start3A_141] : memref<10112x128xf32, #tpu.memory_space<vmem_shared>> -> memref<632x128xf32, #tpu.memory_space<vmem_shared>>
        tpu.enqueue_dma source(%dma_start3A_142 : memref<632x128xf32, #tpu.memory_space<vmem_shared>>) target(%dma_start3A_140 : memref<632x128xf32, #tpu.memory_space<hbm>>) target_semaphore(%run_scoped3A : memref<!tpu.dma_semaphore, #tpu.memory_space<semaphore_mem>>)
        %dma_wait3A_143 = arith.constant 0 : i32
        %dma_wait3A_144 = tpu.memref_slice %arg6[%mul3A_131, %dma_wait3A_143] : memref<10112x128xf32, #tpu.memory_space<hbm>> -> memref<632x128xf32, #tpu.memory_space<hbm>>
        %dma_wait3A_145 = arith.constant 0 : i32
        %dma_wait3A_146 = tpu.memref_slice %arg13[%mul3A_131, %dma_wait3A_145] : memref<10112x128xf32, #tpu.memory_space<vmem_shared>> -> memref<632x128xf32, #tpu.memory_space<vmem_shared>>
        tpu.wait_dma2 semaphore(%run_scoped3A : memref<!tpu.dma_semaphore, #tpu.memory_space<semaphore_mem>>) src(%dma_wait3A_146 : memref<632x128xf32, #tpu.memory_space<vmem_shared>>) dst(%dma_wait3A_144 : memref<632x128xf32, #tpu.memory_space<hbm>>)
        tpu.yield
      }) : () -> ()
    } else {
    }
    %eq3A_134 = arith.constant 1 : i32
    %eq3A_135 = arith.cmpi eq, %arg0, %eq3A_134 : i32
    %convert_element_type3A_136 = arith.extui %eq3A_135 : i1 to i32
    %cond3A_137 = arith.constant 0 : i32
    %cond3A_138 = arith.cmpi ne, %convert_element_type3A_136, %cond3A_137 : i32
    scf.if %cond3A_138 {
      "tpu.region"() ({
        %run_scoped3A = tpu.sem_alloc : memref<!tpu.dma_semaphore, #tpu.memory_space<semaphore_mem>>
        %dma_start3A_139 = arith.constant 0 : i32
        %dma_start3A_140 = tpu.memref_slice %arg7[%mul3A_131, %dma_start3A_139] : memref<10112x128xf32, #tpu.memory_space<hbm>> -> memref<632x128xf32, #tpu.memory_space<hbm>>
        %dma_start3A_141 = arith.constant 0 : i32
        %dma_start3A_142 = tpu.memref_slice %arg13[%mul3A_131, %dma_start3A_141] : memref<10112x128xf32, #tpu.memory_space<vmem_shared>> -> memref<632x128xf32, #tpu.memory_space<vmem_shared>>
        tpu.enqueue_dma source(%dma_start3A_142 : memref<632x128xf32, #tpu.memory_space<vmem_shared>>) target(%dma_start3A_140 : memref<632x128xf32, #tpu.memory_space<hbm>>) target_semaphore(%run_scoped3A : memref<!tpu.dma_semaphore, #tpu.memory_space<semaphore_mem>>)
        %dma_wait3A_143 = arith.constant 0 : i32
        %dma_wait3A_144 = tpu.memref_slice %arg7[%mul3A_131, %dma_wait3A_143] : memref<10112x128xf32, #tpu.memory_space<hbm>> -> memref<632x128xf32, #tpu.memory_space<hbm>>
        %dma_wait3A_145 = arith.constant 0 : i32
        %dma_wait3A_146 = tpu.memref_slice %arg13[%mul3A_131, %dma_wait3A_145] : memref<10112x128xf32, #tpu.memory_space<vmem_shared>> -> memref<632x128xf32, #tpu.memory_space<vmem_shared>>
        tpu.wait_dma2 semaphore(%run_scoped3A : memref<!tpu.dma_semaphore, #tpu.memory_space<semaphore_mem>>) src(%dma_wait3A_146 : memref<632x128xf32, #tpu.memory_space<vmem_shared>>) dst(%dma_wait3A_144 : memref<632x128xf32, #tpu.memory_space<hbm>>)
        tpu.yield
      }) : () -> ()
    } else {
    }
    return
  }
}

#map = affine_map<(d0, d1) -> (0, 0)>
#map1 = affine_map<(d0, d1) -> (0)>
module attributes {stable_mosaic.version = 14 : i64} {
  func.func @body(%arg0: i32, %arg1: i32, %arg2: memref<10000x128xf32, #tpu.memory_space<hbm>>, %arg3: memref<327680xi32, #tpu.memory_space<hbm>>, %arg4: memref<2560x128xi32, #tpu.memory_space<hbm>>, %arg5: memref<40x128xf32, #tpu.memory_space<hbm>>, %arg6: memref<10112x128xf32, #tpu.memory_space<hbm>>, %arg7: memref<10112x128xf32, #tpu.memory_space<hbm>>, %arg8: memref<2x128xi32, #tpu.memory_space<vmem>>, %arg9: memref<80x128xi32, #tpu.memory_space<vmem>>, %arg10: memref<128x128xf32, #tpu.memory_space<vmem>>, %arg11: memref<128x128xf32, #tpu.memory_space<vmem>>, %arg12: memref<40x128xf32, #tpu.memory_space<vmem>>, %arg13: memref<10112x128xf32, #tpu.memory_space<vmem_shared>>, %arg14: memref<!tpu.dma_semaphore, #tpu.memory_space<semaphore_mem>>, %arg15: memref<!tpu.dma_semaphore, #tpu.memory_space<semaphore_mem>>, %arg16: memref<!tpu.dma_semaphore, #tpu.memory_space<semaphore_mem>>) attributes {dimension_semantics = [#tpu.dimension_semantics<core_parallel>, #tpu.dimension_semantics<subcore_parallel>], iteration_bounds = array<i64: 2, 16>, scalar_prefetch = 0 : i64, scratch_operands = 9 : i64, tpu.core_type = #tpu.core_type<sc_vector_subcore>, window_params = [{transform_indices = #map}, {transform_indices = #map1}, {transform_indices = #map}, {transform_indices = #map}, {transform_indices = #map}, {transform_indices = #map}]} {
    %mul3A = arith.constant 2 : i32
    %mul3A_0 = arith.muli %arg1, %mul3A : i32
    %add3A = arith.addi %mul3A_0, %arg0 : i32
    %mul3A_1 = arith.constant 10240 : i32
    %mul3A_2 = arith.muli %add3A, %mul3A_1 : i32
    "tpu.region"() ({
      %run_scoped3A = tpu.sem_alloc : memref<!tpu.dma_semaphore, #tpu.memory_space<semaphore_mem>>
      tpu.enqueue_dma source(%arg5 : memref<40x128xf32, #tpu.memory_space<hbm>>) target(%arg12 : memref<40x128xf32, #tpu.memory_space<vmem>>) target_semaphore(%run_scoped3A : memref<!tpu.dma_semaphore, #tpu.memory_space<semaphore_mem>>)
      tpu.wait_dma2 semaphore(%run_scoped3A : memref<!tpu.dma_semaphore, #tpu.memory_space<semaphore_mem>>) src(%arg5 : memref<40x128xf32, #tpu.memory_space<hbm>>) dst(%arg12 : memref<40x128xf32, #tpu.memory_space<vmem>>)
      tpu.yield
    }) : () -> ()
    %mul3A_3 = arith.constant 632 : i32
    %mul3A_4 = arith.muli %arg1, %mul3A_3 : i32
    %add3A_5 = arith.constant 0 : i32
    %add3A_6 = arith.addi %mul3A_4, %add3A_5 : i32
    "tpu.region"() ({
      %run_scoped3A = tpu.sem_alloc : memref<!tpu.dma_semaphore, #tpu.memory_space<semaphore_mem>>
      %dma_start3A_139 = arith.constant 0 : i32
      %dma_start3A_140 = tpu.memref_slice %arg13[%add3A_6, %dma_start3A_139] : memref<10112x128xf32, #tpu.memory_space<vmem_shared>> -> memref<40x128xf32, #tpu.memory_space<vmem_shared>>
      %dma_start3A_141 = arith.constant 0 : i32
      %dma_start3A_142 = tpu.memref_slice %arg13[%add3A_6, %dma_start3A_141] : memref<10112x128xf32, #tpu.memory_space<vmem_shared>> -> memref<40x128xf32, #tpu.memory_space<vmem_shared>>
      tpu.enqueue_dma source(%arg12 : memref<40x128xf32, #tpu.memory_space<vmem>>) target(%dma_start3A_142 : memref<40x128xf32, #tpu.memory_space<vmem_shared>>) target_semaphore(%run_scoped3A : memref<!tpu.dma_semaphore, #tpu.memory_space<semaphore_mem>>)
      %dma_wait3A_143 = arith.constant 0 : i32
      %dma_wait3A_144 = tpu.memref_slice %arg13[%add3A_6, %dma_wait3A_143] : memref<10112x128xf32, #tpu.memory_space<vmem_shared>> -> memref<40x128xf32, #tpu.memory_space<vmem_shared>>
      %dma_wait3A_145 = arith.constant 0 : i32
      %dma_wait3A_146 = tpu.memref_slice %arg13[%add3A_6, %dma_wait3A_145] : memref<10112x128xf32, #tpu.memory_space<vmem_shared>> -> memref<40x128xf32, #tpu.memory_space<vmem_shared>>
      tpu.wait_dma2 semaphore(%run_scoped3A : memref<!tpu.dma_semaphore, #tpu.memory_space<semaphore_mem>>) src(%arg12 : memref<40x128xf32, #tpu.memory_space<vmem>>) dst(%dma_wait3A_146 : memref<40x128xf32, #tpu.memory_space<vmem_shared>>)
      tpu.yield
    }) : () -> ()
    %mul3A_7 = arith.constant 632 : i32
    %mul3A_8 = arith.muli %arg1, %mul3A_7 : i32
    %add3A_9 = arith.constant 40 : i32
    %add3A_10 = arith.addi %mul3A_8, %add3A_9 : i32
    "tpu.region"() ({
      %run_scoped3A = tpu.sem_alloc : memref<!tpu.dma_semaphore, #tpu.memory_space<semaphore_mem>>
      %dma_start3A_139 = arith.constant 0 : i32
      %dma_start3A_140 = tpu.memref_slice %arg13[%add3A_10, %dma_start3A_139] : memref<10112x128xf32, #tpu.memory_space<vmem_shared>> -> memref<40x128xf32, #tpu.memory_space<vmem_shared>>
      %dma_start3A_141 = arith.constant 0 : i32
      %dma_start3A_142 = tpu.memref_slice %arg13[%add3A_10, %dma_start3A_141] : memref<10112x128xf32, #tpu.memory_space<vmem_shared>> -> memref<40x128xf32, #tpu.memory_space<vmem_shared>>
      tpu.enqueue_dma source(%arg12 : memref<40x128xf32, #tpu.memory_space<vmem>>) target(%dma_start3A_142 : memref<40x128xf32, #tpu.memory_space<vmem_shared>>) target_semaphore(%run_scoped3A : memref<!tpu.dma_semaphore, #tpu.memory_space<semaphore_mem>>)
      %dma_wait3A_143 = arith.constant 0 : i32
      %dma_wait3A_144 = tpu.memref_slice %arg13[%add3A_10, %dma_wait3A_143] : memref<10112x128xf32, #tpu.memory_space<vmem_shared>> -> memref<40x128xf32, #tpu.memory_space<vmem_shared>>
      %dma_wait3A_145 = arith.constant 0 : i32
      %dma_wait3A_146 = tpu.memref_slice %arg13[%add3A_10, %dma_wait3A_145] : memref<10112x128xf32, #tpu.memory_space<vmem_shared>> -> memref<40x128xf32, #tpu.memory_space<vmem_shared>>
      tpu.wait_dma2 semaphore(%run_scoped3A : memref<!tpu.dma_semaphore, #tpu.memory_space<semaphore_mem>>) src(%arg12 : memref<40x128xf32, #tpu.memory_space<vmem>>) dst(%dma_wait3A_146 : memref<40x128xf32, #tpu.memory_space<vmem_shared>>)
      tpu.yield
    }) : () -> ()
    %mul3A_11 = arith.constant 632 : i32
    %mul3A_12 = arith.muli %arg1, %mul3A_11 : i32
    %add3A_13 = arith.constant 80 : i32
    %add3A_14 = arith.addi %mul3A_12, %add3A_13 : i32
    "tpu.region"() ({
      %run_scoped3A = tpu.sem_alloc : memref<!tpu.dma_semaphore, #tpu.memory_space<semaphore_mem>>
      %dma_start3A_139 = arith.constant 0 : i32
      %dma_start3A_140 = tpu.memref_slice %arg13[%add3A_14, %dma_start3A_139] : memref<10112x128xf32, #tpu.memory_space<vmem_shared>> -> memref<40x128xf32, #tpu.memory_space<vmem_shared>>
      %dma_start3A_141 = arith.constant 0 : i32
      %dma_start3A_142 = tpu.memref_slice %arg13[%add3A_14, %dma_start3A_141] : memref<10112x128xf32, #tpu.memory_space<vmem_shared>> -> memref<40x128xf32, #tpu.memory_space<vmem_shared>>
      tpu.enqueue_dma source(%arg12 : memref<40x128xf32, #tpu.memory_space<vmem>>) target(%dma_start3A_142 : memref<40x128xf32, #tpu.memory_space<vmem_shared>>) target_semaphore(%run_scoped3A : memref<!tpu.dma_semaphore, #tpu.memory_space<semaphore_mem>>)
      %dma_wait3A_143 = arith.constant 0 : i32
      %dma_wait3A_144 = tpu.memref_slice %arg13[%add3A_14, %dma_wait3A_143] : memref<10112x128xf32, #tpu.memory_space<vmem_shared>> -> memref<40x128xf32, #tpu.memory_space<vmem_shared>>
      %dma_wait3A_145 = arith.constant 0 : i32
      %dma_wait3A_146 = tpu.memref_slice %arg13[%add3A_14, %dma_wait3A_145] : memref<10112x128xf32, #tpu.memory_space<vmem_shared>> -> memref<40x128xf32, #tpu.memory_space<vmem_shared>>
      tpu.wait_dma2 semaphore(%run_scoped3A : memref<!tpu.dma_semaphore, #tpu.memory_space<semaphore_mem>>) src(%arg12 : memref<40x128xf32, #tpu.memory_space<vmem>>) dst(%dma_wait3A_146 : memref<40x128xf32, #tpu.memory_space<vmem_shared>>)
      tpu.yield
    }) : () -> ()
    %mul3A_15 = arith.constant 632 : i32
    %mul3A_16 = arith.muli %arg1, %mul3A_15 : i32
    %add3A_17 = arith.constant 120 : i32
    %add3A_18 = arith.addi %mul3A_16, %add3A_17 : i32
    "tpu.region"() ({
      %run_scoped3A = tpu.sem_alloc : memref<!tpu.dma_semaphore, #tpu.memory_space<semaphore_mem>>
      %dma_start3A_139 = arith.constant 0 : i32
      %dma_start3A_140 = tpu.memref_slice %arg13[%add3A_18, %dma_start3A_139] : memref<10112x128xf32, #tpu.memory_space<vmem_shared>> -> memref<40x128xf32, #tpu.memory_space<vmem_shared>>
      %dma_start3A_141 = arith.constant 0 : i32
      %dma_start3A_142 = tpu.memref_slice %arg13[%add3A_18, %dma_start3A_141] : memref<10112x128xf32, #tpu.memory_space<vmem_shared>> -> memref<40x128xf32, #tpu.memory_space<vmem_shared>>
      tpu.enqueue_dma source(%arg12 : memref<40x128xf32, #tpu.memory_space<vmem>>) target(%dma_start3A_142 : memref<40x128xf32, #tpu.memory_space<vmem_shared>>) target_semaphore(%run_scoped3A : memref<!tpu.dma_semaphore, #tpu.memory_space<semaphore_mem>>)
      %dma_wait3A_143 = arith.constant 0 : i32
      %dma_wait3A_144 = tpu.memref_slice %arg13[%add3A_18, %dma_wait3A_143] : memref<10112x128xf32, #tpu.memory_space<vmem_shared>> -> memref<40x128xf32, #tpu.memory_space<vmem_shared>>
      %dma_wait3A_145 = arith.constant 0 : i32
      %dma_wait3A_146 = tpu.memref_slice %arg13[%add3A_18, %dma_wait3A_145] : memref<10112x128xf32, #tpu.memory_space<vmem_shared>> -> memref<40x128xf32, #tpu.memory_space<vmem_shared>>
      tpu.wait_dma2 semaphore(%run_scoped3A : memref<!tpu.dma_semaphore, #tpu.memory_space<semaphore_mem>>) src(%arg12 : memref<40x128xf32, #tpu.memory_space<vmem>>) dst(%dma_wait3A_146 : memref<40x128xf32, #tpu.memory_space<vmem_shared>>)
      tpu.yield
    }) : () -> ()
    %mul3A_19 = arith.constant 632 : i32
    %mul3A_20 = arith.muli %arg1, %mul3A_19 : i32
    %add3A_21 = arith.constant 160 : i32
    %add3A_22 = arith.addi %mul3A_20, %add3A_21 : i32
    "tpu.region"() ({
      %run_scoped3A = tpu.sem_alloc : memref<!tpu.dma_semaphore, #tpu.memory_space<semaphore_mem>>
      %dma_start3A_139 = arith.constant 0 : i32
      %dma_start3A_140 = tpu.memref_slice %arg13[%add3A_22, %dma_start3A_139] : memref<10112x128xf32, #tpu.memory_space<vmem_shared>> -> memref<40x128xf32, #tpu.memory_space<vmem_shared>>
      %dma_start3A_141 = arith.constant 0 : i32
      %dma_start3A_142 = tpu.memref_slice %arg13[%add3A_22, %dma_start3A_141] : memref<10112x128xf32, #tpu.memory_space<vmem_shared>> -> memref<40x128xf32, #tpu.memory_space<vmem_shared>>
      tpu.enqueue_dma source(%arg12 : memref<40x128xf32, #tpu.memory_space<vmem>>) target(%dma_start3A_142 : memref<40x128xf32, #tpu.memory_space<vmem_shared>>) target_semaphore(%run_scoped3A : memref<!tpu.dma_semaphore, #tpu.memory_space<semaphore_mem>>)
      %dma_wait3A_143 = arith.constant 0 : i32
      %dma_wait3A_144 = tpu.memref_slice %arg13[%add3A_22, %dma_wait3A_143] : memref<10112x128xf32, #tpu.memory_space<vmem_shared>> -> memref<40x128xf32, #tpu.memory_space<vmem_shared>>
      %dma_wait3A_145 = arith.constant 0 : i32
      %dma_wait3A_146 = tpu.memref_slice %arg13[%add3A_22, %dma_wait3A_145] : memref<10112x128xf32, #tpu.memory_space<vmem_shared>> -> memref<40x128xf32, #tpu.memory_space<vmem_shared>>
      tpu.wait_dma2 semaphore(%run_scoped3A : memref<!tpu.dma_semaphore, #tpu.memory_space<semaphore_mem>>) src(%arg12 : memref<40x128xf32, #tpu.memory_space<vmem>>) dst(%dma_wait3A_146 : memref<40x128xf32, #tpu.memory_space<vmem_shared>>)
      tpu.yield
    }) : () -> ()
    %mul3A_23 = arith.constant 632 : i32
    %mul3A_24 = arith.muli %arg1, %mul3A_23 : i32
    %add3A_25 = arith.constant 200 : i32
    %add3A_26 = arith.addi %mul3A_24, %add3A_25 : i32
    "tpu.region"() ({
      %run_scoped3A = tpu.sem_alloc : memref<!tpu.dma_semaphore, #tpu.memory_space<semaphore_mem>>
      %dma_start3A_139 = arith.constant 0 : i32
      %dma_start3A_140 = tpu.memref_slice %arg13[%add3A_26, %dma_start3A_139] : memref<10112x128xf32, #tpu.memory_space<vmem_shared>> -> memref<40x128xf32, #tpu.memory_space<vmem_shared>>
      %dma_start3A_141 = arith.constant 0 : i32
      %dma_start3A_142 = tpu.memref_slice %arg13[%add3A_26, %dma_start3A_141] : memref<10112x128xf32, #tpu.memory_space<vmem_shared>> -> memref<40x128xf32, #tpu.memory_space<vmem_shared>>
      tpu.enqueue_dma source(%arg12 : memref<40x128xf32, #tpu.memory_space<vmem>>) target(%dma_start3A_142 : memref<40x128xf32, #tpu.memory_space<vmem_shared>>) target_semaphore(%run_scoped3A : memref<!tpu.dma_semaphore, #tpu.memory_space<semaphore_mem>>)
      %dma_wait3A_143 = arith.constant 0 : i32
      %dma_wait3A_144 = tpu.memref_slice %arg13[%add3A_26, %dma_wait3A_143] : memref<10112x128xf32, #tpu.memory_space<vmem_shared>> -> memref<40x128xf32, #tpu.memory_space<vmem_shared>>
      %dma_wait3A_145 = arith.constant 0 : i32
      %dma_wait3A_146 = tpu.memref_slice %arg13[%add3A_26, %dma_wait3A_145] : memref<10112x128xf32, #tpu.memory_space<vmem_shared>> -> memref<40x128xf32, #tpu.memory_space<vmem_shared>>
      tpu.wait_dma2 semaphore(%run_scoped3A : memref<!tpu.dma_semaphore, #tpu.memory_space<semaphore_mem>>) src(%arg12 : memref<40x128xf32, #tpu.memory_space<vmem>>) dst(%dma_wait3A_146 : memref<40x128xf32, #tpu.memory_space<vmem_shared>>)
      tpu.yield
    }) : () -> ()
    %mul3A_27 = arith.constant 632 : i32
    %mul3A_28 = arith.muli %arg1, %mul3A_27 : i32
    %add3A_29 = arith.constant 240 : i32
    %add3A_30 = arith.addi %mul3A_28, %add3A_29 : i32
    "tpu.region"() ({
      %run_scoped3A = tpu.sem_alloc : memref<!tpu.dma_semaphore, #tpu.memory_space<semaphore_mem>>
      %dma_start3A_139 = arith.constant 0 : i32
      %dma_start3A_140 = tpu.memref_slice %arg13[%add3A_30, %dma_start3A_139] : memref<10112x128xf32, #tpu.memory_space<vmem_shared>> -> memref<40x128xf32, #tpu.memory_space<vmem_shared>>
      %dma_start3A_141 = arith.constant 0 : i32
      %dma_start3A_142 = tpu.memref_slice %arg13[%add3A_30, %dma_start3A_141] : memref<10112x128xf32, #tpu.memory_space<vmem_shared>> -> memref<40x128xf32, #tpu.memory_space<vmem_shared>>
      tpu.enqueue_dma source(%arg12 : memref<40x128xf32, #tpu.memory_space<vmem>>) target(%dma_start3A_142 : memref<40x128xf32, #tpu.memory_space<vmem_shared>>) target_semaphore(%run_scoped3A : memref<!tpu.dma_semaphore, #tpu.memory_space<semaphore_mem>>)
      %dma_wait3A_143 = arith.constant 0 : i32
      %dma_wait3A_144 = tpu.memref_slice %arg13[%add3A_30, %dma_wait3A_143] : memref<10112x128xf32, #tpu.memory_space<vmem_shared>> -> memref<40x128xf32, #tpu.memory_space<vmem_shared>>
      %dma_wait3A_145 = arith.constant 0 : i32
      %dma_wait3A_146 = tpu.memref_slice %arg13[%add3A_30, %dma_wait3A_145] : memref<10112x128xf32, #tpu.memory_space<vmem_shared>> -> memref<40x128xf32, #tpu.memory_space<vmem_shared>>
      tpu.wait_dma2 semaphore(%run_scoped3A : memref<!tpu.dma_semaphore, #tpu.memory_space<semaphore_mem>>) src(%arg12 : memref<40x128xf32, #tpu.memory_space<vmem>>) dst(%dma_wait3A_146 : memref<40x128xf32, #tpu.memory_space<vmem_shared>>)
      tpu.yield
    }) : () -> ()
    %mul3A_31 = arith.constant 632 : i32
    %mul3A_32 = arith.muli %arg1, %mul3A_31 : i32
    %add3A_33 = arith.constant 280 : i32
    %add3A_34 = arith.addi %mul3A_32, %add3A_33 : i32
    "tpu.region"() ({
      %run_scoped3A = tpu.sem_alloc : memref<!tpu.dma_semaphore, #tpu.memory_space<semaphore_mem>>
      %dma_start3A_139 = arith.constant 0 : i32
      %dma_start3A_140 = tpu.memref_slice %arg13[%add3A_34, %dma_start3A_139] : memref<10112x128xf32, #tpu.memory_space<vmem_shared>> -> memref<40x128xf32, #tpu.memory_space<vmem_shared>>
      %dma_start3A_141 = arith.constant 0 : i32
      %dma_start3A_142 = tpu.memref_slice %arg13[%add3A_34, %dma_start3A_141] : memref<10112x128xf32, #tpu.memory_space<vmem_shared>> -> memref<40x128xf32, #tpu.memory_space<vmem_shared>>
      tpu.enqueue_dma source(%arg12 : memref<40x128xf32, #tpu.memory_space<vmem>>) target(%dma_start3A_142 : memref<40x128xf32, #tpu.memory_space<vmem_shared>>) target_semaphore(%run_scoped3A : memref<!tpu.dma_semaphore, #tpu.memory_space<semaphore_mem>>)
      %dma_wait3A_143 = arith.constant 0 : i32
      %dma_wait3A_144 = tpu.memref_slice %arg13[%add3A_34, %dma_wait3A_143] : memref<10112x128xf32, #tpu.memory_space<vmem_shared>> -> memref<40x128xf32, #tpu.memory_space<vmem_shared>>
      %dma_wait3A_145 = arith.constant 0 : i32
      %dma_wait3A_146 = tpu.memref_slice %arg13[%add3A_34, %dma_wait3A_145] : memref<10112x128xf32, #tpu.memory_space<vmem_shared>> -> memref<40x128xf32, #tpu.memory_space<vmem_shared>>
      tpu.wait_dma2 semaphore(%run_scoped3A : memref<!tpu.dma_semaphore, #tpu.memory_space<semaphore_mem>>) src(%arg12 : memref<40x128xf32, #tpu.memory_space<vmem>>) dst(%dma_wait3A_146 : memref<40x128xf32, #tpu.memory_space<vmem_shared>>)
      tpu.yield
    }) : () -> ()
    %mul3A_35 = arith.constant 632 : i32
    %mul3A_36 = arith.muli %arg1, %mul3A_35 : i32
    %add3A_37 = arith.constant 320 : i32
    %add3A_38 = arith.addi %mul3A_36, %add3A_37 : i32
    "tpu.region"() ({
      %run_scoped3A = tpu.sem_alloc : memref<!tpu.dma_semaphore, #tpu.memory_space<semaphore_mem>>
      %dma_start3A_139 = arith.constant 0 : i32
      %dma_start3A_140 = tpu.memref_slice %arg13[%add3A_38, %dma_start3A_139] : memref<10112x128xf32, #tpu.memory_space<vmem_shared>> -> memref<40x128xf32, #tpu.memory_space<vmem_shared>>
      %dma_start3A_141 = arith.constant 0 : i32
      %dma_start3A_142 = tpu.memref_slice %arg13[%add3A_38, %dma_start3A_141] : memref<10112x128xf32, #tpu.memory_space<vmem_shared>> -> memref<40x128xf32, #tpu.memory_space<vmem_shared>>
      tpu.enqueue_dma source(%arg12 : memref<40x128xf32, #tpu.memory_space<vmem>>) target(%dma_start3A_142 : memref<40x128xf32, #tpu.memory_space<vmem_shared>>) target_semaphore(%run_scoped3A : memref<!tpu.dma_semaphore, #tpu.memory_space<semaphore_mem>>)
      %dma_wait3A_143 = arith.constant 0 : i32
      %dma_wait3A_144 = tpu.memref_slice %arg13[%add3A_38, %dma_wait3A_143] : memref<10112x128xf32, #tpu.memory_space<vmem_shared>> -> memref<40x128xf32, #tpu.memory_space<vmem_shared>>
      %dma_wait3A_145 = arith.constant 0 : i32
      %dma_wait3A_146 = tpu.memref_slice %arg13[%add3A_38, %dma_wait3A_145] : memref<10112x128xf32, #tpu.memory_space<vmem_shared>> -> memref<40x128xf32, #tpu.memory_space<vmem_shared>>
      tpu.wait_dma2 semaphore(%run_scoped3A : memref<!tpu.dma_semaphore, #tpu.memory_space<semaphore_mem>>) src(%arg12 : memref<40x128xf32, #tpu.memory_space<vmem>>) dst(%dma_wait3A_146 : memref<40x128xf32, #tpu.memory_space<vmem_shared>>)
      tpu.yield
    }) : () -> ()
    %mul3A_39 = arith.constant 632 : i32
    %mul3A_40 = arith.muli %arg1, %mul3A_39 : i32
    %add3A_41 = arith.constant 360 : i32
    %add3A_42 = arith.addi %mul3A_40, %add3A_41 : i32
    "tpu.region"() ({
      %run_scoped3A = tpu.sem_alloc : memref<!tpu.dma_semaphore, #tpu.memory_space<semaphore_mem>>
      %dma_start3A_139 = arith.constant 0 : i32
      %dma_start3A_140 = tpu.memref_slice %arg13[%add3A_42, %dma_start3A_139] : memref<10112x128xf32, #tpu.memory_space<vmem_shared>> -> memref<40x128xf32, #tpu.memory_space<vmem_shared>>
      %dma_start3A_141 = arith.constant 0 : i32
      %dma_start3A_142 = tpu.memref_slice %arg13[%add3A_42, %dma_start3A_141] : memref<10112x128xf32, #tpu.memory_space<vmem_shared>> -> memref<40x128xf32, #tpu.memory_space<vmem_shared>>
      tpu.enqueue_dma source(%arg12 : memref<40x128xf32, #tpu.memory_space<vmem>>) target(%dma_start3A_142 : memref<40x128xf32, #tpu.memory_space<vmem_shared>>) target_semaphore(%run_scoped3A : memref<!tpu.dma_semaphore, #tpu.memory_space<semaphore_mem>>)
      %dma_wait3A_143 = arith.constant 0 : i32
      %dma_wait3A_144 = tpu.memref_slice %arg13[%add3A_42, %dma_wait3A_143] : memref<10112x128xf32, #tpu.memory_space<vmem_shared>> -> memref<40x128xf32, #tpu.memory_space<vmem_shared>>
      %dma_wait3A_145 = arith.constant 0 : i32
      %dma_wait3A_146 = tpu.memref_slice %arg13[%add3A_42, %dma_wait3A_145] : memref<10112x128xf32, #tpu.memory_space<vmem_shared>> -> memref<40x128xf32, #tpu.memory_space<vmem_shared>>
      tpu.wait_dma2 semaphore(%run_scoped3A : memref<!tpu.dma_semaphore, #tpu.memory_space<semaphore_mem>>) src(%arg12 : memref<40x128xf32, #tpu.memory_space<vmem>>) dst(%dma_wait3A_146 : memref<40x128xf32, #tpu.memory_space<vmem_shared>>)
      tpu.yield
    }) : () -> ()
    %mul3A_43 = arith.constant 632 : i32
    %mul3A_44 = arith.muli %arg1, %mul3A_43 : i32
    %add3A_45 = arith.constant 400 : i32
    %add3A_46 = arith.addi %mul3A_44, %add3A_45 : i32
    "tpu.region"() ({
      %run_scoped3A = tpu.sem_alloc : memref<!tpu.dma_semaphore, #tpu.memory_space<semaphore_mem>>
      %dma_start3A_139 = arith.constant 0 : i32
      %dma_start3A_140 = tpu.memref_slice %arg13[%add3A_46, %dma_start3A_139] : memref<10112x128xf32, #tpu.memory_space<vmem_shared>> -> memref<40x128xf32, #tpu.memory_space<vmem_shared>>
      %dma_start3A_141 = arith.constant 0 : i32
      %dma_start3A_142 = tpu.memref_slice %arg13[%add3A_46, %dma_start3A_141] : memref<10112x128xf32, #tpu.memory_space<vmem_shared>> -> memref<40x128xf32, #tpu.memory_space<vmem_shared>>
      tpu.enqueue_dma source(%arg12 : memref<40x128xf32, #tpu.memory_space<vmem>>) target(%dma_start3A_142 : memref<40x128xf32, #tpu.memory_space<vmem_shared>>) target_semaphore(%run_scoped3A : memref<!tpu.dma_semaphore, #tpu.memory_space<semaphore_mem>>)
      %dma_wait3A_143 = arith.constant 0 : i32
      %dma_wait3A_144 = tpu.memref_slice %arg13[%add3A_46, %dma_wait3A_143] : memref<10112x128xf32, #tpu.memory_space<vmem_shared>> -> memref<40x128xf32, #tpu.memory_space<vmem_shared>>
      %dma_wait3A_145 = arith.constant 0 : i32
      %dma_wait3A_146 = tpu.memref_slice %arg13[%add3A_46, %dma_wait3A_145] : memref<10112x128xf32, #tpu.memory_space<vmem_shared>> -> memref<40x128xf32, #tpu.memory_space<vmem_shared>>
      tpu.wait_dma2 semaphore(%run_scoped3A : memref<!tpu.dma_semaphore, #tpu.memory_space<semaphore_mem>>) src(%arg12 : memref<40x128xf32, #tpu.memory_space<vmem>>) dst(%dma_wait3A_146 : memref<40x128xf32, #tpu.memory_space<vmem_shared>>)
      tpu.yield
    }) : () -> ()
    %mul3A_47 = arith.constant 632 : i32
    %mul3A_48 = arith.muli %arg1, %mul3A_47 : i32
    %add3A_49 = arith.constant 440 : i32
    %add3A_50 = arith.addi %mul3A_48, %add3A_49 : i32
    "tpu.region"() ({
      %run_scoped3A = tpu.sem_alloc : memref<!tpu.dma_semaphore, #tpu.memory_space<semaphore_mem>>
      %dma_start3A_139 = arith.constant 0 : i32
      %dma_start3A_140 = tpu.memref_slice %arg13[%add3A_50, %dma_start3A_139] : memref<10112x128xf32, #tpu.memory_space<vmem_shared>> -> memref<40x128xf32, #tpu.memory_space<vmem_shared>>
      %dma_start3A_141 = arith.constant 0 : i32
      %dma_start3A_142 = tpu.memref_slice %arg13[%add3A_50, %dma_start3A_141] : memref<10112x128xf32, #tpu.memory_space<vmem_shared>> -> memref<40x128xf32, #tpu.memory_space<vmem_shared>>
      tpu.enqueue_dma source(%arg12 : memref<40x128xf32, #tpu.memory_space<vmem>>) target(%dma_start3A_142 : memref<40x128xf32, #tpu.memory_space<vmem_shared>>) target_semaphore(%run_scoped3A : memref<!tpu.dma_semaphore, #tpu.memory_space<semaphore_mem>>)
      %dma_wait3A_143 = arith.constant 0 : i32
      %dma_wait3A_144 = tpu.memref_slice %arg13[%add3A_50, %dma_wait3A_143] : memref<10112x128xf32, #tpu.memory_space<vmem_shared>> -> memref<40x128xf32, #tpu.memory_space<vmem_shared>>
      %dma_wait3A_145 = arith.constant 0 : i32
      %dma_wait3A_146 = tpu.memref_slice %arg13[%add3A_50, %dma_wait3A_145] : memref<10112x128xf32, #tpu.memory_space<vmem_shared>> -> memref<40x128xf32, #tpu.memory_space<vmem_shared>>
      tpu.wait_dma2 semaphore(%run_scoped3A : memref<!tpu.dma_semaphore, #tpu.memory_space<semaphore_mem>>) src(%arg12 : memref<40x128xf32, #tpu.memory_space<vmem>>) dst(%dma_wait3A_146 : memref<40x128xf32, #tpu.memory_space<vmem_shared>>)
      tpu.yield
    }) : () -> ()
    %mul3A_51 = arith.constant 632 : i32
    %mul3A_52 = arith.muli %arg1, %mul3A_51 : i32
    %add3A_53 = arith.constant 480 : i32
    %add3A_54 = arith.addi %mul3A_52, %add3A_53 : i32
    "tpu.region"() ({
      %run_scoped3A = tpu.sem_alloc : memref<!tpu.dma_semaphore, #tpu.memory_space<semaphore_mem>>
      %dma_start3A_139 = arith.constant 0 : i32
      %dma_start3A_140 = tpu.memref_slice %arg13[%add3A_54, %dma_start3A_139] : memref<10112x128xf32, #tpu.memory_space<vmem_shared>> -> memref<40x128xf32, #tpu.memory_space<vmem_shared>>
      %dma_start3A_141 = arith.constant 0 : i32
      %dma_start3A_142 = tpu.memref_slice %arg13[%add3A_54, %dma_start3A_141] : memref<10112x128xf32, #tpu.memory_space<vmem_shared>> -> memref<40x128xf32, #tpu.memory_space<vmem_shared>>
      tpu.enqueue_dma source(%arg12 : memref<40x128xf32, #tpu.memory_space<vmem>>) target(%dma_start3A_142 : memref<40x128xf32, #tpu.memory_space<vmem_shared>>) target_semaphore(%run_scoped3A : memref<!tpu.dma_semaphore, #tpu.memory_space<semaphore_mem>>)
      %dma_wait3A_143 = arith.constant 0 : i32
      %dma_wait3A_144 = tpu.memref_slice %arg13[%add3A_54, %dma_wait3A_143] : memref<10112x128xf32, #tpu.memory_space<vmem_shared>> -> memref<40x128xf32, #tpu.memory_space<vmem_shared>>
      %dma_wait3A_145 = arith.constant 0 : i32
      %dma_wait3A_146 = tpu.memref_slice %arg13[%add3A_54, %dma_wait3A_145] : memref<10112x128xf32, #tpu.memory_space<vmem_shared>> -> memref<40x128xf32, #tpu.memory_space<vmem_shared>>
      tpu.wait_dma2 semaphore(%run_scoped3A : memref<!tpu.dma_semaphore, #tpu.memory_space<semaphore_mem>>) src(%arg12 : memref<40x128xf32, #tpu.memory_space<vmem>>) dst(%dma_wait3A_146 : memref<40x128xf32, #tpu.memory_space<vmem_shared>>)
      tpu.yield
    }) : () -> ()
    %mul3A_55 = arith.constant 632 : i32
    %mul3A_56 = arith.muli %arg1, %mul3A_55 : i32
    %add3A_57 = arith.constant 520 : i32
    %add3A_58 = arith.addi %mul3A_56, %add3A_57 : i32
    "tpu.region"() ({
      %run_scoped3A = tpu.sem_alloc : memref<!tpu.dma_semaphore, #tpu.memory_space<semaphore_mem>>
      %dma_start3A_139 = arith.constant 0 : i32
      %dma_start3A_140 = tpu.memref_slice %arg13[%add3A_58, %dma_start3A_139] : memref<10112x128xf32, #tpu.memory_space<vmem_shared>> -> memref<40x128xf32, #tpu.memory_space<vmem_shared>>
      %dma_start3A_141 = arith.constant 0 : i32
      %dma_start3A_142 = tpu.memref_slice %arg13[%add3A_58, %dma_start3A_141] : memref<10112x128xf32, #tpu.memory_space<vmem_shared>> -> memref<40x128xf32, #tpu.memory_space<vmem_shared>>
      tpu.enqueue_dma source(%arg12 : memref<40x128xf32, #tpu.memory_space<vmem>>) target(%dma_start3A_142 : memref<40x128xf32, #tpu.memory_space<vmem_shared>>) target_semaphore(%run_scoped3A : memref<!tpu.dma_semaphore, #tpu.memory_space<semaphore_mem>>)
      %dma_wait3A_143 = arith.constant 0 : i32
      %dma_wait3A_144 = tpu.memref_slice %arg13[%add3A_58, %dma_wait3A_143] : memref<10112x128xf32, #tpu.memory_space<vmem_shared>> -> memref<40x128xf32, #tpu.memory_space<vmem_shared>>
      %dma_wait3A_145 = arith.constant 0 : i32
      %dma_wait3A_146 = tpu.memref_slice %arg13[%add3A_58, %dma_wait3A_145] : memref<10112x128xf32, #tpu.memory_space<vmem_shared>> -> memref<40x128xf32, #tpu.memory_space<vmem_shared>>
      tpu.wait_dma2 semaphore(%run_scoped3A : memref<!tpu.dma_semaphore, #tpu.memory_space<semaphore_mem>>) src(%arg12 : memref<40x128xf32, #tpu.memory_space<vmem>>) dst(%dma_wait3A_146 : memref<40x128xf32, #tpu.memory_space<vmem_shared>>)
      tpu.yield
    }) : () -> ()
    %mul3A_59 = arith.constant 632 : i32
    %mul3A_60 = arith.muli %arg1, %mul3A_59 : i32
    %add3A_61 = arith.constant 560 : i32
    %add3A_62 = arith.addi %mul3A_60, %add3A_61 : i32
    "tpu.region"() ({
      %run_scoped3A = tpu.sem_alloc : memref<!tpu.dma_semaphore, #tpu.memory_space<semaphore_mem>>
      %dma_start3A_139 = arith.constant 0 : i32
      %dma_start3A_140 = tpu.memref_slice %arg13[%add3A_62, %dma_start3A_139] : memref<10112x128xf32, #tpu.memory_space<vmem_shared>> -> memref<40x128xf32, #tpu.memory_space<vmem_shared>>
      %dma_start3A_141 = arith.constant 0 : i32
      %dma_start3A_142 = tpu.memref_slice %arg13[%add3A_62, %dma_start3A_141] : memref<10112x128xf32, #tpu.memory_space<vmem_shared>> -> memref<40x128xf32, #tpu.memory_space<vmem_shared>>
      tpu.enqueue_dma source(%arg12 : memref<40x128xf32, #tpu.memory_space<vmem>>) target(%dma_start3A_142 : memref<40x128xf32, #tpu.memory_space<vmem_shared>>) target_semaphore(%run_scoped3A : memref<!tpu.dma_semaphore, #tpu.memory_space<semaphore_mem>>)
      %dma_wait3A_143 = arith.constant 0 : i32
      %dma_wait3A_144 = tpu.memref_slice %arg13[%add3A_62, %dma_wait3A_143] : memref<10112x128xf32, #tpu.memory_space<vmem_shared>> -> memref<40x128xf32, #tpu.memory_space<vmem_shared>>
      %dma_wait3A_145 = arith.constant 0 : i32
      %dma_wait3A_146 = tpu.memref_slice %arg13[%add3A_62, %dma_wait3A_145] : memref<10112x128xf32, #tpu.memory_space<vmem_shared>> -> memref<40x128xf32, #tpu.memory_space<vmem_shared>>
      tpu.wait_dma2 semaphore(%run_scoped3A : memref<!tpu.dma_semaphore, #tpu.memory_space<semaphore_mem>>) src(%arg12 : memref<40x128xf32, #tpu.memory_space<vmem>>) dst(%dma_wait3A_146 : memref<40x128xf32, #tpu.memory_space<vmem_shared>>)
      tpu.yield
    }) : () -> ()
    %mul3A_63 = arith.constant 632 : i32
    %mul3A_64 = arith.muli %arg1, %mul3A_63 : i32
    %add3A_65 = arith.constant 600 : i32
    %add3A_66 = arith.addi %mul3A_64, %add3A_65 : i32
    "tpu.region"() ({
      %run_scoped3A = tpu.sem_alloc : memref<!tpu.dma_semaphore, #tpu.memory_space<semaphore_mem>>
      %dma_start3A_139 = arith.constant 0 : i32
      %dma_start3A_140 = arith.constant 0 : i32
      %dma_start3A_141 = tpu.memref_slice %arg12[%dma_start3A_139, %dma_start3A_140] : memref<40x128xf32, #tpu.memory_space<vmem>> -> memref<32x128xf32, #tpu.memory_space<vmem>>
      %dma_start3A_142 = arith.constant 0 : i32
      %dma_start3A_143 = tpu.memref_slice %arg13[%add3A_66, %dma_start3A_142] : memref<10112x128xf32, #tpu.memory_space<vmem_shared>> -> memref<32x128xf32, #tpu.memory_space<vmem_shared>>
      %dma_start3A_144 = arith.constant 0 : i32
      %dma_start3A_145 = tpu.memref_slice %arg13[%add3A_66, %dma_start3A_144] : memref<10112x128xf32, #tpu.memory_space<vmem_shared>> -> memref<32x128xf32, #tpu.memory_space<vmem_shared>>
      %dma_start3A_146 = arith.constant 0 : i32
      %dma_start3A_147 = arith.constant 0 : i32
      %dma_start3A_148 = tpu.memref_slice %arg12[%dma_start3A_146, %dma_start3A_147] : memref<40x128xf32, #tpu.memory_space<vmem>> -> memref<32x128xf32, #tpu.memory_space<vmem>>
      tpu.enqueue_dma source(%dma_start3A_148 : memref<32x128xf32, #tpu.memory_space<vmem>>) target(%dma_start3A_145 : memref<32x128xf32, #tpu.memory_space<vmem_shared>>) target_semaphore(%run_scoped3A : memref<!tpu.dma_semaphore, #tpu.memory_space<semaphore_mem>>)
      %dma_wait3A_149 = arith.constant 0 : i32
      %dma_wait3A_150 = arith.constant 0 : i32
      %dma_wait3A_151 = tpu.memref_slice %arg12[%dma_wait3A_149, %dma_wait3A_150] : memref<40x128xf32, #tpu.memory_space<vmem>> -> memref<32x128xf32, #tpu.memory_space<vmem>>
      %dma_wait3A_152 = arith.constant 0 : i32
      %dma_wait3A_153 = tpu.memref_slice %arg13[%add3A_66, %dma_wait3A_152] : memref<10112x128xf32, #tpu.memory_space<vmem_shared>> -> memref<32x128xf32, #tpu.memory_space<vmem_shared>>
      %dma_wait3A_154 = arith.constant 0 : i32
      %dma_wait3A_155 = tpu.memref_slice %arg13[%add3A_66, %dma_wait3A_154] : memref<10112x128xf32, #tpu.memory_space<vmem_shared>> -> memref<32x128xf32, #tpu.memory_space<vmem_shared>>
      %dma_wait3A_156 = arith.constant 0 : i32
      %dma_wait3A_157 = arith.constant 0 : i32
      %dma_wait3A_158 = tpu.memref_slice %arg12[%dma_wait3A_156, %dma_wait3A_157] : memref<40x128xf32, #tpu.memory_space<vmem>> -> memref<32x128xf32, #tpu.memory_space<vmem>>
      tpu.wait_dma2 semaphore(%run_scoped3A : memref<!tpu.dma_semaphore, #tpu.memory_space<semaphore_mem>>) src(%dma_wait3A_158 : memref<32x128xf32, #tpu.memory_space<vmem>>) dst(%dma_wait3A_155 : memref<32x128xf32, #tpu.memory_space<vmem_shared>>)
      tpu.yield
    }) : () -> ()
    %mul3A_67 = arith.constant 80 : i32
    %mul3A_68 = arith.muli %add3A, %mul3A_67 : i32
    "tpu.region"() ({
      %run_scoped3A = tpu.sem_alloc : memref<!tpu.dma_semaphore, #tpu.memory_space<semaphore_mem>>
      %dma_start3A_139 = arith.constant 0 : i32
      %dma_start3A_140 = tpu.memref_slice %arg4[%mul3A_68, %dma_start3A_139] : memref<2560x128xi32, #tpu.memory_space<hbm>> -> memref<80x128xi32, #tpu.memory_space<hbm>>
      %dma_start3A_141 = arith.constant 0 : i32
      %dma_start3A_142 = tpu.memref_slice %arg4[%mul3A_68, %dma_start3A_141] : memref<2560x128xi32, #tpu.memory_space<hbm>> -> memref<80x128xi32, #tpu.memory_space<hbm>>
      tpu.enqueue_dma source(%dma_start3A_142 : memref<80x128xi32, #tpu.memory_space<hbm>>) target(%arg9 : memref<80x128xi32, #tpu.memory_space<vmem>>) target_semaphore(%run_scoped3A : memref<!tpu.dma_semaphore, #tpu.memory_space<semaphore_mem>>)
      %dma_wait3A_143 = arith.constant 0 : i32
      %dma_wait3A_144 = tpu.memref_slice %arg4[%mul3A_68, %dma_wait3A_143] : memref<2560x128xi32, #tpu.memory_space<hbm>> -> memref<80x128xi32, #tpu.memory_space<hbm>>
      %dma_wait3A_145 = arith.constant 0 : i32
      %dma_wait3A_146 = tpu.memref_slice %arg4[%mul3A_68, %dma_wait3A_145] : memref<2560x128xi32, #tpu.memory_space<hbm>> -> memref<80x128xi32, #tpu.memory_space<hbm>>
      tpu.wait_dma2 semaphore(%run_scoped3A : memref<!tpu.dma_semaphore, #tpu.memory_space<semaphore_mem>>) src(%dma_wait3A_146 : memref<80x128xi32, #tpu.memory_space<hbm>>) dst(%arg9 : memref<80x128xi32, #tpu.memory_space<vmem>>)
      tpu.yield
    }) : () -> ()
    %barrier3A = arith.constant 0 : index
    tpu.barrier barrier_id(%barrier3A)
    %add3A_69 = arith.constant 0 : i32
    %add3A_70 = arith.addi %mul3A_2, %add3A_69 : i32
    %multiple_of3A = tpu.assume_multiple %add3A_70, 128 : i32
    %dma_start3A = arith.constant 0 : i32
    %dma_start3A_71 = arith.constant 0 : i32
    %dma_start3A_72 = tpu.memref_slice %arg8[%dma_start3A, %dma_start3A_71] : memref<2x128xi32, #tpu.memory_space<vmem>> -> memref<1x128xi32, #tpu.memory_space<vmem>>
    %dma_start3A_73 = tpu.memref_squeeze %dma_start3A_72 : memref<1x128xi32, #tpu.memory_space<vmem>> -> memref<128xi32, #tpu.memory_space<vmem>>
    %dma_start3A_74 = tpu.memref_slice %arg3[%multiple_of3A] : memref<327680xi32, #tpu.memory_space<hbm>> -> memref<128xi32, #tpu.memory_space<hbm>>
    %dma_start3A_75 = arith.constant 0 : i32
    %dma_start3A_76 = tpu.memref_slice %arg8[%dma_start3A, %dma_start3A_75] : memref<2x128xi32, #tpu.memory_space<vmem>> -> memref<1x128xi32, #tpu.memory_space<vmem>>
    %dma_start3A_77 = tpu.memref_squeeze %dma_start3A_76 : memref<1x128xi32, #tpu.memory_space<vmem>> -> memref<128xi32, #tpu.memory_space<vmem>>
    %dma_start3A_78 = tpu.memref_slice %arg3[%multiple_of3A] : memref<327680xi32, #tpu.memory_space<hbm>> -> memref<128xi32, #tpu.memory_space<hbm>>
    tpu.enqueue_dma source(%dma_start3A_78 : memref<128xi32, #tpu.memory_space<hbm>>) target(%dma_start3A_77 : memref<128xi32, #tpu.memory_space<vmem>>) target_semaphore(%arg14 : memref<!tpu.dma_semaphore, #tpu.memory_space<semaphore_mem>>)
    %add3A_79 = arith.constant 0 : i32
    %add3A_80 = arith.addi %mul3A_2, %add3A_79 : i32
    %multiple_of3A_81 = tpu.assume_multiple %add3A_80, 128 : i32
    %dma_wait3A = arith.constant 0 : i32
    %dma_wait3A_82 = arith.constant 0 : i32
    %dma_wait3A_83 = tpu.memref_slice %arg8[%dma_wait3A, %dma_wait3A_82] : memref<2x128xi32, #tpu.memory_space<vmem>> -> memref<1x128xi32, #tpu.memory_space<vmem>>
    %dma_wait3A_84 = tpu.memref_squeeze %dma_wait3A_83 : memref<1x128xi32, #tpu.memory_space<vmem>> -> memref<128xi32, #tpu.memory_space<vmem>>
    %dma_wait3A_85 = tpu.memref_slice %arg3[%multiple_of3A_81] : memref<327680xi32, #tpu.memory_space<hbm>> -> memref<128xi32, #tpu.memory_space<hbm>>
    %dma_wait3A_86 = arith.constant 0 : i32
    %dma_wait3A_87 = tpu.memref_slice %arg8[%dma_wait3A, %dma_wait3A_86] : memref<2x128xi32, #tpu.memory_space<vmem>> -> memref<1x128xi32, #tpu.memory_space<vmem>>
    %dma_wait3A_88 = tpu.memref_squeeze %dma_wait3A_87 : memref<1x128xi32, #tpu.memory_space<vmem>> -> memref<128xi32, #tpu.memory_space<vmem>>
    %dma_wait3A_89 = tpu.memref_slice %arg3[%multiple_of3A_81] : memref<327680xi32, #tpu.memory_space<hbm>> -> memref<128xi32, #tpu.memory_space<hbm>>
    tpu.wait_dma2 semaphore(%arg14 : memref<!tpu.dma_semaphore, #tpu.memory_space<semaphore_mem>>) src(%dma_wait3A_89 : memref<128xi32, #tpu.memory_space<hbm>>) dst(%dma_wait3A_88 : memref<128xi32, #tpu.memory_space<vmem>>)
    %dma_start3A_90 = arith.constant 0 : i32
    %dma_start3A_91 = arith.constant 0 : i32
    %dma_start3A_92 = tpu.memref_slice %arg8[%dma_start3A_90, %dma_start3A_91] : memref<2x128xi32, #tpu.memory_space<vmem>> -> memref<1x128xi32, #tpu.memory_space<vmem>>
    %dma_start3A_93 = tpu.memref_squeeze %dma_start3A_92 : memref<1x128xi32, #tpu.memory_space<vmem>> -> memref<128xi32, #tpu.memory_space<vmem>>
    %dma_start3A_94 = arith.constant 0 : i32
    %dma_start3A_95 = arith.constant 0 : i32
    %dma_start3A_96 = tpu.memref_slice %arg2[%dma_start3A_94, %dma_start3A_95] : memref<10000x128xf32, #tpu.memory_space<hbm>> -> memref<10000x128xf32, #tpu.memory_space<hbm>>
    tpu.enqueue_indirect_dma source(%dma_start3A_96 : memref<10000x128xf32, #tpu.memory_space<hbm>>) target(%arg10 : memref<128x128xf32, #tpu.memory_space<vmem>>) offsets(%dma_start3A_93 : memref<128xi32, #tpu.memory_space<vmem>>) semaphore(%arg15 : memref<!tpu.dma_semaphore, #tpu.memory_space<semaphore_mem>>)
    %add3A_97 = arith.constant 128 : i32
    %add3A_98 = arith.addi %mul3A_2, %add3A_97 : i32
    %multiple_of3A_99 = tpu.assume_multiple %add3A_98, 128 : i32
    %dma_start3A_100 = arith.constant 1 : i32
    %dma_start3A_101 = arith.constant 0 : i32
    %dma_start3A_102 = tpu.memref_slice %arg8[%dma_start3A_100, %dma_start3A_101] : memref<2x128xi32, #tpu.memory_space<vmem>> -> memref<1x128xi32, #tpu.memory_space<vmem>>
    %dma_start3A_103 = tpu.memref_squeeze %dma_start3A_102 : memref<1x128xi32, #tpu.memory_space<vmem>> -> memref<128xi32, #tpu.memory_space<vmem>>
    %dma_start3A_104 = tpu.memref_slice %arg3[%multiple_of3A_99] : memref<327680xi32, #tpu.memory_space<hbm>> -> memref<128xi32, #tpu.memory_space<hbm>>
    %dma_start3A_105 = arith.constant 0 : i32
    %dma_start3A_106 = tpu.memref_slice %arg8[%dma_start3A_100, %dma_start3A_105] : memref<2x128xi32, #tpu.memory_space<vmem>> -> memref<1x128xi32, #tpu.memory_space<vmem>>
    %dma_start3A_107 = tpu.memref_squeeze %dma_start3A_106 : memref<1x128xi32, #tpu.memory_space<vmem>> -> memref<128xi32, #tpu.memory_space<vmem>>
    %dma_start3A_108 = tpu.memref_slice %arg3[%multiple_of3A_99] : memref<327680xi32, #tpu.memory_space<hbm>> -> memref<128xi32, #tpu.memory_space<hbm>>
    tpu.enqueue_dma source(%dma_start3A_108 : memref<128xi32, #tpu.memory_space<hbm>>) target(%dma_start3A_107 : memref<128xi32, #tpu.memory_space<vmem>>) target_semaphore(%arg14 : memref<!tpu.dma_semaphore, #tpu.memory_space<semaphore_mem>>)
    %scan3A = arith.constant 1 : i32
    %scan3A_109 = arith.constant 0 : i32
    %scan3A_110 = arith.constant 0 : i32
    %scan3A_111 = arith.constant 40 : i32
    %scan3A_112 = arith.addi %scan3A_110, %scan3A_111 : i32
    %scan3A_113 = arith.constant 1 : i32
    scf.for %scan3A_139 = %scan3A_110 to %scan3A_112 step %scan3A_113  : i32 {
      %mul3A_140 = arith.constant 1 : i32
      %mul3A_141 = arith.muli %scan3A_139, %mul3A_140 : i32
      %add3A_142 = arith.constant 0 : i32
      %add3A_143 = arith.addi %add3A_142, %mul3A_141 : i32
      %mul3A_144 = arith.constant 2 : i32
      %mul3A_145 = arith.muli %add3A_143, %mul3A_144 : i32
      %add3A_146 = arith.constant 0 : i32
      %add3A_147 = arith.addi %mul3A_145, %add3A_146 : i32
      %add3A_148 = arith.constant 1 : i32
      %add3A_149 = arith.addi %add3A_147, %add3A_148 : i32
      %lt3A = arith.constant 80 : i32
      %lt3A_150 = arith.cmpi slt, %add3A_149, %lt3A : i32
      %convert_element_type3A_151 = arith.extui %lt3A_150 : i1 to i32
      %cond3A_152 = arith.constant 0 : i32
      %cond3A_153 = arith.cmpi ne, %convert_element_type3A_151, %cond3A_152 : i32
      scf.if %cond3A_153 {
        %add3A_201 = arith.constant 1 : i32
        %add3A_202 = arith.addi %add3A_147, %add3A_201 : i32
        %mul3A_203 = arith.constant 128 : i32
        %mul3A_204 = arith.muli %add3A_202, %mul3A_203 : i32
        %add3A_205 = arith.addi %mul3A_2, %mul3A_204 : i32
        %multiple_of3A_206 = tpu.assume_multiple %add3A_205, 128 : i32
        %dma_wait3A_207 = arith.constant 0 : i32
        %dma_wait3A_208 = tpu.memref_slice %arg8[%scan3A, %dma_wait3A_207] : memref<2x128xi32, #tpu.memory_space<vmem>> -> memref<1x128xi32, #tpu.memory_space<vmem>>
        %dma_wait3A_209 = tpu.memref_squeeze %dma_wait3A_208 : memref<1x128xi32, #tpu.memory_space<vmem>> -> memref<128xi32, #tpu.memory_space<vmem>>
        %dma_wait3A_210 = tpu.memref_slice %arg3[%multiple_of3A_206] : memref<327680xi32, #tpu.memory_space<hbm>> -> memref<128xi32, #tpu.memory_space<hbm>>
        %dma_wait3A_211 = arith.constant 0 : i32
        %dma_wait3A_212 = tpu.memref_slice %arg8[%scan3A, %dma_wait3A_211] : memref<2x128xi32, #tpu.memory_space<vmem>> -> memref<1x128xi32, #tpu.memory_space<vmem>>
        %dma_wait3A_213 = tpu.memref_squeeze %dma_wait3A_212 : memref<1x128xi32, #tpu.memory_space<vmem>> -> memref<128xi32, #tpu.memory_space<vmem>>
        %dma_wait3A_214 = tpu.memref_slice %arg3[%multiple_of3A_206] : memref<327680xi32, #tpu.memory_space<hbm>> -> memref<128xi32, #tpu.memory_space<hbm>>
        tpu.wait_dma2 semaphore(%arg14 : memref<!tpu.dma_semaphore, #tpu.memory_space<semaphore_mem>>) src(%dma_wait3A_214 : memref<128xi32, #tpu.memory_space<hbm>>) dst(%dma_wait3A_213 : memref<128xi32, #tpu.memory_space<vmem>>)
        %ge3A = arith.constant 1 : i32
        %ge3A_215 = arith.cmpi sge, %add3A_147, %ge3A : i32
        %convert_element_type3A_216 = arith.extui %ge3A_215 : i1 to i32
        %cond3A_217 = arith.constant 0 : i32
        %cond3A_218 = arith.cmpi ne, %convert_element_type3A_216, %cond3A_217 : i32
        scf.if %cond3A_218 {
          %sub3A = arith.constant 1 : i32
          %sub3A_225 = arith.subi %add3A_147, %sub3A : i32
          %dma_wait3A_226 = arith.constant 0 : i32
          %dma_wait3A_227 = tpu.memref_slice %arg9[%sub3A_225, %dma_wait3A_226] : memref<80x128xi32, #tpu.memory_space<vmem>> -> memref<1x128xi32, #tpu.memory_space<vmem>>
          %dma_wait3A_228 = tpu.memref_squeeze %dma_wait3A_227 : memref<1x128xi32, #tpu.memory_space<vmem>> -> memref<128xi32, #tpu.memory_space<vmem>>
          %dma_wait3A_229 = arith.constant 0 : i32
          %dma_wait3A_230 = arith.constant 0 : i32
          %dma_wait3A_231 = tpu.memref_slice %arg13[%dma_wait3A_229, %dma_wait3A_230] : memref<10112x128xf32, #tpu.memory_space<vmem_shared>> -> memref<10112x128xf32, #tpu.memory_space<vmem_shared>>
          tpu.wait_indirect_dma semaphore(%arg16 : memref<!tpu.dma_semaphore, #tpu.memory_space<semaphore_mem>>) src(%arg11 : memref<128x128xf32, #tpu.memory_space<vmem>>) dst(%dma_wait3A_231 : memref<10112x128xf32, #tpu.memory_space<vmem_shared>>)
        } else {
        }
        %dma_start3A_219 = arith.constant 0 : i32
        %dma_start3A_220 = tpu.memref_slice %arg8[%scan3A, %dma_start3A_219] : memref<2x128xi32, #tpu.memory_space<vmem>> -> memref<1x128xi32, #tpu.memory_space<vmem>>
        %dma_start3A_221 = tpu.memref_squeeze %dma_start3A_220 : memref<1x128xi32, #tpu.memory_space<vmem>> -> memref<128xi32, #tpu.memory_space<vmem>>
        %dma_start3A_222 = arith.constant 0 : i32
        %dma_start3A_223 = arith.constant 0 : i32
        %dma_start3A_224 = tpu.memref_slice %arg2[%dma_start3A_222, %dma_start3A_223] : memref<10000x128xf32, #tpu.memory_space<hbm>> -> memref<10000x128xf32, #tpu.memory_space<hbm>>
        tpu.enqueue_indirect_dma source(%dma_start3A_224 : memref<10000x128xf32, #tpu.memory_space<hbm>>) target(%arg11 : memref<128x128xf32, #tpu.memory_space<vmem>>) offsets(%dma_start3A_221 : memref<128xi32, #tpu.memory_space<vmem>>) semaphore(%arg15 : memref<!tpu.dma_semaphore, #tpu.memory_space<semaphore_mem>>)
      } else {
      }
      %dma_wait3A_154 = arith.constant 0 : i32
      %dma_wait3A_155 = tpu.memref_slice %arg8[%scan3A_109, %dma_wait3A_154] : memref<2x128xi32, #tpu.memory_space<vmem>> -> memref<1x128xi32, #tpu.memory_space<vmem>>
      %dma_wait3A_156 = tpu.memref_squeeze %dma_wait3A_155 : memref<1x128xi32, #tpu.memory_space<vmem>> -> memref<128xi32, #tpu.memory_space<vmem>>
      %dma_wait3A_157 = arith.constant 0 : i32
      %dma_wait3A_158 = arith.constant 0 : i32
      %dma_wait3A_159 = tpu.memref_slice %arg2[%dma_wait3A_157, %dma_wait3A_158] : memref<10000x128xf32, #tpu.memory_space<hbm>> -> memref<10000x128xf32, #tpu.memory_space<hbm>>
      tpu.wait_indirect_dma semaphore(%arg15 : memref<!tpu.dma_semaphore, #tpu.memory_space<semaphore_mem>>) src(%dma_wait3A_159 : memref<10000x128xf32, #tpu.memory_space<hbm>>) dst(%arg10 : memref<128x128xf32, #tpu.memory_space<vmem>>)
      %dma_start3A_160 = arith.constant 0 : i32
      %dma_start3A_161 = tpu.memref_slice %arg9[%add3A_147, %dma_start3A_160] : memref<80x128xi32, #tpu.memory_space<vmem>> -> memref<1x128xi32, #tpu.memory_space<vmem>>
      %dma_start3A_162 = tpu.memref_squeeze %dma_start3A_161 : memref<1x128xi32, #tpu.memory_space<vmem>> -> memref<128xi32, #tpu.memory_space<vmem>>
      %dma_start3A_163 = arith.constant 0 : i32
      %dma_start3A_164 = arith.constant 0 : i32
      %dma_start3A_165 = tpu.memref_slice %arg13[%dma_start3A_163, %dma_start3A_164] : memref<10112x128xf32, #tpu.memory_space<vmem_shared>> -> memref<10112x128xf32, #tpu.memory_space<vmem_shared>>
      tpu.enqueue_indirect_dma source(%arg10 : memref<128x128xf32, #tpu.memory_space<vmem>>) target(%dma_start3A_165 : memref<10112x128xf32, #tpu.memory_space<vmem_shared>>) offsets(%dma_start3A_162 : memref<128xi32, #tpu.memory_space<vmem>>) semaphore(%arg16 : memref<!tpu.dma_semaphore, #tpu.memory_space<semaphore_mem>>) {add = true}
      %add3A_166 = arith.constant 2 : i32
      %add3A_167 = arith.addi %add3A_147, %add3A_166 : i32
      %lt3A_168 = arith.constant 80 : i32
      %lt3A_169 = arith.cmpi slt, %add3A_167, %lt3A_168 : i32
      %convert_element_type3A_170 = arith.extui %lt3A_169 : i1 to i32
      %cond3A_171 = arith.constant 0 : i32
      %cond3A_172 = arith.cmpi ne, %convert_element_type3A_170, %cond3A_171 : i32
      scf.if %cond3A_172 {
        %add3A_201 = arith.constant 2 : i32
        %add3A_202 = arith.addi %add3A_147, %add3A_201 : i32
        %mul3A_203 = arith.constant 128 : i32
        %mul3A_204 = arith.muli %add3A_202, %mul3A_203 : i32
        %add3A_205 = arith.addi %mul3A_2, %mul3A_204 : i32
        %multiple_of3A_206 = tpu.assume_multiple %add3A_205, 128 : i32
        %dma_start3A_207 = arith.constant 0 : i32
        %dma_start3A_208 = tpu.memref_slice %arg8[%scan3A_109, %dma_start3A_207] : memref<2x128xi32, #tpu.memory_space<vmem>> -> memref<1x128xi32, #tpu.memory_space<vmem>>
        %dma_start3A_209 = tpu.memref_squeeze %dma_start3A_208 : memref<1x128xi32, #tpu.memory_space<vmem>> -> memref<128xi32, #tpu.memory_space<vmem>>
        %dma_start3A_210 = tpu.memref_slice %arg3[%multiple_of3A_206] : memref<327680xi32, #tpu.memory_space<hbm>> -> memref<128xi32, #tpu.memory_space<hbm>>
        %dma_start3A_211 = arith.constant 0 : i32
        %dma_start3A_212 = tpu.memref_slice %arg8[%scan3A_109, %dma_start3A_211] : memref<2x128xi32, #tpu.memory_space<vmem>> -> memref<1x128xi32, #tpu.memory_space<vmem>>
        %dma_start3A_213 = tpu.memref_squeeze %dma_start3A_212 : memref<1x128xi32, #tpu.memory_space<vmem>> -> memref<128xi32, #tpu.memory_space<vmem>>
        %dma_start3A_214 = tpu.memref_slice %arg3[%multiple_of3A_206] : memref<327680xi32, #tpu.memory_space<hbm>> -> memref<128xi32, #tpu.memory_space<hbm>>
        tpu.enqueue_dma source(%dma_start3A_214 : memref<128xi32, #tpu.memory_space<hbm>>) target(%dma_start3A_213 : memref<128xi32, #tpu.memory_space<vmem>>) target_semaphore(%arg14 : memref<!tpu.dma_semaphore, #tpu.memory_space<semaphore_mem>>)
      } else {
      }
      %add3A_173 = arith.constant 1 : i32
      %add3A_174 = arith.addi %mul3A_145, %add3A_173 : i32
      %add3A_175 = arith.constant 1 : i32
      %add3A_176 = arith.addi %add3A_174, %add3A_175 : i32
      %lt3A_177 = arith.constant 80 : i32
      %lt3A_178 = arith.cmpi slt, %add3A_176, %lt3A_177 : i32
      %convert_element_type3A_179 = arith.extui %lt3A_178 : i1 to i32
      %cond3A_180 = arith.constant 0 : i32
      %cond3A_181 = arith.cmpi ne, %convert_element_type3A_179, %cond3A_180 : i32
      scf.if %cond3A_181 {
        %add3A_201 = arith.constant 1 : i32
        %add3A_202 = arith.addi %add3A_174, %add3A_201 : i32
        %mul3A_203 = arith.constant 128 : i32
        %mul3A_204 = arith.muli %add3A_202, %mul3A_203 : i32
        %add3A_205 = arith.addi %mul3A_2, %mul3A_204 : i32
        %multiple_of3A_206 = tpu.assume_multiple %add3A_205, 128 : i32
        %dma_wait3A_207 = arith.constant 0 : i32
        %dma_wait3A_208 = tpu.memref_slice %arg8[%scan3A_109, %dma_wait3A_207] : memref<2x128xi32, #tpu.memory_space<vmem>> -> memref<1x128xi32, #tpu.memory_space<vmem>>
        %dma_wait3A_209 = tpu.memref_squeeze %dma_wait3A_208 : memref<1x128xi32, #tpu.memory_space<vmem>> -> memref<128xi32, #tpu.memory_space<vmem>>
        %dma_wait3A_210 = tpu.memref_slice %arg3[%multiple_of3A_206] : memref<327680xi32, #tpu.memory_space<hbm>> -> memref<128xi32, #tpu.memory_space<hbm>>
        %dma_wait3A_211 = arith.constant 0 : i32
        %dma_wait3A_212 = tpu.memref_slice %arg8[%scan3A_109, %dma_wait3A_211] : memref<2x128xi32, #tpu.memory_space<vmem>> -> memref<1x128xi32, #tpu.memory_space<vmem>>
        %dma_wait3A_213 = tpu.memref_squeeze %dma_wait3A_212 : memref<1x128xi32, #tpu.memory_space<vmem>> -> memref<128xi32, #tpu.memory_space<vmem>>
        %dma_wait3A_214 = tpu.memref_slice %arg3[%multiple_of3A_206] : memref<327680xi32, #tpu.memory_space<hbm>> -> memref<128xi32, #tpu.memory_space<hbm>>
        tpu.wait_dma2 semaphore(%arg14 : memref<!tpu.dma_semaphore, #tpu.memory_space<semaphore_mem>>) src(%dma_wait3A_214 : memref<128xi32, #tpu.memory_space<hbm>>) dst(%dma_wait3A_213 : memref<128xi32, #tpu.memory_space<vmem>>)
        %ge3A = arith.constant 1 : i32
        %ge3A_215 = arith.cmpi sge, %add3A_174, %ge3A : i32
        %convert_element_type3A_216 = arith.extui %ge3A_215 : i1 to i32
        %cond3A_217 = arith.constant 0 : i32
        %cond3A_218 = arith.cmpi ne, %convert_element_type3A_216, %cond3A_217 : i32
        scf.if %cond3A_218 {
          %sub3A = arith.constant 1 : i32
          %sub3A_225 = arith.subi %add3A_174, %sub3A : i32
          %dma_wait3A_226 = arith.constant 0 : i32
          %dma_wait3A_227 = tpu.memref_slice %arg9[%sub3A_225, %dma_wait3A_226] : memref<80x128xi32, #tpu.memory_space<vmem>> -> memref<1x128xi32, #tpu.memory_space<vmem>>
          %dma_wait3A_228 = tpu.memref_squeeze %dma_wait3A_227 : memref<1x128xi32, #tpu.memory_space<vmem>> -> memref<128xi32, #tpu.memory_space<vmem>>
          %dma_wait3A_229 = arith.constant 0 : i32
          %dma_wait3A_230 = arith.constant 0 : i32
          %dma_wait3A_231 = tpu.memref_slice %arg13[%dma_wait3A_229, %dma_wait3A_230] : memref<10112x128xf32, #tpu.memory_space<vmem_shared>> -> memref<10112x128xf32, #tpu.memory_space<vmem_shared>>
          tpu.wait_indirect_dma semaphore(%arg16 : memref<!tpu.dma_semaphore, #tpu.memory_space<semaphore_mem>>) src(%arg10 : memref<128x128xf32, #tpu.memory_space<vmem>>) dst(%dma_wait3A_231 : memref<10112x128xf32, #tpu.memory_space<vmem_shared>>)
        } else {
        }
        %dma_start3A_219 = arith.constant 0 : i32
        %dma_start3A_220 = tpu.memref_slice %arg8[%scan3A_109, %dma_start3A_219] : memref<2x128xi32, #tpu.memory_space<vmem>> -> memref<1x128xi32, #tpu.memory_space<vmem>>
        %dma_start3A_221 = tpu.memref_squeeze %dma_start3A_220 : memref<1x128xi32, #tpu.memory_space<vmem>> -> memref<128xi32, #tpu.memory_space<vmem>>
        %dma_start3A_222 = arith.constant 0 : i32
        %dma_start3A_223 = arith.constant 0 : i32
        %dma_start3A_224 = tpu.memref_slice %arg2[%dma_start3A_222, %dma_start3A_223] : memref<10000x128xf32, #tpu.memory_space<hbm>> -> memref<10000x128xf32, #tpu.memory_space<hbm>>
        tpu.enqueue_indirect_dma source(%dma_start3A_224 : memref<10000x128xf32, #tpu.memory_space<hbm>>) target(%arg10 : memref<128x128xf32, #tpu.memory_space<vmem>>) offsets(%dma_start3A_221 : memref<128xi32, #tpu.memory_space<vmem>>) semaphore(%arg15 : memref<!tpu.dma_semaphore, #tpu.memory_space<semaphore_mem>>)
      } else {
      }
      %dma_wait3A_182 = arith.constant 0 : i32
      %dma_wait3A_183 = tpu.memref_slice %arg8[%scan3A, %dma_wait3A_182] : memref<2x128xi32, #tpu.memory_space<vmem>> -> memref<1x128xi32, #tpu.memory_space<vmem>>
      %dma_wait3A_184 = tpu.memref_squeeze %dma_wait3A_183 : memref<1x128xi32, #tpu.memory_space<vmem>> -> memref<128xi32, #tpu.memory_space<vmem>>
      %dma_wait3A_185 = arith.constant 0 : i32
      %dma_wait3A_186 = arith.constant 0 : i32
      %dma_wait3A_187 = tpu.memref_slice %arg2[%dma_wait3A_185, %dma_wait3A_186] : memref<10000x128xf32, #tpu.memory_space<hbm>> -> memref<10000x128xf32, #tpu.memory_space<hbm>>
      tpu.wait_indirect_dma semaphore(%arg15 : memref<!tpu.dma_semaphore, #tpu.memory_space<semaphore_mem>>) src(%dma_wait3A_187 : memref<10000x128xf32, #tpu.memory_space<hbm>>) dst(%arg11 : memref<128x128xf32, #tpu.memory_space<vmem>>)
      %dma_start3A_188 = arith.constant 0 : i32
      %dma_start3A_189 = tpu.memref_slice %arg9[%add3A_174, %dma_start3A_188] : memref<80x128xi32, #tpu.memory_space<vmem>> -> memref<1x128xi32, #tpu.memory_space<vmem>>
      %dma_start3A_190 = tpu.memref_squeeze %dma_start3A_189 : memref<1x128xi32, #tpu.memory_space<vmem>> -> memref<128xi32, #tpu.memory_space<vmem>>
      %dma_start3A_191 = arith.constant 0 : i32
      %dma_start3A_192 = arith.constant 0 : i32
      %dma_start3A_193 = tpu.memref_slice %arg13[%dma_start3A_191, %dma_start3A_192] : memref<10112x128xf32, #tpu.memory_space<vmem_shared>> -> memref<10112x128xf32, #tpu.memory_space<vmem_shared>>
      tpu.enqueue_indirect_dma source(%arg11 : memref<128x128xf32, #tpu.memory_space<vmem>>) target(%dma_start3A_193 : memref<10112x128xf32, #tpu.memory_space<vmem_shared>>) offsets(%dma_start3A_190 : memref<128xi32, #tpu.memory_space<vmem>>) semaphore(%arg16 : memref<!tpu.dma_semaphore, #tpu.memory_space<semaphore_mem>>) {add = true}
      %add3A_194 = arith.constant 2 : i32
      %add3A_195 = arith.addi %add3A_174, %add3A_194 : i32
      %lt3A_196 = arith.constant 80 : i32
      %lt3A_197 = arith.cmpi slt, %add3A_195, %lt3A_196 : i32
      %convert_element_type3A_198 = arith.extui %lt3A_197 : i1 to i32
      %cond3A_199 = arith.constant 0 : i32
      %cond3A_200 = arith.cmpi ne, %convert_element_type3A_198, %cond3A_199 : i32
      scf.if %cond3A_200 {
        %add3A_201 = arith.constant 2 : i32
        %add3A_202 = arith.addi %add3A_174, %add3A_201 : i32
        %mul3A_203 = arith.constant 128 : i32
        %mul3A_204 = arith.muli %add3A_202, %mul3A_203 : i32
        %add3A_205 = arith.addi %mul3A_2, %mul3A_204 : i32
        %multiple_of3A_206 = tpu.assume_multiple %add3A_205, 128 : i32
        %dma_start3A_207 = arith.constant 0 : i32
        %dma_start3A_208 = tpu.memref_slice %arg8[%scan3A, %dma_start3A_207] : memref<2x128xi32, #tpu.memory_space<vmem>> -> memref<1x128xi32, #tpu.memory_space<vmem>>
        %dma_start3A_209 = tpu.memref_squeeze %dma_start3A_208 : memref<1x128xi32, #tpu.memory_space<vmem>> -> memref<128xi32, #tpu.memory_space<vmem>>
        %dma_start3A_210 = tpu.memref_slice %arg3[%multiple_of3A_206] : memref<327680xi32, #tpu.memory_space<hbm>> -> memref<128xi32, #tpu.memory_space<hbm>>
        %dma_start3A_211 = arith.constant 0 : i32
        %dma_start3A_212 = tpu.memref_slice %arg8[%scan3A, %dma_start3A_211] : memref<2x128xi32, #tpu.memory_space<vmem>> -> memref<1x128xi32, #tpu.memory_space<vmem>>
        %dma_start3A_213 = tpu.memref_squeeze %dma_start3A_212 : memref<1x128xi32, #tpu.memory_space<vmem>> -> memref<128xi32, #tpu.memory_space<vmem>>
        %dma_start3A_214 = tpu.memref_slice %arg3[%multiple_of3A_206] : memref<327680xi32, #tpu.memory_space<hbm>> -> memref<128xi32, #tpu.memory_space<hbm>>
        tpu.enqueue_dma source(%dma_start3A_214 : memref<128xi32, #tpu.memory_space<hbm>>) target(%dma_start3A_213 : memref<128xi32, #tpu.memory_space<vmem>>) target_semaphore(%arg14 : memref<!tpu.dma_semaphore, #tpu.memory_space<semaphore_mem>>)
      } else {
      }
    }
    %scan3A_114 = arith.constant 40 : i32
    %dma_wait3A_115 = arith.constant 78 : i32
    %dma_wait3A_116 = arith.constant 0 : i32
    %dma_wait3A_117 = tpu.memref_slice %arg9[%dma_wait3A_115, %dma_wait3A_116] : memref<80x128xi32, #tpu.memory_space<vmem>> -> memref<1x128xi32, #tpu.memory_space<vmem>>
    %dma_wait3A_118 = tpu.memref_squeeze %dma_wait3A_117 : memref<1x128xi32, #tpu.memory_space<vmem>> -> memref<128xi32, #tpu.memory_space<vmem>>
    %dma_wait3A_119 = arith.constant 0 : i32
    %dma_wait3A_120 = arith.constant 0 : i32
    %dma_wait3A_121 = tpu.memref_slice %arg13[%dma_wait3A_119, %dma_wait3A_120] : memref<10112x128xf32, #tpu.memory_space<vmem_shared>> -> memref<10112x128xf32, #tpu.memory_space<vmem_shared>>
    tpu.wait_indirect_dma semaphore(%arg16 : memref<!tpu.dma_semaphore, #tpu.memory_space<semaphore_mem>>) src(%arg10 : memref<128x128xf32, #tpu.memory_space<vmem>>) dst(%dma_wait3A_121 : memref<10112x128xf32, #tpu.memory_space<vmem_shared>>)
    %dma_wait3A_122 = arith.constant 79 : i32
    %dma_wait3A_123 = arith.constant 0 : i32
    %dma_wait3A_124 = tpu.memref_slice %arg9[%dma_wait3A_122, %dma_wait3A_123] : memref<80x128xi32, #tpu.memory_space<vmem>> -> memref<1x128xi32, #tpu.memory_space<vmem>>
    %dma_wait3A_125 = tpu.memref_squeeze %dma_wait3A_124 : memref<1x128xi32, #tpu.memory_space<vmem>> -> memref<128xi32, #tpu.memory_space<vmem>>
    %dma_wait3A_126 = arith.constant 0 : i32
    %dma_wait3A_127 = arith.constant 0 : i32
    %dma_wait3A_128 = tpu.memref_slice %arg13[%dma_wait3A_126, %dma_wait3A_127] : memref<10112x128xf32, #tpu.memory_space<vmem_shared>> -> memref<10112x128xf32, #tpu.memory_space<vmem_shared>>
    tpu.wait_indirect_dma semaphore(%arg16 : memref<!tpu.dma_semaphore, #tpu.memory_space<semaphore_mem>>) src(%arg11 : memref<128x128xf32, #tpu.memory_space<vmem>>) dst(%dma_wait3A_128 : memref<10112x128xf32, #tpu.memory_space<vmem_shared>>)
    %barrier3A_129 = arith.constant 0 : index
    tpu.barrier barrier_id(%barrier3A_129)
    %mul3A_130 = arith.constant 632 : i32
    %mul3A_131 = arith.muli %arg1, %mul3A_130 : i32
    %eq3A = arith.constant 0 : i32
    %eq3A_132 = arith.cmpi eq, %arg0, %eq3A : i32
    %convert_element_type3A = arith.extui %eq3A_132 : i1 to i32
    %cond3A = arith.constant 0 : i32
    %cond3A_133 = arith.cmpi ne, %convert_element_type3A, %cond3A : i32
    scf.if %cond3A_133 {
      "tpu.region"() ({
        %run_scoped3A = tpu.sem_alloc : memref<!tpu.dma_semaphore, #tpu.memory_space<semaphore_mem>>
        %dma_start3A_139 = arith.constant 0 : i32
        %dma_start3A_140 = tpu.memref_slice %arg6[%mul3A_131, %dma_start3A_139] : memref<10112x128xf32, #tpu.memory_space<hbm>> -> memref<632x128xf32, #tpu.memory_space<hbm>>
        %dma_start3A_141 = arith.constant 0 : i32
        %dma_start3A_142 = tpu.memref_slice %arg13[%mul3A_131, %dma_start3A_141] : memref<10112x128xf32, #tpu.memory_space<vmem_shared>> -> memref<632x128xf32, #tpu.memory_space<vmem_shared>>
        tpu.enqueue_dma source(%dma_start3A_142 : memref<632x128xf32, #tpu.memory_space<vmem_shared>>) target(%dma_start3A_140 : memref<632x128xf32, #tpu.memory_space<hbm>>) target_semaphore(%run_scoped3A : memref<!tpu.dma_semaphore, #tpu.memory_space<semaphore_mem>>)
        %dma_wait3A_143 = arith.constant 0 : i32
        %dma_wait3A_144 = tpu.memref_slice %arg6[%mul3A_131, %dma_wait3A_143] : memref<10112x128xf32, #tpu.memory_space<hbm>> -> memref<632x128xf32, #tpu.memory_space<hbm>>
        %dma_wait3A_145 = arith.constant 0 : i32
        %dma_wait3A_146 = tpu.memref_slice %arg13[%mul3A_131, %dma_wait3A_145] : memref<10112x128xf32, #tpu.memory_space<vmem_shared>> -> memref<632x128xf32, #tpu.memory_space<vmem_shared>>
        tpu.wait_dma2 semaphore(%run_scoped3A : memref<!tpu.dma_semaphore, #tpu.memory_space<semaphore_mem>>) src(%dma_wait3A_146 : memref<632x128xf32, #tpu.memory_space<vmem_shared>>) dst(%dma_wait3A_144 : memref<632x128xf32, #tpu.memory_space<hbm>>)
        tpu.yield
      }) : () -> ()
    } else {
    }
    %eq3A_134 = arith.constant 1 : i32
    %eq3A_135 = arith.cmpi eq, %arg0, %eq3A_134 : i32
    %convert_element_type3A_136 = arith.extui %eq3A_135 : i1 to i32
    %cond3A_137 = arith.constant 0 : i32
    %cond3A_138 = arith.cmpi ne, %convert_element_type3A_136, %cond3A_137 : i32
    scf.if %cond3A_138 {
      "tpu.region"() ({
        %run_scoped3A = tpu.sem_alloc : memref<!tpu.dma_semaphore, #tpu.memory_space<semaphore_mem>>
        %dma_start3A_139 = arith.constant 0 : i32
        %dma_start3A_140 = tpu.memref_slice %arg7[%mul3A_131, %dma_start3A_139] : memref<10112x128xf32, #tpu.memory_space<hbm>> -> memref<632x128xf32, #tpu.memory_space<hbm>>
        %dma_start3A_141 = arith.constant 0 : i32
        %dma_start3A_142 = tpu.memref_slice %arg13[%mul3A_131, %dma_start3A_141] : memref<10112x128xf32, #tpu.memory_space<vmem_shared>> -> memref<632x128xf32, #tpu.memory_space<vmem_shared>>
        tpu.enqueue_dma source(%dma_start3A_142 : memref<632x128xf32, #tpu.memory_space<vmem_shared>>) target(%dma_start3A_140 : memref<632x128xf32, #tpu.memory_space<hbm>>) target_semaphore(%run_scoped3A : memref<!tpu.dma_semaphore, #tpu.memory_space<semaphore_mem>>)
        %dma_wait3A_143 = arith.constant 0 : i32
        %dma_wait3A_144 = tpu.memref_slice %arg7[%mul3A_131, %dma_wait3A_143] : memref<10112x128xf32, #tpu.memory_space<hbm>> -> memref<632x128xf32, #tpu.memory_space<hbm>>
        %dma_wait3A_145 = arith.constant 0 : i32
        %dma_wait3A_146 = tpu.memref_slice %arg13[%mul3A_131, %dma_wait3A_145] : memref<10112x128xf32, #tpu.memory_space<vmem_shared>> -> memref<632x128xf32, #tpu.memory_space<vmem_shared>>
        tpu.wait_dma2 semaphore(%run_scoped3A : memref<!tpu.dma_semaphore, #tpu.memory_space<semaphore_mem>>) src(%dma_wait3A_146 : memref<632x128xf32, #tpu.memory_space<vmem_shared>>) dst(%dma_wait3A_144 : memref<632x128xf32, #tpu.memory_space<hbm>>)
        tpu.yield
      }) : () -> ()
    } else {
    }
    return
  }
}

module attributes {stable_mosaic.version = 14 : i64} {
  func.func @_tc_enc_body(%arg0: i32, %arg1: memref<400x1xi32, #tpu.memory_space<vmem>>, %arg2: memref<400x8xf32, #tpu.memory_space<vmem>>, %arg3: memref<8x128xf32, #tpu.memory_space<vmem>>, %arg4: memref<16x128xf32, #tpu.memory_space<vmem>>, %arg5: memref<50x128xf32, #tpu.memory_space<vmem>>, %arg6: memref<1x128xf32, #tpu.memory_space<vmem>>, %arg7: memref<256x128xf32, #tpu.memory_space<vmem>>, %arg8: memref<400x128xf32, #tpu.memory_space<vmem>>, %arg9: memref<400x128xf32, #tpu.memory_space<vmem>>, %arg10: memref<8x128xf32, #tpu.memory_space<vmem>>) attributes {dimension_semantics = [#tpu.dimension_semantics<arbitrary>], iteration_bounds = array<i64: 25>, scalar_prefetch = 0 : i64, scratch_operands = 0 : i64, tpu.core_type = #tpu.core_type<tc>, window_params = [{transform_indices = @transform_0, window_bounds = array<i64: 400, 1>}, {transform_indices = @transform_1, window_bounds = array<i64: 400, 8>}, {pipeline_mode = #tpu.pipeline_mode<synchronous>, transform_indices = @transform_2, window_bounds = array<i64: 8, 128>}, {pipeline_mode = #tpu.pipeline_mode<synchronous>, transform_indices = @transform_3, window_bounds = array<i64: 16, 128>}, {pipeline_mode = #tpu.pipeline_mode<synchronous>, transform_indices = @transform_4, window_bounds = array<i64: 50, 128>}, {pipeline_mode = #tpu.pipeline_mode<synchronous>, transform_indices = @transform_5, window_bounds = array<i64: 1, 128>}, {pipeline_mode = #tpu.pipeline_mode<synchronous>, transform_indices = @transform_6, window_bounds = array<i64: 256, 128>}, {transform_indices = @transform_7, window_bounds = array<i64: 400, 128>}, {transform_indices = @transform_8, window_bounds = array<i64: 400, 128>}, {transform_indices = @transform_9, window_bounds = array<i64: 8, 128>}]} {
    %get3A = arith.constant 0 : index
    %get3A_0 = arith.constant 0 : index
    %get3A_1 = vector.load %arg1[%get3A, %get3A_0] : memref<400x1xi32, #tpu.memory_space<vmem>>, vector<400x1xi32>
    %iota3A = tpu.iota {dimensions = array<i32: 1>} : vector<1x16xi32>
    %eq3A = vector.broadcast %get3A_1 : vector<400x1xi32> to vector<400x16xi32>
    %eq3A_2 = vector.broadcast %iota3A : vector<1x16xi32> to vector<400x16xi32>
    %eq3A_3 = arith.cmpi eq, %eq3A, %eq3A_2 : vector<400x16xi32>
    %convert_element_type3A = arith.extui %eq3A_3 : vector<400x16xi1> to vector<400x16xi32>
    %convert_element_type3A_4 = arith.sitofp %convert_element_type3A : vector<400x16xi32> to vector<400x16xf32>
    %get3A_5 = arith.constant 0 : index
    %get3A_6 = arith.constant 0 : index
    %get3A_7 = vector.load %arg5[%get3A_5, %get3A_6] : memref<50x128xf32, #tpu.memory_space<vmem>>, vector<50x128xf32>
    %tile3A = tpu.concatenate %get3A_7, %get3A_7, %get3A_7, %get3A_7, %get3A_7, %get3A_7, %get3A_7, %get3A_7 in 0 : vector<50x128xf32>, vector<50x128xf32>, vector<50x128xf32>, vector<50x128xf32>, vector<50x128xf32>, vector<50x128xf32>, vector<50x128xf32>, vector<50x128xf32> -> vector<400x128xf32>
    %get3A_8 = arith.constant 0 : index
    %get3A_9 = arith.constant 0 : index
    %get3A_10 = vector.load %arg2[%get3A_8, %get3A_9] : memref<400x8xf32, #tpu.memory_space<vmem>>, vector<400x8xf32>
    %get3A_11 = arith.constant 0 : index
    %get3A_12 = arith.constant 0 : index
    %get3A_13 = vector.load %arg3[%get3A_11, %get3A_12] : memref<8x128xf32, #tpu.memory_space<vmem>>, vector<8x128xf32>
    %dot_general3A = arith.constant dense<0.000000e+00> : vector<400x128xf32>
    %dot_general3A_14 = tpu.matmul %get3A_10, %get3A_13, %dot_general3A {dimension_numbers = #tpu.dot_dimension_numbers<[1], [0], [0], [1], [0, 0, 1, 1], [], []>, transpose_lhs_hint = false} : vector<400x8xf32>, vector<8x128xf32>, vector<400x128xf32> -> vector<400x128xf32>
    %get3A_15 = arith.constant 0 : index
    %get3A_16 = arith.constant 0 : index
    %get3A_17 = vector.load %arg4[%get3A_15, %get3A_16] : memref<16x128xf32, #tpu.memory_space<vmem>>, vector<16x128xf32>
    %dot_general3A_18 = arith.constant dense<0.000000e+00> : vector<400x128xf32>
    %dot_general3A_19 = tpu.matmul %convert_element_type3A_4, %get3A_17, %dot_general3A_18 {dimension_numbers = #tpu.dot_dimension_numbers<[1], [0], [0], [1], [0, 0, 1, 1], [], []>, transpose_lhs_hint = false} : vector<400x16xf32>, vector<16x128xf32>, vector<400x128xf32> -> vector<400x128xf32>
    %add3A = arith.addf %dot_general3A_14, %dot_general3A_19 : vector<400x128xf32>
    %add3A_20 = arith.addf %add3A, %tile3A : vector<400x128xf32>
    %get3A_21 = arith.constant 0 : index
    %get3A_22 = arith.constant 0 : index
    %get3A_23 = vector.load %arg6[%get3A_21, %get3A_22] : memref<1x128xf32, #tpu.memory_space<vmem>>, vector<1x128xf32>
    %add3A_24 = vector.broadcast %get3A_23 : vector<1x128xf32> to vector<400x128xf32>
    %add3A_25 = arith.addf %add3A_20, %add3A_24 : vector<400x128xf32>
    %max3A = arith.constant 0.000000e+00 : f32
    %max3A_26 = vector.broadcast %max3A : f32 to vector<400x128xf32>
    %max3A_27 = arith.maximumf %add3A_25, %max3A_26 : vector<400x128xf32>
    %get3A_28 = arith.constant 0 : index
    %get3A_29 = arith.constant 0 : index
    %get3A_30 = vector.load %arg7[%get3A_28, %get3A_29] : memref<256x128xf32, #tpu.memory_space<vmem>>, vector<256x128xf32>
    %slice3A = vector.extract_strided_slice %get3A_30 {offsets = [0, 0], sizes = [128, 128], strides = [1, 1]} : vector<256x128xf32> to vector<128x128xf32>
    %dot_general3A_31 = arith.constant dense<0.000000e+00> : vector<400x128xf32>
    %dot_general3A_32 = tpu.matmul %max3A_27, %slice3A, %dot_general3A_31 {dimension_numbers = #tpu.dot_dimension_numbers<[1], [0], [0], [1], [0, 0, 1, 1], [], []>, transpose_lhs_hint = false} : vector<400x128xf32>, vector<128x128xf32>, vector<400x128xf32> -> vector<400x128xf32>
    %swap3A = arith.constant 0 : index
    %swap3A_33 = arith.constant 0 : index
    %swap3A_34 = vector.load %arg8[%swap3A, %swap3A_33] : memref<400x128xf32, #tpu.memory_space<vmem>>, vector<400x128xf32>
    tpu.vector_store %arg8[%swap3A, %swap3A_33], %dot_general3A_32 {strides = array<i32>} : memref<400x128xf32, #tpu.memory_space<vmem>>, vector<400x128xf32>,
    %slice3A_35 = vector.extract_strided_slice %get3A_30 {offsets = [128, 0], sizes = [128, 128], strides = [1, 1]} : vector<256x128xf32> to vector<128x128xf32>
    %dot_general3A_36 = arith.constant dense<0.000000e+00> : vector<400x128xf32>
    %dot_general3A_37 = tpu.matmul %max3A_27, %slice3A_35, %dot_general3A_36 {dimension_numbers = #tpu.dot_dimension_numbers<[1], [0], [0], [1], [0, 0, 1, 1], [], []>, transpose_lhs_hint = false} : vector<400x128xf32>, vector<128x128xf32>, vector<400x128xf32> -> vector<400x128xf32>
    %swap3A_38 = arith.constant 0 : index
    %swap3A_39 = arith.constant 0 : index
    %swap3A_40 = vector.load %arg9[%swap3A_38, %swap3A_39] : memref<400x128xf32, #tpu.memory_space<vmem>>, vector<400x128xf32>
    tpu.vector_store %arg9[%swap3A_38, %swap3A_39], %dot_general3A_37 {strides = array<i32>} : memref<400x128xf32, #tpu.memory_space<vmem>>, vector<400x128xf32>,
    %slice3A_41 = vector.extract_strided_slice %max3A_27 {offsets = [0, 0], sizes = [50, 128], strides = [1, 1]} : vector<400x128xf32> to vector<50x128xf32>
    %reduce_max3A = arith.constant dense<0xFF800000> : vector<128xf32>
    %reduce_max3A_42 = vector.multi_reduction <maximumf>, %slice3A_41, %reduce_max3A [0] : vector<50x128xf32> to vector<128xf32>
    %broadcast_in_dim3A = vector.shape_cast %reduce_max3A_42 : vector<128xf32> to vector<1x128xf32>
    %swap3A_43 = arith.constant 0 : index
    %swap3A_44 = arith.constant 0 : index
    %swap3A_45 = vector.load %arg10[%swap3A_43, %swap3A_44] : memref<8x128xf32, #tpu.memory_space<vmem>>, vector<1x128xf32>
    tpu.vector_store %arg10[%swap3A_43, %swap3A_44], %broadcast_in_dim3A {strides = array<i32>} : memref<8x128xf32, #tpu.memory_space<vmem>>, vector<1x128xf32>,
    %slice3A_46 = vector.extract_strided_slice %max3A_27 {offsets = [50, 0], sizes = [50, 128], strides = [1, 1]} : vector<400x128xf32> to vector<50x128xf32>
    %reduce_max3A_47 = arith.constant dense<0xFF800000> : vector<128xf32>
    %reduce_max3A_48 = vector.multi_reduction <maximumf>, %slice3A_46, %reduce_max3A_47 [0] : vector<50x128xf32> to vector<128xf32>
    %broadcast_in_dim3A_49 = vector.shape_cast %reduce_max3A_48 : vector<128xf32> to vector<1x128xf32>
    %swap3A_50 = arith.constant 1 : index
    %swap3A_51 = arith.constant 0 : index
    %swap3A_52 = vector.load %arg10[%swap3A_50, %swap3A_51] : memref<8x128xf32, #tpu.memory_space<vmem>>, vector<1x128xf32>
    tpu.vector_store %arg10[%swap3A_50, %swap3A_51], %broadcast_in_dim3A_49 {strides = array<i32>} : memref<8x128xf32, #tpu.memory_space<vmem>>, vector<1x128xf32>,
    %slice3A_53 = vector.extract_strided_slice %max3A_27 {offsets = [100, 0], sizes = [50, 128], strides = [1, 1]} : vector<400x128xf32> to vector<50x128xf32>
    %reduce_max3A_54 = arith.constant dense<0xFF800000> : vector<128xf32>
    %reduce_max3A_55 = vector.multi_reduction <maximumf>, %slice3A_53, %reduce_max3A_54 [0] : vector<50x128xf32> to vector<128xf32>
    %broadcast_in_dim3A_56 = vector.shape_cast %reduce_max3A_55 : vector<128xf32> to vector<1x128xf32>
    %swap3A_57 = arith.constant 2 : index
    %swap3A_58 = arith.constant 0 : index
    %swap3A_59 = vector.load %arg10[%swap3A_57, %swap3A_58] : memref<8x128xf32, #tpu.memory_space<vmem>>, vector<1x128xf32>
    tpu.vector_store %arg10[%swap3A_57, %swap3A_58], %broadcast_in_dim3A_56 {strides = array<i32>} : memref<8x128xf32, #tpu.memory_space<vmem>>, vector<1x128xf32>,
    %slice3A_60 = vector.extract_strided_slice %max3A_27 {offsets = [150, 0], sizes = [50, 128], strides = [1, 1]} : vector<400x128xf32> to vector<50x128xf32>
    %reduce_max3A_61 = arith.constant dense<0xFF800000> : vector<128xf32>
    %reduce_max3A_62 = vector.multi_reduction <maximumf>, %slice3A_60, %reduce_max3A_61 [0] : vector<50x128xf32> to vector<128xf32>
    %broadcast_in_dim3A_63 = vector.shape_cast %reduce_max3A_62 : vector<128xf32> to vector<1x128xf32>
    %swap3A_64 = arith.constant 3 : index
    %swap3A_65 = arith.constant 0 : index
    %swap3A_66 = vector.load %arg10[%swap3A_64, %swap3A_65] : memref<8x128xf32, #tpu.memory_space<vmem>>, vector<1x128xf32>
    tpu.vector_store %arg10[%swap3A_64, %swap3A_65], %broadcast_in_dim3A_63 {strides = array<i32>} : memref<8x128xf32, #tpu.memory_space<vmem>>, vector<1x128xf32>,
    %slice3A_67 = vector.extract_strided_slice %max3A_27 {offsets = [200, 0], sizes = [50, 128], strides = [1, 1]} : vector<400x128xf32> to vector<50x128xf32>
    %reduce_max3A_68 = arith.constant dense<0xFF800000> : vector<128xf32>
    %reduce_max3A_69 = vector.multi_reduction <maximumf>, %slice3A_67, %reduce_max3A_68 [0] : vector<50x128xf32> to vector<128xf32>
    %broadcast_in_dim3A_70 = vector.shape_cast %reduce_max3A_69 : vector<128xf32> to vector<1x128xf32>
    %swap3A_71 = arith.constant 4 : index
    %swap3A_72 = arith.constant 0 : index
    %swap3A_73 = vector.load %arg10[%swap3A_71, %swap3A_72] : memref<8x128xf32, #tpu.memory_space<vmem>>, vector<1x128xf32>
    tpu.vector_store %arg10[%swap3A_71, %swap3A_72], %broadcast_in_dim3A_70 {strides = array<i32>} : memref<8x128xf32, #tpu.memory_space<vmem>>, vector<1x128xf32>,
    %slice3A_74 = vector.extract_strided_slice %max3A_27 {offsets = [250, 0], sizes = [50, 128], strides = [1, 1]} : vector<400x128xf32> to vector<50x128xf32>
    %reduce_max3A_75 = arith.constant dense<0xFF800000> : vector<128xf32>
    %reduce_max3A_76 = vector.multi_reduction <maximumf>, %slice3A_74, %reduce_max3A_75 [0] : vector<50x128xf32> to vector<128xf32>
    %broadcast_in_dim3A_77 = vector.shape_cast %reduce_max3A_76 : vector<128xf32> to vector<1x128xf32>
    %swap3A_78 = arith.constant 5 : index
    %swap3A_79 = arith.constant 0 : index
    %swap3A_80 = vector.load %arg10[%swap3A_78, %swap3A_79] : memref<8x128xf32, #tpu.memory_space<vmem>>, vector<1x128xf32>
    tpu.vector_store %arg10[%swap3A_78, %swap3A_79], %broadcast_in_dim3A_77 {strides = array<i32>} : memref<8x128xf32, #tpu.memory_space<vmem>>, vector<1x128xf32>,
    %slice3A_81 = vector.extract_strided_slice %max3A_27 {offsets = [300, 0], sizes = [50, 128], strides = [1, 1]} : vector<400x128xf32> to vector<50x128xf32>
    %reduce_max3A_82 = arith.constant dense<0xFF800000> : vector<128xf32>
    %reduce_max3A_83 = vector.multi_reduction <maximumf>, %slice3A_81, %reduce_max3A_82 [0] : vector<50x128xf32> to vector<128xf32>
    %broadcast_in_dim3A_84 = vector.shape_cast %reduce_max3A_83 : vector<128xf32> to vector<1x128xf32>
    %swap3A_85 = arith.constant 6 : index
    %swap3A_86 = arith.constant 0 : index
    %swap3A_87 = vector.load %arg10[%swap3A_85, %swap3A_86] : memref<8x128xf32, #tpu.memory_space<vmem>>, vector<1x128xf32>
    tpu.vector_store %arg10[%swap3A_85, %swap3A_86], %broadcast_in_dim3A_84 {strides = array<i32>} : memref<8x128xf32, #tpu.memory_space<vmem>>, vector<1x128xf32>,
    %slice3A_88 = vector.extract_strided_slice %max3A_27 {offsets = [350, 0], sizes = [50, 128], strides = [1, 1]} : vector<400x128xf32> to vector<50x128xf32>
    %reduce_max3A_89 = arith.constant dense<0xFF800000> : vector<128xf32>
    %reduce_max3A_90 = vector.multi_reduction <maximumf>, %slice3A_88, %reduce_max3A_89 [0] : vector<50x128xf32> to vector<128xf32>
    %broadcast_in_dim3A_91 = vector.shape_cast %reduce_max3A_90 : vector<128xf32> to vector<1x128xf32>
    %swap3A_92 = arith.constant 7 : index
    %swap3A_93 = arith.constant 0 : index
    %swap3A_94 = vector.load %arg10[%swap3A_92, %swap3A_93] : memref<8x128xf32, #tpu.memory_space<vmem>>, vector<1x128xf32>
    tpu.vector_store %arg10[%swap3A_92, %swap3A_93], %broadcast_in_dim3A_91 {strides = array<i32>} : memref<8x128xf32, #tpu.memory_space<vmem>>, vector<1x128xf32>,
    return
  }
  func.func @transform_0(%arg0: i32) -> (i32, i32) {
    %c0_i32 = arith.constant 0 : i32
    %c0_i32_0 = arith.constant 0 : i32
    return %arg0, %c0_i32 : i32, i32
  }
  func.func @transform_1(%arg0: i32) -> (i32, i32) {
    %c0_i32 = arith.constant 0 : i32
    %c0_i32_0 = arith.constant 0 : i32
    return %arg0, %c0_i32 : i32, i32
  }
  func.func @transform_2(%arg0: i32) -> (i32, i32) {
    %c0_i32 = arith.constant 0 : i32
    %c0_i32_0 = arith.constant 0 : i32
    %c0_i32_1 = arith.constant 0 : i32
    return %c0_i32, %c0_i32_0 : i32, i32
  }
  func.func @transform_3(%arg0: i32) -> (i32, i32) {
    %c0_i32 = arith.constant 0 : i32
    %c0_i32_0 = arith.constant 0 : i32
    %c0_i32_1 = arith.constant 0 : i32
    return %c0_i32, %c0_i32_0 : i32, i32
  }
  func.func @transform_4(%arg0: i32) -> (i32, i32) {
    %c0_i32 = arith.constant 0 : i32
    %c0_i32_0 = arith.constant 0 : i32
    %c0_i32_1 = arith.constant 0 : i32
    return %c0_i32, %c0_i32_0 : i32, i32
  }
  func.func @transform_5(%arg0: i32) -> (i32, i32) {
    %c0_i32 = arith.constant 0 : i32
    %c0_i32_0 = arith.constant 0 : i32
    %c0_i32_1 = arith.constant 0 : i32
    return %c0_i32, %c0_i32_0 : i32, i32
  }
  func.func @transform_6(%arg0: i32) -> (i32, i32) {
    %c0_i32 = arith.constant 0 : i32
    %c0_i32_0 = arith.constant 0 : i32
    %c0_i32_1 = arith.constant 0 : i32
    return %c0_i32, %c0_i32_0 : i32, i32
  }
  func.func @transform_7(%arg0: i32) -> (i32, i32) {
    %c0_i32 = arith.constant 0 : i32
    %c0_i32_0 = arith.constant 0 : i32
    return %arg0, %c0_i32 : i32, i32
  }
  func.func @transform_8(%arg0: i32) -> (i32, i32) {
    %c0_i32 = arith.constant 0 : i32
    %c0_i32_0 = arith.constant 0 : i32
    return %arg0, %c0_i32 : i32, i32
  }
  func.func @transform_9(%arg0: i32) -> (i32, i32) {
    %c0_i32 = arith.constant 0 : i32
    %c0_i32_0 = arith.constant 0 : i32
    return %arg0, %c0_i32 : i32, i32
  }
}

module attributes {stable_mosaic.version = 14 : i64} {
  func.func @_tc_mid_body(%arg0: i32, %arg1: memref<400x128xf32, #tpu.memory_space<vmem>>, %arg2: memref<400x128xf32, #tpu.memory_space<vmem>>, %arg3: memref<400x128xf32, #tpu.memory_space<vmem>>, %arg4: memref<400x32xf32, #tpu.memory_space<vmem>>, %arg5: memref<1x128xf32, #tpu.memory_space<vmem>>, %arg6: memref<256x128xf32, #tpu.memory_space<vmem>>, %arg7: memref<400x128xf32, #tpu.memory_space<vmem>>, %arg8: memref<400x128xf32, #tpu.memory_space<vmem>>, %arg9: memref<8x128xf32, #tpu.memory_space<vmem>>) attributes {dimension_semantics = [#tpu.dimension_semantics<arbitrary>], iteration_bounds = array<i64: 25>, scalar_prefetch = 0 : i64, scratch_operands = 0 : i64, tpu.core_type = #tpu.core_type<tc>, window_params = [{transform_indices = @transform_0, window_bounds = array<i64: 400, 128>}, {transform_indices = @transform_1, window_bounds = array<i64: 400, 128>}, {transform_indices = @transform_2, window_bounds = array<i64: 400, 128>}, {transform_indices = @transform_3, window_bounds = array<i64: 400, 32>}, {pipeline_mode = #tpu.pipeline_mode<synchronous>, transform_indices = @transform_4, window_bounds = array<i64: 1, 128>}, {pipeline_mode = #tpu.pipeline_mode<synchronous>, transform_indices = @transform_5, window_bounds = array<i64: 256, 128>}, {transform_indices = @transform_6, window_bounds = array<i64: 400, 128>}, {transform_indices = @transform_7, window_bounds = array<i64: 400, 128>}, {transform_indices = @transform_8, window_bounds = array<i64: 8, 128>}]} {
    %get3A = arith.constant 0 : index
    %get3A_0 = arith.constant 0 : index
    %get3A_1 = vector.load %arg4[%get3A, %get3A_0] : memref<400x32xf32, #tpu.memory_space<vmem>>, vector<400x32xf32>
    %reduce_sum3A = arith.constant dense<0.000000e+00> : vector<400xf32>
    %reduce_sum3A_2 = vector.multi_reduction <add>, %get3A_1, %reduce_sum3A [1] : vector<400x32xf32> to vector<400xf32>
    %broadcast_in_dim3A = vector.shape_cast %reduce_sum3A_2 : vector<400xf32> to vector<400x1xf32>
    %max3A = arith.constant 1.000000e+00 : f32
    %max3A_3 = vector.broadcast %max3A : f32 to vector<400x1xf32>
    %max3A_4 = arith.maximumf %broadcast_in_dim3A, %max3A_3 : vector<400x1xf32>
    %div3A = arith.constant 1.000000e+00 : f32
    %div3A_5 = vector.broadcast %div3A : f32 to vector<400x1xf32>
    %div3A_6 = arith.divf %div3A_5, %max3A_4 : vector<400x1xf32>
    %gt3A = arith.constant 0.000000e+00 : f32
    %gt3A_7 = vector.broadcast %gt3A : f32 to vector<400x1xf32>
    %gt3A_8 = arith.cmpf ogt, %broadcast_in_dim3A, %gt3A_7 : vector<400x1xf32>
    %convert_element_type3A = arith.extui %gt3A_8 : vector<400x1xi1> to vector<400x1xi32>
    %convert_element_type3A_9 = arith.sitofp %convert_element_type3A : vector<400x1xi32> to vector<400x1xf32>
    %get3A_10 = arith.constant 0 : index
    %get3A_11 = arith.constant 0 : index
    %get3A_12 = vector.load %arg2[%get3A_10, %get3A_11] : memref<400x128xf32, #tpu.memory_space<vmem>>, vector<400x128xf32>
    %get3A_13 = arith.constant 0 : index
    %get3A_14 = arith.constant 0 : index
    %get3A_15 = vector.load %arg3[%get3A_13, %get3A_14] : memref<400x128xf32, #tpu.memory_space<vmem>>, vector<400x128xf32>
    %add3A = arith.addf %get3A_12, %get3A_15 : vector<400x128xf32>
    %get3A_16 = arith.constant 0 : index
    %get3A_17 = arith.constant 0 : index
    %get3A_18 = vector.load %arg1[%get3A_16, %get3A_17] : memref<400x128xf32, #tpu.memory_space<vmem>>, vector<400x128xf32>
    %get3A_19 = arith.constant 0 : index
    %get3A_20 = arith.constant 0 : index
    %get3A_21 = vector.load %arg5[%get3A_19, %get3A_20] : memref<1x128xf32, #tpu.memory_space<vmem>>, vector<1x128xf32>
    %add3A_22 = vector.broadcast %get3A_21 : vector<1x128xf32> to vector<400x128xf32>
    %add3A_23 = arith.addf %get3A_18, %add3A_22 : vector<400x128xf32>
    %mul3A = vector.broadcast %convert_element_type3A_9 : vector<400x1xf32> to vector<400x128xf32>
    %mul3A_24 = arith.mulf %add3A_23, %mul3A : vector<400x128xf32>
    %mul3A_25 = vector.broadcast %div3A_6 : vector<400x1xf32> to vector<400x128xf32>
    %mul3A_26 = arith.mulf %add3A, %mul3A_25 : vector<400x128xf32>
    %add3A_27 = arith.addf %mul3A_24, %mul3A_26 : vector<400x128xf32>
    %max3A_28 = arith.constant 0.000000e+00 : f32
    %max3A_29 = vector.broadcast %max3A_28 : f32 to vector<400x128xf32>
    %max3A_30 = arith.maximumf %add3A_27, %max3A_29 : vector<400x128xf32>
    %get3A_31 = arith.constant 0 : index
    %get3A_32 = arith.constant 0 : index
    %get3A_33 = vector.load %arg6[%get3A_31, %get3A_32] : memref<256x128xf32, #tpu.memory_space<vmem>>, vector<256x128xf32>
    %slice3A = vector.extract_strided_slice %get3A_33 {offsets = [0, 0], sizes = [128, 128], strides = [1, 1]} : vector<256x128xf32> to vector<128x128xf32>
    %dot_general3A = arith.constant dense<0.000000e+00> : vector<400x128xf32>
    %dot_general3A_34 = tpu.matmul %max3A_30, %slice3A, %dot_general3A {dimension_numbers = #tpu.dot_dimension_numbers<[1], [0], [0], [1], [0, 0, 1, 1], [], []>, transpose_lhs_hint = false} : vector<400x128xf32>, vector<128x128xf32>, vector<400x128xf32> -> vector<400x128xf32>
    %swap3A = arith.constant 0 : index
    %swap3A_35 = arith.constant 0 : index
    %swap3A_36 = vector.load %arg7[%swap3A, %swap3A_35] : memref<400x128xf32, #tpu.memory_space<vmem>>, vector<400x128xf32>
    tpu.vector_store %arg7[%swap3A, %swap3A_35], %dot_general3A_34 {strides = array<i32>} : memref<400x128xf32, #tpu.memory_space<vmem>>, vector<400x128xf32>,
    %slice3A_37 = vector.extract_strided_slice %get3A_33 {offsets = [128, 0], sizes = [128, 128], strides = [1, 1]} : vector<256x128xf32> to vector<128x128xf32>
    %dot_general3A_38 = arith.constant dense<0.000000e+00> : vector<400x128xf32>
    %dot_general3A_39 = tpu.matmul %max3A_30, %slice3A_37, %dot_general3A_38 {dimension_numbers = #tpu.dot_dimension_numbers<[1], [0], [0], [1], [0, 0, 1, 1], [], []>, transpose_lhs_hint = false} : vector<400x128xf32>, vector<128x128xf32>, vector<400x128xf32> -> vector<400x128xf32>
    %swap3A_40 = arith.constant 0 : index
    %swap3A_41 = arith.constant 0 : index
    %swap3A_42 = vector.load %arg8[%swap3A_40, %swap3A_41] : memref<400x128xf32, #tpu.memory_space<vmem>>, vector<400x128xf32>
    tpu.vector_store %arg8[%swap3A_40, %swap3A_41], %dot_general3A_39 {strides = array<i32>} : memref<400x128xf32, #tpu.memory_space<vmem>>, vector<400x128xf32>,
    %slice3A_43 = vector.extract_strided_slice %max3A_30 {offsets = [0, 0], sizes = [50, 128], strides = [1, 1]} : vector<400x128xf32> to vector<50x128xf32>
    %reduce_max3A = arith.constant dense<0xFF800000> : vector<128xf32>
    %reduce_max3A_44 = vector.multi_reduction <maximumf>, %slice3A_43, %reduce_max3A [0] : vector<50x128xf32> to vector<128xf32>
    %broadcast_in_dim3A_45 = vector.shape_cast %reduce_max3A_44 : vector<128xf32> to vector<1x128xf32>
    %swap3A_46 = arith.constant 0 : index
    %swap3A_47 = arith.constant 0 : index
    %swap3A_48 = vector.load %arg9[%swap3A_46, %swap3A_47] : memref<8x128xf32, #tpu.memory_space<vmem>>, vector<1x128xf32>
    tpu.vector_store %arg9[%swap3A_46, %swap3A_47], %broadcast_in_dim3A_45 {strides = array<i32>} : memref<8x128xf32, #tpu.memory_space<vmem>>, vector<1x128xf32>,
    %slice3A_49 = vector.extract_strided_slice %max3A_30 {offsets = [50, 0], sizes = [50, 128], strides = [1, 1]} : vector<400x128xf32> to vector<50x128xf32>
    %reduce_max3A_50 = arith.constant dense<0xFF800000> : vector<128xf32>
    %reduce_max3A_51 = vector.multi_reduction <maximumf>, %slice3A_49, %reduce_max3A_50 [0] : vector<50x128xf32> to vector<128xf32>
    %broadcast_in_dim3A_52 = vector.shape_cast %reduce_max3A_51 : vector<128xf32> to vector<1x128xf32>
    %swap3A_53 = arith.constant 1 : index
    %swap3A_54 = arith.constant 0 : index
    %swap3A_55 = vector.load %arg9[%swap3A_53, %swap3A_54] : memref<8x128xf32, #tpu.memory_space<vmem>>, vector<1x128xf32>
    tpu.vector_store %arg9[%swap3A_53, %swap3A_54], %broadcast_in_dim3A_52 {strides = array<i32>} : memref<8x128xf32, #tpu.memory_space<vmem>>, vector<1x128xf32>,
    %slice3A_56 = vector.extract_strided_slice %max3A_30 {offsets = [100, 0], sizes = [50, 128], strides = [1, 1]} : vector<400x128xf32> to vector<50x128xf32>
    %reduce_max3A_57 = arith.constant dense<0xFF800000> : vector<128xf32>
    %reduce_max3A_58 = vector.multi_reduction <maximumf>, %slice3A_56, %reduce_max3A_57 [0] : vector<50x128xf32> to vector<128xf32>
    %broadcast_in_dim3A_59 = vector.shape_cast %reduce_max3A_58 : vector<128xf32> to vector<1x128xf32>
    %swap3A_60 = arith.constant 2 : index
    %swap3A_61 = arith.constant 0 : index
    %swap3A_62 = vector.load %arg9[%swap3A_60, %swap3A_61] : memref<8x128xf32, #tpu.memory_space<vmem>>, vector<1x128xf32>
    tpu.vector_store %arg9[%swap3A_60, %swap3A_61], %broadcast_in_dim3A_59 {strides = array<i32>} : memref<8x128xf32, #tpu.memory_space<vmem>>, vector<1x128xf32>,
    %slice3A_63 = vector.extract_strided_slice %max3A_30 {offsets = [150, 0], sizes = [50, 128], strides = [1, 1]} : vector<400x128xf32> to vector<50x128xf32>
    %reduce_max3A_64 = arith.constant dense<0xFF800000> : vector<128xf32>
    %reduce_max3A_65 = vector.multi_reduction <maximumf>, %slice3A_63, %reduce_max3A_64 [0] : vector<50x128xf32> to vector<128xf32>
    %broadcast_in_dim3A_66 = vector.shape_cast %reduce_max3A_65 : vector<128xf32> to vector<1x128xf32>
    %swap3A_67 = arith.constant 3 : index
    %swap3A_68 = arith.constant 0 : index
    %swap3A_69 = vector.load %arg9[%swap3A_67, %swap3A_68] : memref<8x128xf32, #tpu.memory_space<vmem>>, vector<1x128xf32>
    tpu.vector_store %arg9[%swap3A_67, %swap3A_68], %broadcast_in_dim3A_66 {strides = array<i32>} : memref<8x128xf32, #tpu.memory_space<vmem>>, vector<1x128xf32>,
    %slice3A_70 = vector.extract_strided_slice %max3A_30 {offsets = [200, 0], sizes = [50, 128], strides = [1, 1]} : vector<400x128xf32> to vector<50x128xf32>
    %reduce_max3A_71 = arith.constant dense<0xFF800000> : vector<128xf32>
    %reduce_max3A_72 = vector.multi_reduction <maximumf>, %slice3A_70, %reduce_max3A_71 [0] : vector<50x128xf32> to vector<128xf32>
    %broadcast_in_dim3A_73 = vector.shape_cast %reduce_max3A_72 : vector<128xf32> to vector<1x128xf32>
    %swap3A_74 = arith.constant 4 : index
    %swap3A_75 = arith.constant 0 : index
    %swap3A_76 = vector.load %arg9[%swap3A_74, %swap3A_75] : memref<8x128xf32, #tpu.memory_space<vmem>>, vector<1x128xf32>
    tpu.vector_store %arg9[%swap3A_74, %swap3A_75], %broadcast_in_dim3A_73 {strides = array<i32>} : memref<8x128xf32, #tpu.memory_space<vmem>>, vector<1x128xf32>,
    %slice3A_77 = vector.extract_strided_slice %max3A_30 {offsets = [250, 0], sizes = [50, 128], strides = [1, 1]} : vector<400x128xf32> to vector<50x128xf32>
    %reduce_max3A_78 = arith.constant dense<0xFF800000> : vector<128xf32>
    %reduce_max3A_79 = vector.multi_reduction <maximumf>, %slice3A_77, %reduce_max3A_78 [0] : vector<50x128xf32> to vector<128xf32>
    %broadcast_in_dim3A_80 = vector.shape_cast %reduce_max3A_79 : vector<128xf32> to vector<1x128xf32>
    %swap3A_81 = arith.constant 5 : index
    %swap3A_82 = arith.constant 0 : index
    %swap3A_83 = vector.load %arg9[%swap3A_81, %swap3A_82] : memref<8x128xf32, #tpu.memory_space<vmem>>, vector<1x128xf32>
    tpu.vector_store %arg9[%swap3A_81, %swap3A_82], %broadcast_in_dim3A_80 {strides = array<i32>} : memref<8x128xf32, #tpu.memory_space<vmem>>, vector<1x128xf32>,
    %slice3A_84 = vector.extract_strided_slice %max3A_30 {offsets = [300, 0], sizes = [50, 128], strides = [1, 1]} : vector<400x128xf32> to vector<50x128xf32>
    %reduce_max3A_85 = arith.constant dense<0xFF800000> : vector<128xf32>
    %reduce_max3A_86 = vector.multi_reduction <maximumf>, %slice3A_84, %reduce_max3A_85 [0] : vector<50x128xf32> to vector<128xf32>
    %broadcast_in_dim3A_87 = vector.shape_cast %reduce_max3A_86 : vector<128xf32> to vector<1x128xf32>
    %swap3A_88 = arith.constant 6 : index
    %swap3A_89 = arith.constant 0 : index
    %swap3A_90 = vector.load %arg9[%swap3A_88, %swap3A_89] : memref<8x128xf32, #tpu.memory_space<vmem>>, vector<1x128xf32>
    tpu.vector_store %arg9[%swap3A_88, %swap3A_89], %broadcast_in_dim3A_87 {strides = array<i32>} : memref<8x128xf32, #tpu.memory_space<vmem>>, vector<1x128xf32>,
    %slice3A_91 = vector.extract_strided_slice %max3A_30 {offsets = [350, 0], sizes = [50, 128], strides = [1, 1]} : vector<400x128xf32> to vector<50x128xf32>
    %reduce_max3A_92 = arith.constant dense<0xFF800000> : vector<128xf32>
    %reduce_max3A_93 = vector.multi_reduction <maximumf>, %slice3A_91, %reduce_max3A_92 [0] : vector<50x128xf32> to vector<128xf32>
    %broadcast_in_dim3A_94 = vector.shape_cast %reduce_max3A_93 : vector<128xf32> to vector<1x128xf32>
    %swap3A_95 = arith.constant 7 : index
    %swap3A_96 = arith.constant 0 : index
    %swap3A_97 = vector.load %arg9[%swap3A_95, %swap3A_96] : memref<8x128xf32, #tpu.memory_space<vmem>>, vector<1x128xf32>
    tpu.vector_store %arg9[%swap3A_95, %swap3A_96], %broadcast_in_dim3A_94 {strides = array<i32>} : memref<8x128xf32, #tpu.memory_space<vmem>>, vector<1x128xf32>,
    return
  }
  func.func @transform_0(%arg0: i32) -> (i32, i32) {
    %c0_i32 = arith.constant 0 : i32
    %c0_i32_0 = arith.constant 0 : i32
    return %arg0, %c0_i32 : i32, i32
  }
  func.func @transform_1(%arg0: i32) -> (i32, i32) {
    %c0_i32 = arith.constant 0 : i32
    %c0_i32_0 = arith.constant 0 : i32
    return %arg0, %c0_i32 : i32, i32
  }
  func.func @transform_2(%arg0: i32) -> (i32, i32) {
    %c0_i32 = arith.constant 0 : i32
    %c0_i32_0 = arith.constant 0 : i32
    return %arg0, %c0_i32 : i32, i32
  }
  func.func @transform_3(%arg0: i32) -> (i32, i32) {
    %c0_i32 = arith.constant 0 : i32
    %c0_i32_0 = arith.constant 0 : i32
    return %arg0, %c0_i32 : i32, i32
  }
  func.func @transform_4(%arg0: i32) -> (i32, i32) {
    %c0_i32 = arith.constant 0 : i32
    %c0_i32_0 = arith.constant 0 : i32
    %c0_i32_1 = arith.constant 0 : i32
    return %c0_i32, %c0_i32_0 : i32, i32
  }
  func.func @transform_5(%arg0: i32) -> (i32, i32) {
    %c0_i32 = arith.constant 0 : i32
    %c0_i32_0 = arith.constant 0 : i32
    %c0_i32_1 = arith.constant 0 : i32
    return %c0_i32, %c0_i32_0 : i32, i32
  }
  func.func @transform_6(%arg0: i32) -> (i32, i32) {
    %c0_i32 = arith.constant 0 : i32
    %c0_i32_0 = arith.constant 0 : i32
    return %arg0, %c0_i32 : i32, i32
  }
  func.func @transform_7(%arg0: i32) -> (i32, i32) {
    %c0_i32 = arith.constant 0 : i32
    %c0_i32_0 = arith.constant 0 : i32
    return %arg0, %c0_i32 : i32, i32
  }
  func.func @transform_8(%arg0: i32) -> (i32, i32) {
    %c0_i32 = arith.constant 0 : i32
    %c0_i32_0 = arith.constant 0 : i32
    return %arg0, %c0_i32 : i32, i32
  }
}

module attributes {stable_mosaic.version = 14 : i64} {
  func.func @_tc_last_body(%arg0: i32, %arg1: memref<400x128xf32, #tpu.memory_space<vmem>>, %arg2: memref<400x128xf32, #tpu.memory_space<vmem>>, %arg3: memref<400x128xf32, #tpu.memory_space<vmem>>, %arg4: memref<400x32xf32, #tpu.memory_space<vmem>>, %arg5: memref<1x128xf32, #tpu.memory_space<vmem>>, %arg6: memref<8x128xf32, #tpu.memory_space<vmem>>) attributes {dimension_semantics = [#tpu.dimension_semantics<arbitrary>], iteration_bounds = array<i64: 25>, scalar_prefetch = 0 : i64, scratch_operands = 0 : i64, tpu.core_type = #tpu.core_type<tc>, window_params = [{transform_indices = @transform_0, window_bounds = array<i64: 400, 128>}, {transform_indices = @transform_1, window_bounds = array<i64: 400, 128>}, {transform_indices = @transform_2, window_bounds = array<i64: 400, 128>}, {transform_indices = @transform_3, window_bounds = array<i64: 400, 32>}, {pipeline_mode = #tpu.pipeline_mode<synchronous>, transform_indices = @transform_4, window_bounds = array<i64: 1, 128>}, {transform_indices = @transform_5, window_bounds = array<i64: 8, 128>}]} {
    %get3A = arith.constant 0 : index
    %get3A_0 = arith.constant 0 : index
    %get3A_1 = vector.load %arg4[%get3A, %get3A_0] : memref<400x32xf32, #tpu.memory_space<vmem>>, vector<400x32xf32>
    %reduce_sum3A = arith.constant dense<0.000000e+00> : vector<400xf32>
    %reduce_sum3A_2 = vector.multi_reduction <add>, %get3A_1, %reduce_sum3A [1] : vector<400x32xf32> to vector<400xf32>
    %broadcast_in_dim3A = vector.shape_cast %reduce_sum3A_2 : vector<400xf32> to vector<400x1xf32>
    %max3A = arith.constant 1.000000e+00 : f32
    %max3A_3 = vector.broadcast %max3A : f32 to vector<400x1xf32>
    %max3A_4 = arith.maximumf %broadcast_in_dim3A, %max3A_3 : vector<400x1xf32>
    %div3A = arith.constant 1.000000e+00 : f32
    %div3A_5 = vector.broadcast %div3A : f32 to vector<400x1xf32>
    %div3A_6 = arith.divf %div3A_5, %max3A_4 : vector<400x1xf32>
    %gt3A = arith.constant 0.000000e+00 : f32
    %gt3A_7 = vector.broadcast %gt3A : f32 to vector<400x1xf32>
    %gt3A_8 = arith.cmpf ogt, %broadcast_in_dim3A, %gt3A_7 : vector<400x1xf32>
    %convert_element_type3A = arith.extui %gt3A_8 : vector<400x1xi1> to vector<400x1xi32>
    %convert_element_type3A_9 = arith.sitofp %convert_element_type3A : vector<400x1xi32> to vector<400x1xf32>
    %get3A_10 = arith.constant 0 : index
    %get3A_11 = arith.constant 0 : index
    %get3A_12 = vector.load %arg2[%get3A_10, %get3A_11] : memref<400x128xf32, #tpu.memory_space<vmem>>, vector<400x128xf32>
    %get3A_13 = arith.constant 0 : index
    %get3A_14 = arith.constant 0 : index
    %get3A_15 = vector.load %arg3[%get3A_13, %get3A_14] : memref<400x128xf32, #tpu.memory_space<vmem>>, vector<400x128xf32>
    %add3A = arith.addf %get3A_12, %get3A_15 : vector<400x128xf32>
    %get3A_16 = arith.constant 0 : index
    %get3A_17 = arith.constant 0 : index
    %get3A_18 = vector.load %arg1[%get3A_16, %get3A_17] : memref<400x128xf32, #tpu.memory_space<vmem>>, vector<400x128xf32>
    %get3A_19 = arith.constant 0 : index
    %get3A_20 = arith.constant 0 : index
    %get3A_21 = vector.load %arg5[%get3A_19, %get3A_20] : memref<1x128xf32, #tpu.memory_space<vmem>>, vector<1x128xf32>
    %add3A_22 = vector.broadcast %get3A_21 : vector<1x128xf32> to vector<400x128xf32>
    %add3A_23 = arith.addf %get3A_18, %add3A_22 : vector<400x128xf32>
    %mul3A = vector.broadcast %convert_element_type3A_9 : vector<400x1xf32> to vector<400x128xf32>
    %mul3A_24 = arith.mulf %add3A_23, %mul3A : vector<400x128xf32>
    %mul3A_25 = vector.broadcast %div3A_6 : vector<400x1xf32> to vector<400x128xf32>
    %mul3A_26 = arith.mulf %add3A, %mul3A_25 : vector<400x128xf32>
    %add3A_27 = arith.addf %mul3A_24, %mul3A_26 : vector<400x128xf32>
    %max3A_28 = arith.constant 0.000000e+00 : f32
    %max3A_29 = vector.broadcast %max3A_28 : f32 to vector<400x128xf32>
    %max3A_30 = arith.maximumf %add3A_27, %max3A_29 : vector<400x128xf32>
    %slice3A = vector.extract_strided_slice %max3A_30 {offsets = [0, 0], sizes = [50, 128], strides = [1, 1]} : vector<400x128xf32> to vector<50x128xf32>
    %reduce_max3A = arith.constant dense<0xFF800000> : vector<128xf32>
    %reduce_max3A_31 = vector.multi_reduction <maximumf>, %slice3A, %reduce_max3A [0] : vector<50x128xf32> to vector<128xf32>
    %broadcast_in_dim3A_32 = vector.shape_cast %reduce_max3A_31 : vector<128xf32> to vector<1x128xf32>
    %swap3A = arith.constant 0 : index
    %swap3A_33 = arith.constant 0 : index
    %swap3A_34 = vector.load %arg6[%swap3A, %swap3A_33] : memref<8x128xf32, #tpu.memory_space<vmem>>, vector<1x128xf32>
    tpu.vector_store %arg6[%swap3A, %swap3A_33], %broadcast_in_dim3A_32 {strides = array<i32>} : memref<8x128xf32, #tpu.memory_space<vmem>>, vector<1x128xf32>,
    %slice3A_35 = vector.extract_strided_slice %max3A_30 {offsets = [50, 0], sizes = [50, 128], strides = [1, 1]} : vector<400x128xf32> to vector<50x128xf32>
    %reduce_max3A_36 = arith.constant dense<0xFF800000> : vector<128xf32>
    %reduce_max3A_37 = vector.multi_reduction <maximumf>, %slice3A_35, %reduce_max3A_36 [0] : vector<50x128xf32> to vector<128xf32>
    %broadcast_in_dim3A_38 = vector.shape_cast %reduce_max3A_37 : vector<128xf32> to vector<1x128xf32>
    %swap3A_39 = arith.constant 1 : index
    %swap3A_40 = arith.constant 0 : index
    %swap3A_41 = vector.load %arg6[%swap3A_39, %swap3A_40] : memref<8x128xf32, #tpu.memory_space<vmem>>, vector<1x128xf32>
    tpu.vector_store %arg6[%swap3A_39, %swap3A_40], %broadcast_in_dim3A_38 {strides = array<i32>} : memref<8x128xf32, #tpu.memory_space<vmem>>, vector<1x128xf32>,
    %slice3A_42 = vector.extract_strided_slice %max3A_30 {offsets = [100, 0], sizes = [50, 128], strides = [1, 1]} : vector<400x128xf32> to vector<50x128xf32>
    %reduce_max3A_43 = arith.constant dense<0xFF800000> : vector<128xf32>
    %reduce_max3A_44 = vector.multi_reduction <maximumf>, %slice3A_42, %reduce_max3A_43 [0] : vector<50x128xf32> to vector<128xf32>
    %broadcast_in_dim3A_45 = vector.shape_cast %reduce_max3A_44 : vector<128xf32> to vector<1x128xf32>
    %swap3A_46 = arith.constant 2 : index
    %swap3A_47 = arith.constant 0 : index
    %swap3A_48 = vector.load %arg6[%swap3A_46, %swap3A_47] : memref<8x128xf32, #tpu.memory_space<vmem>>, vector<1x128xf32>
    tpu.vector_store %arg6[%swap3A_46, %swap3A_47], %broadcast_in_dim3A_45 {strides = array<i32>} : memref<8x128xf32, #tpu.memory_space<vmem>>, vector<1x128xf32>,
    %slice3A_49 = vector.extract_strided_slice %max3A_30 {offsets = [150, 0], sizes = [50, 128], strides = [1, 1]} : vector<400x128xf32> to vector<50x128xf32>
    %reduce_max3A_50 = arith.constant dense<0xFF800000> : vector<128xf32>
    %reduce_max3A_51 = vector.multi_reduction <maximumf>, %slice3A_49, %reduce_max3A_50 [0] : vector<50x128xf32> to vector<128xf32>
    %broadcast_in_dim3A_52 = vector.shape_cast %reduce_max3A_51 : vector<128xf32> to vector<1x128xf32>
    %swap3A_53 = arith.constant 3 : index
    %swap3A_54 = arith.constant 0 : index
    %swap3A_55 = vector.load %arg6[%swap3A_53, %swap3A_54] : memref<8x128xf32, #tpu.memory_space<vmem>>, vector<1x128xf32>
    tpu.vector_store %arg6[%swap3A_53, %swap3A_54], %broadcast_in_dim3A_52 {strides = array<i32>} : memref<8x128xf32, #tpu.memory_space<vmem>>, vector<1x128xf32>,
    %slice3A_56 = vector.extract_strided_slice %max3A_30 {offsets = [200, 0], sizes = [50, 128], strides = [1, 1]} : vector<400x128xf32> to vector<50x128xf32>
    %reduce_max3A_57 = arith.constant dense<0xFF800000> : vector<128xf32>
    %reduce_max3A_58 = vector.multi_reduction <maximumf>, %slice3A_56, %reduce_max3A_57 [0] : vector<50x128xf32> to vector<128xf32>
    %broadcast_in_dim3A_59 = vector.shape_cast %reduce_max3A_58 : vector<128xf32> to vector<1x128xf32>
    %swap3A_60 = arith.constant 4 : index
    %swap3A_61 = arith.constant 0 : index
    %swap3A_62 = vector.load %arg6[%swap3A_60, %swap3A_61] : memref<8x128xf32, #tpu.memory_space<vmem>>, vector<1x128xf32>
    tpu.vector_store %arg6[%swap3A_60, %swap3A_61], %broadcast_in_dim3A_59 {strides = array<i32>} : memref<8x128xf32, #tpu.memory_space<vmem>>, vector<1x128xf32>,
    %slice3A_63 = vector.extract_strided_slice %max3A_30 {offsets = [250, 0], sizes = [50, 128], strides = [1, 1]} : vector<400x128xf32> to vector<50x128xf32>
    %reduce_max3A_64 = arith.constant dense<0xFF800000> : vector<128xf32>
    %reduce_max3A_65 = vector.multi_reduction <maximumf>, %slice3A_63, %reduce_max3A_64 [0] : vector<50x128xf32> to vector<128xf32>
    %broadcast_in_dim3A_66 = vector.shape_cast %reduce_max3A_65 : vector<128xf32> to vector<1x128xf32>
    %swap3A_67 = arith.constant 5 : index
    %swap3A_68 = arith.constant 0 : index
    %swap3A_69 = vector.load %arg6[%swap3A_67, %swap3A_68] : memref<8x128xf32, #tpu.memory_space<vmem>>, vector<1x128xf32>
    tpu.vector_store %arg6[%swap3A_67, %swap3A_68], %broadcast_in_dim3A_66 {strides = array<i32>} : memref<8x128xf32, #tpu.memory_space<vmem>>, vector<1x128xf32>,
    %slice3A_70 = vector.extract_strided_slice %max3A_30 {offsets = [300, 0], sizes = [50, 128], strides = [1, 1]} : vector<400x128xf32> to vector<50x128xf32>
    %reduce_max3A_71 = arith.constant dense<0xFF800000> : vector<128xf32>
    %reduce_max3A_72 = vector.multi_reduction <maximumf>, %slice3A_70, %reduce_max3A_71 [0] : vector<50x128xf32> to vector<128xf32>
    %broadcast_in_dim3A_73 = vector.shape_cast %reduce_max3A_72 : vector<128xf32> to vector<1x128xf32>
    %swap3A_74 = arith.constant 6 : index
    %swap3A_75 = arith.constant 0 : index
    %swap3A_76 = vector.load %arg6[%swap3A_74, %swap3A_75] : memref<8x128xf32, #tpu.memory_space<vmem>>, vector<1x128xf32>
    tpu.vector_store %arg6[%swap3A_74, %swap3A_75], %broadcast_in_dim3A_73 {strides = array<i32>} : memref<8x128xf32, #tpu.memory_space<vmem>>, vector<1x128xf32>,
    %slice3A_77 = vector.extract_strided_slice %max3A_30 {offsets = [350, 0], sizes = [50, 128], strides = [1, 1]} : vector<400x128xf32> to vector<50x128xf32>
    %reduce_max3A_78 = arith.constant dense<0xFF800000> : vector<128xf32>
    %reduce_max3A_79 = vector.multi_reduction <maximumf>, %slice3A_77, %reduce_max3A_78 [0] : vector<50x128xf32> to vector<128xf32>
    %broadcast_in_dim3A_80 = vector.shape_cast %reduce_max3A_79 : vector<128xf32> to vector<1x128xf32>
    %swap3A_81 = arith.constant 7 : index
    %swap3A_82 = arith.constant 0 : index
    %swap3A_83 = vector.load %arg6[%swap3A_81, %swap3A_82] : memref<8x128xf32, #tpu.memory_space<vmem>>, vector<1x128xf32>
    tpu.vector_store %arg6[%swap3A_81, %swap3A_82], %broadcast_in_dim3A_80 {strides = array<i32>} : memref<8x128xf32, #tpu.memory_space<vmem>>, vector<1x128xf32>,
    return
  }
  func.func @transform_0(%arg0: i32) -> (i32, i32) {
    %c0_i32 = arith.constant 0 : i32
    %c0_i32_0 = arith.constant 0 : i32
    return %arg0, %c0_i32 : i32, i32
  }
  func.func @transform_1(%arg0: i32) -> (i32, i32) {
    %c0_i32 = arith.constant 0 : i32
    %c0_i32_0 = arith.constant 0 : i32
    return %arg0, %c0_i32 : i32, i32
  }
  func.func @transform_2(%arg0: i32) -> (i32, i32) {
    %c0_i32 = arith.constant 0 : i32
    %c0_i32_0 = arith.constant 0 : i32
    return %arg0, %c0_i32 : i32, i32
  }
  func.func @transform_3(%arg0: i32) -> (i32, i32) {
    %c0_i32 = arith.constant 0 : i32
    %c0_i32_0 = arith.constant 0 : i32
    return %arg0, %c0_i32 : i32, i32
  }
  func.func @transform_4(%arg0: i32) -> (i32, i32) {
    %c0_i32 = arith.constant 0 : i32
    %c0_i32_0 = arith.constant 0 : i32
    %c0_i32_1 = arith.constant 0 : i32
    return %c0_i32, %c0_i32_0 : i32, i32
  }
  func.func @transform_5(%arg0: i32) -> (i32, i32) {
    %c0_i32 = arith.constant 0 : i32
    %c0_i32_0 = arith.constant 0 : i32
    return %arg0, %c0_i32 : i32, i32
  }
}

module attributes {stable_mosaic.version = 14 : i64} {
  func.func @_tc_head_body(%arg0: i32, %arg1: memref<200x128xf32, #tpu.memory_space<vmem>>, %arg2: memref<200x128xf32, #tpu.memory_space<vmem>>, %arg3: memref<200x128xf32, #tpu.memory_space<vmem>>, %arg4: memref<200x128xf32, #tpu.memory_space<vmem>>, %arg5: memref<512x128xf32, #tpu.memory_space<vmem>>, %arg6: memref<1x128xf32, #tpu.memory_space<vmem>>, %arg7: memref<128x128xf32, #tpu.memory_space<vmem>>, %arg8: memref<1x128xf32, #tpu.memory_space<vmem>>, %arg9: memref<128x128xf32, #tpu.memory_space<vmem>>, %arg10: memref<1x128xf32, #tpu.memory_space<vmem>>, %arg11: memref<200x128xf32, #tpu.memory_space<vmem>>, %arg12: memref<200x128xf32, #tpu.memory_space<vmem>>) attributes {dimension_semantics = [#tpu.dimension_semantics<arbitrary>], iteration_bounds = array<i64: 1>, scalar_prefetch = 0 : i64, scratch_operands = 0 : i64, tpu.core_type = #tpu.core_type<tc>, window_params = [{pipeline_mode = #tpu.pipeline_mode<synchronous>, transform_indices = @transform_0, window_bounds = array<i64: 200, 128>}, {pipeline_mode = #tpu.pipeline_mode<synchronous>, transform_indices = @transform_1, window_bounds = array<i64: 200, 128>}, {pipeline_mode = #tpu.pipeline_mode<synchronous>, transform_indices = @transform_2, window_bounds = array<i64: 200, 128>}, {pipeline_mode = #tpu.pipeline_mode<synchronous>, transform_indices = @transform_3, window_bounds = array<i64: 200, 128>}, {pipeline_mode = #tpu.pipeline_mode<synchronous>, transform_indices = @transform_4, window_bounds = array<i64: 512, 128>}, {pipeline_mode = #tpu.pipeline_mode<synchronous>, transform_indices = @transform_5, window_bounds = array<i64: 1, 128>}, {pipeline_mode = #tpu.pipeline_mode<synchronous>, transform_indices = @transform_6, window_bounds = array<i64: 128, 128>}, {pipeline_mode = #tpu.pipeline_mode<synchronous>, transform_indices = @transform_7, window_bounds = array<i64: 1, 128>}, {pipeline_mode = #tpu.pipeline_mode<synchronous>, transform_indices = @transform_8, window_bounds = array<i64: 128, 128>}, {pipeline_mode = #tpu.pipeline_mode<synchronous>, transform_indices = @transform_9, window_bounds = array<i64: 1, 128>}, {pipeline_mode = #tpu.pipeline_mode<synchronous>, transform_indices = @transform_10, window_bounds = array<i64: 200, 128>}, {pipeline_mode = #tpu.pipeline_mode<synchronous>, transform_indices = @transform_11, window_bounds = array<i64: 200, 128>}]} {
    %get3A = arith.constant 0 : index
    %get3A_0 = arith.constant 0 : index
    %get3A_1 = vector.load %arg5[%get3A, %get3A_0] : memref<512x128xf32, #tpu.memory_space<vmem>>, vector<512x128xf32>
    %get3A_2 = arith.constant 0 : index
    %get3A_3 = arith.constant 0 : index
    %get3A_4 = vector.load %arg1[%get3A_2, %get3A_3] : memref<200x128xf32, #tpu.memory_space<vmem>>, vector<200x128xf32>
    %slice3A = vector.extract_strided_slice %get3A_1 {offsets = [0, 0], sizes = [128, 128], strides = [1, 1]} : vector<512x128xf32> to vector<128x128xf32>
    %dot_general3A = arith.constant dense<0.000000e+00> : vector<200x128xf32>
    %dot_general3A_5 = tpu.matmul %get3A_4, %slice3A, %dot_general3A {dimension_numbers = #tpu.dot_dimension_numbers<[1], [0], [0], [1], [0, 0, 1, 1], [], []>, transpose_lhs_hint = false} : vector<200x128xf32>, vector<128x128xf32>, vector<200x128xf32> -> vector<200x128xf32>
    %get3A_6 = arith.constant 0 : index
    %get3A_7 = arith.constant 0 : index
    %get3A_8 = vector.load %arg2[%get3A_6, %get3A_7] : memref<200x128xf32, #tpu.memory_space<vmem>>, vector<200x128xf32>
    %slice3A_9 = vector.extract_strided_slice %get3A_1 {offsets = [128, 0], sizes = [128, 128], strides = [1, 1]} : vector<512x128xf32> to vector<128x128xf32>
    %dot_general3A_10 = arith.constant dense<0.000000e+00> : vector<200x128xf32>
    %dot_general3A_11 = tpu.matmul %get3A_8, %slice3A_9, %dot_general3A_10 {dimension_numbers = #tpu.dot_dimension_numbers<[1], [0], [0], [1], [0, 0, 1, 1], [], []>, transpose_lhs_hint = false} : vector<200x128xf32>, vector<128x128xf32>, vector<200x128xf32> -> vector<200x128xf32>
    %add3A = arith.addf %dot_general3A_5, %dot_general3A_11 : vector<200x128xf32>
    %get3A_12 = arith.constant 0 : index
    %get3A_13 = arith.constant 0 : index
    %get3A_14 = vector.load %arg3[%get3A_12, %get3A_13] : memref<200x128xf32, #tpu.memory_space<vmem>>, vector<200x128xf32>
    %slice3A_15 = vector.extract_strided_slice %get3A_1 {offsets = [256, 0], sizes = [128, 128], strides = [1, 1]} : vector<512x128xf32> to vector<128x128xf32>
    %dot_general3A_16 = arith.constant dense<0.000000e+00> : vector<200x128xf32>
    %dot_general3A_17 = tpu.matmul %get3A_14, %slice3A_15, %dot_general3A_16 {dimension_numbers = #tpu.dot_dimension_numbers<[1], [0], [0], [1], [0, 0, 1, 1], [], []>, transpose_lhs_hint = false} : vector<200x128xf32>, vector<128x128xf32>, vector<200x128xf32> -> vector<200x128xf32>
    %add3A_18 = arith.addf %add3A, %dot_general3A_17 : vector<200x128xf32>
    %get3A_19 = arith.constant 0 : index
    %get3A_20 = arith.constant 0 : index
    %get3A_21 = vector.load %arg4[%get3A_19, %get3A_20] : memref<200x128xf32, #tpu.memory_space<vmem>>, vector<200x128xf32>
    %slice3A_22 = vector.extract_strided_slice %get3A_1 {offsets = [384, 0], sizes = [128, 128], strides = [1, 1]} : vector<512x128xf32> to vector<128x128xf32>
    %dot_general3A_23 = arith.constant dense<0.000000e+00> : vector<200x128xf32>
    %dot_general3A_24 = tpu.matmul %get3A_21, %slice3A_22, %dot_general3A_23 {dimension_numbers = #tpu.dot_dimension_numbers<[1], [0], [0], [1], [0, 0, 1, 1], [], []>, transpose_lhs_hint = false} : vector<200x128xf32>, vector<128x128xf32>, vector<200x128xf32> -> vector<200x128xf32>
    %add3A_25 = arith.addf %add3A_18, %dot_general3A_24 : vector<200x128xf32>
    %get3A_26 = arith.constant 0 : index
    %get3A_27 = arith.constant 0 : index
    %get3A_28 = vector.load %arg6[%get3A_26, %get3A_27] : memref<1x128xf32, #tpu.memory_space<vmem>>, vector<1x128xf32>
    %add3A_29 = vector.broadcast %get3A_28 : vector<1x128xf32> to vector<200x128xf32>
    %add3A_30 = arith.addf %add3A_25, %add3A_29 : vector<200x128xf32>
    %get3A_31 = arith.constant 0 : index
    %get3A_32 = arith.constant 0 : index
    %get3A_33 = vector.load %arg7[%get3A_31, %get3A_32] : memref<128x128xf32, #tpu.memory_space<vmem>>, vector<128x128xf32>
    %dot_general3A_34 = arith.constant dense<0.000000e+00> : vector<200x128xf32>
    %dot_general3A_35 = tpu.matmul %add3A_30, %get3A_33, %dot_general3A_34 {dimension_numbers = #tpu.dot_dimension_numbers<[1], [0], [0], [1], [0, 0, 1, 1], [], []>, transpose_lhs_hint = false} : vector<200x128xf32>, vector<128x128xf32>, vector<200x128xf32> -> vector<200x128xf32>
    %get3A_36 = arith.constant 0 : index
    %get3A_37 = arith.constant 0 : index
    %get3A_38 = vector.load %arg8[%get3A_36, %get3A_37] : memref<1x128xf32, #tpu.memory_space<vmem>>, vector<1x128xf32>
    %add3A_39 = vector.broadcast %get3A_38 : vector<1x128xf32> to vector<200x128xf32>
    %add3A_40 = arith.addf %dot_general3A_35, %add3A_39 : vector<200x128xf32>
    %swap3A = arith.constant 0 : index
    %swap3A_41 = arith.constant 0 : index
    %swap3A_42 = vector.load %arg11[%swap3A, %swap3A_41] : memref<200x128xf32, #tpu.memory_space<vmem>>, vector<200x128xf32>
    tpu.vector_store %arg11[%swap3A, %swap3A_41], %add3A_40 {strides = array<i32>} : memref<200x128xf32, #tpu.memory_space<vmem>>, vector<200x128xf32>,
    %get3A_43 = arith.constant 0 : index
    %get3A_44 = arith.constant 0 : index
    %get3A_45 = vector.load %arg9[%get3A_43, %get3A_44] : memref<128x128xf32, #tpu.memory_space<vmem>>, vector<128x128xf32>
    %dot_general3A_46 = arith.constant dense<0.000000e+00> : vector<200x128xf32>
    %dot_general3A_47 = tpu.matmul %add3A_30, %get3A_45, %dot_general3A_46 {dimension_numbers = #tpu.dot_dimension_numbers<[1], [0], [0], [1], [0, 0, 1, 1], [], []>, transpose_lhs_hint = false} : vector<200x128xf32>, vector<128x128xf32>, vector<200x128xf32> -> vector<200x128xf32>
    %get3A_48 = arith.constant 0 : index
    %get3A_49 = arith.constant 0 : index
    %get3A_50 = vector.load %arg10[%get3A_48, %get3A_49] : memref<1x128xf32, #tpu.memory_space<vmem>>, vector<1x128xf32>
    %add3A_51 = vector.broadcast %get3A_50 : vector<1x128xf32> to vector<200x128xf32>
    %add3A_52 = arith.addf %dot_general3A_47, %add3A_51 : vector<200x128xf32>
    %swap3A_53 = arith.constant 0 : index
    %swap3A_54 = arith.constant 0 : index
    %swap3A_55 = vector.load %arg12[%swap3A_53, %swap3A_54] : memref<200x128xf32, #tpu.memory_space<vmem>>, vector<200x128xf32>
    tpu.vector_store %arg12[%swap3A_53, %swap3A_54], %add3A_52 {strides = array<i32>} : memref<200x128xf32, #tpu.memory_space<vmem>>, vector<200x128xf32>,
    return
  }
  func.func @transform_0(%arg0: i32) -> (i32, i32) {
    %c0_i32 = arith.constant 0 : i32
    %c0_i32_0 = arith.constant 0 : i32
    %c0_i32_1 = arith.constant 0 : i32
    return %c0_i32, %c0_i32_0 : i32, i32
  }
  func.func @transform_1(%arg0: i32) -> (i32, i32) {
    %c0_i32 = arith.constant 0 : i32
    %c0_i32_0 = arith.constant 0 : i32
    %c0_i32_1 = arith.constant 0 : i32
    return %c0_i32, %c0_i32_0 : i32, i32
  }
  func.func @transform_2(%arg0: i32) -> (i32, i32) {
    %c0_i32 = arith.constant 0 : i32
    %c0_i32_0 = arith.constant 0 : i32
    %c0_i32_1 = arith.constant 0 : i32
    return %c0_i32, %c0_i32_0 : i32, i32
  }
  func.func @transform_3(%arg0: i32) -> (i32, i32) {
    %c0_i32 = arith.constant 0 : i32
    %c0_i32_0 = arith.constant 0 : i32
    %c0_i32_1 = arith.constant 0 : i32
    return %c0_i32, %c0_i32_0 : i32, i32
  }
  func.func @transform_4(%arg0: i32) -> (i32, i32) {
    %c0_i32 = arith.constant 0 : i32
    %c0_i32_0 = arith.constant 0 : i32
    %c0_i32_1 = arith.constant 0 : i32
    return %c0_i32, %c0_i32_0 : i32, i32
  }
  func.func @transform_5(%arg0: i32) -> (i32, i32) {
    %c0_i32 = arith.constant 0 : i32
    %c0_i32_0 = arith.constant 0 : i32
    %c0_i32_1 = arith.constant 0 : i32
    return %c0_i32, %c0_i32_0 : i32, i32
  }
  func.func @transform_6(%arg0: i32) -> (i32, i32) {
    %c0_i32 = arith.constant 0 : i32
    %c0_i32_0 = arith.constant 0 : i32
    %c0_i32_1 = arith.constant 0 : i32
    return %c0_i32, %c0_i32_0 : i32, i32
  }
  func.func @transform_7(%arg0: i32) -> (i32, i32) {
    %c0_i32 = arith.constant 0 : i32
    %c0_i32_0 = arith.constant 0 : i32
    %c0_i32_1 = arith.constant 0 : i32
    return %c0_i32, %c0_i32_0 : i32, i32
  }
  func.func @transform_8(%arg0: i32) -> (i32, i32) {
    %c0_i32 = arith.constant 0 : i32
    %c0_i32_0 = arith.constant 0 : i32
    %c0_i32_1 = arith.constant 0 : i32
    return %c0_i32, %c0_i32_0 : i32, i32
  }
  func.func @transform_9(%arg0: i32) -> (i32, i32) {
    %c0_i32 = arith.constant 0 : i32
    %c0_i32_0 = arith.constant 0 : i32
    %c0_i32_1 = arith.constant 0 : i32
    return %c0_i32, %c0_i32_0 : i32, i32
  }
  func.func @transform_10(%arg0: i32) -> (i32, i32) {
    %c0_i32 = arith.constant 0 : i32
    %c0_i32_0 = arith.constant 0 : i32
    %c0_i32_1 = arith.constant 0 : i32
    return %c0_i32, %c0_i32_0 : i32, i32
  }
  func.func @transform_11(%arg0: i32) -> (i32, i32) {
    %c0_i32 = arith.constant 0 : i32
    %c0_i32_0 = arith.constant 0 : i32
    %c0_i32_1 = arith.constant 0 : i32
    return %c0_i32, %c0_i32_0 : i32, i32
  }
}

</mosaic_0001>

<sc_bundles>
// kernel: kernel.11.cloned.1.call-start
scs
__scs_entry_jumppad:
0x0: {  	(pc) =	sbr.rel $0x88, $3  }
0x1: {  	(tag) =	ssettag $0x0;
	lr =	simm.s32 $0x1  }
0x2: {  	[smem:$0x3F8D] =	sst lr;
	_ =	strace $0xD0000000  }
0x3: {  	_ = 	snop  }
0x4: {  	_ = 	snop  }
0x5: {  	_ = 	snop  }
0x6: {  	_ = 	snop  }
0x7: {  	_ = 	snop  }
__scs_overlays_trampoline_lowered:
0x8: {  	[smem:$0x3F9C] =	sst s0  }
0x9: {  	[smem:$0x3F9D] =	sst s1  }
0xa: {  	[smem:$0x3F9E] =	sst s2  }
0xb: {  	[smem:$0x3F9F] =	sst s3  }
0xc: {  	[smem:$0x3FA0] =	sst s4  }
0xd: {  	[smem:$0x3FA1] =	sst s5  }
0xe: {  	[smem:$0x3FA2] =	sst s6  }
0xf: {  	[smem:$0x3FA3] =	sst s7  }
0x10: {  	[smem:$0x3FA4] =	sst s8  }
0x11: {  	[smem:$0x3FA5] =	sst s9;
	s0 =	simm.s32 @!p0 $0x0  }
0x12: {  	s1 =	sld [smem:$0x3F8B];
	s0 =	simm.s32 @p0 $0x1  }
0x13: {  	[smem:$0x3FA6] =	sst s0;
	s0 =	simm.s32 @!p1 $0x0  }
0x14: {  	s2 =	sld [smem:$0x3F8A];
	s0 =	simm.s32 @p1 $0x1  }
0x15: {  	[smem:$0x3FA7] =	sst s0;
	s0 =	simm.s32 @!p2 $0x0  }
0x16: {  	s3 =	sld [smem:$0x3FDB];
	s0 =	simm.s32 @p2 $0x1  }
0x17: {  	s4 =	simm.s32 $0x1BF5;
	[smem:$0x3FA9] =	sst s0  }
0x18: {  	s0 =	sld [smem:$0x3F8C];
	_ =	swait.ge [sflag:s4], $0x0  }
0x19: {  	s7 =	sld [smem:$0x3F8D]  }
0x1a: {  	s8 =	sadd.s32 $0xFFFFE003, lr  }
0x1b: {  	s9 =	sadd.s32 $0xFFFFFEF7, lr;
	s5 =	simm.s32 $0xFFFFFFFF;
	p2 =	slt.u32 s8, $0xFFFFF086  }
0x1c: {  	p1 =	slt.u32 s9, $0xF7A;
	s5 =	simm.s32 @!p2 $0x0  }
0x1d: {  	s5 =	simm.s32 @p1 $0x1;
	p0 =	seq.s32 s7, s2  }
0x1e: {  	s7 =	smul.u32 @!p0 $0xF7A, s2;
	p2 =	seq.s32 @!p0 s5, $0x0  }
0x1f: {  	s9 =	smul.u32 $0xF7A, s1;
	s8 =	simm.s32 @!p0 $0x1BF5;
	p2 =	por !p2, p0  }
0x20: {  	[sflag:s8] =	ssyncset.s32 @!p0 $0xFFFFF086;
	s6 =	sadd.s32 @!p0 s3, s7;
	s7 =	simm.s32 @!p0 $0x108  }
0x21: {  	s3 =	sadd.s32 s3, s9;
	s6 =	sadd.s32 @!p0 $0x88, s6;
	s7 =	simm.s32 @p2 $0x1082  }
0x22: {  	[simem:s7], [sflag:s8] =	dma.local @!p0 [hbm:s6], $0xF7A  }
0x23: {  	s9 =	sor.u32 $0xD0000000, s2;
	s6 =	simm.s32 $0x108;
	_ =	swait.ge @!p0 [sflag:s8], $0x0  }
0x24: {  	s3 =	sadd.s32 $0x88, s3;
	s6 =	simm.s32 @!p1 $0x1082;
	[sflag:s4] =	ssyncset.s32 $0xFFFFF086  }
0x25: {  	[simem:s6], [sflag:s4] =	dma.local [hbm:s3], $0xF7A  }
0x26: {  	[smem:$0x3F8D] =	sst s1;
	(tag) =	ssettag s2;
	_ =	strace s9  }
0x27: {  	s1 =	sld [smem:$0x3F9D]  }
0x28: {  	s2 =	sld [smem:$0x3F9E]  }
0x29: {  	s4 =	sld [smem:$0x3FA0]  }
0x2a: {  	p0 =	seq.s32 s5, $0x0;
	s5 =	sld [smem:$0x3FA1]  }
0x2b: {  	s6 =	sld [smem:$0x3FA2]  }
0x2c: {  	s7 =	sld [smem:$0x3FA3]  }
0x2d: {  	s3 =	simm.s32 $0x108;
	s8 =	sld [smem:$0x3FA4]  }
0x2e: {  	s3 =	simm.s32 @!p0 $0x1082;
	s9 =	sld [smem:$0x3FA5]  }
0x2f: {  	lr =	sadd.s32 s0, s3;
	s0 =	sld [smem:$0x3F9C]  }
0x30: {  	s3 =	sld [smem:$0x3F9F]  }
0x31: {  	[smem:$0x3FA8] =	sst s10  }
0x32: {  	s10 =	sld [smem:$0x3FA6];
	_ =	sdelay $0x3  }
0x33: {  	p0 =	seq.s32 s10, $0x1;
	s10 =	sld [smem:$0x3FA8];
	_ =	sdelay $0x3  }
0x34: {  	[smem:$0x3FA8] =	sst s10  }
0x35: {  	s10 =	sld [smem:$0x3FA7];
	_ =	sdelay $0x3  }
0x36: {  	p1 =	seq.s32 s10, $0x1;
	s10 =	sld [smem:$0x3FA8];
	_ =	sdelay $0x3  }
0x37: {  	[smem:$0x3FA8] =	sst s10  }
0x38: {  	s10 =	sld [smem:$0x3FA9]  }
0x39: {  	_ = 	snop;
	(pc) =	sbr.ind lr, $3  }
0x3a: {  	_ = 	snop  }
0x3b: {  	_ = 	snop  }
0x3c: {  	p2 =	seq.s32 s10, $0x1;
	s10 =	sld [smem:$0x3FA8]  }
0x3d: {  	_ =	shalt  }
0x3e: {  	_ =	shalt  }
0x3f: {  	_ =	shalt  }
0x40: {  	_ =	shalt  }
0x41: {  	_ =	shalt  }
0x42: {  	_ =	shalt  }
0x43: {  	_ =	shalt  }
0x44: {  	_ =	shalt  }
0x45: {  	_ =	shalt  }
0x46: {  	_ =	shalt  }
0x47: {  	_ =	shalt  }
0x48: {  	_ =	shalt  }
0x49: {  	_ =	shalt  }
0x4a: {  	_ =	shalt  }
0x4b: {  	_ =	shalt  }
0x4c: {  	_ =	shalt  }
0x4d: {  	_ =	shalt  }
0x4e: {  	_ =	shalt  }
0x4f: {  	_ =	shalt  }
0x50: {  	_ =	shalt  }
0x51: {  	_ =	shalt  }
0x52: {  	_ =	shalt  }
0x53: {  	_ =	shalt  }
0x54: {  	_ =	shalt  }
0x55: {  	_ =	shalt  }
0x56: {  	_ =	shalt  }
0x57: {  	_ =	shalt  }
0x58: {  	_ =	shalt  }
0x59: {  	_ =	shalt  }
0x5a: {  	_ =	shalt  }
0x5b: {  	_ =	shalt  }
0x5c: {  	_ =	shalt  }
0x5d: {  	_ =	shalt  }
0x5e: {  	_ =	shalt  }
0x5f: {  	_ =	shalt  }
0x60: {  	_ =	shalt  }
0x61: {  	_ =	shalt  }
0x62: {  	_ =	shalt  }
0x63: {  	_ =	shalt  }
0x64: {  	_ =	shalt  }
0x65: {  	_ =	shalt  }
0x66: {  	_ =	shalt  }
0x67: {  	_ =	shalt  }
0x68: {  	_ =	shalt  }
0x69: {  	_ =	shalt  }
0x6a: {  	_ =	shalt  }
0x6b: {  	_ =	shalt  }
0x6c: {  	_ =	shalt  }
0x6d: {  	_ =	shalt  }
0x6e: {  	_ =	shalt  }
0x6f: {  	_ =	shalt  }
0x70: {  	_ =	shalt  }
0x71: {  	_ =	shalt  }
0x72: {  	_ =	shalt  }
0x73: {  	_ =	shalt  }
0x74: {  	_ =	shalt  }
0x75: {  	_ =	shalt  }
0x76: {  	_ =	shalt  }
0x77: {  	_ =	shalt  }
0x78: {  	_ =	shalt  }
0x79: {  	_ =	shalt  }
0x7a: {  	_ =	shalt  }
0x7b: {  	_ =	shalt  }
0x7c: {  	_ =	shalt  }
0x7d: {  	_ =	shalt  }
0x7e: {  	_ =	shalt  }
0x7f: {  	_ =	shalt  }
0x80: {  	_ =	shalt  }
0x81: {  	_ =	shalt  }
0x82: {  	_ =	shalt  }
0x83: {  	_ =	shalt  }
0x84: {  	_ =	shalt  }
0x85: {  	_ =	shalt  }
0x86: {  	_ =	shalt  }
0x87: {  	_ =	shalt  }
.Lfunc_end0:
.L_simem_size_0:
called_computation_lowered:
.L_overlay_start_0:
0x88: {  	s2 =	sld [smem:$0x3FD9]  }
0x89: {  	s3 =	sld [smem:$0x3FFE];
	_ =	sdelay $0x1  }
0x8a: {  	s1 =	srdreg.scid  }
0x8b: {  	s0 =	sand.u32 $0x1, s1  }
0x8c: {  	s16 =	sshll.u32 s0, $0xA;
	s2 =	sadd.s32 s3, s2  }
0x8d: {  	s2 =	sadd.s32 s2, s16  }
0x8e: {  	[smem:$0x3FB4] =	sst s2  }
0x8f: {  	_ = 	snop  }
0x90: {  	(tm) =	ssettm $0x1  }
0x91: {  	s17 =	sld [smem:$0x3FFB];
	_ =	sdelay $0x3  }
0x92: {  	_ =	strace s17  }
0x93: {  	s2 =	sld [smem:$0x3FFC];
	_ =	sdelay $0x3  }
0x94: {  	_ =	strace s2  }
0x95: {  	s2 =	sld [smem:$0x3FFD];
	_ =	sdelay $0x3  }
0x96: {  	_ =	strace s2  }
0x97: {  	_ =	strace $0x8FFFFFFF  }
0x98: {  	s18 =	sld [smem:$0x3FDB];
	_ =	sdelay $0x1  }
0x99: {  	s19 =	simm.s32 $_scs_section_size  }
0x9a: {  	s4 =	simm.s32 $_size__tile_overlayer_lowered;
	s5 =	simm.s32 $_tile_overlayer_lowered  }
0x9b: {  	s22 =	simm.s32 $0x1BFF;
	s21 =	sshll.u32 s5, $0x1;
	s2 =	sadd.s32 s19, s18  }
0x9c: {  	s6 =	simm.s32 $0x0;
	s20 =	sshll.u32 s4, $0x1;
	s4 =	sadd.s32 s21, s2  }
0x9d: {  	[timem:s6], [sflag:s22] =	dma.local [hbm:s4], s20  }
0x9e: {  	_ =	swait.ge [sflag:s22], s20  }
0x9f: {  	s3 =	ssub.s32 $0x0, s20;
	[sflag:s22] =	ssyncset.done $0x0  }
0xa0: {  	[sflag:s22] =	ssyncadd.s32 s3;
	_ =	sdelay $0x1  }
0xa1: {  	s23 =	simm.s32 $0x1B8B  }
0xa2: {  	_ =	swait.ge [sflag:s23], $0x1  }
0xa3: {  	[sflag:s23] =	ssyncset.done $0x0  }
0xa4: {  	s25 =	simm.s32 $0x1B8E;
	s24 =	sld [smem:$0x3FFE];
	[sflag:s23] =	ssyncadd.s32 $0xFFFFFFFF  }
0xa5: {  	s26 =	simm.s32 $execute0_lowered;
	[smem:$0x3FD2] =	sst s25  }
0xa6: {  	s4 =	sshll.u32 s26, $0x1;
	_ =	strace $0x80000046;
	[dreg:$0x1] =	wrdreg $0xFFFFFFFF  }
0xa7: {  	s28 =	simm.s32 $_size_execute0_lowered;
	s2 =	sadd.s32 s2, s4;
	[dreg:$0x0] =	wrdreg $0x0  }
0xa8: {  	s4 =	sshll.u32 s28, $0x1;
	[dreg:$0x2] =	wrdreg s2  }
0xa9: {  	[dreg:$0x3] =	wrdreg s4  }
0xaa: {  	[dreg:$0x4] =	wrdreg $0xC0  }
0xab: {  	_ =	task [dreg:s6], $0x5FFFF  }
0xac: {  	[dreg:$0x1] =	wrdreg $0xFFFFFFFF  }
0xad: {  	[dreg:$0x0] =	wrdreg $0x60  }
0xae: {  	[dreg:$0x2] =	wrdreg s24  }
0xaf: {  	[dreg:$0x3] =	wrdreg $0x9  }
0xb0: {  	_ =	task.clear_ibuf [dreg:s6], $0x4FFFF;
	_ =	strace $0x90000046  }
0xb1: {  	s29 =	simm.s32 $0x9;
	_ =	strace $0x80000048  }
0xb2: {  	_ =	swait.ge [sflag:s29], $0x1  }
0xb3: {  	[sflag:s29] =	ssyncadd.s32 $0xFFFFFFFF  }
0xb4: {  	_ =	strace $0x90000048  }
0xb5: {  	_ =	sfence  }
0xb6: {  	s30 =	sld [smem:$0x0];
	_ =	sdelay $0x2  }
0xb7: {  	s31 =	sshll.u32 s1, $0xD;
	s1 =	sshrl.u32 s1, $0x2  }
0xb8: {  	s3 =	sand.u32 $0x4000, s31;
	s1 =	sadd.s32 s1, s30  }
0xb9: {  	s0 =	sor.u32 s3, s0;
	s1 =	sshll.u32 s1, $0x11  }
0xba: {  	s0 =	sor.u32 s1, s0  }
0xbb: {  	s0 =	sadd.s32 $0x8F2B, s0  }
0xbc: {  	[sflag:s0] =	ssyncadd.remote.s32 $0x1  }
0xbd: {  	_ =	sfence.sel $0xFFFF  }
0xbe: {  	[dreg:$0x0] =	wrdreg $0xFFFFFFFF;
	(pc) =	sbr.abs _section_cstart, $3  }
0xbf: {  	[dreg:$0x1] =	wrdreg $0xFFFFFFFF  }
0xc0: {  	_ =	task.clear_ibuf [dreg:s6], $0x2FFFF;
	_ =	strace $0x9FFFFFFF  }
0xc1: {  	(tm) =	ssettm $0x7FFFFFFF  }
tec
execute0_lowered:
.L_overlay_start_1:
0x0: {  	(tag) =	ssettag $0x1  }
0x1: {  	s1 =	srdreg.scid;
	s0 =	stileid.u32  }
0x2: {  	s4 =	rddreg [dreg:$0x0];
	s3 =	sand.u32 $0x1, s1;
	s30 =	sshll.u32 s0, $0x1  }
0x3: {  	s2 =	simm.s32 $0x0;
	s8 =	simm.s32 $0x0;
	s5 =	sor.u32 s3, s30  }
0x4: {  	s1 =	rddreg [dreg:$0x1];
	s3 =	ssub.s32 $0x2, s3;
	s6 =	smul.u32 $0x500, s5  }
0x5: {  	[smem:$0x7FF] =	sst s2;
	s5 =	smul.u32 $0x4F0, s5;
	s7 =	sshrl.u32 s3, $0x1  }
0x6: {  	_ =	strace $0x80000047;
	s31 =	ssub.s32 s3, s7;
	s7 =	simm.s32 $0x2800  }
0x7: {  	s6 =	sadd.s32 s6, s4;
	s4 =	sadd.s32 s5, s4;
	s5 =	smax.u32 s31, $0x1  }
0x8: {  	v0 =	vimm.f32 $0.0e+00;
	v1 =	vimm.f32 $1.000000000e+00;
	s3 =	sadd.s32 $0x5800, s6;
	s4 =	sadd.s32 $0xF800, s4;
	s6 =	simm.s32 $0x1  }
.LBB2_1:
0x9: {  	[tilespmem:s2], [sflag:$0x1] =	stream.linear.gather [hbm4b:s3+s2], $0x2800, $0x38;
	[tilespmem:$0x4F80] =	vst v63  }
0xa: {  	_ =	swait.ge [sflag:s6], $0x2800  }
0xb: {  	[sflag:s6] =	ssyncset.done $0x0  }
0xc: {  	s9 =	simm.s32 $0x0;
	[sflag:s6] =	ssyncadd.s32 $0xFFFFD800  }
.LBB2_2:
0xd: {  	p0 =	sne.s32 s9, $0x9DC0  }
.Ltmp0:
0xe: {  	_ = 	snop;
	(pc) =	sbr.rel @p0 .LBB2_2-.Ltmp0, $3  }
0xf: {  	_ =	sdelay $0x1  }
0x10: {  	s10 =	sshra.s32 s9, $0x2  }
0x11: {  	s9 =	sadd.s32 $0x40, s9;
	[tilespmem:s10+$0x2800] =	vst v0  }
0x12: {  	s10 =	simm.s32 $0x0;
	s9 =	simm.s32 $0x40  }
.LBB2_4:
0x13: {  	p0 =	sne.s32 s9, $0x9FC0;
	v2 =	vld [tilespmem:s10+$0x0];
	_ =	sdelay $0x3  }
.Ltmp1:
0x14: {  	(pc) =	sbr.rel @p0 .LBB2_4-.Ltmp1, $2  }
0x15: {  	_ =	sdelay $0x2  }
0x16: {  	s10 =	sshra.s32 s9, $0x2;
	s9 =	sadd.s32 $0x40, s9;
	[tilespmem:v2+s7+$0x0] =	vst.idx.add.f32.msk $0xffff, v1  }
0x17: {  	v2 =	vld [tilespmem:s10+$0x0];
	_ =	sdelay $0x5  }
0x18: {  	s8 =	sadd.s32 $0x1, s8  }
0x19: {  	p0 =	sne.s32 s8, s5  }
.Ltmp2:
0x1a: {  	[tilespmem:v2+s7+$0x0] =	vst.idx.add.f32.msk $0xffff, v1;
	(pc) =	sbr.rel @p0 .LBB2_1-.Ltmp2, $4  }
0x1b: {  	[hbm4b:s4+s2] =	stream.linear.scatter [tilespmem:s7], [sflag:$0x1], $0x2780, $0x38;
	[tilespmem:$0x4F80] =	vst v63  }
0x1c: {  	_ =	swait.ge [sflag:s6], $0x2780  }
0x1d: {  	[sflag:s6] =	ssyncset.done $0x0  }
0x1e: {  	[sflag:s6] =	ssyncadd.s32 $0xFFFFD880  }
0x1f: {  	_ =	sfence.sel $0x180000  }
0x20: {  	[bflag:$0x0] =	sbarrier.arrive $0xFFFF  }
0x21: {  	p0 =	sne.s32 s0, $0x0;
	_ =	strace $0x90000047  }
0x22: {  	s0 =	sadd.s32 @!p0 $0x100000, s1;
	[bflag:$0x2] =	sbarrier.arrive $0xFFFF  }
0x23: {  	[sflag:s0] =	ssyncadd.tile.s32 @!p0 $0x1;
	_ =	shalt  }
.Lfunc_end2:
_tile_overlayer_lowered:
.L_overlay_start_2:
0x24: {  	(tag) =	ssettag $0x2  }
0x25: {  	s0 =	rddreg [dreg:$0x0];
	s2 =	stileid.u32  }
0x26: {  	s1 =	rddreg [dreg:$0x1];
	p0 =	sne.s32 s2, $0x0  }
0x27: {  	s3 =	rddreg [dreg:$0x2];
	[bflag:$0x3] =	sbarrier.arrive $0xFFFF;
	s2 =	simm.s32 @!p0 $0x1C01  }
0x28: {  	[timem:s3], [sflag:s2] =	dma.local @!p0 [hbm:s0], s1  }
0x29: {  	s0 =	simm.s32 @!p0 $0x1  }
0x2a: {  	_ =	swait.ge @!p0 [sflag:s0], s1  }
0x2b: {  	s1 =	ssub.s32 @!p0 $0x0, s1;
	[sflag:s0] =	ssyncset.done @!p0 $0x0  }
0x2c: {  	[sflag:s0] =	ssyncadd.s32 @!p0 s1  }
0x2d: {  	[bflag:$0x3] =	sbarrier.arrive $0xFFFF  }
0x2e: {  	_ =	shalt  }

// kernel: kernel.14.cloned.1.call-start
scs
__scs_entry_jumppad:
0x0: {  	(pc) =	sbr.rel $0x88, $3  }
0x1: {  	(tag) =	ssettag $0x0;
	lr =	simm.s32 $0x1  }
0x2: {  	[smem:$0x3F8D] =	sst lr;
	_ =	strace $0xD0000000  }
0x3: {  	_ = 	snop  }
0x4: {  	_ = 	snop  }
0x5: {  	_ = 	snop  }
0x6: {  	_ = 	snop  }
0x7: {  	_ = 	snop  }
__scs_overlays_trampoline_lowered:
0x8: {  	[smem:$0x3F9C] =	sst s0  }
0x9: {  	[smem:$0x3F9D] =	sst s1  }
0xa: {  	[smem:$0x3F9E] =	sst s2  }
0xb: {  	[smem:$0x3F9F] =	sst s3  }
0xc: {  	[smem:$0x3FA0] =	sst s4  }
0xd: {  	[smem:$0x3FA1] =	sst s5  }
0xe: {  	[smem:$0x3FA2] =	sst s6  }
0xf: {  	[smem:$0x3FA3] =	sst s7  }
0x10: {  	[smem:$0x3FA4] =	sst s8  }
0x11: {  	[smem:$0x3FA5] =	sst s9;
	s0 =	simm.s32 @!p0 $0x0  }
0x12: {  	s1 =	sld [smem:$0x3F8B];
	s0 =	simm.s32 @p0 $0x1  }
0x13: {  	[smem:$0x3FA6] =	sst s0;
	s0 =	simm.s32 @!p1 $0x0  }
0x14: {  	s2 =	sld [smem:$0x3F8A];
	s0 =	simm.s32 @p1 $0x1  }
0x15: {  	[smem:$0x3FA7] =	sst s0;
	s0 =	simm.s32 @!p2 $0x0  }
0x16: {  	s3 =	sld [smem:$0x3FDB];
	s0 =	simm.s32 @p2 $0x1  }
0x17: {  	s4 =	simm.s32 $0x1BF5;
	[smem:$0x3FA9] =	sst s0  }
0x18: {  	s0 =	sld [smem:$0x3F8C];
	_ =	swait.ge [sflag:s4], $0x0  }
0x19: {  	s7 =	sld [smem:$0x3F8D]  }
0x1a: {  	s8 =	sadd.s32 $0xFFFFE003, lr  }
0x1b: {  	s9 =	sadd.s32 $0xFFFFFEF7, lr;
	s5 =	simm.s32 $0xFFFFFFFF;
	p2 =	slt.u32 s8, $0xFFFFF086  }
0x1c: {  	p1 =	slt.u32 s9, $0xF7A;
	s5 =	simm.s32 @!p2 $0x0  }
0x1d: {  	s5 =	simm.s32 @p1 $0x1;
	p0 =	seq.s32 s7, s2  }
0x1e: {  	s7 =	smul.u32 @!p0 $0xF7A, s2;
	p2 =	seq.s32 @!p0 s5, $0x0  }
0x1f: {  	s9 =	smul.u32 $0xF7A, s1;
	s8 =	simm.s32 @!p0 $0x1BF5;
	p2 =	por !p2, p0  }
0x20: {  	[sflag:s8] =	ssyncset.s32 @!p0 $0xFFFFF086;
	s6 =	sadd.s32 @!p0 s3, s7;
	s7 =	simm.s32 @!p0 $0x108  }
0x21: {  	s3 =	sadd.s32 s3, s9;
	s6 =	sadd.s32 @!p0 $0x88, s6;
	s7 =	simm.s32 @p2 $0x1082  }
0x22: {  	[simem:s7], [sflag:s8] =	dma.local @!p0 [hbm:s6], $0xF7A  }
0x23: {  	s9 =	sor.u32 $0xD0000000, s2;
	s6 =	simm.s32 $0x108;
	_ =	swait.ge @!p0 [sflag:s8], $0x0  }
0x24: {  	s3 =	sadd.s32 $0x88, s3;
	s6 =	simm.s32 @!p1 $0x1082;
	[sflag:s4] =	ssyncset.s32 $0xFFFFF086  }
0x25: {  	[simem:s6], [sflag:s4] =	dma.local [hbm:s3], $0xF7A  }
0x26: {  	[smem:$0x3F8D] =	sst s1;
	(tag) =	ssettag s2;
	_ =	strace s9  }
0x27: {  	s1 =	sld [smem:$0x3F9D]  }
0x28: {  	s2 =	sld [smem:$0x3F9E]  }
0x29: {  	s4 =	sld [smem:$0x3FA0]  }
0x2a: {  	p0 =	seq.s32 s5, $0x0;
	s5 =	sld [smem:$0x3FA1]  }
0x2b: {  	s6 =	sld [smem:$0x3FA2]  }
0x2c: {  	s7 =	sld [smem:$0x3FA3]  }
0x2d: {  	s3 =	simm.s32 $0x108;
	s8 =	sld [smem:$0x3FA4]  }
0x2e: {  	s3 =	simm.s32 @!p0 $0x1082;
	s9 =	sld [smem:$0x3FA5]  }
0x2f: {  	lr =	sadd.s32 s0, s3;
	s0 =	sld [smem:$0x3F9C]  }
0x30: {  	s3 =	sld [smem:$0x3F9F]  }
0x31: {  	[smem:$0x3FA8] =	sst s10  }
0x32: {  	s10 =	sld [smem:$0x3FA6];
	_ =	sdelay $0x3  }
0x33: {  	p0 =	seq.s32 s10, $0x1;
	s10 =	sld [smem:$0x3FA8];
	_ =	sdelay $0x3  }
0x34: {  	[smem:$0x3FA8] =	sst s10  }
0x35: {  	s10 =	sld [smem:$0x3FA7];
	_ =	sdelay $0x3  }
0x36: {  	p1 =	seq.s32 s10, $0x1;
	s10 =	sld [smem:$0x3FA8];
	_ =	sdelay $0x3  }
0x37: {  	[smem:$0x3FA8] =	sst s10  }
0x38: {  	s10 =	sld [smem:$0x3FA9]  }
0x39: {  	_ = 	snop;
	(pc) =	sbr.ind lr, $3  }
0x3a: {  	_ = 	snop  }
0x3b: {  	_ = 	snop  }
0x3c: {  	p2 =	seq.s32 s10, $0x1;
	s10 =	sld [smem:$0x3FA8]  }
0x3d: {  	_ =	shalt  }
0x3e: {  	_ =	shalt  }
0x3f: {  	_ =	shalt  }
0x40: {  	_ =	shalt  }
0x41: {  	_ =	shalt  }
0x42: {  	_ =	shalt  }
0x43: {  	_ =	shalt  }
0x44: {  	_ =	shalt  }
0x45: {  	_ =	shalt  }
0x46: {  	_ =	shalt  }
0x47: {  	_ =	shalt  }
0x48: {  	_ =	shalt  }
0x49: {  	_ =	shalt  }
0x4a: {  	_ =	shalt  }
0x4b: {  	_ =	shalt  }
0x4c: {  	_ =	shalt  }
0x4d: {  	_ =	shalt  }
0x4e: {  	_ =	shalt  }
0x4f: {  	_ =	shalt  }
0x50: {  	_ =	shalt  }
0x51: {  	_ =	shalt  }
0x52: {  	_ =	shalt  }
0x53: {  	_ =	shalt  }
0x54: {  	_ =	shalt  }
0x55: {  	_ =	shalt  }
0x56: {  	_ =	shalt  }
0x57: {  	_ =	shalt  }
0x58: {  	_ =	shalt  }
0x59: {  	_ =	shalt  }
0x5a: {  	_ =	shalt  }
0x5b: {  	_ =	shalt  }
0x5c: {  	_ =	shalt  }
0x5d: {  	_ =	shalt  }
0x5e: {  	_ =	shalt  }
0x5f: {  	_ =	shalt  }
0x60: {  	_ =	shalt  }
0x61: {  	_ =	shalt  }
0x62: {  	_ =	shalt  }
0x63: {  	_ =	shalt  }
0x64: {  	_ =	shalt  }
0x65: {  	_ =	shalt  }
0x66: {  	_ =	shalt  }
0x67: {  	_ =	shalt  }
0x68: {  	_ =	shalt  }
0x69: {  	_ =	shalt  }
0x6a: {  	_ =	shalt  }
0x6b: {  	_ =	shalt  }
0x6c: {  	_ =	shalt  }
0x6d: {  	_ =	shalt  }
0x6e: {  	_ =	shalt  }
0x6f: {  	_ =	shalt  }
0x70: {  	_ =	shalt  }
0x71: {  	_ =	shalt  }
0x72: {  	_ =	shalt  }
0x73: {  	_ =	shalt  }
0x74: {  	_ =	shalt  }
0x75: {  	_ =	shalt  }
0x76: {  	_ =	shalt  }
0x77: {  	_ =	shalt  }
0x78: {  	_ =	shalt  }
0x79: {  	_ =	shalt  }
0x7a: {  	_ =	shalt  }
0x7b: {  	_ =	shalt  }
0x7c: {  	_ =	shalt  }
0x7d: {  	_ =	shalt  }
0x7e: {  	_ =	shalt  }
0x7f: {  	_ =	shalt  }
0x80: {  	_ =	shalt  }
0x81: {  	_ =	shalt  }
0x82: {  	_ =	shalt  }
0x83: {  	_ =	shalt  }
0x84: {  	_ =	shalt  }
0x85: {  	_ =	shalt  }
0x86: {  	_ =	shalt  }
0x87: {  	_ =	shalt  }
.Lfunc_end0:
.L_simem_size_0:
called_computation.1_lowered:
.L_overlay_start_0:
0x88: {  	s2 =	sld [smem:$0x3FD9]  }
0x89: {  	s3 =	sld [smem:$0x3FFE];
	_ =	sdelay $0x1  }
0x8a: {  	s1 =	srdreg.scid  }
0x8b: {  	s0 =	sand.u32 $0x1, s1  }
0x8c: {  	s15 =	sshll.u32 s0, $0xA;
	s2 =	sadd.s32 s3, s2  }
0x8d: {  	s2 =	sadd.s32 s2, s15  }
0x8e: {  	[smem:$0x3FB4] =	sst s2  }
0x8f: {  	_ = 	snop  }
0x90: {  	s2 =	sld [smem:$0x3FD0];
	_ =	sdelay $0x2  }
0x91: {  	s16 =	simm.s32 $0xB;
	s4 =	simm.s32 $0x10  }
0x92: {  	[smem:s4], [sflag:s16] =	dma.local [hbm:s2], $0x1  }
0x93: {  	_ =	swait.eq [sflag:s16], $0x1  }
0x94: {  	[sflag:s16] =	ssyncset.done $0x0  }
0x95: {  	[sflag:s16] =	ssyncadd.s32 $0xFFFFFFFF  }
0x96: {  	s17 =	sld [smem:$0x11];
	(tm) =	ssettm $0x1  }
0x97: {  	s18 =	sld [smem:$0x3FFB];
	_ =	sdelay $0x3  }
0x98: {  	_ =	strace s18  }
0x99: {  	s2 =	sld [smem:$0x3FFC];
	_ =	sdelay $0x3  }
0x9a: {  	_ =	strace s2  }
0x9b: {  	s2 =	sld [smem:$0x3FFD];
	_ =	sdelay $0x3  }
0x9c: {  	_ =	strace s2  }
0x9d: {  	_ =	strace $0x8FFFFFFF  }
0x9e: {  	s19 =	sld [smem:$0x3FDB];
	_ =	sdelay $0x1  }
0x9f: {  	s20 =	simm.s32 $_scs_section_size  }
0xa0: {  	s5 =	simm.s32 $_size__tile_overlayer_lowered;
	s6 =	simm.s32 $_tile_overlayer_lowered  }
0xa1: {  	s7 =	simm.s32 $0x1BFF;
	s21 =	sshll.u32 s6, $0x1;
	s4 =	sadd.s32 s20, s19  }
0xa2: {  	s22 =	simm.s32 $0x0;
	s5 =	sshll.u32 s5, $0x1;
	s6 =	sadd.s32 s21, s4  }
0xa3: {  	[timem:s22], [sflag:s7] =	dma.local [hbm:s6], s5  }
0xa4: {  	_ =	swait.ge [sflag:s7], s5  }
0xa5: {  	s5 =	ssub.s32 $0x0, s5;
	[sflag:s7] =	ssyncset.done $0x0  }
0xa6: {  	[sflag:s7] =	ssyncadd.s32 s5;
	_ =	sdelay $0x1  }
0xa7: {  	s23 =	simm.s32 $0x1B8B  }
0xa8: {  	_ =	swait.ge [sflag:s23], $0x1  }
0xa9: {  	[sflag:s23] =	ssyncset.done $0x0  }
0xaa: {  	[sflag:s23] =	ssyncadd.s32 $0xFFFFFFFF  }
0xab: {  	s5 =	sld [smem:$0x0]  }
0xac: {  	s6 =	sand.u32 $0xFFFFFFFE, s1  }
0xad: {  	p0 =	sne.s32 s1, s6  }
0xae: {  	s6 =	sshll.u32 @p0 s6, $0xE  }
0xaf: {  	s6 =	sadd.s32 @p0 $0x11B8D, s6;
	s7 =	sshll.u32 @p0 s5, $0x11  }
0xb0: {  	s6 =	sor.u32 @p0 s7, s6  }
0xb1: {  	[sflag:s6] =	ssyncadd.remote.s32 @p0 $0x1;
	_ =	sdelay $0x1  }
0xb2: {  	s6 =	simm.s32 @p0 $0x1B8D  }
0xb3: {  	_ =	swait.eq @p0 [sflag:s6], $0x1  }
0xb4: {  	[sflag:s6] =	ssyncadd.s32 @p0 $0xFFFFFFFF  }
0xb5: {  	s7 =	sshll.u32 @!p0 s1, $0xE  }
0xb6: {  	s7 =	sor.u32 @!p0 $0x4000, s7;
	s6 =	simm.s32 @!p0 $0x1B8D  }
0xb7: {  	s5 =	sshll.u32 @!p0 s5, $0x11;
	s7 =	sadd.s32 @!p0 $0x11B8D, s7;
	_ =	swait.eq @!p0 [sflag:s6], $0x1  }
0xb8: {  	s5 =	sor.u32 @!p0 s5, s7;
	[sflag:s6] =	ssyncadd.s32 @!p0 $0xFFFFFFFF  }
0xb9: {  	s25 =	simm.s32 $0x1B8E;
	s24 =	sld [smem:$0x3FFE];
	[sflag:s5] =	ssyncadd.remote.s32 @!p0 $0x1  }
0xba: {  	s26 =	simm.s32 $execute0_lowered;
	[smem:$0x3FD2] =	sst s25  }
0xbb: {  	s6 =	sshll.u32 s26, $0x1;
	_ =	strace $0x80000049;
	[dreg:$0x1] =	wrdreg $0xFFFFFFFF  }
0xbc: {  	s28 =	simm.s32 $_size_execute0_lowered;
	s4 =	sadd.s32 s4, s6;
	[dreg:$0x0] =	wrdreg $0x0  }
0xbd: {  	s6 =	sshll.u32 s28, $0x1;
	[dreg:$0x2] =	wrdreg s4  }
0xbe: {  	[dreg:$0x3] =	wrdreg s6  }
0xbf: {  	[dreg:$0x4] =	wrdreg $0xC0  }
0xc0: {  	_ =	task [dreg:s22], $0x5FFFF  }
0xc1: {  	[dreg:$0x1] =	wrdreg $0xFFFFFFFF  }
0xc2: {  	[dreg:$0x0] =	wrdreg $0x60  }
0xc3: {  	[dreg:$0x2] =	wrdreg s24  }
0xc4: {  	[dreg:$0x3] =	wrdreg s17  }
0xc5: {  	[dreg:$0x4] =	wrdreg $0xBD000  }
0xc6: {  	[dreg:$0x5] =	wrdreg $0xA  }
0xc7: {  	_ =	task.clear_ibuf [dreg:s22], $0x6FFFF;
	_ =	strace $0x90000049  }
0xc8: {  	s29 =	simm.s32 $0xA;
	_ =	strace $0x8000004B  }
0xc9: {  	_ =	swait.ge [sflag:s29], $0x1  }
0xca: {  	[sflag:s29] =	ssyncadd.s32 $0xFFFFFFFF  }
0xcb: {  	_ =	strace $0x9000004B  }
0xcc: {  	_ =	sfence  }
0xcd: {  	s30 =	sld [smem:$0x0];
	_ =	sdelay $0x2  }
0xce: {  	s31 =	sshll.u32 s1, $0xD;
	s1 =	sshrl.u32 s1, $0x2  }
0xcf: {  	s4 =	sand.u32 $0x4000, s31;
	s1 =	sadd.s32 s1, s30  }
0xd0: {  	s0 =	sor.u32 s4, s0;
	s1 =	sshll.u32 s1, $0x11  }
0xd1: {  	s0 =	sor.u32 s1, s0  }
0xd2: {  	s0 =	sadd.s32 $0x8F2B, s0  }
0xd3: {  	[sflag:s0] =	ssyncadd.remote.s32 $0x1  }
0xd4: {  	_ =	sfence.sel $0xFFFF  }
0xd5: {  	[dreg:$0x0] =	wrdreg $0xFFFFFFFF;
	(pc) =	sbr.abs _section_cstart, $3  }
0xd6: {  	[dreg:$0x1] =	wrdreg $0xFFFFFFFF  }
0xd7: {  	_ =	task.clear_ibuf [dreg:s22], $0x2FFFF;
	_ =	strace $0x9FFFFFFF  }
0xd8: {  	(tm) =	ssettm $0x7FFFFFFF  }
0xd9: {  	_ =	shalt  }
tec
execute0_lowered:
.L_overlay_start_1:
0x0: {  	(tag) =	ssettag $0x1  }
0x1: {  	s0 =	rddreg [dreg:$0x0];
	s1 =	srdreg.scid  }
0x2: {  	s12 =	stileid.u32;
	s3 =	rddreg [dreg:$0x2]  }
0x3: {  	s4 =	simm.s32 $0x0;
	s1 =	sand.u32 $0x1, s1;
	s7 =	smul.u32 $0x4F000, s12  }
0x4: {  	s2 =	sshll.u32 s12, $0x1;
	[smem:$0x7FF] =	sst s4;
	s11 =	smul.u32 $0x13C00, s12  }
0x5: {  	s5 =	sadd.s32 $0x23600, s0;
	s12 =	smul.u32 $0x5000, s12;
	s2 =	sor.u32 s1, s2  }
0x6: {  	s15 =	ssub.s32 $0x2, s1;
	p0 =	seq.s32 s1, $0x1;
	s1 =	smul.u32 $0x2800, s1  }
0x7: {  	s8 =	sadd.s32 $0x19600, s0;
	_ =	strace $0x8000004A;
	s6 =	smul.u32 $0x500, s2  }
0x8: {  	s10 =	sshrl.u32 s15, $0x1;
	s7 =	sshrl.u32 s7, $0x2;
	s2 =	smul.u32 $0x2800, s2  }
0x9: {  	s10 =	ssub.s32 s15, s10;
	s7 =	sadd.s32 s7, s3;
	s1 =	sadd.s32 s1, s12  }
0xa: {  	s9 =	sadd.s32 s6, s0;
	s6 =	sadd.s32 s11, s3;
	s13 =	sadd.s32 $0x1400, s7  }
0xb: {  	s16 =	sadd.s32 $0x2800, s7;
	s17 =	sadd.s32 $0x3C00, s7;
	[dreg:$0x4] =	wrdreg s13  }
0xc: {  	s18 =	sadd.s32 $0x5000, s7;
	s19 =	sadd.s32 $0x6400, s7;
	[dreg:$0x5] =	wrdreg s16  }
0xd: {  	s20 =	sadd.s32 $0x7800, s7;
	s21 =	sadd.s32 $0x8C00, s7;
	[dreg:$0x6] =	wrdreg s17  }
0xe: {  	s14 =	sadd.s32 $0xA000, s7;
	s22 =	sshrl.u32 s2, $0x3;
	[dreg:$0x7] =	wrdreg s18  }
0xf: {  	s23 =	sor.u32 $0x100, s2;
	s24 =	sadd.s32 $0xB400, s7;
	[dreg:$0x8] =	wrdreg s19  }
0x10: {  	s2 =	sor.u32 $0x180, s2;
	s11 =	sshrl.u32 s11, $0x3;
	[dreg:$0x9] =	wrdreg s20  }
0x11: {  	s26 =	sor.u32 $0x280, s1;
	s1 =	sor.u32 $0x200, s1;
	[dreg:$0xa] =	wrdreg s21  }
0x12: {  	s28 =	sadd.s32 $0x12C00, s7;
	s30 =	smax.u32 s10, $0x1;
	[dreg:$0xb] =	wrdreg s14  }
0x13: {  	s10 =	simm.s32 $0x6900;
	s13 =	simm.s32 $0x72000;
	[dreg:$0xc] =	wrdreg s24  }
0x14: {  	s16 =	sadd.s32 s8, s22;
	s25 =	sshrl.u32 s23, $0x3;
	s2 =	sshrl.u32 s2, $0x3  }
0x15: {  	s1 =	sshrl.u32 s1, $0x3;
	s22 =	sadd.s32 $0xC800, s7;
	s23 =	sadd.s32 $0xDC00, s7  }
0x16: {  	s24 =	sadd.s32 $0xF000, s7;
	s29 =	sadd.s32 $0x5800, s9;
	s9 =	simm.s32 $0x2900  }
0x17: {  	s13 =	simm.s32 @!p0 $0x4A800;
	s12 =	sadd.s32 s8, s25;
	s19 =	sadd.s32 s8, s2  }
0x18: {  	s21 =	sadd.s32 s1, s8;
	s25 =	sadd.s32 $0x10400, s7;
	s31 =	sadd.s32 $0x10, s16  }
0x19: {  	s1 =	simm.s32 $0xA900;
	s2 =	simm.s32 $0x4;
	s0 =	sadd.s32 s13, s0  }
0x1a: {  	[dreg:$0xd] =	wrdreg s12;
	s12 =	simm.s32 $0x3;
	s0 =	sadd.s32 s0, s11  }
0x1b: {  	s13 =	simm.s32 $0x0;
	s11 =	simm.s32 $0x2;
	[dreg:$0xe] =	wrdreg s0  }
0x1c: {  	s0 =	sshrl.u32 s26, $0x3;
	s26 =	sadd.s32 $0x11800, s7;
	s7 =	simm.s32 $0x1  }
0x1d: {  	s20 =	sadd.s32 s0, s8;
	s0 =	simm.s32 $0x100;
	s8 =	simm.s32 $0x80  }
.LBB2_1:
0x1e: {  	s14 =	rddreg [dreg:$0x1]  }
0x1f: {  	[tilespmem:s1], [sflag:$0x4] =	stream.linear.gather [hbm4b:s14+s4], $0x1400, $0x38;
	[tilespmem:$0x1F900] =	vst v63  }
0x20: {  	_ =	swait.ge [sflag:s2], $0x1400  }
0x21: {  	[sflag:s2] =	ssyncset.done $0x0  }
0x22: {  	[sflag:s2] =	ssyncadd.s32 $0xFFFFEC00  }
0x23: {  	[spmem:s6] =	stream.linear.scatter [tilespmem:s1], [sflag:$0x4], $0x1400, $0x38;
	[tilespmem:$0x1F900] =	vst v63  }
0x24: {  	_ =	swait.ge [sflag:s2], $0x1400  }
0x25: {  	[sflag:s2] =	ssyncset.done $0x0  }
0x26: {  	s15 =	rddreg [dreg:$0x4];
	[sflag:s2] =	ssyncadd.s32 $0xFFFFEC00  }
0x27: {  	[spmem:s15] =	stream.linear.scatter [tilespmem:s1], [sflag:$0x4], $0x1400, $0x38;
	[tilespmem:$0x1F900] =	vst v63  }
0x28: {  	_ =	swait.ge [sflag:s2], $0x1400  }
0x29: {  	[sflag:s2] =	ssyncset.done $0x0  }
0x2a: {  	s17 =	rddreg [dreg:$0x5];
	[sflag:s2] =	ssyncadd.s32 $0xFFFFEC00  }
0x2b: {  	[spmem:s17] =	stream.linear.scatter [tilespmem:s1], [sflag:$0x4], $0x1400, $0x38;
	[tilespmem:$0x1F900] =	vst v63  }
0x2c: {  	_ =	swait.ge [sflag:s2], $0x1400  }
0x2d: {  	[sflag:s2] =	ssyncset.done $0x0  }
0x2e: {  	s18 =	rddreg [dreg:$0x6];
	[sflag:s2] =	ssyncadd.s32 $0xFFFFEC00  }
0x2f: {  	[spmem:s18] =	stream.linear.scatter [tilespmem:s1], [sflag:$0x4], $0x1400, $0x38;
	[tilespmem:$0x1F900] =	vst v63  }
0x30: {  	_ =	swait.ge [sflag:s2], $0x1400  }
0x31: {  	[sflag:s2] =	ssyncset.done $0x0  }
0x32: {  	s15 =	rddreg [dreg:$0x7];
	[sflag:s2] =	ssyncadd.s32 $0xFFFFEC00  }
0x33: {  	[spmem:s15] =	stream.linear.scatter [tilespmem:s1], [sflag:$0x4], $0x1400, $0x38;
	[tilespmem:$0x1F900] =	vst v63  }
0x34: {  	_ =	swait.ge [sflag:s2], $0x1400  }
0x35: {  	[sflag:s2] =	ssyncset.done $0x0  }
0x36: {  	s17 =	rddreg [dreg:$0x8];
	[sflag:s2] =	ssyncadd.s32 $0xFFFFEC00  }
0x37: {  	[spmem:s17] =	stream.linear.scatter [tilespmem:s1], [sflag:$0x4], $0x1400, $0x38;
	[tilespmem:$0x1F900] =	vst v63  }
0x38: {  	_ =	swait.ge [sflag:s2], $0x1400  }
0x39: {  	[sflag:s2] =	ssyncset.done $0x0  }
0x3a: {  	s18 =	rddreg [dreg:$0x9];
	[sflag:s2] =	ssyncadd.s32 $0xFFFFEC00  }
0x3b: {  	[spmem:s18] =	stream.linear.scatter [tilespmem:s1], [sflag:$0x4], $0x1400, $0x38;
	[tilespmem:$0x1F900] =	vst v63  }
0x3c: {  	_ =	swait.ge [sflag:s2], $0x1400  }
0x3d: {  	[sflag:s2] =	ssyncset.done $0x0  }
0x3e: {  	s15 =	rddreg [dreg:$0xa];
	[sflag:s2] =	ssyncadd.s32 $0xFFFFEC00  }
0x3f: {  	[spmem:s15] =	stream.linear.scatter [tilespmem:s1], [sflag:$0x4], $0x1400, $0x38;
	[tilespmem:$0x1F900] =	vst v63  }
0x40: {  	_ =	swait.ge [sflag:s2], $0x1400  }
0x41: {  	[sflag:s2] =	ssyncset.done $0x0  }
0x42: {  	s17 =	rddreg [dreg:$0xb];
	[sflag:s2] =	ssyncadd.s32 $0xFFFFEC00  }
0x43: {  	[spmem:s17] =	stream.linear.scatter [tilespmem:s1], [sflag:$0x4], $0x1400, $0x38;
	[tilespmem:$0x1F900] =	vst v63  }
0x44: {  	_ =	swait.ge [sflag:s2], $0x1400  }
0x45: {  	[sflag:s2] =	ssyncset.done $0x0  }
0x46: {  	s18 =	rddreg [dreg:$0xc];
	[sflag:s2] =	ssyncadd.s32 $0xFFFFEC00  }
0x47: {  	[spmem:s18] =	stream.linear.scatter [tilespmem:s1], [sflag:$0x4], $0x1400, $0x38;
	[tilespmem:$0x1F900] =	vst v63  }
0x48: {  	_ =	swait.ge [sflag:s2], $0x1400  }
0x49: {  	[sflag:s2] =	ssyncset.done $0x0  }
0x4a: {  	[sflag:s2] =	ssyncadd.s32 $0xFFFFEC00  }
0x4b: {  	[spmem:s22] =	stream.linear.scatter [tilespmem:s1], [sflag:$0x4], $0x1400, $0x38;
	[tilespmem:$0x1F900] =	vst v63  }
0x4c: {  	_ =	swait.ge [sflag:s2], $0x1400  }
0x4d: {  	[sflag:s2] =	ssyncset.done $0x0  }
0x4e: {  	[sflag:s2] =	ssyncadd.s32 $0xFFFFEC00  }
0x4f: {  	[spmem:s23] =	stream.linear.scatter [tilespmem:s1], [sflag:$0x4], $0x1400, $0x38;
	[tilespmem:$0x1F900] =	vst v63  }
0x50: {  	_ =	swait.ge [sflag:s2], $0x1400  }
0x51: {  	[sflag:s2] =	ssyncset.done $0x0  }
0x52: {  	[sflag:s2] =	ssyncadd.s32 $0xFFFFEC00  }
0x53: {  	[spmem:s24] =	stream.linear.scatter [tilespmem:s1], [sflag:$0x4], $0x1400, $0x38;
	[tilespmem:$0x1F900] =	vst v63  }
0x54: {  	_ =	swait.ge [sflag:s2], $0x1400  }
0x55: {  	[sflag:s2] =	ssyncset.done $0x0  }
0x56: {  	[sflag:s2] =	ssyncadd.s32 $0xFFFFEC00  }
0x57: {  	[spmem:s25] =	stream.linear.scatter [tilespmem:s1], [sflag:$0x4], $0x1400, $0x38;
	[tilespmem:$0x1F900] =	vst v63  }
0x58: {  	_ =	swait.ge [sflag:s2], $0x1400  }
0x59: {  	[sflag:s2] =	ssyncset.done $0x0  }
0x5a: {  	[sflag:s2] =	ssyncadd.s32 $0xFFFFEC00  }
0x5b: {  	[spmem:s26] =	stream.linear.scatter [tilespmem:s1], [sflag:$0x4], $0x1400, $0x38;
	[tilespmem:$0x1F900] =	vst v63  }
0x5c: {  	_ =	swait.ge [sflag:s2], $0x1400  }
0x5d: {  	[sflag:s2] =	ssyncset.done $0x0  }
0x5e: {  	[sflag:s2] =	ssyncadd.s32 $0xFFFFEC00  }
0x5f: {  	[spmem:s28] =	stream.linear.scatter [tilespmem:s1], [sflag:$0x4], $0x1000, $0x38;
	[tilespmem:$0x1F900] =	vst v63  }
0x60: {  	_ =	swait.ge [sflag:s2], $0x1000  }
0x61: {  	[sflag:s2] =	ssyncset.done $0x0  }
0x62: {  	[sflag:s2] =	ssyncadd.s32 $0xFFFFF000  }
0x63: {  	[tilespmem:s0], [sflag:$0x4] =	stream.linear.gather [hbm4b:s29+s4], $0x2800, $0x38;
	[tilespmem:$0x1F900] =	vst v63  }
0x64: {  	_ =	swait.ge [sflag:s2], $0x2800  }
0x65: {  	[sflag:s2] =	ssyncset.done $0x0  }
0x66: {  	[sflag:s2] =	ssyncadd.s32 $0xFFFFD800  }
0x67: {  	[bflag:$0x0] =	sbarrier.arrive $0xFFFF  }
0x68: {  	[tilespmem:s4], [sflag:$0x1] =	stream.linear.gather [hbm4b:s16+s4], $0x80, $0x38;
	[tilespmem:$0x1F900] =	vst v63  }
0x69: {  	_ =	swait.ge [sflag:s7], $0x80  }
0x6a: {  	[sflag:s7] =	ssyncset.done $0x0  }
0x6b: {  	[sflag:s7] =	ssyncadd.s32 $0xFFFFFF80  }
0x6c: {  	[tilespmem:s9], [sflag:$0x2] =	stream.indirect.gather [hbm4b:s5+s8], $0x80, s4, s8, $0xb8;
	[tilespmem:$0x1F900] =	vst v63  }
0x6d: {  	_ = 	snop  }
0x6e: {  	[tilespmem:s8], [sflag:$0x1] =	stream.linear.gather [hbm4b:s31+s4], $0x80, $0x38;
	[tilespmem:$0x1F900] =	vst v63  }
0x6f: {  	_ =	swait.ge [sflag:s7], $0x80  }
0x70: {  	[sflag:s7] =	ssyncset.done $0x0  }
0x71: {  	[sflag:s7] =	ssyncadd.s32 $0xFFFFFF80  }
0x72: {  	[tilespmem:s10], [sflag:$0x2] =	stream.indirect.gather [hbm4b:s5+s8], $0x80, s8, s8, $0xb8;
	[tilespmem:$0x1F900] =	vst v63  }
0x73: {  	_ =	swait.ge [sflag:s11], $0x4000  }
0x74: {  	[sflag:s11] =	ssyncset.done $0x0  }
0x75: {  	[sflag:s11] =	ssyncadd.s32 $0xFFFFC000  }
0x76: {  	[spmem:s3] =	stream.indirect.scatter.add.f32 [tilespmem:s9], [sflag:$0x3], $0x80, s0, s8, $0xb8;
	[tilespmem:$0x1F900] =	vst v63  }
0x77: {  	s15 =	rddreg [dreg:$0xd]  }
0x78: {  	[tilespmem:s4], [sflag:$0x1] =	stream.linear.gather [hbm4b:s15+s4], $0x80, $0x38;
	[tilespmem:$0x1F900] =	vst v63  }
0x79: {  	_ =	swait.ge [sflag:s7], $0x80  }
0x7a: {  	[sflag:s7] =	ssyncset.done $0x0  }
0x7b: {  	[sflag:s7] =	ssyncadd.s32 $0xFFFFFF80  }
0x7c: {  	_ =	swait.ge [sflag:s12], $0x4000  }
0x7d: {  	[sflag:s12] =	ssyncset.done $0x0  }
0x7e: {  	[sflag:s12] =	ssyncadd.s32 $0xFFFFC000  }
0x7f: {  	[tilespmem:s9], [sflag:$0x2] =	stream.indirect.gather [hbm4b:s5+s8], $0x80, s4, s8, $0xb8;
	[tilespmem:$0x1F900] =	vst v63  }
0x80: {  	_ =	swait.ge [sflag:s11], $0x4000  }
0x81: {  	[sflag:s11] =	ssyncset.done $0x0  }
0x82: {  	s17 =	simm.s32 $0x180;
	[sflag:s11] =	ssyncadd.s32 $0xFFFFC000  }
0x83: {  	[spmem:s3] =	stream.indirect.scatter.add.f32 [tilespmem:s10], [sflag:$0x3], $0x80, s17, s8, $0xb8;
	[tilespmem:$0x1F900] =	vst v63  }
0x84: {  	_ = 	snop  }
0x85: {  	[tilespmem:s8], [sflag:$0x1] =	stream.linear.gather [hbm4b:s19+s4], $0x80, $0x38;
	[tilespmem:$0x1F900] =	vst v63  }
0x86: {  	_ =	swait.ge [sflag:s7], $0x80  }
0x87: {  	[sflag:s7] =	ssyncset.done $0x0  }
0x88: {  	[sflag:s7] =	ssyncadd.s32 $0xFFFFFF80  }
0x89: {  	_ =	swait.ge [sflag:s12], $0x4000  }
0x8a: {  	[sflag:s12] =	ssyncset.done $0x0  }
0x8b: {  	[sflag:s12] =	ssyncadd.s32 $0xFFFFC000  }
0x8c: {  	[tilespmem:s10], [sflag:$0x2] =	stream.indirect.gather [hbm4b:s5+s8], $0x80, s8, s8, $0xb8;
	[tilespmem:$0x1F900] =	vst v63  }
0x8d: {  	_ =	swait.ge [sflag:s11], $0x4000  }
0x8e: {  	[sflag:s11] =	ssyncset.done $0x0  }
0x8f: {  	s18 =	simm.s32 $0x200;
	[sflag:s11] =	ssyncadd.s32 $0xFFFFC000  }
0x90: {  	[spmem:s3] =	stream.indirect.scatter.add.f32 [tilespmem:s9], [sflag:$0x3], $0x80, s18, s8, $0xb8;
	[tilespmem:$0x1F900] =	vst v63  }
0x91: {  	s15 =	sadd.s32 $0x0, s21  }
0x92: {  	[tilespmem:s4], [sflag:$0x1] =	stream.linear.gather [hbm4b:s15+s4], $0x80, $0x38;
	[tilespmem:$0x1F900] =	vst v63  }
0x93: {  	_ =	swait.ge [sflag:s7], $0x80  }
0x94: {  	[sflag:s7] =	ssyncset.done $0x0  }
0x95: {  	[sflag:s7] =	ssyncadd.s32 $0xFFFFFF80  }
0x96: {  	_ =	swait.ge [sflag:s12], $0x4000  }
0x97: {  	[sflag:s12] =	ssyncset.done $0x0  }
0x98: {  	[sflag:s12] =	ssyncadd.s32 $0xFFFFC000  }
0x99: {  	[tilespmem:s9], [sflag:$0x2] =	stream.indirect.gather [hbm4b:s5+s8], $0x80, s4, s8, $0xb8;
	[tilespmem:$0x1F900] =	vst v63  }
0x9a: {  	_ =	swait.ge [sflag:s11], $0x4000  }
0x9b: {  	[sflag:s11] =	ssyncset.done $0x0  }
0x9c: {  	s17 =	simm.s32 $0x280;
	[sflag:s11] =	ssyncadd.s32 $0xFFFFC000  }
0x9d: {  	[spmem:s3] =	stream.indirect.scatter.add.f32 [tilespmem:s10], [sflag:$0x3], $0x80, s17, s8, $0xb8;
	[tilespmem:$0x1F900] =	vst v63  }
0x9e: {  	s18 =	sadd.s32 $0x0, s20  }
0x9f: {  	[tilespmem:s8], [sflag:$0x1] =	stream.linear.gather [hbm4b:s18+s4], $0x80, $0x38;
	[tilespmem:$0x1F900] =	vst v63  }
0xa0: {  	_ =	swait.ge [sflag:s7], $0x80  }
0xa1: {  	[sflag:s7] =	ssyncset.done $0x0  }
0xa2: {  	[sflag:s7] =	ssyncadd.s32 $0xFFFFFF80  }
0xa3: {  	_ =	swait.ge [sflag:s12], $0x4000  }
0xa4: {  	[sflag:s12] =	ssyncset.done $0x0  }
0xa5: {  	[sflag:s12] =	ssyncadd.s32 $0xFFFFC000  }
0xa6: {  	[tilespmem:s10], [sflag:$0x2] =	stream.indirect.gather [hbm4b:s5+s8], $0x80, s8, s8, $0xb8;
	[tilespmem:$0x1F900] =	vst v63  }
0xa7: {  	_ =	swait.ge [sflag:s11], $0x4000  }
0xa8: {  	s14 =	simm.s32 $0x380;
	[sflag:s11] =	ssyncset.done $0x0  }
0xa9: {  	s15 =	simm.s32 $0x20;
	s17 =	simm.s32 $0x300;
	[sflag:s11] =	ssyncadd.s32 $0xFFFFC000  }
.LBB2_2:
0xaa: {  	[spmem:s3] =	stream.indirect.scatter.add.f32 [tilespmem:s9], [sflag:$0x3], $0x80, s17, s8, $0xb8;
	[tilespmem:$0x1F900] =	vst v63  }
0xab: {  	s17 =	smov.u32 s15  }
0xac: {  	p0 =	sne.s32 s15, $0x4A0;
	s15 =	sadd.s32 $0x20, s15;
	s18 =	sadd.s32 s17, s21  }
0xad: {  	[tilespmem:s4], [sflag:$0x1] =	stream.linear.gather [hbm4b:s18+s4], $0x80, $0x38;
	[tilespmem:$0x1F900] =	vst v63  }
0xae: {  	_ =	swait.ge [sflag:s7], $0x80  }
0xaf: {  	[sflag:s7] =	ssyncset.done $0x0  }
0xb0: {  	[sflag:s7] =	ssyncadd.s32 $0xFFFFFF80  }
0xb1: {  	_ =	swait.ge [sflag:s12], $0x4000  }
0xb2: {  	[sflag:s12] =	ssyncset.done $0x0  }
0xb3: {  	[sflag:s12] =	ssyncadd.s32 $0xFFFFC000  }
0xb4: {  	[tilespmem:s9], [sflag:$0x2] =	stream.indirect.gather [hbm4b:s5+s8], $0x80, s4, s8, $0xb8;
	[tilespmem:$0x1F900] =	vst v63  }
0xb5: {  	_ =	swait.ge [sflag:s11], $0x4000  }
0xb6: {  	[sflag:s11] =	ssyncset.done $0x0  }
0xb7: {  	[sflag:s11] =	ssyncadd.s32 $0xFFFFC000  }
0xb8: {  	[spmem:s3] =	stream.indirect.scatter.add.f32 [tilespmem:s10], [sflag:$0x3], $0x80, s14, s8, $0xb8;
	[tilespmem:$0x1F900] =	vst v63  }
0xb9: {  	s17 =	sadd.s32 s17, s20  }
0xba: {  	[tilespmem:s8], [sflag:$0x1] =	stream.linear.gather [hbm4b:s17+s4], $0x80, $0x38;
	[tilespmem:$0x1F900] =	vst v63  }
0xbb: {  	_ =	swait.ge [sflag:s7], $0x80  }
0xbc: {  	[sflag:s7] =	ssyncset.done $0x0  }
0xbd: {  	[sflag:s7] =	ssyncadd.s32 $0xFFFFFF80  }
0xbe: {  	_ =	swait.ge [sflag:s12], $0x4000  }
0xbf: {  	[sflag:s12] =	ssyncset.done $0x0  }
.Ltmp0:
0xc0: {  	[sflag:s12] =	ssyncadd.s32 $0xFFFFC000;
	(pc) =	sbr.rel @p0 .LBB2_2-.Ltmp0, $4  }
0xc1: {  	[tilespmem:s10], [sflag:$0x2] =	stream.indirect.gather [hbm4b:s5+s8], $0x80, s8, s8, $0xb8;
	[tilespmem:$0x1F900] =	vst v63  }
0xc2: {  	_ =	swait.ge [sflag:s11], $0x4000  }
0xc3: {  	[sflag:s11] =	ssyncset.done $0x0  }
0xc4: {  	s17 =	sadd.s32 $0x80, s14;
	s14 =	sadd.s32 $0x100, s14;
	[sflag:s11] =	ssyncadd.s32 $0xFFFFC000  }
0xc5: {  	[spmem:s3] =	stream.indirect.scatter.add.f32 [tilespmem:s9], [sflag:$0x3], $0x80, s17, s8, $0xb8;
	[tilespmem:$0x1F900] =	vst v63  }
0xc6: {  	_ =	swait.ge [sflag:s11], $0x4000  }
0xc7: {  	[sflag:s11] =	ssyncset.done $0x0  }
0xc8: {  	[sflag:s11] =	ssyncadd.s32 $0xFFFFC000  }
0xc9: {  	[spmem:s3] =	stream.indirect.scatter.add.f32 [tilespmem:s10], [sflag:$0x3], $0x80, s14, s8, $0xb8;
	[tilespmem:$0x1F900] =	vst v63  }
0xca: {  	_ =	swait.ge [sflag:s12], $0x4000  }
0xcb: {  	[sflag:s12] =	ssyncset.done $0x0  }
0xcc: {  	[sflag:s12] =	ssyncadd.s32 $0xFFFFC000  }
0xcd: {  	_ =	swait.ge [sflag:s12], $0x4000  }
0xce: {  	s17 =	stileid.u32;
	[sflag:s12] =	ssyncset.done $0x0  }
0xcf: {  	s15 =	sshrl.u32 s6, $0x3;
	s13 =	sadd.s32 $0x1, s13;
	[sflag:s12] =	ssyncadd.s32 $0xFFFFC000  }
0xd0: {  	p0 =	sne.s32 s13, s30;
	s14 =	sshll.u32 s17, $0x6;
	[bflag:$0x0] =	sbarrier.arrive $0xFFFF  }
.Ltmp1:
0xd1: {  	s14 =	sor.u32 $0x1C04, s14;
	s18 =	rddreg [dreg:$0xe];
	(pc) =	sbr.rel @p0 .LBB2_1-.Ltmp1, $4  }
0xd2: {  	[hbm:s18], [sflag:s14] =	dma.local [spmem:s15], $0x2780  }
0xd3: {  	_ =	swait.ge [sflag:s2], $0x2780  }
0xd4: {  	[sflag:s2] =	ssyncset.done $0x0  }
0xd5: {  	[sflag:s2] =	ssyncadd.s32 $0xFFFFD880  }
0xd6: {  	_ =	sfence.sel $0x180000  }
0xd7: {  	[bflag:$0x0] =	sbarrier.arrive $0xFFFF  }
0xd8: {  	_ =	strace $0x9000004A  }
0xd9: {  	s0 =	stileid.u32;
	[bflag:$0x2] =	sbarrier.arrive $0xFFFF  }
0xda: {  	p0 =	sne.s32 s0, $0x0;
	s0 =	rddreg [dreg:$0x3]  }
0xdb: {  	s0 =	sadd.s32 @!p0 $0x100000, s0  }
0xdc: {  	[sflag:s0] =	ssyncadd.tile.s32 @!p0 $0x1;
	_ =	shalt  }
.Lfunc_end2:
_tile_overlayer_lowered:
.L_overlay_start_2:
0xdd: {  	(tag) =	ssettag $0x2  }
0xde: {  	s0 =	rddreg [dreg:$0x0];
	s2 =	stileid.u32  }
0xdf: {  	s1 =	rddreg [dreg:$0x1];
	p0 =	sne.s32 s2, $0x0  }
0xe0: {  	s3 =	rddreg [dreg:$0x2];
	[bflag:$0x3] =	sbarrier.arrive $0xFFFF;
	s2 =	simm.s32 @!p0 $0x1C04  }
0xe1: {  	[timem:s3], [sflag:s2] =	dma.local @!p0 [hbm:s0], s1  }
0xe2: {  	s0 =	simm.s32 @!p0 $0x4  }
0xe3: {  	_ =	swait.ge @!p0 [sflag:s0], s1  }
0xe4: {  	s1 =	ssub.s32 @!p0 $0x0, s1;
	[sflag:s0] =	ssyncset.done @!p0 $0x0  }
0xe5: {  	[sflag:s0] =	ssyncadd.s32 @!p0 s1  }
0xe6: {  	[bflag:$0x3] =	sbarrier.arrive $0xFFFF  }
0xe7: {  	_ =	shalt  }

// kernel: kernel.17.cloned.1.call-start
scs
__scs_entry_jumppad:
0x0: {  	(pc) =	sbr.rel $0x88, $3  }
0x1: {  	(tag) =	ssettag $0x0;
	lr =	simm.s32 $0x1  }
0x2: {  	[smem:$0x3F8D] =	sst lr;
	_ =	strace $0xD0000000  }
0x3: {  	_ = 	snop  }
0x4: {  	_ = 	snop  }
0x5: {  	_ = 	snop  }
0x6: {  	_ = 	snop  }
0x7: {  	_ = 	snop  }
__scs_overlays_trampoline_lowered:
0x8: {  	[smem:$0x3F9C] =	sst s0  }
0x9: {  	[smem:$0x3F9D] =	sst s1  }
0xa: {  	[smem:$0x3F9E] =	sst s2  }
0xb: {  	[smem:$0x3F9F] =	sst s3  }
0xc: {  	[smem:$0x3FA0] =	sst s4  }
0xd: {  	[smem:$0x3FA1] =	sst s5  }
0xe: {  	[smem:$0x3FA2] =	sst s6  }
0xf: {  	[smem:$0x3FA3] =	sst s7  }
0x10: {  	[smem:$0x3FA4] =	sst s8  }
0x11: {  	[smem:$0x3FA5] =	sst s9;
	s0 =	simm.s32 @!p0 $0x0  }
0x12: {  	s1 =	sld [smem:$0x3F8B];
	s0 =	simm.s32 @p0 $0x1  }
0x13: {  	[smem:$0x3FA6] =	sst s0;
	s0 =	simm.s32 @!p1 $0x0  }
0x14: {  	s2 =	sld [smem:$0x3F8A];
	s0 =	simm.s32 @p1 $0x1  }
0x15: {  	[smem:$0x3FA7] =	sst s0;
	s0 =	simm.s32 @!p2 $0x0  }
0x16: {  	s3 =	sld [smem:$0x3FDB];
	s0 =	simm.s32 @p2 $0x1  }
0x17: {  	s4 =	simm.s32 $0x1BF5;
	[smem:$0x3FA9] =	sst s0  }
0x18: {  	s0 =	sld [smem:$0x3F8C];
	_ =	swait.ge [sflag:s4], $0x0  }
0x19: {  	s7 =	sld [smem:$0x3F8D]  }
0x1a: {  	s8 =	sadd.s32 $0xFFFFE003, lr  }
0x1b: {  	s9 =	sadd.s32 $0xFFFFFEF7, lr;
	s5 =	simm.s32 $0xFFFFFFFF;
	p2 =	slt.u32 s8, $0xFFFFF086  }
0x1c: {  	p1 =	slt.u32 s9, $0xF7A;
	s5 =	simm.s32 @!p2 $0x0  }
0x1d: {  	s5 =	simm.s32 @p1 $0x1;
	p0 =	seq.s32 s7, s2  }
0x1e: {  	s7 =	smul.u32 @!p0 $0xF7A, s2;
	p2 =	seq.s32 @!p0 s5, $0x0  }
0x1f: {  	s9 =	smul.u32 $0xF7A, s1;
	s8 =	simm.s32 @!p0 $0x1BF5;
	p2 =	por !p2, p0  }
0x20: {  	[sflag:s8] =	ssyncset.s32 @!p0 $0xFFFFF086;
	s6 =	sadd.s32 @!p0 s3, s7;
	s7 =	simm.s32 @!p0 $0x108  }
0x21: {  	s3 =	sadd.s32 s3, s9;
	s6 =	sadd.s32 @!p0 $0x88, s6;
	s7 =	simm.s32 @p2 $0x1082  }
0x22: {  	[simem:s7], [sflag:s8] =	dma.local @!p0 [hbm:s6], $0xF7A  }
0x23: {  	s9 =	sor.u32 $0xD0000000, s2;
	s6 =	simm.s32 $0x108;
	_ =	swait.ge @!p0 [sflag:s8], $0x0  }
0x24: {  	s3 =	sadd.s32 $0x88, s3;
	s6 =	simm.s32 @!p1 $0x1082;
	[sflag:s4] =	ssyncset.s32 $0xFFFFF086  }
0x25: {  	[simem:s6], [sflag:s4] =	dma.local [hbm:s3], $0xF7A  }
0x26: {  	[smem:$0x3F8D] =	sst s1;
	(tag) =	ssettag s2;
	_ =	strace s9  }
0x27: {  	s1 =	sld [smem:$0x3F9D]  }
0x28: {  	s2 =	sld [smem:$0x3F9E]  }
0x29: {  	s4 =	sld [smem:$0x3FA0]  }
0x2a: {  	p0 =	seq.s32 s5, $0x0;
	s5 =	sld [smem:$0x3FA1]  }
0x2b: {  	s6 =	sld [smem:$0x3FA2]  }
0x2c: {  	s7 =	sld [smem:$0x3FA3]  }
0x2d: {  	s3 =	simm.s32 $0x108;
	s8 =	sld [smem:$0x3FA4]  }
0x2e: {  	s3 =	simm.s32 @!p0 $0x1082;
	s9 =	sld [smem:$0x3FA5]  }
0x2f: {  	lr =	sadd.s32 s0, s3;
	s0 =	sld [smem:$0x3F9C]  }
0x30: {  	s3 =	sld [smem:$0x3F9F]  }
0x31: {  	[smem:$0x3FA8] =	sst s10  }
0x32: {  	s10 =	sld [smem:$0x3FA6];
	_ =	sdelay $0x3  }
0x33: {  	p0 =	seq.s32 s10, $0x1;
	s10 =	sld [smem:$0x3FA8];
	_ =	sdelay $0x3  }
0x34: {  	[smem:$0x3FA8] =	sst s10  }
0x35: {  	s10 =	sld [smem:$0x3FA7];
	_ =	sdelay $0x3  }
0x36: {  	p1 =	seq.s32 s10, $0x1;
	s10 =	sld [smem:$0x3FA8];
	_ =	sdelay $0x3  }
0x37: {  	[smem:$0x3FA8] =	sst s10  }
0x38: {  	s10 =	sld [smem:$0x3FA9]  }
0x39: {  	_ = 	snop;
	(pc) =	sbr.ind lr, $3  }
0x3a: {  	_ = 	snop  }
0x3b: {  	_ = 	snop  }
0x3c: {  	p2 =	seq.s32 s10, $0x1;
	s10 =	sld [smem:$0x3FA8]  }
0x3d: {  	_ =	shalt  }
0x3e: {  	_ =	shalt  }
0x3f: {  	_ =	shalt  }
0x40: {  	_ =	shalt  }
0x41: {  	_ =	shalt  }
0x42: {  	_ =	shalt  }
0x43: {  	_ =	shalt  }
0x44: {  	_ =	shalt  }
0x45: {  	_ =	shalt  }
0x46: {  	_ =	shalt  }
0x47: {  	_ =	shalt  }
0x48: {  	_ =	shalt  }
0x49: {  	_ =	shalt  }
0x4a: {  	_ =	shalt  }
0x4b: {  	_ =	shalt  }
0x4c: {  	_ =	shalt  }
0x4d: {  	_ =	shalt  }
0x4e: {  	_ =	shalt  }
0x4f: {  	_ =	shalt  }
0x50: {  	_ =	shalt  }
0x51: {  	_ =	shalt  }
0x52: {  	_ =	shalt  }
0x53: {  	_ =	shalt  }
0x54: {  	_ =	shalt  }
0x55: {  	_ =	shalt  }
0x56: {  	_ =	shalt  }
0x57: {  	_ =	shalt  }
0x58: {  	_ =	shalt  }
0x59: {  	_ =	shalt  }
0x5a: {  	_ =	shalt  }
0x5b: {  	_ =	shalt  }
0x5c: {  	_ =	shalt  }
0x5d: {  	_ =	shalt  }
0x5e: {  	_ =	shalt  }
0x5f: {  	_ =	shalt  }
0x60: {  	_ =	shalt  }
0x61: {  	_ =	shalt  }
0x62: {  	_ =	shalt  }
0x63: {  	_ =	shalt  }
0x64: {  	_ =	shalt  }
0x65: {  	_ =	shalt  }
0x66: {  	_ =	shalt  }
0x67: {  	_ =	shalt  }
0x68: {  	_ =	shalt  }
0x69: {  	_ =	shalt  }
0x6a: {  	_ =	shalt  }
0x6b: {  	_ =	shalt  }
0x6c: {  	_ =	shalt  }
0x6d: {  	_ =	shalt  }
0x6e: {  	_ =	shalt  }
0x6f: {  	_ =	shalt  }
0x70: {  	_ =	shalt  }
0x71: {  	_ =	shalt  }
0x72: {  	_ =	shalt  }
0x73: {  	_ =	shalt  }
0x74: {  	_ =	shalt  }
0x75: {  	_ =	shalt  }
0x76: {  	_ =	shalt  }
0x77: {  	_ =	shalt  }
0x78: {  	_ =	shalt  }
0x79: {  	_ =	shalt  }
0x7a: {  	_ =	shalt  }
0x7b: {  	_ =	shalt  }
0x7c: {  	_ =	shalt  }
0x7d: {  	_ =	shalt  }
0x7e: {  	_ =	shalt  }
0x7f: {  	_ =	shalt  }
0x80: {  	_ =	shalt  }
0x81: {  	_ =	shalt  }
0x82: {  	_ =	shalt  }
0x83: {  	_ =	shalt  }
0x84: {  	_ =	shalt  }
0x85: {  	_ =	shalt  }
0x86: {  	_ =	shalt  }
0x87: {  	_ =	shalt  }
.Lfunc_end0:
.L_simem_size_0:
called_computation.2_lowered:
.L_overlay_start_0:
0x88: {  	s2 =	sld [smem:$0x3FD9]  }
0x89: {  	s3 =	sld [smem:$0x3FFE];
	_ =	sdelay $0x1  }
0x8a: {  	s1 =	srdreg.scid  }
0x8b: {  	s0 =	sand.u32 $0x1, s1  }
0x8c: {  	s14 =	sshll.u32 s0, $0xA;
	s2 =	sadd.s32 s3, s2  }
0x8d: {  	s2 =	sadd.s32 s2, s14  }
0x8e: {  	[smem:$0x3FB4] =	sst s2  }
0x8f: {  	_ = 	snop  }
0x90: {  	s2 =	sld [smem:$0x3FD0];
	_ =	sdelay $0x2  }
0x91: {  	s15 =	simm.s32 $0xB;
	s4 =	simm.s32 $0x10  }
0x92: {  	[smem:s4], [sflag:s15] =	dma.local [hbm:s2], $0x1  }
0x93: {  	_ =	swait.eq [sflag:s15], $0x1  }
0x94: {  	[sflag:s15] =	ssyncset.done $0x0  }
0x95: {  	[sflag:s15] =	ssyncadd.s32 $0xFFFFFFFF  }
0x96: {  	s16 =	sld [smem:$0x11];
	(tm) =	ssettm $0x1  }
0x97: {  	s17 =	sld [smem:$0x3FFB];
	_ =	sdelay $0x3  }
0x98: {  	_ =	strace s17  }
0x99: {  	s3 =	sld [smem:$0x3FFC];
	_ =	sdelay $0x3  }
0x9a: {  	_ =	strace s3  }
0x9b: {  	s3 =	sld [smem:$0x3FFD];
	_ =	sdelay $0x3  }
0x9c: {  	_ =	strace s3  }
0x9d: {  	_ =	strace $0x8FFFFFFF  }
0x9e: {  	s18 =	sld [smem:$0x3FDB];
	_ =	sdelay $0x1  }
0x9f: {  	s19 =	simm.s32 $_scs_section_size  }
0xa0: {  	s5 =	simm.s32 $_size__tile_overlayer_lowered;
	s6 =	simm.s32 $_tile_overlayer_lowered  }
0xa1: {  	s22 =	simm.s32 $0x1BFF;
	s21 =	sshll.u32 s6, $0x1;
	s3 =	sadd.s32 s19, s18  }
0xa2: {  	s7 =	simm.s32 $0x0;
	s20 =	sshll.u32 s5, $0x1;
	s5 =	sadd.s32 s21, s3  }
0xa3: {  	[timem:s7], [sflag:s22] =	dma.local [hbm:s5], s20  }
0xa4: {  	_ =	swait.ge [sflag:s22], s20  }
0xa5: {  	s4 =	ssub.s32 $0x0, s20;
	[sflag:s22] =	ssyncset.done $0x0  }
0xa6: {  	[sflag:s22] =	ssyncadd.s32 s4;
	_ =	sdelay $0x1  }
0xa7: {  	s23 =	simm.s32 $0x1B8B  }
0xa8: {  	_ =	swait.ge [sflag:s23], $0x1  }
0xa9: {  	[sflag:s23] =	ssyncset.done $0x0  }
0xaa: {  	s25 =	simm.s32 $0x1B8E;
	s24 =	sld [smem:$0x3FFE];
	[sflag:s23] =	ssyncadd.s32 $0xFFFFFFFF  }
0xab: {  	s26 =	simm.s32 $execute0_lowered;
	[smem:$0x3FD2] =	sst s25  }
0xac: {  	s5 =	sshll.u32 s26, $0x1;
	_ =	strace $0x8000004C;
	[dreg:$0x1] =	wrdreg $0xFFFFFFFF  }
0xad: {  	s28 =	simm.s32 $_size_execute0_lowered;
	s3 =	sadd.s32 s3, s5;
	[dreg:$0x0] =	wrdreg $0x0  }
0xae: {  	s5 =	sshll.u32 s28, $0x1;
	[dreg:$0x2] =	wrdreg s3  }
0xaf: {  	[dreg:$0x3] =	wrdreg s5  }
0xb0: {  	[dreg:$0x4] =	wrdreg $0xC0  }
0xb1: {  	_ =	task [dreg:s7], $0x5FFFF  }
0xb2: {  	[dreg:$0x1] =	wrdreg $0xFFFFFFFF  }
0xb3: {  	[dreg:$0x0] =	wrdreg $0x60  }
0xb4: {  	[dreg:$0x2] =	wrdreg s24  }
0xb5: {  	[dreg:$0x3] =	wrdreg s16  }
0xb6: {  	[dreg:$0x4] =	wrdreg $0xBD000  }
0xb7: {  	[dreg:$0x5] =	wrdreg $0x9  }
0xb8: {  	_ =	task.clear_ibuf [dreg:s7], $0x6FFFF;
	_ =	strace $0x9000004C  }
0xb9: {  	s29 =	simm.s32 $0x9;
	_ =	strace $0x8000004E  }
0xba: {  	_ =	swait.ge [sflag:s29], $0x1  }
0xbb: {  	[sflag:s29] =	ssyncadd.s32 $0xFFFFFFFF  }
0xbc: {  	_ =	strace $0x9000004E  }
0xbd: {  	_ =	sfence  }
0xbe: {  	s30 =	sld [smem:$0x0];
	_ =	sdelay $0x2  }
0xbf: {  	s31 =	sshll.u32 s1, $0xD;
	s1 =	sshrl.u32 s1, $0x2  }
0xc0: {  	s3 =	sand.u32 $0x4000, s31;
	s1 =	sadd.s32 s1, s30  }
0xc1: {  	s0 =	sor.u32 s3, s0;
	s1 =	sshll.u32 s1, $0x11  }
0xc2: {  	s0 =	sor.u32 s1, s0  }
0xc3: {  	s0 =	sadd.s32 $0x8F2B, s0  }
0xc4: {  	[sflag:s0] =	ssyncadd.remote.s32 $0x1  }
0xc5: {  	_ =	sfence.sel $0xFFFF  }
0xc6: {  	[dreg:$0x0] =	wrdreg $0xFFFFFFFF;
	(pc) =	sbr.abs _section_cstart, $3  }
0xc7: {  	[dreg:$0x1] =	wrdreg $0xFFFFFFFF  }
0xc8: {  	_ =	task.clear_ibuf [dreg:s7], $0x2FFFF;
	_ =	strace $0x9FFFFFFF  }
0xc9: {  	(tm) =	ssettm $0x7FFFFFFF  }
tec
execute0_lowered:
.L_overlay_start_1:
0x0: {  	(tag) =	ssettag $0x1  }
0x1: {  	s0 =	rddreg [dreg:$0x0];
	s1 =	srdreg.scid  }
0x2: {  	s12 =	stileid.u32;
	s3 =	rddreg [dreg:$0x2]  }
0x3: {  	s4 =	simm.s32 $0x0;
	s1 =	sand.u32 $0x1, s1;
	s7 =	smul.u32 $0x4F000, s12  }
0x4: {  	s2 =	sshll.u32 s12, $0x1;
	[smem:$0x7FF] =	sst s4;
	s11 =	smul.u32 $0x13C00, s12  }
0x5: {  	s5 =	sadd.s32 $0x23600, s0;
	s12 =	smul.u32 $0x5000, s12;
	s2 =	sor.u32 s1, s2  }
0x6: {  	s15 =	ssub.s32 $0x2, s1;
	p0 =	seq.s32 s1, $0x1;
	s1 =	smul.u32 $0x2800, s1  }
0x7: {  	s8 =	sadd.s32 $0x19600, s0;
	_ =	strace $0x8000004D;
	s6 =	smul.u32 $0x500, s2  }
0x8: {  	s10 =	sshrl.u32 s15, $0x1;
	s7 =	sshrl.u32 s7, $0x2;
	s2 =	smul.u32 $0x2800, s2  }
0x9: {  	s10 =	ssub.s32 s15, s10;
	s7 =	sadd.s32 s7, s3;
	s1 =	sadd.s32 s1, s12  }
0xa: {  	s9 =	sadd.s32 s6, s0;
	s6 =	sadd.s32 s11, s3;
	s13 =	sadd.s32 $0x1400, s7  }
0xb: {  	s16 =	sadd.s32 $0x2800, s7;
	s17 =	sadd.s32 $0x3C00, s7;
	[dreg:$0x4] =	wrdreg s13  }
0xc: {  	s18 =	sadd.s32 $0x5000, s7;
	s19 =	sadd.s32 $0x6400, s7;
	[dreg:$0x5] =	wrdreg s16  }
0xd: {  	s20 =	sadd.s32 $0x7800, s7;
	s21 =	sadd.s32 $0x8C00, s7;
	[dreg:$0x6] =	wrdreg s17  }
0xe: {  	s14 =	sadd.s32 $0xA000, s7;
	s22 =	sshrl.u32 s2, $0x3;
	[dreg:$0x7] =	wrdreg s18  }
0xf: {  	s23 =	sor.u32 $0x100, s2;
	s24 =	sadd.s32 $0xB400, s7;
	[dreg:$0x8] =	wrdreg s19  }
0x10: {  	s2 =	sor.u32 $0x180, s2;
	s11 =	sshrl.u32 s11, $0x3;
	[dreg:$0x9] =	wrdreg s20  }
0x11: {  	s26 =	sor.u32 $0x280, s1;
	s1 =	sor.u32 $0x200, s1;
	[dreg:$0xa] =	wrdreg s21  }
0x12: {  	s28 =	sadd.s32 $0x12C00, s7;
	s30 =	smax.u32 s10, $0x1;
	[dreg:$0xb] =	wrdreg s14  }
0x13: {  	s10 =	simm.s32 $0x6900;
	s13 =	simm.s32 $0x72000;
	[dreg:$0xc] =	wrdreg s24  }
0x14: {  	s16 =	sadd.s32 s8, s22;
	s25 =	sshrl.u32 s23, $0x3;
	s2 =	sshrl.u32 s2, $0x3  }
0x15: {  	s1 =	sshrl.u32 s1, $0x3;
	s22 =	sadd.s32 $0xC800, s7;
	s23 =	sadd.s32 $0xDC00, s7  }
0x16: {  	s24 =	sadd.s32 $0xF000, s7;
	s29 =	sadd.s32 $0x5800, s9;
	s9 =	simm.s32 $0x2900  }
0x17: {  	s13 =	simm.s32 @!p0 $0x4A800;
	s12 =	sadd.s32 s8, s25;
	s19 =	sadd.s32 s8, s2  }
0x18: {  	s21 =	sadd.s32 s1, s8;
	s25 =	sadd.s32 $0x10400, s7;
	s31 =	sadd.s32 $0x10, s16  }
0x19: {  	s1 =	simm.s32 $0xA900;
	s2 =	simm.s32 $0x4;
	s0 =	sadd.s32 s13, s0  }
0x1a: {  	[dreg:$0xd] =	wrdreg s12;
	s12 =	simm.s32 $0x3;
	s0 =	sadd.s32 s0, s11  }
0x1b: {  	s13 =	simm.s32 $0x0;
	s11 =	simm.s32 $0x2;
	[dreg:$0xe] =	wrdreg s0  }
0x1c: {  	s0 =	sshrl.u32 s26, $0x3;
	s26 =	sadd.s32 $0x11800, s7;
	s7 =	simm.s32 $0x1  }
0x1d: {  	s20 =	sadd.s32 s0, s8;
	s0 =	simm.s32 $0x100;
	s8 =	simm.s32 $0x80  }
.LBB2_1:
0x1e: {  	s14 =	rddreg [dreg:$0x1]  }
0x1f: {  	[tilespmem:s1], [sflag:$0x4] =	stream.linear.gather [hbm4b:s14+s4], $0x1400, $0x38;
	[tilespmem:$0x1F900] =	vst v63  }
0x20: {  	_ =	swait.ge [sflag:s2], $0x1400  }
0x21: {  	[sflag:s2] =	ssyncset.done $0x0  }
0x22: {  	[sflag:s2] =	ssyncadd.s32 $0xFFFFEC00  }
0x23: {  	[spmem:s6] =	stream.linear.scatter [tilespmem:s1], [sflag:$0x4], $0x1400, $0x38;
	[tilespmem:$0x1F900] =	vst v63  }
0x24: {  	_ =	swait.ge [sflag:s2], $0x1400  }
0x25: {  	[sflag:s2] =	ssyncset.done $0x0  }
0x26: {  	s15 =	rddreg [dreg:$0x4];
	[sflag:s2] =	ssyncadd.s32 $0xFFFFEC00  }
0x27: {  	[spmem:s15] =	stream.linear.scatter [tilespmem:s1], [sflag:$0x4], $0x1400, $0x38;
	[tilespmem:$0x1F900] =	vst v63  }
0x28: {  	_ =	swait.ge [sflag:s2], $0x1400  }
0x29: {  	[sflag:s2] =	ssyncset.done $0x0  }
0x2a: {  	s17 =	rddreg [dreg:$0x5];
	[sflag:s2] =	ssyncadd.s32 $0xFFFFEC00  }
0x2b: {  	[spmem:s17] =	stream.linear.scatter [tilespmem:s1], [sflag:$0x4], $0x1400, $0x38;
	[tilespmem:$0x1F900] =	vst v63  }
0x2c: {  	_ =	swait.ge [sflag:s2], $0x1400  }
0x2d: {  	[sflag:s2] =	ssyncset.done $0x0  }
0x2e: {  	s18 =	rddreg [dreg:$0x6];
	[sflag:s2] =	ssyncadd.s32 $0xFFFFEC00  }
0x2f: {  	[spmem:s18] =	stream.linear.scatter [tilespmem:s1], [sflag:$0x4], $0x1400, $0x38;
	[tilespmem:$0x1F900] =	vst v63  }
0x30: {  	_ =	swait.ge [sflag:s2], $0x1400  }
0x31: {  	[sflag:s2] =	ssyncset.done $0x0  }
0x32: {  	s15 =	rddreg [dreg:$0x7];
	[sflag:s2] =	ssyncadd.s32 $0xFFFFEC00  }
0x33: {  	[spmem:s15] =	stream.linear.scatter [tilespmem:s1], [sflag:$0x4], $0x1400, $0x38;
	[tilespmem:$0x1F900] =	vst v63  }
0x34: {  	_ =	swait.ge [sflag:s2], $0x1400  }
0x35: {  	[sflag:s2] =	ssyncset.done $0x0  }
0x36: {  	s17 =	rddreg [dreg:$0x8];
	[sflag:s2] =	ssyncadd.s32 $0xFFFFEC00  }
0x37: {  	[spmem:s17] =	stream.linear.scatter [tilespmem:s1], [sflag:$0x4], $0x1400, $0x38;
	[tilespmem:$0x1F900] =	vst v63  }
0x38: {  	_ =	swait.ge [sflag:s2], $0x1400  }
0x39: {  	[sflag:s2] =	ssyncset.done $0x0  }
0x3a: {  	s18 =	rddreg [dreg:$0x9];
	[sflag:s2] =	ssyncadd.s32 $0xFFFFEC00  }
0x3b: {  	[spmem:s18] =	stream.linear.scatter [tilespmem:s1], [sflag:$0x4], $0x1400, $0x38;
	[tilespmem:$0x1F900] =	vst v63  }
0x3c: {  	_ =	swait.ge [sflag:s2], $0x1400  }
0x3d: {  	[sflag:s2] =	ssyncset.done $0x0  }
0x3e: {  	s15 =	rddreg [dreg:$0xa];
	[sflag:s2] =	ssyncadd.s32 $0xFFFFEC00  }
0x3f: {  	[spmem:s15] =	stream.linear.scatter [tilespmem:s1], [sflag:$0x4], $0x1400, $0x38;
	[tilespmem:$0x1F900] =	vst v63  }
0x40: {  	_ =	swait.ge [sflag:s2], $0x1400  }
0x41: {  	[sflag:s2] =	ssyncset.done $0x0  }
0x42: {  	s17 =	rddreg [dreg:$0xb];
	[sflag:s2] =	ssyncadd.s32 $0xFFFFEC00  }
0x43: {  	[spmem:s17] =	stream.linear.scatter [tilespmem:s1], [sflag:$0x4], $0x1400, $0x38;
	[tilespmem:$0x1F900] =	vst v63  }
0x44: {  	_ =	swait.ge [sflag:s2], $0x1400  }
0x45: {  	[sflag:s2] =	ssyncset.done $0x0  }
0x46: {  	s18 =	rddreg [dreg:$0xc];
	[sflag:s2] =	ssyncadd.s32 $0xFFFFEC00  }
0x47: {  	[spmem:s18] =	stream.linear.scatter [tilespmem:s1], [sflag:$0x4], $0x1400, $0x38;
	[tilespmem:$0x1F900] =	vst v63  }
0x48: {  	_ =	swait.ge [sflag:s2], $0x1400  }
0x49: {  	[sflag:s2] =	ssyncset.done $0x0  }
0x4a: {  	[sflag:s2] =	ssyncadd.s32 $0xFFFFEC00  }
0x4b: {  	[spmem:s22] =	stream.linear.scatter [tilespmem:s1], [sflag:$0x4], $0x1400, $0x38;
	[tilespmem:$0x1F900] =	vst v63  }
0x4c: {  	_ =	swait.ge [sflag:s2], $0x1400  }
0x4d: {  	[sflag:s2] =	ssyncset.done $0x0  }
0x4e: {  	[sflag:s2] =	ssyncadd.s32 $0xFFFFEC00  }
0x4f: {  	[spmem:s23] =	stream.linear.scatter [tilespmem:s1], [sflag:$0x4], $0x1400, $0x38;
	[tilespmem:$0x1F900] =	vst v63  }
0x50: {  	_ =	swait.ge [sflag:s2], $0x1400  }
0x51: {  	[sflag:s2] =	ssyncset.done $0x0  }
0x52: {  	[sflag:s2] =	ssyncadd.s32 $0xFFFFEC00  }
0x53: {  	[spmem:s24] =	stream.linear.scatter [tilespmem:s1], [sflag:$0x4], $0x1400, $0x38;
	[tilespmem:$0x1F900] =	vst v63  }
0x54: {  	_ =	swait.ge [sflag:s2], $0x1400  }
0x55: {  	[sflag:s2] =	ssyncset.done $0x0  }
0x56: {  	[sflag:s2] =	ssyncadd.s32 $0xFFFFEC00  }
0x57: {  	[spmem:s25] =	stream.linear.scatter [tilespmem:s1], [sflag:$0x4], $0x1400, $0x38;
	[tilespmem:$0x1F900] =	vst v63  }
0x58: {  	_ =	swait.ge [sflag:s2], $0x1400  }
0x59: {  	[sflag:s2] =	ssyncset.done $0x0  }
0x5a: {  	[sflag:s2] =	ssyncadd.s32 $0xFFFFEC00  }
0x5b: {  	[spmem:s26] =	stream.linear.scatter [tilespmem:s1], [sflag:$0x4], $0x1400, $0x38;
	[tilespmem:$0x1F900] =	vst v63  }
0x5c: {  	_ =	swait.ge [sflag:s2], $0x1400  }
0x5d: {  	[sflag:s2] =	ssyncset.done $0x0  }
0x5e: {  	[sflag:s2] =	ssyncadd.s32 $0xFFFFEC00  }
0x5f: {  	[spmem:s28] =	stream.linear.scatter [tilespmem:s1], [sflag:$0x4], $0x1000, $0x38;
	[tilespmem:$0x1F900] =	vst v63  }
0x60: {  	_ =	swait.ge [sflag:s2], $0x1000  }
0x61: {  	[sflag:s2] =	ssyncset.done $0x0  }
0x62: {  	[sflag:s2] =	ssyncadd.s32 $0xFFFFF000  }
0x63: {  	[tilespmem:s0], [sflag:$0x4] =	stream.linear.gather [hbm4b:s29+s4], $0x2800, $0x38;
	[tilespmem:$0x1F900] =	vst v63  }
0x64: {  	_ =	swait.ge [sflag:s2], $0x2800  }
0x65: {  	[sflag:s2] =	ssyncset.done $0x0  }
0x66: {  	[sflag:s2] =	ssyncadd.s32 $0xFFFFD800  }
0x67: {  	[bflag:$0x0] =	sbarrier.arrive $0xFFFF  }
0x68: {  	[tilespmem:s4], [sflag:$0x1] =	stream.linear.gather [hbm4b:s16+s4], $0x80, $0x38;
	[tilespmem:$0x1F900] =	vst v63  }
0x69: {  	_ =	swait.ge [sflag:s7], $0x80  }
0x6a: {  	[sflag:s7] =	ssyncset.done $0x0  }
0x6b: {  	[sflag:s7] =	ssyncadd.s32 $0xFFFFFF80  }
0x6c: {  	[tilespmem:s9], [sflag:$0x2] =	stream.indirect.gather [hbm4b:s5+s8], $0x80, s4, s8, $0xb8;
	[tilespmem:$0x1F900] =	vst v63  }
0x6d: {  	_ = 	snop  }
0x6e: {  	[tilespmem:s8], [sflag:$0x1] =	stream.linear.gather [hbm4b:s31+s4], $0x80, $0x38;
	[tilespmem:$0x1F900] =	vst v63  }
0x6f: {  	_ =	swait.ge [sflag:s7], $0x80  }
0x70: {  	[sflag:s7] =	ssyncset.done $0x0  }
0x71: {  	[sflag:s7] =	ssyncadd.s32 $0xFFFFFF80  }
0x72: {  	[tilespmem:s10], [sflag:$0x2] =	stream.indirect.gather [hbm4b:s5+s8], $0x80, s8, s8, $0xb8;
	[tilespmem:$0x1F900] =	vst v63  }
0x73: {  	_ =	swait.ge [sflag:s11], $0x4000  }
0x74: {  	[sflag:s11] =	ssyncset.done $0x0  }
0x75: {  	[sflag:s11] =	ssyncadd.s32 $0xFFFFC000  }
0x76: {  	[spmem:s3] =	stream.indirect.scatter.add.f32 [tilespmem:s9], [sflag:$0x3], $0x80, s0, s8, $0xb8;
	[tilespmem:$0x1F900] =	vst v63  }
0x77: {  	s15 =	rddreg [dreg:$0xd]  }
0x78: {  	[tilespmem:s4], [sflag:$0x1] =	stream.linear.gather [hbm4b:s15+s4], $0x80, $0x38;
	[tilespmem:$0x1F900] =	vst v63  }
0x79: {  	_ =	swait.ge [sflag:s7], $0x80  }
0x7a: {  	[sflag:s7] =	ssyncset.done $0x0  }
0x7b: {  	[sflag:s7] =	ssyncadd.s32 $0xFFFFFF80  }
0x7c: {  	_ =	swait.ge [sflag:s12], $0x4000  }
0x7d: {  	[sflag:s12] =	ssyncset.done $0x0  }
0x7e: {  	[sflag:s12] =	ssyncadd.s32 $0xFFFFC000  }
0x7f: {  	[tilespmem:s9], [sflag:$0x2] =	stream.indirect.gather [hbm4b:s5+s8], $0x80, s4, s8, $0xb8;
	[tilespmem:$0x1F900] =	vst v63  }
0x80: {  	_ =	swait.ge [sflag:s11], $0x4000  }
0x81: {  	[sflag:s11] =	ssyncset.done $0x0  }
0x82: {  	s17 =	simm.s32 $0x180;
	[sflag:s11] =	ssyncadd.s32 $0xFFFFC000  }
0x83: {  	[spmem:s3] =	stream.indirect.scatter.add.f32 [tilespmem:s10], [sflag:$0x3], $0x80, s17, s8, $0xb8;
	[tilespmem:$0x1F900] =	vst v63  }
0x84: {  	_ = 	snop  }
0x85: {  	[tilespmem:s8], [sflag:$0x1] =	stream.linear.gather [hbm4b:s19+s4], $0x80, $0x38;
	[tilespmem:$0x1F900] =	vst v63  }
0x86: {  	_ =	swait.ge [sflag:s7], $0x80  }
0x87: {  	[sflag:s7] =	ssyncset.done $0x0  }
0x88: {  	[sflag:s7] =	ssyncadd.s32 $0xFFFFFF80  }
0x89: {  	_ =	swait.ge [sflag:s12], $0x4000  }
0x8a: {  	[sflag:s12] =	ssyncset.done $0x0  }
0x8b: {  	[sflag:s12] =	ssyncadd.s32 $0xFFFFC000  }
0x8c: {  	[tilespmem:s10], [sflag:$0x2] =	stream.indirect.gather [hbm4b:s5+s8], $0x80, s8, s8, $0xb8;
	[tilespmem:$0x1F900] =	vst v63  }
0x8d: {  	_ =	swait.ge [sflag:s11], $0x4000  }
0x8e: {  	[sflag:s11] =	ssyncset.done $0x0  }
0x8f: {  	s18 =	simm.s32 $0x200;
	[sflag:s11] =	ssyncadd.s32 $0xFFFFC000  }
0x90: {  	[spmem:s3] =	stream.indirect.scatter.add.f32 [tilespmem:s9], [sflag:$0x3], $0x80, s18, s8, $0xb8;
	[tilespmem:$0x1F900] =	vst v63  }
0x91: {  	s15 =	sadd.s32 $0x0, s21  }
0x92: {  	[tilespmem:s4], [sflag:$0x1] =	stream.linear.gather [hbm4b:s15+s4], $0x80, $0x38;
	[tilespmem:$0x1F900] =	vst v63  }
0x93: {  	_ =	swait.ge [sflag:s7], $0x80  }
0x94: {  	[sflag:s7] =	ssyncset.done $0x0  }
0x95: {  	[sflag:s7] =	ssyncadd.s32 $0xFFFFFF80  }
0x96: {  	_ =	swait.ge [sflag:s12], $0x4000  }
0x97: {  	[sflag:s12] =	ssyncset.done $0x0  }
0x98: {  	[sflag:s12] =	ssyncadd.s32 $0xFFFFC000  }
0x99: {  	[tilespmem:s9], [sflag:$0x2] =	stream.indirect.gather [hbm4b:s5+s8], $0x80, s4, s8, $0xb8;
	[tilespmem:$0x1F900] =	vst v63  }
0x9a: {  	_ =	swait.ge [sflag:s11], $0x4000  }
0x9b: {  	[sflag:s11] =	ssyncset.done $0x0  }
0x9c: {  	s17 =	simm.s32 $0x280;
	[sflag:s11] =	ssyncadd.s32 $0xFFFFC000  }
0x9d: {  	[spmem:s3] =	stream.indirect.scatter.add.f32 [tilespmem:s10], [sflag:$0x3], $0x80, s17, s8, $0xb8;
	[tilespmem:$0x1F900] =	vst v63  }
0x9e: {  	s18 =	sadd.s32 $0x0, s20  }
0x9f: {  	[tilespmem:s8], [sflag:$0x1] =	stream.linear.gather [hbm4b:s18+s4], $0x80, $0x38;
	[tilespmem:$0x1F900] =	vst v63  }
0xa0: {  	_ =	swait.ge [sflag:s7], $0x80  }
0xa1: {  	[sflag:s7] =	ssyncset.done $0x0  }
0xa2: {  	[sflag:s7] =	ssyncadd.s32 $0xFFFFFF80  }
0xa3: {  	_ =	swait.ge [sflag:s12], $0x4000  }
0xa4: {  	[sflag:s12] =	ssyncset.done $0x0  }
0xa5: {  	[sflag:s12] =	ssyncadd.s32 $0xFFFFC000  }
0xa6: {  	[tilespmem:s10], [sflag:$0x2] =	stream.indirect.gather [hbm4b:s5+s8], $0x80, s8, s8, $0xb8;
	[tilespmem:$0x1F900] =	vst v63  }
0xa7: {  	_ =	swait.ge [sflag:s11], $0x4000  }
0xa8: {  	s14 =	simm.s32 $0x380;
	[sflag:s11] =	ssyncset.done $0x0  }
0xa9: {  	s15 =	simm.s32 $0x20;
	s17 =	simm.s32 $0x300;
	[sflag:s11] =	ssyncadd.s32 $0xFFFFC000  }
.LBB2_2:
0xaa: {  	[spmem:s3] =	stream.indirect.scatter.add.f32 [tilespmem:s9], [sflag:$0x3], $0x80, s17, s8, $0xb8;
	[tilespmem:$0x1F900] =	vst v63  }
0xab: {  	s17 =	smov.u32 s15  }
0xac: {  	p0 =	sne.s32 s15, $0x4A0;
	s15 =	sadd.s32 $0x20, s15;
	s18 =	sadd.s32 s17, s21  }
0xad: {  	[tilespmem:s4], [sflag:$0x1] =	stream.linear.gather [hbm4b:s18+s4], $0x80, $0x38;
	[tilespmem:$0x1F900] =	vst v63  }
0xae: {  	_ =	swait.ge [sflag:s7], $0x80  }
0xaf: {  	[sflag:s7] =	ssyncset.done $0x0  }
0xb0: {  	[sflag:s7] =	ssyncadd.s32 $0xFFFFFF80  }
0xb1: {  	_ =	swait.ge [sflag:s12], $0x4000  }
0xb2: {  	[sflag:s12] =	ssyncset.done $0x0  }
0xb3: {  	[sflag:s12] =	ssyncadd.s32 $0xFFFFC000  }
0xb4: {  	[tilespmem:s9], [sflag:$0x2] =	stream.indirect.gather [hbm4b:s5+s8], $0x80, s4, s8, $0xb8;
	[tilespmem:$0x1F900] =	vst v63  }
0xb5: {  	_ =	swait.ge [sflag:s11], $0x4000  }
0xb6: {  	[sflag:s11] =	ssyncset.done $0x0  }
0xb7: {  	[sflag:s11] =	ssyncadd.s32 $0xFFFFC000  }
0xb8: {  	[spmem:s3] =	stream.indirect.scatter.add.f32 [tilespmem:s10], [sflag:$0x3], $0x80, s14, s8, $0xb8;
	[tilespmem:$0x1F900] =	vst v63  }
0xb9: {  	s17 =	sadd.s32 s17, s20  }
0xba: {  	[tilespmem:s8], [sflag:$0x1] =	stream.linear.gather [hbm4b:s17+s4], $0x80, $0x38;
	[tilespmem:$0x1F900] =	vst v63  }
0xbb: {  	_ =	swait.ge [sflag:s7], $0x80  }
0xbc: {  	[sflag:s7] =	ssyncset.done $0x0  }
0xbd: {  	[sflag:s7] =	ssyncadd.s32 $0xFFFFFF80  }
0xbe: {  	_ =	swait.ge [sflag:s12], $0x4000  }
0xbf: {  	[sflag:s12] =	ssyncset.done $0x0  }
.Ltmp0:
0xc0: {  	[sflag:s12] =	ssyncadd.s32 $0xFFFFC000;
	(pc) =	sbr.rel @p0 .LBB2_2-.Ltmp0, $4  }
0xc1: {  	[tilespmem:s10], [sflag:$0x2] =	stream.indirect.gather [hbm4b:s5+s8], $0x80, s8, s8, $0xb8;
	[tilespmem:$0x1F900] =	vst v63  }
0xc2: {  	_ =	swait.ge [sflag:s11], $0x4000  }
0xc3: {  	[sflag:s11] =	ssyncset.done $0x0  }
0xc4: {  	s17 =	sadd.s32 $0x80, s14;
	s14 =	sadd.s32 $0x100, s14;
	[sflag:s11] =	ssyncadd.s32 $0xFFFFC000  }
0xc5: {  	[spmem:s3] =	stream.indirect.scatter.add.f32 [tilespmem:s9], [sflag:$0x3], $0x80, s17, s8, $0xb8;
	[tilespmem:$0x1F900] =	vst v63  }
0xc6: {  	_ =	swait.ge [sflag:s11], $0x4000  }
0xc7: {  	[sflag:s11] =	ssyncset.done $0x0  }
0xc8: {  	[sflag:s11] =	ssyncadd.s32 $0xFFFFC000  }
0xc9: {  	[spmem:s3] =	stream.indirect.scatter.add.f32 [tilespmem:s10], [sflag:$0x3], $0x80, s14, s8, $0xb8;
	[tilespmem:$0x1F900] =	vst v63  }
0xca: {  	_ =	swait.ge [sflag:s12], $0x4000  }
0xcb: {  	[sflag:s12] =	ssyncset.done $0x0  }
0xcc: {  	[sflag:s12] =	ssyncadd.s32 $0xFFFFC000  }
0xcd: {  	_ =	swait.ge [sflag:s12], $0x4000  }
0xce: {  	s17 =	stileid.u32;
	[sflag:s12] =	ssyncset.done $0x0  }
0xcf: {  	s15 =	sshrl.u32 s6, $0x3;
	s13 =	sadd.s32 $0x1, s13;
	[sflag:s12] =	ssyncadd.s32 $0xFFFFC000  }
0xd0: {  	p0 =	sne.s32 s13, s30;
	s14 =	sshll.u32 s17, $0x6;
	[bflag:$0x0] =	sbarrier.arrive $0xFFFF  }
.Ltmp1:
0xd1: {  	s14 =	sor.u32 $0x1C04, s14;
	s18 =	rddreg [dreg:$0xe];
	(pc) =	sbr.rel @p0 .LBB2_1-.Ltmp1, $4  }
0xd2: {  	[hbm:s18], [sflag:s14] =	dma.local [spmem:s15], $0x2780  }
0xd3: {  	_ =	swait.ge [sflag:s2], $0x2780  }
0xd4: {  	[sflag:s2] =	ssyncset.done $0x0  }
0xd5: {  	[sflag:s2] =	ssyncadd.s32 $0xFFFFD880  }
0xd6: {  	_ =	sfence.sel $0x180000  }
0xd7: {  	[bflag:$0x0] =	sbarrier.arrive $0xFFFF  }
0xd8: {  	_ =	strace $0x9000004D  }
0xd9: {  	s0 =	stileid.u32;
	[bflag:$0x2] =	sbarrier.arrive $0xFFFF  }
0xda: {  	p0 =	sne.s32 s0, $0x0;
	s0 =	rddreg [dreg:$0x3]  }
0xdb: {  	s0 =	sadd.s32 @!p0 $0x100000, s0  }
0xdc: {  	[sflag:s0] =	ssyncadd.tile.s32 @!p0 $0x1;
	_ =	shalt  }
.Lfunc_end2:
_tile_overlayer_lowered:
.L_overlay_start_2:
0xdd: {  	(tag) =	ssettag $0x2  }
0xde: {  	s0 =	rddreg [dreg:$0x0];
	s2 =	stileid.u32  }
0xdf: {  	s1 =	rddreg [dreg:$0x1];
	p0 =	sne.s32 s2, $0x0  }
0xe0: {  	s3 =	rddreg [dreg:$0x2];
	[bflag:$0x3] =	sbarrier.arrive $0xFFFF;
	s2 =	simm.s32 @!p0 $0x1C04  }
0xe1: {  	[timem:s3], [sflag:s2] =	dma.local @!p0 [hbm:s0], s1  }
0xe2: {  	s0 =	simm.s32 @!p0 $0x4  }
0xe3: {  	_ =	swait.ge @!p0 [sflag:s0], s1  }
0xe4: {  	s1 =	ssub.s32 @!p0 $0x0, s1;
	[sflag:s0] =	ssyncset.done @!p0 $0x0  }
0xe5: {  	[sflag:s0] =	ssyncadd.s32 @!p0 s1  }
0xe6: {  	[bflag:$0x3] =	sbarrier.arrive $0xFFFF  }
0xe7: {  	_ =	shalt  }

// kernel: kernel.20.cloned.1.call-start
scs
__scs_entry_jumppad:
0x0: {  	(pc) =	sbr.rel $0x88, $3  }
0x1: {  	(tag) =	ssettag $0x0;
	lr =	simm.s32 $0x1  }
0x2: {  	[smem:$0x3F8D] =	sst lr;
	_ =	strace $0xD0000000  }
0x3: {  	_ = 	snop  }
0x4: {  	_ = 	snop  }
0x5: {  	_ = 	snop  }
0x6: {  	_ = 	snop  }
0x7: {  	_ = 	snop  }
__scs_overlays_trampoline_lowered:
0x8: {  	[smem:$0x3F9C] =	sst s0  }
0x9: {  	[smem:$0x3F9D] =	sst s1  }
0xa: {  	[smem:$0x3F9E] =	sst s2  }
0xb: {  	[smem:$0x3F9F] =	sst s3  }
0xc: {  	[smem:$0x3FA0] =	sst s4  }
0xd: {  	[smem:$0x3FA1] =	sst s5  }
0xe: {  	[smem:$0x3FA2] =	sst s6  }
0xf: {  	[smem:$0x3FA3] =	sst s7  }
0x10: {  	[smem:$0x3FA4] =	sst s8  }
0x11: {  	[smem:$0x3FA5] =	sst s9;
	s0 =	simm.s32 @!p0 $0x0  }
0x12: {  	s1 =	sld [smem:$0x3F8B];
	s0 =	simm.s32 @p0 $0x1  }
0x13: {  	[smem:$0x3FA6] =	sst s0;
	s0 =	simm.s32 @!p1 $0x0  }
0x14: {  	s2 =	sld [smem:$0x3F8A];
	s0 =	simm.s32 @p1 $0x1  }
0x15: {  	[smem:$0x3FA7] =	sst s0;
	s0 =	simm.s32 @!p2 $0x0  }
0x16: {  	s3 =	sld [smem:$0x3FDB];
	s0 =	simm.s32 @p2 $0x1  }
0x17: {  	s4 =	simm.s32 $0x1BF5;
	[smem:$0x3FA9] =	sst s0  }
0x18: {  	s0 =	sld [smem:$0x3F8C];
	_ =	swait.ge [sflag:s4], $0x0  }
0x19: {  	s7 =	sld [smem:$0x3F8D]  }
0x1a: {  	s8 =	sadd.s32 $0xFFFFE003, lr  }
0x1b: {  	s9 =	sadd.s32 $0xFFFFFEF7, lr;
	s5 =	simm.s32 $0xFFFFFFFF;
	p2 =	slt.u32 s8, $0xFFFFF086  }
0x1c: {  	p1 =	slt.u32 s9, $0xF7A;
	s5 =	simm.s32 @!p2 $0x0  }
0x1d: {  	s5 =	simm.s32 @p1 $0x1;
	p0 =	seq.s32 s7, s2  }
0x1e: {  	s7 =	smul.u32 @!p0 $0xF7A, s2;
	p2 =	seq.s32 @!p0 s5, $0x0  }
0x1f: {  	s9 =	smul.u32 $0xF7A, s1;
	s8 =	simm.s32 @!p0 $0x1BF5;
	p2 =	por !p2, p0  }
0x20: {  	[sflag:s8] =	ssyncset.s32 @!p0 $0xFFFFF086;
	s6 =	sadd.s32 @!p0 s3, s7;
	s7 =	simm.s32 @!p0 $0x108  }
0x21: {  	s3 =	sadd.s32 s3, s9;
	s6 =	sadd.s32 @!p0 $0x88, s6;
	s7 =	simm.s32 @p2 $0x1082  }
0x22: {  	[simem:s7], [sflag:s8] =	dma.local @!p0 [hbm:s6], $0xF7A  }
0x23: {  	s9 =	sor.u32 $0xD0000000, s2;
	s6 =	simm.s32 $0x108;
	_ =	swait.ge @!p0 [sflag:s8], $0x0  }
0x24: {  	s3 =	sadd.s32 $0x88, s3;
	s6 =	simm.s32 @!p1 $0x1082;
	[sflag:s4] =	ssyncset.s32 $0xFFFFF086  }
0x25: {  	[simem:s6], [sflag:s4] =	dma.local [hbm:s3], $0xF7A  }
0x26: {  	[smem:$0x3F8D] =	sst s1;
	(tag) =	ssettag s2;
	_ =	strace s9  }
0x27: {  	s1 =	sld [smem:$0x3F9D]  }
0x28: {  	s2 =	sld [smem:$0x3F9E]  }
0x29: {  	s4 =	sld [smem:$0x3FA0]  }
0x2a: {  	p0 =	seq.s32 s5, $0x0;
	s5 =	sld [smem:$0x3FA1]  }
0x2b: {  	s6 =	sld [smem:$0x3FA2]  }
0x2c: {  	s7 =	sld [smem:$0x3FA3]  }
0x2d: {  	s3 =	simm.s32 $0x108;
	s8 =	sld [smem:$0x3FA4]  }
0x2e: {  	s3 =	simm.s32 @!p0 $0x1082;
	s9 =	sld [smem:$0x3FA5]  }
0x2f: {  	lr =	sadd.s32 s0, s3;
	s0 =	sld [smem:$0x3F9C]  }
0x30: {  	s3 =	sld [smem:$0x3F9F]  }
0x31: {  	[smem:$0x3FA8] =	sst s10  }
0x32: {  	s10 =	sld [smem:$0x3FA6];
	_ =	sdelay $0x3  }
0x33: {  	p0 =	seq.s32 s10, $0x1;
	s10 =	sld [smem:$0x3FA8];
	_ =	sdelay $0x3  }
0x34: {  	[smem:$0x3FA8] =	sst s10  }
0x35: {  	s10 =	sld [smem:$0x3FA7];
	_ =	sdelay $0x3  }
0x36: {  	p1 =	seq.s32 s10, $0x1;
	s10 =	sld [smem:$0x3FA8];
	_ =	sdelay $0x3  }
0x37: {  	[smem:$0x3FA8] =	sst s10  }
0x38: {  	s10 =	sld [smem:$0x3FA9]  }
0x39: {  	_ = 	snop;
	(pc) =	sbr.ind lr, $3  }
0x3a: {  	_ = 	snop  }
0x3b: {  	_ = 	snop  }
0x3c: {  	p2 =	seq.s32 s10, $0x1;
	s10 =	sld [smem:$0x3FA8]  }
0x3d: {  	_ =	shalt  }
0x3e: {  	_ =	shalt  }
0x3f: {  	_ =	shalt  }
0x40: {  	_ =	shalt  }
0x41: {  	_ =	shalt  }
0x42: {  	_ =	shalt  }
0x43: {  	_ =	shalt  }
0x44: {  	_ =	shalt  }
0x45: {  	_ =	shalt  }
0x46: {  	_ =	shalt  }
0x47: {  	_ =	shalt  }
0x48: {  	_ =	shalt  }
0x49: {  	_ =	shalt  }
0x4a: {  	_ =	shalt  }
0x4b: {  	_ =	shalt  }
0x4c: {  	_ =	shalt  }
0x4d: {  	_ =	shalt  }
0x4e: {  	_ =	shalt  }
0x4f: {  	_ =	shalt  }
0x50: {  	_ =	shalt  }
0x51: {  	_ =	shalt  }
0x52: {  	_ =	shalt  }
0x53: {  	_ =	shalt  }
0x54: {  	_ =	shalt  }
0x55: {  	_ =	shalt  }
0x56: {  	_ =	shalt  }
0x57: {  	_ =	shalt  }
0x58: {  	_ =	shalt  }
0x59: {  	_ =	shalt  }
0x5a: {  	_ =	shalt  }
0x5b: {  	_ =	shalt  }
0x5c: {  	_ =	shalt  }
0x5d: {  	_ =	shalt  }
0x5e: {  	_ =	shalt  }
0x5f: {  	_ =	shalt  }
0x60: {  	_ =	shalt  }
0x61: {  	_ =	shalt  }
0x62: {  	_ =	shalt  }
0x63: {  	_ =	shalt  }
0x64: {  	_ =	shalt  }
0x65: {  	_ =	shalt  }
0x66: {  	_ =	shalt  }
0x67: {  	_ =	shalt  }
0x68: {  	_ =	shalt  }
0x69: {  	_ =	shalt  }
0x6a: {  	_ =	shalt  }
0x6b: {  	_ =	shalt  }
0x6c: {  	_ =	shalt  }
0x6d: {  	_ =	shalt  }
0x6e: {  	_ =	shalt  }
0x6f: {  	_ =	shalt  }
0x70: {  	_ =	shalt  }
0x71: {  	_ =	shalt  }
0x72: {  	_ =	shalt  }
0x73: {  	_ =	shalt  }
0x74: {  	_ =	shalt  }
0x75: {  	_ =	shalt  }
0x76: {  	_ =	shalt  }
0x77: {  	_ =	shalt  }
0x78: {  	_ =	shalt  }
0x79: {  	_ =	shalt  }
0x7a: {  	_ =	shalt  }
0x7b: {  	_ =	shalt  }
0x7c: {  	_ =	shalt  }
0x7d: {  	_ =	shalt  }
0x7e: {  	_ =	shalt  }
0x7f: {  	_ =	shalt  }
0x80: {  	_ =	shalt  }
0x81: {  	_ =	shalt  }
0x82: {  	_ =	shalt  }
0x83: {  	_ =	shalt  }
0x84: {  	_ =	shalt  }
0x85: {  	_ =	shalt  }
0x86: {  	_ =	shalt  }
0x87: {  	_ =	shalt  }
.Lfunc_end0:
.L_simem_size_0:
called_computation.3_lowered:
.L_overlay_start_0:
0x88: {  	s2 =	sld [smem:$0x3FD9]  }
0x89: {  	s3 =	sld [smem:$0x3FFE];
	_ =	sdelay $0x1  }
0x8a: {  	s1 =	srdreg.scid  }
0x8b: {  	s0 =	sand.u32 $0x1, s1  }
0x8c: {  	s14 =	sshll.u32 s0, $0xA;
	s2 =	sadd.s32 s3, s2  }
0x8d: {  	s2 =	sadd.s32 s2, s14  }
0x8e: {  	[smem:$0x3FB4] =	sst s2  }
0x8f: {  	_ = 	snop  }
0x90: {  	s2 =	sld [smem:$0x3FD0];
	_ =	sdelay $0x2  }
0x91: {  	s15 =	simm.s32 $0xB;
	s4 =	simm.s32 $0x10  }
0x92: {  	[smem:s4], [sflag:s15] =	dma.local [hbm:s2], $0x1  }
0x93: {  	_ =	swait.eq [sflag:s15], $0x1  }
0x94: {  	[sflag:s15] =	ssyncset.done $0x0  }
0x95: {  	[sflag:s15] =	ssyncadd.s32 $0xFFFFFFFF  }
0x96: {  	s16 =	sld [smem:$0x11];
	(tm) =	ssettm $0x1  }
0x97: {  	s17 =	sld [smem:$0x3FFB];
	_ =	sdelay $0x3  }
0x98: {  	_ =	strace s17  }
0x99: {  	s3 =	sld [smem:$0x3FFC];
	_ =	sdelay $0x3  }
0x9a: {  	_ =	strace s3  }
0x9b: {  	s3 =	sld [smem:$0x3FFD];
	_ =	sdelay $0x3  }
0x9c: {  	_ =	strace s3  }
0x9d: {  	_ =	strace $0x8FFFFFFF  }
0x9e: {  	s18 =	sld [smem:$0x3FDB];
	_ =	sdelay $0x1  }
0x9f: {  	s19 =	simm.s32 $_scs_section_size  }
0xa0: {  	s5 =	simm.s32 $_size__tile_overlayer_lowered;
	s6 =	simm.s32 $_tile_overlayer_lowered  }
0xa1: {  	s22 =	simm.s32 $0x1BFF;
	s21 =	sshll.u32 s6, $0x1;
	s3 =	sadd.s32 s19, s18  }
0xa2: {  	s7 =	simm.s32 $0x0;
	s20 =	sshll.u32 s5, $0x1;
	s5 =	sadd.s32 s21, s3  }
0xa3: {  	[timem:s7], [sflag:s22] =	dma.local [hbm:s5], s20  }
0xa4: {  	_ =	swait.ge [sflag:s22], s20  }
0xa5: {  	s4 =	ssub.s32 $0x0, s20;
	[sflag:s22] =	ssyncset.done $0x0  }
0xa6: {  	[sflag:s22] =	ssyncadd.s32 s4;
	_ =	sdelay $0x1  }
0xa7: {  	s23 =	simm.s32 $0x1B8B  }
0xa8: {  	_ =	swait.ge [sflag:s23], $0x1  }
0xa9: {  	[sflag:s23] =	ssyncset.done $0x0  }
0xaa: {  	s25 =	simm.s32 $0x1B8E;
	s24 =	sld [smem:$0x3FFE];
	[sflag:s23] =	ssyncadd.s32 $0xFFFFFFFF  }
0xab: {  	s26 =	simm.s32 $execute0_lowered;
	[smem:$0x3FD2] =	sst s25  }
0xac: {  	s5 =	sshll.u32 s26, $0x1;
	_ =	strace $0x8000004F;
	[dreg:$0x1] =	wrdreg $0xFFFFFFFF  }
0xad: {  	s28 =	simm.s32 $_size_execute0_lowered;
	s3 =	sadd.s32 s3, s5;
	[dreg:$0x0] =	wrdreg $0x0  }
0xae: {  	s5 =	sshll.u32 s28, $0x1;
	[dreg:$0x2] =	wrdreg s3  }
0xaf: {  	[dreg:$0x3] =	wrdreg s5  }
0xb0: {  	[dreg:$0x4] =	wrdreg $0xC0  }
0xb1: {  	_ =	task [dreg:s7], $0x5FFFF  }
0xb2: {  	[dreg:$0x1] =	wrdreg $0xFFFFFFFF  }
0xb3: {  	[dreg:$0x0] =	wrdreg $0x60  }
0xb4: {  	[dreg:$0x2] =	wrdreg s24  }
0xb5: {  	[dreg:$0x3] =	wrdreg s16  }
0xb6: {  	[dreg:$0x4] =	wrdreg $0xBD000  }
0xb7: {  	[dreg:$0x5] =	wrdreg $0x9  }
0xb8: {  	_ =	task.clear_ibuf [dreg:s7], $0x6FFFF;
	_ =	strace $0x9000004F  }
0xb9: {  	s29 =	simm.s32 $0x9;
	_ =	strace $0x80000051  }
0xba: {  	_ =	swait.ge [sflag:s29], $0x1  }
0xbb: {  	[sflag:s29] =	ssyncadd.s32 $0xFFFFFFFF  }
0xbc: {  	_ =	strace $0x90000051  }
0xbd: {  	_ =	sfence  }
0xbe: {  	s30 =	sld [smem:$0x0];
	_ =	sdelay $0x2  }
0xbf: {  	s31 =	sshll.u32 s1, $0xD;
	s1 =	sshrl.u32 s1, $0x2  }
0xc0: {  	s3 =	sand.u32 $0x4000, s31;
	s1 =	sadd.s32 s1, s30  }
0xc1: {  	s0 =	sor.u32 s3, s0;
	s1 =	sshll.u32 s1, $0x11  }
0xc2: {  	s0 =	sor.u32 s1, s0  }
0xc3: {  	s0 =	sadd.s32 $0x8F2B, s0  }
0xc4: {  	[sflag:s0] =	ssyncadd.remote.s32 $0x1  }
0xc5: {  	_ =	sfence.sel $0xFFFF  }
0xc6: {  	[dreg:$0x0] =	wrdreg $0xFFFFFFFF;
	(pc) =	sbr.abs _section_cstart, $3  }
0xc7: {  	[dreg:$0x1] =	wrdreg $0xFFFFFFFF  }
0xc8: {  	_ =	task.clear_ibuf [dreg:s7], $0x2FFFF;
	_ =	strace $0x9FFFFFFF  }
0xc9: {  	(tm) =	ssettm $0x7FFFFFFF  }
tec
execute0_lowered:
.L_overlay_start_1:
0x0: {  	(tag) =	ssettag $0x1  }
0x1: {  	s0 =	rddreg [dreg:$0x0];
	s1 =	srdreg.scid  }
0x2: {  	s12 =	stileid.u32;
	s3 =	rddreg [dreg:$0x2]  }
0x3: {  	s4 =	simm.s32 $0x0;
	s1 =	sand.u32 $0x1, s1;
	s7 =	smul.u32 $0x4F000, s12  }
0x4: {  	s2 =	sshll.u32 s12, $0x1;
	[smem:$0x7FF] =	sst s4;
	s11 =	smul.u32 $0x13C00, s12  }
0x5: {  	s5 =	sadd.s32 $0x23600, s0;
	s12 =	smul.u32 $0x5000, s12;
	s2 =	sor.u32 s1, s2  }
0x6: {  	s15 =	ssub.s32 $0x2, s1;
	p0 =	seq.s32 s1, $0x1;
	s1 =	smul.u32 $0x2800, s1  }
0x7: {  	s8 =	sadd.s32 $0x19600, s0;
	_ =	strace $0x80000050;
	s6 =	smul.u32 $0x500, s2  }
0x8: {  	s10 =	sshrl.u32 s15, $0x1;
	s7 =	sshrl.u32 s7, $0x2;
	s2 =	smul.u32 $0x2800, s2  }
0x9: {  	s10 =	ssub.s32 s15, s10;
	s7 =	sadd.s32 s7, s3;
	s1 =	sadd.s32 s1, s12  }
0xa: {  	s9 =	sadd.s32 s6, s0;
	s6 =	sadd.s32 s11, s3;
	s13 =	sadd.s32 $0x1400, s7  }
0xb: {  	s16 =	sadd.s32 $0x2800, s7;
	s17 =	sadd.s32 $0x3C00, s7;
	[dreg:$0x4] =	wrdreg s13  }
0xc: {  	s18 =	sadd.s32 $0x5000, s7;
	s19 =	sadd.s32 $0x6400, s7;
	[dreg:$0x5] =	wrdreg s16  }
0xd: {  	s20 =	sadd.s32 $0x7800, s7;
	s21 =	sadd.s32 $0x8C00, s7;
	[dreg:$0x6] =	wrdreg s17  }
0xe: {  	s14 =	sadd.s32 $0xA000, s7;
	s22 =	sshrl.u32 s2, $0x3;
	[dreg:$0x7] =	wrdreg s18  }
0xf: {  	s23 =	sor.u32 $0x100, s2;
	s24 =	sadd.s32 $0xB400, s7;
	[dreg:$0x8] =	wrdreg s19  }
0x10: {  	s2 =	sor.u32 $0x180, s2;
	s11 =	sshrl.u32 s11, $0x3;
	[dreg:$0x9] =	wrdreg s20  }
0x11: {  	s26 =	sor.u32 $0x280, s1;
	s1 =	sor.u32 $0x200, s1;
	[dreg:$0xa] =	wrdreg s21  }
0x12: {  	s28 =	sadd.s32 $0x12C00, s7;
	s30 =	smax.u32 s10, $0x1;
	[dreg:$0xb] =	wrdreg s14  }
0x13: {  	s10 =	simm.s32 $0x6900;
	s13 =	simm.s32 $0x72000;
	[dreg:$0xc] =	wrdreg s24  }
0x14: {  	s16 =	sadd.s32 s8, s22;
	s25 =	sshrl.u32 s23, $0x3;
	s2 =	sshrl.u32 s2, $0x3  }
0x15: {  	s1 =	sshrl.u32 s1, $0x3;
	s22 =	sadd.s32 $0xC800, s7;
	s23 =	sadd.s32 $0xDC00, s7  }
0x16: {  	s24 =	sadd.s32 $0xF000, s7;
	s29 =	sadd.s32 $0x5800, s9;
	s9 =	simm.s32 $0x2900  }
0x17: {  	s13 =	simm.s32 @!p0 $0x4A800;
	s12 =	sadd.s32 s8, s25;
	s19 =	sadd.s32 s8, s2  }
0x18: {  	s21 =	sadd.s32 s1, s8;
	s25 =	sadd.s32 $0x10400, s7;
	s31 =	sadd.s32 $0x10, s16  }
0x19: {  	s1 =	simm.s32 $0xA900;
	s2 =	simm.s32 $0x4;
	s0 =	sadd.s32 s13, s0  }
0x1a: {  	[dreg:$0xd] =	wrdreg s12;
	s12 =	simm.s32 $0x3;
	s0 =	sadd.s32 s0, s11  }
0x1b: {  	s13 =	simm.s32 $0x0;
	s11 =	simm.s32 $0x2;
	[dreg:$0xe] =	wrdreg s0  }
0x1c: {  	s0 =	sshrl.u32 s26, $0x3;
	s26 =	sadd.s32 $0x11800, s7;
	s7 =	simm.s32 $0x1  }
0x1d: {  	s20 =	sadd.s32 s0, s8;
	s0 =	simm.s32 $0x100;
	s8 =	simm.s32 $0x80  }
.LBB2_1:
0x1e: {  	s14 =	rddreg [dreg:$0x1]  }
0x1f: {  	[tilespmem:s1], [sflag:$0x4] =	stream.linear.gather [hbm4b:s14+s4], $0x1400, $0x38;
	[tilespmem:$0x1F900] =	vst v63  }
0x20: {  	_ =	swait.ge [sflag:s2], $0x1400  }
0x21: {  	[sflag:s2] =	ssyncset.done $0x0  }
0x22: {  	[sflag:s2] =	ssyncadd.s32 $0xFFFFEC00  }
0x23: {  	[spmem:s6] =	stream.linear.scatter [tilespmem:s1], [sflag:$0x4], $0x1400, $0x38;
	[tilespmem:$0x1F900] =	vst v63  }
0x24: {  	_ =	swait.ge [sflag:s2], $0x1400  }
0x25: {  	[sflag:s2] =	ssyncset.done $0x0  }
0x26: {  	s15 =	rddreg [dreg:$0x4];
	[sflag:s2] =	ssyncadd.s32 $0xFFFFEC00  }
0x27: {  	[spmem:s15] =	stream.linear.scatter [tilespmem:s1], [sflag:$0x4], $0x1400, $0x38;
	[tilespmem:$0x1F900] =	vst v63  }
0x28: {  	_ =	swait.ge [sflag:s2], $0x1400  }
0x29: {  	[sflag:s2] =	ssyncset.done $0x0  }
0x2a: {  	s17 =	rddreg [dreg:$0x5];
	[sflag:s2] =	ssyncadd.s32 $0xFFFFEC00  }
0x2b: {  	[spmem:s17] =	stream.linear.scatter [tilespmem:s1], [sflag:$0x4], $0x1400, $0x38;
	[tilespmem:$0x1F900] =	vst v63  }
0x2c: {  	_ =	swait.ge [sflag:s2], $0x1400  }
0x2d: {  	[sflag:s2] =	ssyncset.done $0x0  }
0x2e: {  	s18 =	rddreg [dreg:$0x6];
	[sflag:s2] =	ssyncadd.s32 $0xFFFFEC00  }
0x2f: {  	[spmem:s18] =	stream.linear.scatter [tilespmem:s1], [sflag:$0x4], $0x1400, $0x38;
	[tilespmem:$0x1F900] =	vst v63  }
0x30: {  	_ =	swait.ge [sflag:s2], $0x1400  }
0x31: {  	[sflag:s2] =	ssyncset.done $0x0  }
0x32: {  	s15 =	rddreg [dreg:$0x7];
	[sflag:s2] =	ssyncadd.s32 $0xFFFFEC00  }
0x33: {  	[spmem:s15] =	stream.linear.scatter [tilespmem:s1], [sflag:$0x4], $0x1400, $0x38;
	[tilespmem:$0x1F900] =	vst v63  }
0x34: {  	_ =	swait.ge [sflag:s2], $0x1400  }
0x35: {  	[sflag:s2] =	ssyncset.done $0x0  }
0x36: {  	s17 =	rddreg [dreg:$0x8];
	[sflag:s2] =	ssyncadd.s32 $0xFFFFEC00  }
0x37: {  	[spmem:s17] =	stream.linear.scatter [tilespmem:s1], [sflag:$0x4], $0x1400, $0x38;
	[tilespmem:$0x1F900] =	vst v63  }
0x38: {  	_ =	swait.ge [sflag:s2], $0x1400  }
0x39: {  	[sflag:s2] =	ssyncset.done $0x0  }
0x3a: {  	s18 =	rddreg [dreg:$0x9];
	[sflag:s2] =	ssyncadd.s32 $0xFFFFEC00  }
0x3b: {  	[spmem:s18] =	stream.linear.scatter [tilespmem:s1], [sflag:$0x4], $0x1400, $0x38;
	[tilespmem:$0x1F900] =	vst v63  }
0x3c: {  	_ =	swait.ge [sflag:s2], $0x1400  }
0x3d: {  	[sflag:s2] =	ssyncset.done $0x0  }
0x3e: {  	s15 =	rddreg [dreg:$0xa];
	[sflag:s2] =	ssyncadd.s32 $0xFFFFEC00  }
0x3f: {  	[spmem:s15] =	stream.linear.scatter [tilespmem:s1], [sflag:$0x4], $0x1400, $0x38;
	[tilespmem:$0x1F900] =	vst v63  }
0x40: {  	_ =	swait.ge [sflag:s2], $0x1400  }
0x41: {  	[sflag:s2] =	ssyncset.done $0x0  }
0x42: {  	s17 =	rddreg [dreg:$0xb];
	[sflag:s2] =	ssyncadd.s32 $0xFFFFEC00  }
0x43: {  	[spmem:s17] =	stream.linear.scatter [tilespmem:s1], [sflag:$0x4], $0x1400, $0x38;
	[tilespmem:$0x1F900] =	vst v63  }
0x44: {  	_ =	swait.ge [sflag:s2], $0x1400  }
0x45: {  	[sflag:s2] =	ssyncset.done $0x0  }
0x46: {  	s18 =	rddreg [dreg:$0xc];
	[sflag:s2] =	ssyncadd.s32 $0xFFFFEC00  }
0x47: {  	[spmem:s18] =	stream.linear.scatter [tilespmem:s1], [sflag:$0x4], $0x1400, $0x38;
	[tilespmem:$0x1F900] =	vst v63  }
0x48: {  	_ =	swait.ge [sflag:s2], $0x1400  }
0x49: {  	[sflag:s2] =	ssyncset.done $0x0  }
0x4a: {  	[sflag:s2] =	ssyncadd.s32 $0xFFFFEC00  }
0x4b: {  	[spmem:s22] =	stream.linear.scatter [tilespmem:s1], [sflag:$0x4], $0x1400, $0x38;
	[tilespmem:$0x1F900] =	vst v63  }
0x4c: {  	_ =	swait.ge [sflag:s2], $0x1400  }
0x4d: {  	[sflag:s2] =	ssyncset.done $0x0  }
0x4e: {  	[sflag:s2] =	ssyncadd.s32 $0xFFFFEC00  }
0x4f: {  	[spmem:s23] =	stream.linear.scatter [tilespmem:s1], [sflag:$0x4], $0x1400, $0x38;
	[tilespmem:$0x1F900] =	vst v63  }
0x50: {  	_ =	swait.ge [sflag:s2], $0x1400  }
0x51: {  	[sflag:s2] =	ssyncset.done $0x0  }
0x52: {  	[sflag:s2] =	ssyncadd.s32 $0xFFFFEC00  }
0x53: {  	[spmem:s24] =	stream.linear.scatter [tilespmem:s1], [sflag:$0x4], $0x1400, $0x38;
	[tilespmem:$0x1F900] =	vst v63  }
0x54: {  	_ =	swait.ge [sflag:s2], $0x1400  }
0x55: {  	[sflag:s2] =	ssyncset.done $0x0  }
0x56: {  	[sflag:s2] =	ssyncadd.s32 $0xFFFFEC00  }
0x57: {  	[spmem:s25] =	stream.linear.scatter [tilespmem:s1], [sflag:$0x4], $0x1400, $0x38;
	[tilespmem:$0x1F900] =	vst v63  }
0x58: {  	_ =	swait.ge [sflag:s2], $0x1400  }
0x59: {  	[sflag:s2] =	ssyncset.done $0x0  }
0x5a: {  	[sflag:s2] =	ssyncadd.s32 $0xFFFFEC00  }
0x5b: {  	[spmem:s26] =	stream.linear.scatter [tilespmem:s1], [sflag:$0x4], $0x1400, $0x38;
	[tilespmem:$0x1F900] =	vst v63  }
0x5c: {  	_ =	swait.ge [sflag:s2], $0x1400  }
0x5d: {  	[sflag:s2] =	ssyncset.done $0x0  }
0x5e: {  	[sflag:s2] =	ssyncadd.s32 $0xFFFFEC00  }
0x5f: {  	[spmem:s28] =	stream.linear.scatter [tilespmem:s1], [sflag:$0x4], $0x1000, $0x38;
	[tilespmem:$0x1F900] =	vst v63  }
0x60: {  	_ =	swait.ge [sflag:s2], $0x1000  }
0x61: {  	[sflag:s2] =	ssyncset.done $0x0  }
0x62: {  	[sflag:s2] =	ssyncadd.s32 $0xFFFFF000  }
0x63: {  	[tilespmem:s0], [sflag:$0x4] =	stream.linear.gather [hbm4b:s29+s4], $0x2800, $0x38;
	[tilespmem:$0x1F900] =	vst v63  }
0x64: {  	_ =	swait.ge [sflag:s2], $0x2800  }
0x65: {  	[sflag:s2] =	ssyncset.done $0x0  }
0x66: {  	[sflag:s2] =	ssyncadd.s32 $0xFFFFD800  }
0x67: {  	[bflag:$0x0] =	sbarrier.arrive $0xFFFF  }
0x68: {  	[tilespmem:s4], [sflag:$0x1] =	stream.linear.gather [hbm4b:s16+s4], $0x80, $0x38;
	[tilespmem:$0x1F900] =	vst v63  }
0x69: {  	_ =	swait.ge [sflag:s7], $0x80  }
0x6a: {  	[sflag:s7] =	ssyncset.done $0x0  }
0x6b: {  	[sflag:s7] =	ssyncadd.s32 $0xFFFFFF80  }
0x6c: {  	[tilespmem:s9], [sflag:$0x2] =	stream.indirect.gather [hbm4b:s5+s8], $0x80, s4, s8, $0xb8;
	[tilespmem:$0x1F900] =	vst v63  }
0x6d: {  	_ = 	snop  }
0x6e: {  	[tilespmem:s8], [sflag:$0x1] =	stream.linear.gather [hbm4b:s31+s4], $0x80, $0x38;
	[tilespmem:$0x1F900] =	vst v63  }
0x6f: {  	_ =	swait.ge [sflag:s7], $0x80  }
0x70: {  	[sflag:s7] =	ssyncset.done $0x0  }
0x71: {  	[sflag:s7] =	ssyncadd.s32 $0xFFFFFF80  }
0x72: {  	[tilespmem:s10], [sflag:$0x2] =	stream.indirect.gather [hbm4b:s5+s8], $0x80, s8, s8, $0xb8;
	[tilespmem:$0x1F900] =	vst v63  }
0x73: {  	_ =	swait.ge [sflag:s11], $0x4000  }
0x74: {  	[sflag:s11] =	ssyncset.done $0x0  }
0x75: {  	[sflag:s11] =	ssyncadd.s32 $0xFFFFC000  }
0x76: {  	[spmem:s3] =	stream.indirect.scatter.add.f32 [tilespmem:s9], [sflag:$0x3], $0x80, s0, s8, $0xb8;
	[tilespmem:$0x1F900] =	vst v63  }
0x77: {  	s15 =	rddreg [dreg:$0xd]  }
0x78: {  	[tilespmem:s4], [sflag:$0x1] =	stream.linear.gather [hbm4b:s15+s4], $0x80, $0x38;
	[tilespmem:$0x1F900] =	vst v63  }
0x79: {  	_ =	swait.ge [sflag:s7], $0x80  }
0x7a: {  	[sflag:s7] =	ssyncset.done $0x0  }
0x7b: {  	[sflag:s7] =	ssyncadd.s32 $0xFFFFFF80  }
0x7c: {  	_ =	swait.ge [sflag:s12], $0x4000  }
0x7d: {  	[sflag:s12] =	ssyncset.done $0x0  }
0x7e: {  	[sflag:s12] =	ssyncadd.s32 $0xFFFFC000  }
0x7f: {  	[tilespmem:s9], [sflag:$0x2] =	stream.indirect.gather [hbm4b:s5+s8], $0x80, s4, s8, $0xb8;
	[tilespmem:$0x1F900] =	vst v63  }
0x80: {  	_ =	swait.ge [sflag:s11], $0x4000  }
0x81: {  	[sflag:s11] =	ssyncset.done $0x0  }
0x82: {  	s17 =	simm.s32 $0x180;
	[sflag:s11] =	ssyncadd.s32 $0xFFFFC000  }
0x83: {  	[spmem:s3] =	stream.indirect.scatter.add.f32 [tilespmem:s10], [sflag:$0x3], $0x80, s17, s8, $0xb8;
	[tilespmem:$0x1F900] =	vst v63  }
0x84: {  	_ = 	snop  }
0x85: {  	[tilespmem:s8], [sflag:$0x1] =	stream.linear.gather [hbm4b:s19+s4], $0x80, $0x38;
	[tilespmem:$0x1F900] =	vst v63  }
0x86: {  	_ =	swait.ge [sflag:s7], $0x80  }
0x87: {  	[sflag:s7] =	ssyncset.done $0x0  }
0x88: {  	[sflag:s7] =	ssyncadd.s32 $0xFFFFFF80  }
0x89: {  	_ =	swait.ge [sflag:s12], $0x4000  }
0x8a: {  	[sflag:s12] =	ssyncset.done $0x0  }
0x8b: {  	[sflag:s12] =	ssyncadd.s32 $0xFFFFC000  }
0x8c: {  	[tilespmem:s10], [sflag:$0x2] =	stream.indirect.gather [hbm4b:s5+s8], $0x80, s8, s8, $0xb8;
	[tilespmem:$0x1F900] =	vst v63  }
0x8d: {  	_ =	swait.ge [sflag:s11], $0x4000  }
0x8e: {  	[sflag:s11] =	ssyncset.done $0x0  }
0x8f: {  	s18 =	simm.s32 $0x200;
	[sflag:s11] =	ssyncadd.s32 $0xFFFFC000  }
0x90: {  	[spmem:s3] =	stream.indirect.scatter.add.f32 [tilespmem:s9], [sflag:$0x3], $0x80, s18, s8, $0xb8;
	[tilespmem:$0x1F900] =	vst v63  }
0x91: {  	s15 =	sadd.s32 $0x0, s21  }
0x92: {  	[tilespmem:s4], [sflag:$0x1] =	stream.linear.gather [hbm4b:s15+s4], $0x80, $0x38;
	[tilespmem:$0x1F900] =	vst v63  }
0x93: {  	_ =	swait.ge [sflag:s7], $0x80  }
0x94: {  	[sflag:s7] =	ssyncset.done $0x0  }
0x95: {  	[sflag:s7] =	ssyncadd.s32 $0xFFFFFF80  }
0x96: {  	_ =	swait.ge [sflag:s12], $0x4000  }
0x97: {  	[sflag:s12] =	ssyncset.done $0x0  }
0x98: {  	[sflag:s12] =	ssyncadd.s32 $0xFFFFC000  }
0x99: {  	[tilespmem:s9], [sflag:$0x2] =	stream.indirect.gather [hbm4b:s5+s8], $0x80, s4, s8, $0xb8;
	[tilespmem:$0x1F900] =	vst v63  }
0x9a: {  	_ =	swait.ge [sflag:s11], $0x4000  }
0x9b: {  	[sflag:s11] =	ssyncset.done $0x0  }
0x9c: {  	s17 =	simm.s32 $0x280;
	[sflag:s11] =	ssyncadd.s32 $0xFFFFC000  }
0x9d: {  	[spmem:s3] =	stream.indirect.scatter.add.f32 [tilespmem:s10], [sflag:$0x3], $0x80, s17, s8, $0xb8;
	[tilespmem:$0x1F900] =	vst v63  }
0x9e: {  	s18 =	sadd.s32 $0x0, s20  }
0x9f: {  	[tilespmem:s8], [sflag:$0x1] =	stream.linear.gather [hbm4b:s18+s4], $0x80, $0x38;
	[tilespmem:$0x1F900] =	vst v63  }
0xa0: {  	_ =	swait.ge [sflag:s7], $0x80  }
0xa1: {  	[sflag:s7] =	ssyncset.done $0x0  }
0xa2: {  	[sflag:s7] =	ssyncadd.s32 $0xFFFFFF80  }
0xa3: {  	_ =	swait.ge [sflag:s12], $0x4000  }
0xa4: {  	[sflag:s12] =	ssyncset.done $0x0  }
0xa5: {  	[sflag:s12] =	ssyncadd.s32 $0xFFFFC000  }
0xa6: {  	[tilespmem:s10], [sflag:$0x2] =	stream.indirect.gather [hbm4b:s5+s8], $0x80, s8, s8, $0xb8;
	[tilespmem:$0x1F900] =	vst v63  }
0xa7: {  	_ =	swait.ge [sflag:s11], $0x4000  }
0xa8: {  	s14 =	simm.s32 $0x380;
	[sflag:s11] =	ssyncset.done $0x0  }
0xa9: {  	s15 =	simm.s32 $0x20;
	s17 =	simm.s32 $0x300;
	[sflag:s11] =	ssyncadd.s32 $0xFFFFC000  }
.LBB2_2:
0xaa: {  	[spmem:s3] =	stream.indirect.scatter.add.f32 [tilespmem:s9], [sflag:$0x3], $0x80, s17, s8, $0xb8;
	[tilespmem:$0x1F900] =	vst v63  }
0xab: {  	s17 =	smov.u32 s15  }
0xac: {  	p0 =	sne.s32 s15, $0x4A0;
	s15 =	sadd.s32 $0x20, s15;
	s18 =	sadd.s32 s17, s21  }
0xad: {  	[tilespmem:s4], [sflag:$0x1] =	stream.linear.gather [hbm4b:s18+s4], $0x80, $0x38;
	[tilespmem:$0x1F900] =	vst v63  }
0xae: {  	_ =	swait.ge [sflag:s7], $0x80  }
0xaf: {  	[sflag:s7] =	ssyncset.done $0x0  }
0xb0: {  	[sflag:s7] =	ssyncadd.s32 $0xFFFFFF80  }
0xb1: {  	_ =	swait.ge [sflag:s12], $0x4000  }
0xb2: {  	[sflag:s12] =	ssyncset.done $0x0  }
0xb3: {  	[sflag:s12] =	ssyncadd.s32 $0xFFFFC000  }
0xb4: {  	[tilespmem:s9], [sflag:$0x2] =	stream.indirect.gather [hbm4b:s5+s8], $0x80, s4, s8, $0xb8;
	[tilespmem:$0x1F900] =	vst v63  }
0xb5: {  	_ =	swait.ge [sflag:s11], $0x4000  }
0xb6: {  	[sflag:s11] =	ssyncset.done $0x0  }
0xb7: {  	[sflag:s11] =	ssyncadd.s32 $0xFFFFC000  }
0xb8: {  	[spmem:s3] =	stream.indirect.scatter.add.f32 [tilespmem:s10], [sflag:$0x3], $0x80, s14, s8, $0xb8;
	[tilespmem:$0x1F900] =	vst v63  }
0xb9: {  	s17 =	sadd.s32 s17, s20  }
0xba: {  	[tilespmem:s8], [sflag:$0x1] =	stream.linear.gather [hbm4b:s17+s4], $0x80, $0x38;
	[tilespmem:$0x1F900] =	vst v63  }
0xbb: {  	_ =	swait.ge [sflag:s7], $0x80  }
0xbc: {  	[sflag:s7] =	ssyncset.done $0x0  }
0xbd: {  	[sflag:s7] =	ssyncadd.s32 $0xFFFFFF80  }
0xbe: {  	_ =	swait.ge [sflag:s12], $0x4000  }
0xbf: {  	[sflag:s12] =	ssyncset.done $0x0  }
.Ltmp0:
0xc0: {  	[sflag:s12] =	ssyncadd.s32 $0xFFFFC000;
	(pc) =	sbr.rel @p0 .LBB2_2-.Ltmp0, $4  }
0xc1: {  	[tilespmem:s10], [sflag:$0x2] =	stream.indirect.gather [hbm4b:s5+s8], $0x80, s8, s8, $0xb8;
	[tilespmem:$0x1F900] =	vst v63  }
0xc2: {  	_ =	swait.ge [sflag:s11], $0x4000  }
0xc3: {  	[sflag:s11] =	ssyncset.done $0x0  }
0xc4: {  	s17 =	sadd.s32 $0x80, s14;
	s14 =	sadd.s32 $0x100, s14;
	[sflag:s11] =	ssyncadd.s32 $0xFFFFC000  }
0xc5: {  	[spmem:s3] =	stream.indirect.scatter.add.f32 [tilespmem:s9], [sflag:$0x3], $0x80, s17, s8, $0xb8;
	[tilespmem:$0x1F900] =	vst v63  }
0xc6: {  	_ =	swait.ge [sflag:s11], $0x4000  }
0xc7: {  	[sflag:s11] =	ssyncset.done $0x0  }
0xc8: {  	[sflag:s11] =	ssyncadd.s32 $0xFFFFC000  }
0xc9: {  	[spmem:s3] =	stream.indirect.scatter.add.f32 [tilespmem:s10], [sflag:$0x3], $0x80, s14, s8, $0xb8;
	[tilespmem:$0x1F900] =	vst v63  }
0xca: {  	_ =	swait.ge [sflag:s12], $0x4000  }
0xcb: {  	[sflag:s12] =	ssyncset.done $0x0  }
0xcc: {  	[sflag:s12] =	ssyncadd.s32 $0xFFFFC000  }
0xcd: {  	_ =	swait.ge [sflag:s12], $0x4000  }
0xce: {  	s17 =	stileid.u32;
	[sflag:s12] =	ssyncset.done $0x0  }
0xcf: {  	s15 =	sshrl.u32 s6, $0x3;
	s13 =	sadd.s32 $0x1, s13;
	[sflag:s12] =	ssyncadd.s32 $0xFFFFC000  }
0xd0: {  	p0 =	sne.s32 s13, s30;
	s14 =	sshll.u32 s17, $0x6;
	[bflag:$0x0] =	sbarrier.arrive $0xFFFF  }
.Ltmp1:
0xd1: {  	s14 =	sor.u32 $0x1C04, s14;
	s18 =	rddreg [dreg:$0xe];
	(pc) =	sbr.rel @p0 .LBB2_1-.Ltmp1, $4  }
0xd2: {  	[hbm:s18], [sflag:s14] =	dma.local [spmem:s15], $0x2780  }
0xd3: {  	_ =	swait.ge [sflag:s2], $0x2780  }
0xd4: {  	[sflag:s2] =	ssyncset.done $0x0  }
0xd5: {  	[sflag:s2] =	ssyncadd.s32 $0xFFFFD880  }
0xd6: {  	_ =	sfence.sel $0x180000  }
0xd7: {  	[bflag:$0x0] =	sbarrier.arrive $0xFFFF  }
0xd8: {  	_ =	strace $0x90000050  }
0xd9: {  	s0 =	stileid.u32;
	[bflag:$0x2] =	sbarrier.arrive $0xFFFF  }
0xda: {  	p0 =	sne.s32 s0, $0x0;
	s0 =	rddreg [dreg:$0x3]  }
0xdb: {  	s0 =	sadd.s32 @!p0 $0x100000, s0  }
0xdc: {  	[sflag:s0] =	ssyncadd.tile.s32 @!p0 $0x1;
	_ =	shalt  }
.Lfunc_end2:
_tile_overlayer_lowered:
.L_overlay_start_2:
0xdd: {  	(tag) =	ssettag $0x2  }
0xde: {  	s0 =	rddreg [dreg:$0x0];
	s2 =	stileid.u32  }
0xdf: {  	s1 =	rddreg [dreg:$0x1];
	p0 =	sne.s32 s2, $0x0  }
0xe0: {  	s3 =	rddreg [dreg:$0x2];
	[bflag:$0x3] =	sbarrier.arrive $0xFFFF;
	s2 =	simm.s32 @!p0 $0x1C04  }
0xe1: {  	[timem:s3], [sflag:s2] =	dma.local @!p0 [hbm:s0], s1  }
0xe2: {  	s0 =	simm.s32 @!p0 $0x4  }
0xe3: {  	_ =	swait.ge @!p0 [sflag:s0], s1  }
0xe4: {  	s1 =	ssub.s32 @!p0 $0x0, s1;
	[sflag:s0] =	ssyncset.done @!p0 $0x0  }
0xe5: {  	[sflag:s0] =	ssyncadd.s32 @!p0 s1  }
0xe6: {  	[bflag:$0x3] =	sbarrier.arrive $0xFFFF  }
0xe7: {  	_ =	shalt  }

</sc_bundles>
